<compile_context>
chip_gen: v7x
topology: tpu7x:2x2x1
jax: 0.10.2.dev20260603
libtpu: 0.0.44.dev20260713+nightly
codegen_flags: <defaults>
</compile_context>

<pallas_src>
import functools

import jax
import jax.numpy as jnp
from jax import lax
from jax.experimental import pallas as pl
from jax.experimental.pallas import tpu as pltpu
from jax.experimental.pallas import tpu_sc as plsc

NC, NS, LANES = 2, 16, 16
NW = NC * NS
BN_EPS = 1e-5
SPL = (128, 72)


_RELAYOUT_CC = 16384
_CC_BITS = _RELAYOUT_CC.bit_length() - 1
_Q_BITS = _CC_BITS - 2


def _rho(v):
    return (((v >> _CC_BITS) << _CC_BITS)
            + ((v & ((1 << _Q_BITS) - 1)) << 2)
            + ((v >> _Q_BITS) & 3))


def _mesh():
    return plsc.VectorSubcoreMesh(core_axis_name="c", subcore_axis_name="s",
                                  num_cores=NC, num_subcores=NS)


def _transpose_idx(idxs, idxt, lanes, L, bpw, remap):
    def tbody(l, carry):
        ti = l // 8
        r = l % 8
        col = jnp.full((LANES,), l, jnp.int32)
        for g in range(bpw // LANES):
            v = idxs[ti, r, pl.ds(g * LANES, LANES)]
            if remap:
                v = _rho(v)
            plsc.store_scatter(idxt, [g * LANES + lanes, col], v)
        return carry
    lax.fori_loop(0, L, tbody, 0)


def _pooled_field(tab_h, idxt, stga, stgb, obuf, out_h, f, gb, bpw, L,
                  sema, semb):
    def fire(b, stg, sem):
        o = 0
        for n in SPL:
            pltpu.async_copy(tab_h.at[idxt.at[b, pl.ds(o, n)]],
                             stg.at[pl.ds(o, n)], sem)
            o += n

    def wait(stg, sem):
        o = 0
        for n in SPL:
            pltpu.make_async_copy(tab_h.at[idxt.at[0, pl.ds(o, n)]],
                                  stg.at[pl.ds(o, n)], sem).wait()
            o += n

    def reduce(b, stg):
        def rbody(i, carry):
            a0, a1 = carry
            for u in range(8):
                a0 = a0 + stg[i * 8 + u, pl.ds(0, LANES)]
                a1 = a1 + stg[i * 8 + u, pl.ds(LANES, LANES)]
            return a0, a1
        z = jnp.zeros((LANES,), jnp.float32)
        a0, a1 = lax.fori_loop(0, L // 8, rbody, (z, z))
        obuf[b, pl.ds(0, LANES)] = a0
        obuf[b, pl.ds(LANES, LANES)] = a1

    fire(0, stga, sema)
    fire(1, stgb, semb)

    def body(p, carry):
        b0 = 2 * p
        wait(stga, sema)
        reduce(b0, stga)
        @pl.when(p < bpw // 2 - 1)
        def _():
            fire(b0 + 2, stga, sema)
        wait(stgb, semb)
        reduce(b0 + 1, stgb)
        @pl.when(p < bpw // 2 - 1)
        def _():
            fire(b0 + 3, stgb, semb)
        return carry

    lax.fori_loop(0, bpw // 2, body, 0)
    pltpu.sync_copy(obuf, out_h.at[f, pl.ds(gb, bpw), :])


def _cand_field(idx_h, tab_h, idxt, obuf, out_h, f, gb, bpw, remap, sem):
    pltpu.sync_copy(idx_h.at[0, pl.ds(gb, bpw)], idxt.at[0, pl.ds(0, bpw)])
    if remap:
        for g in range(bpw // LANES):
            v = idxt[0, pl.ds(g * LANES, LANES)]
            idxt[0, pl.ds(g * LANES, LANES)] = _rho(v)
    pltpu.async_copy(tab_h.at[idxt.at[0, pl.ds(0, bpw)]], obuf, sem).wait()
    pltpu.sync_copy(obuf, out_h.at[f, pl.ds(gb, bpw), :])


def _tile_view(a):
    L, B = a.shape
    return a.reshape(L // 8, 8, B // 128, 128).transpose(0, 2, 1, 3)


def _sc_gather_small(idx_urt, idx_pos, idx_bcat, cand_cat,
                     t_urt, t_pos, t_cat):
    L, B = idx_urt.shape
    D = t_urt.shape[1]
    bpw = B // NW
    bsc = B // NC
    L_URT, L_POS, L_CAT = t_urt.shape[0], t_pos.shape[0], t_cat.shape[0]
    assert bpw == 128 and L % 8 == 0 and sum(SPL) == L

    @functools.partial(
        pl.kernel,
        out_type=jax.ShapeDtypeStruct((4, B, D), jnp.float32),
        mesh=_mesh(),
        scratch_types=[
            pltpu.VMEM((2, L // 8, 8, bpw), jnp.int32),
            pltpu.VMEM((bpw, L), jnp.int32),
            pltpu.VMEM((L, D), jnp.float32),
            pltpu.VMEM((L, D), jnp.float32),
            pltpu.VMEM((bpw, D), jnp.float32),
            pltpu.VMEM_SHARED((L_URT, D), jnp.float32),
            pltpu.VMEM_SHARED((L_POS, D), jnp.float32),
            pltpu.VMEM_SHARED((L_CAT, D), jnp.float32),
            pltpu.SemaphoreType.DMA,
            pltpu.SemaphoreType.DMA,
            pltpu.SemaphoreType.DMA,
        ],
        compiler_params=pltpu.CompilerParams(use_tc_tiling_on_sc=False,
                                             needs_layout_passes=False),
    )
    def k(urt_h, pos_h, bcat_h, ccat_h, turt_h, tpos_h, tcat_h, out_h,
          idxv, idxt, stga, stgb, obuf, tsh_urt, tsh_pos, tsh_cat,
          sema, semb, isem):
        c = lax.axis_index("c")
        s = lax.axis_index("s")
        wid = c * NS + s
        gb = c * bsc + s * bpw
        lanes = lax.iota(jnp.int32, LANES)

        @pl.when(s == 0)
        def _():
            pltpu.sync_copy(turt_h, tsh_urt)
        @pl.when(s == 1)
        def _():
            pltpu.sync_copy(tpos_h, tsh_pos)
        @pl.when(s == 2)
        def _():
            pltpu.sync_copy(tcat_h, tsh_cat)
        plsc.subcore_barrier()

        fields = ((urt_h, tsh_urt, 0), (pos_h, tsh_pos, 1),
                  (bcat_h, tsh_cat, 2))
        pltpu.async_copy(fields[0][0].at[:, wid, :, :], idxv.at[0], isem)
        for fi, (idx_h, tab_h, f) in enumerate(fields):
            ib = fi % 2
            pltpu.make_async_copy(
                idx_h.at[:, wid, :, :], idxv.at[ib], isem).wait()
            if fi + 1 < len(fields):
                pltpu.async_copy(
                    fields[fi + 1][0].at[:, wid, :, :],
                    idxv.at[1 - ib], isem)
            _transpose_idx(idxv.at[ib], idxt, lanes, L, bpw, False)
            _pooled_field(tab_h, idxt, stga, stgb, obuf, out_h, f, gb,
                          bpw, L, sema, semb)

        _cand_field(ccat_h, tsh_cat, idxt, obuf, out_h, 3, gb, bpw,
                    False, sema)

    return k(_tile_view(idx_urt), _tile_view(idx_pos), _tile_view(idx_bcat),
             cand_cat.reshape(1, B), t_urt, t_pos, t_cat)


def _sc_gather_big(idx_bid, cand_id, t_id, pooled_small):
    L, B = idx_bid.shape
    D = t_id.shape[1]
    bpw = B // NW
    bsc = B // NC
    assert bpw == 128 and L % 8 == 0 and sum(SPL) == L

    @functools.partial(
        pl.kernel,
        out_type=jax.ShapeDtypeStruct((2, B, D), jnp.float32),
        mesh=_mesh(),
        scratch_types=[
            pltpu.VMEM((1, L // 8, 8, bpw), jnp.int32),
            pltpu.VMEM((bpw, L), jnp.int32),
            pltpu.VMEM((L, D), jnp.float32),
            pltpu.VMEM((L, D), jnp.float32),
            pltpu.VMEM((bpw, D), jnp.float32),
            pltpu.SemaphoreType.DMA,
            pltpu.SemaphoreType.DMA,
            pltpu.SemaphoreType.DMA,
        ],
        compiler_params=pltpu.CompilerParams(use_tc_tiling_on_sc=False,
                                             needs_layout_passes=False),
    )
    def k(bid_h, cid_h, tid_h, ps_h, out_h,
          idxv, idxt, stga, stgb, obuf, sema, semb, isem):
        del ps_h
        c = lax.axis_index("c")
        s = lax.axis_index("s")
        wid = c * NS + s
        gb = c * bsc + s * bpw
        lanes = lax.iota(jnp.int32, LANES)

        pltpu.sync_copy(bid_h.at[:, wid, :, :], idxv.at[0])
        _transpose_idx(idxv.at[0], idxt, lanes, L, bpw, True)
        _pooled_field(tid_h, idxt, stga, stgb, obuf, out_h, 0, gb,
                      bpw, L, sema, semb)
        _cand_field(cid_h, tid_h, idxt, obuf, out_h, 1, gb, bpw,
                    True, sema)

    return k(_tile_view(idx_bid), cand_id.reshape(1, B), t_id, pooled_small)


def _relayout_body(x_ref, o_ref):
    x = x_ref[...]
    q = _RELAYOUT_CC // 4
    y = jnp.concatenate([x[:, j * q:(j + 1) * q] for j in range(4)], axis=0)
    o_ref[...] = y.T


def _tc_relayout(tT):
    D, R = tT.shape
    n = pl.cdiv(R, _RELAYOUT_CC)
    return pl.pallas_call(
        _relayout_body,
        grid=(n,),
        in_specs=[pl.BlockSpec((D, _RELAYOUT_CC), lambda i: (0, i))],
        out_specs=pl.BlockSpec((_RELAYOUT_CC // 4, 128), lambda i: (i, 0)),
        out_shape=jax.ShapeDtypeStruct((n * _RELAYOUT_CC // 4, 128),
                                       jnp.float32),
    )(tT)


def _mlp_body(x1_ref, x2_ref, w1a_ref, w1b_ref, b1_ref, g1_ref, be1_ref,
              a1_ref, w2_ref, b2_ref, g2_ref, be2_ref, a2_ref,
              w3_ref, b3_ref, o_ref, h1s, h2s):
    B = x1_ref.shape[0]
    TB = 512
    T = B // TB

    def mm(a, b):
        return lax.dot_general(a, b, (((1,), (0,)), ((), ())),
                               preferred_element_type=jnp.float32,
                               precision=lax.Precision.HIGHEST)

    def bn(h, g_ref, be_ref):
        return (h * (g_ref[0] / jnp.sqrt(1.0 + BN_EPS))[None, :]
                + be_ref[0][None, :])

    def layer(w1a_ref, w1b_ref, b_ref, g_ref, be_ref, dst_ref):
        def body(t, s):
            h = bn(mm(x1_ref[pl.ds(t * TB, TB), :], w1a_ref[...]) +
                   mm(x2_ref[pl.ds(t * TB, TB), :], w1b_ref[...]) +
                   b_ref[0][None, :], g_ref, be_ref)
            dst_ref[pl.ds(t * TB, TB), :] = h
            return s + jnp.sum(h, axis=0, keepdims=True)
        s = lax.fori_loop(0, T, body, jnp.zeros((1, w1a_ref.shape[1]),
                                                jnp.float32))
        return s / B

    def col_std(src_ref, mu):
        def body(t, s):
            d = src_ref[pl.ds(t * TB, TB), :] - mu
            return s + jnp.sum(d * d, axis=0, keepdims=True)
        s = lax.fori_loop(0, T, body, jnp.zeros(mu.shape, jnp.float32))
        return jnp.sqrt(s / (B - 1))

    def dice(h, mu, sd, a_ref):
        p = jax.nn.sigmoid((h - mu) / sd)
        return h * p + a_ref[0, 0] * h * (1.0 - p)

    mu1 = layer(w1a_ref, w1b_ref, b1_ref, g1_ref, be1_ref, h1s)
    sd1 = col_std(h1s, mu1)

    def body2(t, s):
        h = dice(h1s[pl.ds(t * TB, TB), :], mu1, sd1, a1_ref)
        h2 = bn(mm(h, w2_ref[...]) + b2_ref[0][None, :], g2_ref, be2_ref)
        h2s[pl.ds(t * TB, TB), :] = h2
        return s + jnp.sum(h2, axis=0, keepdims=True)
    mu2 = lax.fori_loop(0, T, body2,
                        jnp.zeros((1, w2_ref.shape[1]), jnp.float32)) / B
    sd2 = col_std(h2s, mu2)

    def body3(t, _):
        h = dice(h2s[pl.ds(t * TB, TB), :], mu2, sd2, a2_ref)
        o = mm(h, w3_ref[...]) + b3_ref[0][None, :]
        o_ref[pl.ds(t * TB, TB), :] = jax.nn.sigmoid(o)
        return 0
    lax.fori_loop(0, T, body3, 0)


def _tc_mlp(x1, x2, W1a, W1b, b1, g1, be1, a1, W2, b2, g2, be2, a2, W3, b3):
    B = x1.shape[0]
    return pl.pallas_call(
        _mlp_body,
        out_shape=jax.ShapeDtypeStruct((B, 2), jnp.float32),
        scratch_shapes=[
            pltpu.VMEM((B, W1a.shape[1]), jnp.float32),
            pltpu.VMEM((B, W2.shape[1]), jnp.float32),
        ],
    )(x1, x2, W1a, W1b, b1.reshape(1, -1), g1.reshape(1, -1),
      be1.reshape(1, -1), a1.reshape(1, 1), W2, b2.reshape(1, -1),
      g2.reshape(1, -1), be2.reshape(1, -1), a2.reshape(1, 1), W3,
      b3.reshape(1, -1))


def kernel(context_unixReviewTime, context_itempos, behaviour_itemId,
           behaviour_itemCat, candidate_itemId, candidate_itemCat,
           emb_unixReviewTime, emb_itempos, emb_itemId, emb_itemCat,
           W1, b1, g1, be1, alpha1, W2, b2, g2, be2, alpha2, W3, b3):
    D = emb_itemId.shape[1]
    pooledA = _sc_gather_small(
        context_unixReviewTime, context_itempos, behaviour_itemCat,
        candidate_itemCat, emb_unixReviewTime, emb_itempos, emb_itemCat)
    t_id_lin = _tc_relayout(emb_itemId.T).reshape(-1, D)
    pooledB = _sc_gather_big(behaviour_itemId, candidate_itemId, t_id_lin,
                             pooledA)
    B = pooledA.shape[1]
    permA = (2, 3, 1, 5)
    permB = (0, 4)
    W1a = jnp.concatenate([W1[f * D:(f + 1) * D] for f in permA], axis=0)
    W1b = jnp.concatenate([W1[f * D:(f + 1) * D] for f in permB], axis=0)
    x1 = pooledA.transpose(1, 0, 2).reshape(B, 4 * D)
    x2 = pooledB.transpose(1, 0, 2).reshape(B, 2 * D)
    return _tc_mlp(x1, x2, W1a, W1b, b1, g1, be1, alpha1,
                   W2, b2, g2, be2, alpha2, W3, b3)

# --- scband reference (transcript-rebuilt; emitter-appended) ---
"""Pipeline reference for scband-base-61589831024831 (READ-ONLY COPY).

The authoritative reference and input builder live on the scoring server;
editing this copy changes nothing except your own understanding.
"""

import jax, jax.numpy as jnp
import numpy as np

EMB_DIM = 32
L, B = 200, 4096
BN_EPS = 1e-5

def setup_inputs(seed: int = 0) -> dict:
    key = jax.random.key(seed)
    ks = jax.random.split(key, 16)
    inp = {}
    inp['context_unixReviewTime'] = jax.random.randint(ks[0], (L, B), 0, 1000)
    inp['context_itempos'] = jax.random.randint(ks[1], (L, B), 0, 200)
    inp['behaviour_itemId'] = jax.random.randint(ks[2], (L, B), 0, 1000000)
    inp['behaviour_itemCat'] = jax.random.randint(ks[3], (L, B), 0, 801)
    inp['candidate_itemId'] = jax.random.randint(ks[4], (B,), 0, 1000000)
    inp['candidate_itemCat'] = jax.random.randint(ks[5], (B,), 0, 801)
    inp['emb_unixReviewTime'] = jax.random.normal(ks[6], (1000, EMB_DIM), dtype=jnp.float32) * 0.01
    inp['emb_itempos'] = jax.random.normal(ks[7], (200, EMB_DIM), dtype=jnp.float32) * 0.01
    inp['emb_itemId'] = jax.random.normal(ks[8], (1000000, EMB_DIM), dtype=jnp.float32) * 0.01
    inp['emb_itemCat'] = jax.random.normal(ks[9], (801, EMB_DIM), dtype=jnp.float32) * 0.01
    h = 6 * EMB_DIM
    inp['W1'] = jax.random.normal(ks[10], (h, 200), dtype=jnp.float32) * (1.0 / np.sqrt(h))
    inp['b1'] = jnp.zeros((200,), dtype=jnp.float32)
    inp['g1'] = jnp.ones((200,), dtype=jnp.float32)
    inp['be1'] = jnp.zeros((200,), dtype=jnp.float32)
    inp['alpha1'] = jnp.zeros((1,), dtype=jnp.float32)
    inp['W2'] = jax.random.normal(ks[11], (200, 80), dtype=jnp.float32) * (1.0 / np.sqrt(200.0))
    inp['b2'] = jnp.zeros((80,), dtype=jnp.float32)
    inp['g2'] = jnp.ones((80,), dtype=jnp.float32)
    inp['be2'] = jnp.zeros((80,), dtype=jnp.float32)
    inp['alpha2'] = jnp.zeros((1,), dtype=jnp.float32)
    inp['W3'] = jax.random.normal(ks[12], (80, 2), dtype=jnp.float32) * (1.0 / np.sqrt(80.0))
    inp['b3'] = jnp.zeros((2,), dtype=jnp.float32)
    return inp

def _dice(x, alpha):
    avg = jnp.mean(x, axis=0)
    std = jnp.std(x, axis=0, ddof=1)
    norm_x = (x - avg) / std
    p = jax.nn.sigmoid(norm_x)
    return x * p + alpha * x * (1.0 - p)

def _bn_eval(x, gamma, beta):
    # eval-mode BatchNorm1d with running_mean=0, running_var=1
    return x / jnp.sqrt(1.0 + BN_EPS) * gamma + beta

def reference(context_unixReviewTime, context_itempos, behaviour_itemId, behaviour_itemCat,
              candidate_itemId, candidate_itemCat,
              emb_unixReviewTime, emb_itempos, emb_itemId, emb_itemCat,
              W1, b1, g1, be1, alpha1, W2, b2, g2, be2, alpha2, W3, b3):
    behaviour = jnp.concatenate([jnp.take(emb_itemId, behaviour_itemId, axis=0),
                                 jnp.take(emb_itemCat, behaviour_itemCat, axis=0)], axis=-1)
    context = jnp.concatenate([jnp.take(emb_unixReviewTime, context_unixReviewTime, axis=0),
                               jnp.take(emb_itempos, context_itempos, axis=0)], axis=-1)
    candidate = jnp.concatenate([jnp.take(emb_itemId, candidate_itemId, axis=0),
                                 jnp.take(emb_itemCat, candidate_itemCat, axis=0)], axis=-1)
    behaviour = jnp.sum(behaviour, axis=0)
    context = jnp.sum(context, axis=0)
    inp = jnp.concatenate([behaviour, context, candidate], axis=-1)
    h1 = inp @ W1 + b1
    h1 = _bn_eval(h1, g1, be1)
    h1 = _dice(h1, alpha1)
    h2 = h1 @ W2 + b2
    h2 = _bn_eval(h2, g2, be2)
    h2 = _dice(h2, alpha2)
    out = h2 @ W3 + b3
    return jax.nn.sigmoid(out)

if __name__ == "__main__":
    import jax
    _d = setup_inputs()
    print(jax.jit(kernel)(*tuple(_d.values())))

</pallas_src>

<mosaic_0001>
#map = affine_map<(d0, d1) -> (0, 0, 0, 0)>
#map1 = affine_map<(d0, d1) -> (0, 0)>
#map2 = affine_map<(d0, d1) -> (0, 0, 0)>
module attributes {stable_mosaic.version = 14 : i64} {
  func.func @k(%arg0: i32, %arg1: i32, %arg2: memref<25x32x8x128xi32, #tpu.memory_space<hbm>>, %arg3: memref<1x4096xi32, #tpu.memory_space<hbm>>, %arg4: memref<1015808x32xf32, #tpu.memory_space<hbm>>, %arg5: memref<4x4096x32xf32, #tpu.memory_space<hbm>>, %arg6: memref<2x4096x32xf32, #tpu.memory_space<hbm>>, %arg7: memref<1x25x8x128xi32, #tpu.memory_space<vmem>>, %arg8: memref<128x200xi32, #tpu.memory_space<vmem>>, %arg9: memref<200x32xf32, #tpu.memory_space<vmem>>, %arg10: memref<200x32xf32, #tpu.memory_space<vmem>>, %arg11: memref<128x32xf32, #tpu.memory_space<vmem>>, %arg12: memref<!tpu.dma_semaphore, #tpu.memory_space<semaphore_mem>>, %arg13: memref<!tpu.dma_semaphore, #tpu.memory_space<semaphore_mem>>, %arg14: memref<!tpu.dma_semaphore, #tpu.memory_space<semaphore_mem>>) attributes {dimension_semantics = [#tpu.dimension_semantics<core_parallel>, #tpu.dimension_semantics<subcore_parallel>], iteration_bounds = array<i64: 2, 16>, scalar_prefetch = 0 : i64, scratch_operands = 8 : i64, tpu.core_type = #tpu.core_type<sc_vector_subcore>, window_params = [{transform_indices = #map}, {transform_indices = #map1}, {transform_indices = #map1}, {transform_indices = #map2}, {transform_indices = #map2}]} {
    %mul3A = arith.constant 16 : i32
    %mul3A_0 = arith.muli %arg0, %mul3A : i32
    %add3A = arith.addi %mul3A_0, %arg1 : i32
    %mul3A_1 = arith.constant 2048 : i32
    %mul3A_2 = arith.muli %arg0, %mul3A_1 : i32
    %mul3A_3 = arith.constant 128 : i32
    %mul3A_4 = arith.muli %arg1, %mul3A_3 : i32
    %add3A_5 = arith.addi %mul3A_2, %mul3A_4 : i32
    %iota3A = tpu.iota {dimensions = array<i32: 0>} : vector<16xi32>
    %run_scoped3A = arith.constant 0 : i32
    "tpu.region"() ({
      %run_scoped3A_293 = tpu.sem_alloc : memref<!tpu.dma_semaphore, #tpu.memory_space<semaphore_mem>>
      %dma_start3A_294 = arith.constant 0 : i32
      %dma_start3A_295 = arith.constant 0 : i32
      %dma_start3A_296 = arith.constant 0 : i32
      %dma_start3A_297 = tpu.memref_slice %arg7[%run_scoped3A, %dma_start3A_294, %dma_start3A_295, %dma_start3A_296] : memref<1x25x8x128xi32, #tpu.memory_space<vmem>> -> memref<1x25x8x128xi32, #tpu.memory_space<vmem>>
      %dma_start3A_298 = tpu.memref_squeeze %dma_start3A_297 : memref<1x25x8x128xi32, #tpu.memory_space<vmem>> -> memref<25x8x128xi32, #tpu.memory_space<vmem>>
      %dma_start3A_299 = arith.constant 0 : i32
      %dma_start3A_300 = arith.constant 0 : i32
      %dma_start3A_301 = arith.constant 0 : i32
      %dma_start3A_302 = tpu.memref_slice %arg2[%dma_start3A_299, %add3A, %dma_start3A_300, %dma_start3A_301] : memref<25x32x8x128xi32, #tpu.memory_space<hbm>> -> memref<25x1x8x128xi32, #tpu.memory_space<hbm>>
      %dma_start3A_303 = tpu.memref_squeeze %dma_start3A_302 : memref<25x1x8x128xi32, #tpu.memory_space<hbm>> -> memref<25x8x128xi32, #tpu.memory_space<hbm>>
      %dma_start3A_304 = arith.constant 0 : i32
      %dma_start3A_305 = arith.constant 0 : i32
      %dma_start3A_306 = arith.constant 0 : i32
      %dma_start3A_307 = tpu.memref_slice %arg7[%run_scoped3A, %dma_start3A_304, %dma_start3A_305, %dma_start3A_306] : memref<1x25x8x128xi32, #tpu.memory_space<vmem>> -> memref<1x25x8x128xi32, #tpu.memory_space<vmem>>
      %dma_start3A_308 = tpu.memref_squeeze %dma_start3A_307 : memref<1x25x8x128xi32, #tpu.memory_space<vmem>> -> memref<25x8x128xi32, #tpu.memory_space<vmem>>
      %dma_start3A_309 = arith.constant 0 : i32
      %dma_start3A_310 = arith.constant 0 : i32
      %dma_start3A_311 = arith.constant 0 : i32
      %dma_start3A_312 = tpu.memref_slice %arg2[%dma_start3A_309, %add3A, %dma_start3A_310, %dma_start3A_311] : memref<25x32x8x128xi32, #tpu.memory_space<hbm>> -> memref<25x1x8x128xi32, #tpu.memory_space<hbm>>
      %dma_start3A_313 = tpu.memref_squeeze %dma_start3A_312 : memref<25x1x8x128xi32, #tpu.memory_space<hbm>> -> memref<25x8x128xi32, #tpu.memory_space<hbm>>
      tpu.enqueue_dma source(%dma_start3A_313 : memref<25x8x128xi32, #tpu.memory_space<hbm>>) target(%dma_start3A_308 : memref<25x8x128xi32, #tpu.memory_space<vmem>>) target_semaphore(%run_scoped3A_293 : memref<!tpu.dma_semaphore, #tpu.memory_space<semaphore_mem>>)
      %dma_wait3A_314 = arith.constant 0 : i32
      %dma_wait3A_315 = arith.constant 0 : i32
      %dma_wait3A_316 = arith.constant 0 : i32
      %dma_wait3A_317 = tpu.memref_slice %arg7[%run_scoped3A, %dma_wait3A_314, %dma_wait3A_315, %dma_wait3A_316] : memref<1x25x8x128xi32, #tpu.memory_space<vmem>> -> memref<1x25x8x128xi32, #tpu.memory_space<vmem>>
      %dma_wait3A_318 = tpu.memref_squeeze %dma_wait3A_317 : memref<1x25x8x128xi32, #tpu.memory_space<vmem>> -> memref<25x8x128xi32, #tpu.memory_space<vmem>>
      %dma_wait3A_319 = arith.constant 0 : i32
      %dma_wait3A_320 = arith.constant 0 : i32
      %dma_wait3A_321 = arith.constant 0 : i32
      %dma_wait3A_322 = tpu.memref_slice %arg2[%dma_wait3A_319, %add3A, %dma_wait3A_320, %dma_wait3A_321] : memref<25x32x8x128xi32, #tpu.memory_space<hbm>> -> memref<25x1x8x128xi32, #tpu.memory_space<hbm>>
      %dma_wait3A_323 = tpu.memref_squeeze %dma_wait3A_322 : memref<25x1x8x128xi32, #tpu.memory_space<hbm>> -> memref<25x8x128xi32, #tpu.memory_space<hbm>>
      %dma_wait3A_324 = arith.constant 0 : i32
      %dma_wait3A_325 = arith.constant 0 : i32
      %dma_wait3A_326 = arith.constant 0 : i32
      %dma_wait3A_327 = tpu.memref_slice %arg7[%run_scoped3A, %dma_wait3A_324, %dma_wait3A_325, %dma_wait3A_326] : memref<1x25x8x128xi32, #tpu.memory_space<vmem>> -> memref<1x25x8x128xi32, #tpu.memory_space<vmem>>
      %dma_wait3A_328 = tpu.memref_squeeze %dma_wait3A_327 : memref<1x25x8x128xi32, #tpu.memory_space<vmem>> -> memref<25x8x128xi32, #tpu.memory_space<vmem>>
      %dma_wait3A_329 = arith.constant 0 : i32
      %dma_wait3A_330 = arith.constant 0 : i32
      %dma_wait3A_331 = arith.constant 0 : i32
      %dma_wait3A_332 = tpu.memref_slice %arg2[%dma_wait3A_329, %add3A, %dma_wait3A_330, %dma_wait3A_331] : memref<25x32x8x128xi32, #tpu.memory_space<hbm>> -> memref<25x1x8x128xi32, #tpu.memory_space<hbm>>
      %dma_wait3A_333 = tpu.memref_squeeze %dma_wait3A_332 : memref<25x1x8x128xi32, #tpu.memory_space<hbm>> -> memref<25x8x128xi32, #tpu.memory_space<hbm>>
      tpu.wait_dma2 semaphore(%run_scoped3A_293 : memref<!tpu.dma_semaphore, #tpu.memory_space<semaphore_mem>>) src(%dma_wait3A_333 : memref<25x8x128xi32, #tpu.memory_space<hbm>>) dst(%dma_wait3A_328 : memref<25x8x128xi32, #tpu.memory_space<vmem>>)
      tpu.yield
    }) : () -> ()
    %scan3A = arith.constant 0 : i32
    %scan3A_6 = arith.constant 0 : i32
    %scan3A_7 = arith.constant 0 : i32
    %scan3A_8 = arith.constant 200 : i32
    %scan3A_9 = arith.addi %scan3A_7, %scan3A_8 : i32
    %scan3A_10 = arith.constant 1 : i32
    scf.for %scan3A_293 = %scan3A_7 to %scan3A_9 step %scan3A_10  : i32 {
      %jit3A = arith.constant 8 : i32
      %div3A = arith.divsi %scan3A_293, %jit3A : i32
      %sign3A = arith.constant 0 : i32
      %sign3A_294 = arith.cmpi sgt, %scan3A_293, %sign3A : i32
      %sign3A_295 = arith.extui %sign3A_294 : i1 to i32
      %sign3A_296 = arith.constant 0 : i32
      %sign3A_297 = arith.cmpi slt, %scan3A_293, %sign3A_296 : i32
      %sign3A_298 = arith.extui %sign3A_297 : i1 to i32
      %sign3A_299 = arith.subi %sign3A_295, %sign3A_298 : i32
      %sign3A_300 = arith.constant 0 : i32
      %sign3A_301 = arith.cmpi sgt, %jit3A, %sign3A_300 : i32
      %sign3A_302 = arith.extui %sign3A_301 : i1 to i32
      %sign3A_303 = arith.constant 0 : i32
      %sign3A_304 = arith.cmpi slt, %jit3A, %sign3A_303 : i32
      %sign3A_305 = arith.extui %sign3A_304 : i1 to i32
      %sign3A_306 = arith.subi %sign3A_302, %sign3A_305 : i32
      %ne3A = arith.cmpi ne, %sign3A_299, %sign3A_306 : i32
      %rem3A = arith.remsi %scan3A_293, %jit3A : i32
      %ne3A_307 = arith.constant 0 : i32
      %ne3A_308 = arith.cmpi ne, %rem3A, %ne3A_307 : i32
      %and3A_309 = arith.andi %ne3A, %ne3A_308 : i1
      %sub3A = arith.constant 1 : i32
      %sub3A_310 = arith.subi %div3A, %sub3A : i32
      %select_n3A = arith.select %and3A_309, %sub3A_310, %div3A : i32
      %jit3A_311 = arith.constant 8 : i32
      %eq3A = arith.constant 0 : i32
      %eq3A_312 = arith.cmpi eq, %jit3A_311, %eq3A : i32
      %jit3A_313 = arith.constant 1 : i32
      %select_n3A_314 = arith.select %eq3A_312, %jit3A_313, %jit3A_311 : i32
      %rem3A_315 = arith.remsi %scan3A_293, %select_n3A_314 : i32
      %ne3A_316 = arith.constant 0 : i32
      %ne3A_317 = arith.cmpi ne, %rem3A_315, %ne3A_316 : i32
      %lt3A = arith.constant 0 : i32
      %lt3A_318 = arith.cmpi slt, %rem3A_315, %lt3A : i32
      %lt3A_319 = arith.constant 0 : i32
      %lt3A_320 = arith.cmpi slt, %select_n3A_314, %lt3A_319 : i32
      %ne3A_321 = arith.xori %lt3A_318, %lt3A_320 : i1
      %and3A_322 = arith.andi %ne3A_321, %ne3A_317 : i1
      %add3A_323 = arith.addi %rem3A_315, %select_n3A_314 : i32
      %select_n3A_324 = arith.select %and3A_322, %add3A_323, %rem3A_315 : i32
      %broadcast_in_dim3A = vector.broadcast %scan3A_293 : i32 to vector<16xi32>
      %get3A_325 = arith.constant 0 : i32
      %get3A_326 = arith.constant 0 : i32
      %get3A_327 = arith.constant 0 : i32
      %get3A_328 = tpu.memref_slice %arg7[%scan3A_6, %get3A_325, %get3A_326, %get3A_327] : memref<1x25x8x128xi32, #tpu.memory_space<vmem>> -> memref<1x25x8x128xi32, #tpu.memory_space<vmem>>
      %get3A_329 = tpu.memref_squeeze %get3A_328 : memref<1x25x8x128xi32, #tpu.memory_space<vmem>> -> memref<25x8x128xi32, #tpu.memory_space<vmem>>
      %get3A_330 = arith.index_cast %select_n3A : i32 to index
      %get3A_331 = arith.index_cast %select_n3A_324 : i32 to index
      %get3A_332 = arith.constant 0 : index
      %get3A_333 = tpu.vector_load %get3A_329[%get3A_330, %get3A_331, %get3A_332] {strides = array<i32>} : memref<25x8x128xi32, #tpu.memory_space<vmem>>, vector<16xi32>,
      %shift_right_arithmetic3A_334 = arith.constant 14 : i32
      %shift_right_arithmetic3A_335 = vector.broadcast %shift_right_arithmetic3A_334 : i32 to vector<16xi32>
      %shift_right_arithmetic3A_336 = arith.shrsi %get3A_333, %shift_right_arithmetic3A_335 : vector<16xi32>
      %shift_left3A_337 = arith.constant 14 : i32
      %shift_left3A_338 = vector.broadcast %shift_left3A_337 : i32 to vector<16xi32>
      %shift_left3A_339 = arith.shli %shift_right_arithmetic3A_336, %shift_left3A_338 : vector<16xi32>
      %and3A_340 = arith.constant 4095 : i32
      %and3A_341 = vector.broadcast %and3A_340 : i32 to vector<16xi32>
      %and3A_342 = arith.andi %get3A_333, %and3A_341 : vector<16xi32>
      %shift_left3A_343 = arith.constant 2 : i32
      %shift_left3A_344 = vector.broadcast %shift_left3A_343 : i32 to vector<16xi32>
      %shift_left3A_345 = arith.shli %and3A_342, %shift_left3A_344 : vector<16xi32>
      %add3A_346 = arith.addi %shift_left3A_339, %shift_left3A_345 : vector<16xi32>
      %shift_right_arithmetic3A_347 = arith.constant 12 : i32
      %shift_right_arithmetic3A_348 = vector.broadcast %shift_right_arithmetic3A_347 : i32 to vector<16xi32>
      %shift_right_arithmetic3A_349 = arith.shrsi %get3A_333, %shift_right_arithmetic3A_348 : vector<16xi32>
      %and3A_350 = arith.constant 3 : i32
      %and3A_351 = vector.broadcast %and3A_350 : i32 to vector<16xi32>
      %and3A_352 = arith.andi %shift_right_arithmetic3A_349, %and3A_351 : vector<16xi32>
      %add3A_353 = arith.addi %add3A_346, %and3A_352 : vector<16xi32>
      %add3A_354 = arith.constant 0 : i32
      %add3A_355 = vector.broadcast %add3A_354 : i32 to vector<16xi32>
      %add3A_356 = arith.addi %add3A_355, %iota3A : vector<16xi32>
      tpu.vector_store_idx %arg8[%add3A_356, %broadcast_in_dim3A], %add3A_353 : memref<128x200xi32, #tpu.memory_space<vmem>>[vector<16xi32>, vector<16xi32>], vector<16xi32>,
      %get3A_357 = arith.constant 0 : i32
      %get3A_358 = arith.constant 0 : i32
      %get3A_359 = arith.constant 0 : i32
      %get3A_360 = tpu.memref_slice %arg7[%scan3A_6, %get3A_357, %get3A_358, %get3A_359] : memref<1x25x8x128xi32, #tpu.memory_space<vmem>> -> memref<1x25x8x128xi32, #tpu.memory_space<vmem>>
      %get3A_361 = tpu.memref_squeeze %get3A_360 : memref<1x25x8x128xi32, #tpu.memory_space<vmem>> -> memref<25x8x128xi32, #tpu.memory_space<vmem>>
      %get3A_362 = arith.index_cast %select_n3A : i32 to index
      %get3A_363 = arith.index_cast %select_n3A_324 : i32 to index
      %get3A_364 = arith.constant 16 : index
      %get3A_365 = tpu.vector_load %get3A_361[%get3A_362, %get3A_363, %get3A_364] {strides = array<i32>} : memref<25x8x128xi32, #tpu.memory_space<vmem>>, vector<16xi32>,
      %shift_right_arithmetic3A_366 = arith.constant 14 : i32
      %shift_right_arithmetic3A_367 = vector.broadcast %shift_right_arithmetic3A_366 : i32 to vector<16xi32>
      %shift_right_arithmetic3A_368 = arith.shrsi %get3A_365, %shift_right_arithmetic3A_367 : vector<16xi32>
      %shift_left3A_369 = arith.constant 14 : i32
      %shift_left3A_370 = vector.broadcast %shift_left3A_369 : i32 to vector<16xi32>
      %shift_left3A_371 = arith.shli %shift_right_arithmetic3A_368, %shift_left3A_370 : vector<16xi32>
      %and3A_372 = arith.constant 4095 : i32
      %and3A_373 = vector.broadcast %and3A_372 : i32 to vector<16xi32>
      %and3A_374 = arith.andi %get3A_365, %and3A_373 : vector<16xi32>
      %shift_left3A_375 = arith.constant 2 : i32
      %shift_left3A_376 = vector.broadcast %shift_left3A_375 : i32 to vector<16xi32>
      %shift_left3A_377 = arith.shli %and3A_374, %shift_left3A_376 : vector<16xi32>
      %add3A_378 = arith.addi %shift_left3A_371, %shift_left3A_377 : vector<16xi32>
      %shift_right_arithmetic3A_379 = arith.constant 12 : i32
      %shift_right_arithmetic3A_380 = vector.broadcast %shift_right_arithmetic3A_379 : i32 to vector<16xi32>
      %shift_right_arithmetic3A_381 = arith.shrsi %get3A_365, %shift_right_arithmetic3A_380 : vector<16xi32>
      %and3A_382 = arith.constant 3 : i32
      %and3A_383 = vector.broadcast %and3A_382 : i32 to vector<16xi32>
      %and3A_384 = arith.andi %shift_right_arithmetic3A_381, %and3A_383 : vector<16xi32>
      %add3A_385 = arith.addi %add3A_378, %and3A_384 : vector<16xi32>
      %add3A_386 = arith.constant 16 : i32
      %add3A_387 = vector.broadcast %add3A_386 : i32 to vector<16xi32>
      %add3A_388 = arith.addi %add3A_387, %iota3A : vector<16xi32>
      tpu.vector_store_idx %arg8[%add3A_388, %broadcast_in_dim3A], %add3A_385 : memref<128x200xi32, #tpu.memory_space<vmem>>[vector<16xi32>, vector<16xi32>], vector<16xi32>,
      %get3A_389 = arith.constant 0 : i32
      %get3A_390 = arith.constant 0 : i32
      %get3A_391 = arith.constant 0 : i32
      %get3A_392 = tpu.memref_slice %arg7[%scan3A_6, %get3A_389, %get3A_390, %get3A_391] : memref<1x25x8x128xi32, #tpu.memory_space<vmem>> -> memref<1x25x8x128xi32, #tpu.memory_space<vmem>>
      %get3A_393 = tpu.memref_squeeze %get3A_392 : memref<1x25x8x128xi32, #tpu.memory_space<vmem>> -> memref<25x8x128xi32, #tpu.memory_space<vmem>>
      %get3A_394 = arith.index_cast %select_n3A : i32 to index
      %get3A_395 = arith.index_cast %select_n3A_324 : i32 to index
      %get3A_396 = arith.constant 32 : index
      %get3A_397 = tpu.vector_load %get3A_393[%get3A_394, %get3A_395, %get3A_396] {strides = array<i32>} : memref<25x8x128xi32, #tpu.memory_space<vmem>>, vector<16xi32>,
      %shift_right_arithmetic3A_398 = arith.constant 14 : i32
      %shift_right_arithmetic3A_399 = vector.broadcast %shift_right_arithmetic3A_398 : i32 to vector<16xi32>
      %shift_right_arithmetic3A_400 = arith.shrsi %get3A_397, %shift_right_arithmetic3A_399 : vector<16xi32>
      %shift_left3A_401 = arith.constant 14 : i32
      %shift_left3A_402 = vector.broadcast %shift_left3A_401 : i32 to vector<16xi32>
      %shift_left3A_403 = arith.shli %shift_right_arithmetic3A_400, %shift_left3A_402 : vector<16xi32>
      %and3A_404 = arith.constant 4095 : i32
      %and3A_405 = vector.broadcast %and3A_404 : i32 to vector<16xi32>
      %and3A_406 = arith.andi %get3A_397, %and3A_405 : vector<16xi32>
      %shift_left3A_407 = arith.constant 2 : i32
      %shift_left3A_408 = vector.broadcast %shift_left3A_407 : i32 to vector<16xi32>
      %shift_left3A_409 = arith.shli %and3A_406, %shift_left3A_408 : vector<16xi32>
      %add3A_410 = arith.addi %shift_left3A_403, %shift_left3A_409 : vector<16xi32>
      %shift_right_arithmetic3A_411 = arith.constant 12 : i32
      %shift_right_arithmetic3A_412 = vector.broadcast %shift_right_arithmetic3A_411 : i32 to vector<16xi32>
      %shift_right_arithmetic3A_413 = arith.shrsi %get3A_397, %shift_right_arithmetic3A_412 : vector<16xi32>
      %and3A_414 = arith.constant 3 : i32
      %and3A_415 = vector.broadcast %and3A_414 : i32 to vector<16xi32>
      %and3A_416 = arith.andi %shift_right_arithmetic3A_413, %and3A_415 : vector<16xi32>
      %add3A_417 = arith.addi %add3A_410, %and3A_416 : vector<16xi32>
      %add3A_418 = arith.constant 32 : i32
      %add3A_419 = vector.broadcast %add3A_418 : i32 to vector<16xi32>
      %add3A_420 = arith.addi %add3A_419, %iota3A : vector<16xi32>
      tpu.vector_store_idx %arg8[%add3A_420, %broadcast_in_dim3A], %add3A_417 : memref<128x200xi32, #tpu.memory_space<vmem>>[vector<16xi32>, vector<16xi32>], vector<16xi32>,
      %get3A_421 = arith.constant 0 : i32
      %get3A_422 = arith.constant 0 : i32
      %get3A_423 = arith.constant 0 : i32
      %get3A_424 = tpu.memref_slice %arg7[%scan3A_6, %get3A_421, %get3A_422, %get3A_423] : memref<1x25x8x128xi32, #tpu.memory_space<vmem>> -> memref<1x25x8x128xi32, #tpu.memory_space<vmem>>
      %get3A_425 = tpu.memref_squeeze %get3A_424 : memref<1x25x8x128xi32, #tpu.memory_space<vmem>> -> memref<25x8x128xi32, #tpu.memory_space<vmem>>
      %get3A_426 = arith.index_cast %select_n3A : i32 to index
      %get3A_427 = arith.index_cast %select_n3A_324 : i32 to index
      %get3A_428 = arith.constant 48 : index
      %get3A_429 = tpu.vector_load %get3A_425[%get3A_426, %get3A_427, %get3A_428] {strides = array<i32>} : memref<25x8x128xi32, #tpu.memory_space<vmem>>, vector<16xi32>,
      %shift_right_arithmetic3A_430 = arith.constant 14 : i32
      %shift_right_arithmetic3A_431 = vector.broadcast %shift_right_arithmetic3A_430 : i32 to vector<16xi32>
      %shift_right_arithmetic3A_432 = arith.shrsi %get3A_429, %shift_right_arithmetic3A_431 : vector<16xi32>
      %shift_left3A_433 = arith.constant 14 : i32
      %shift_left3A_434 = vector.broadcast %shift_left3A_433 : i32 to vector<16xi32>
      %shift_left3A_435 = arith.shli %shift_right_arithmetic3A_432, %shift_left3A_434 : vector<16xi32>
      %and3A_436 = arith.constant 4095 : i32
      %and3A_437 = vector.broadcast %and3A_436 : i32 to vector<16xi32>
      %and3A_438 = arith.andi %get3A_429, %and3A_437 : vector<16xi32>
      %shift_left3A_439 = arith.constant 2 : i32
      %shift_left3A_440 = vector.broadcast %shift_left3A_439 : i32 to vector<16xi32>
      %shift_left3A_441 = arith.shli %and3A_438, %shift_left3A_440 : vector<16xi32>
      %add3A_442 = arith.addi %shift_left3A_435, %shift_left3A_441 : vector<16xi32>
      %shift_right_arithmetic3A_443 = arith.constant 12 : i32
      %shift_right_arithmetic3A_444 = vector.broadcast %shift_right_arithmetic3A_443 : i32 to vector<16xi32>
      %shift_right_arithmetic3A_445 = arith.shrsi %get3A_429, %shift_right_arithmetic3A_444 : vector<16xi32>
      %and3A_446 = arith.constant 3 : i32
      %and3A_447 = vector.broadcast %and3A_446 : i32 to vector<16xi32>
      %and3A_448 = arith.andi %shift_right_arithmetic3A_445, %and3A_447 : vector<16xi32>
      %add3A_449 = arith.addi %add3A_442, %and3A_448 : vector<16xi32>
      %add3A_450 = arith.constant 48 : i32
      %add3A_451 = vector.broadcast %add3A_450 : i32 to vector<16xi32>
      %add3A_452 = arith.addi %add3A_451, %iota3A : vector<16xi32>
      tpu.vector_store_idx %arg8[%add3A_452, %broadcast_in_dim3A], %add3A_449 : memref<128x200xi32, #tpu.memory_space<vmem>>[vector<16xi32>, vector<16xi32>], vector<16xi32>,
      %get3A_453 = arith.constant 0 : i32
      %get3A_454 = arith.constant 0 : i32
      %get3A_455 = arith.constant 0 : i32
      %get3A_456 = tpu.memref_slice %arg7[%scan3A_6, %get3A_453, %get3A_454, %get3A_455] : memref<1x25x8x128xi32, #tpu.memory_space<vmem>> -> memref<1x25x8x128xi32, #tpu.memory_space<vmem>>
      %get3A_457 = tpu.memref_squeeze %get3A_456 : memref<1x25x8x128xi32, #tpu.memory_space<vmem>> -> memref<25x8x128xi32, #tpu.memory_space<vmem>>
      %get3A_458 = arith.index_cast %select_n3A : i32 to index
      %get3A_459 = arith.index_cast %select_n3A_324 : i32 to index
      %get3A_460 = arith.constant 64 : index
      %get3A_461 = tpu.vector_load %get3A_457[%get3A_458, %get3A_459, %get3A_460] {strides = array<i32>} : memref<25x8x128xi32, #tpu.memory_space<vmem>>, vector<16xi32>,
      %shift_right_arithmetic3A_462 = arith.constant 14 : i32
      %shift_right_arithmetic3A_463 = vector.broadcast %shift_right_arithmetic3A_462 : i32 to vector<16xi32>
      %shift_right_arithmetic3A_464 = arith.shrsi %get3A_461, %shift_right_arithmetic3A_463 : vector<16xi32>
      %shift_left3A_465 = arith.constant 14 : i32
      %shift_left3A_466 = vector.broadcast %shift_left3A_465 : i32 to vector<16xi32>
      %shift_left3A_467 = arith.shli %shift_right_arithmetic3A_464, %shift_left3A_466 : vector<16xi32>
      %and3A_468 = arith.constant 4095 : i32
      %and3A_469 = vector.broadcast %and3A_468 : i32 to vector<16xi32>
      %and3A_470 = arith.andi %get3A_461, %and3A_469 : vector<16xi32>
      %shift_left3A_471 = arith.constant 2 : i32
      %shift_left3A_472 = vector.broadcast %shift_left3A_471 : i32 to vector<16xi32>
      %shift_left3A_473 = arith.shli %and3A_470, %shift_left3A_472 : vector<16xi32>
      %add3A_474 = arith.addi %shift_left3A_467, %shift_left3A_473 : vector<16xi32>
      %shift_right_arithmetic3A_475 = arith.constant 12 : i32
      %shift_right_arithmetic3A_476 = vector.broadcast %shift_right_arithmetic3A_475 : i32 to vector<16xi32>
      %shift_right_arithmetic3A_477 = arith.shrsi %get3A_461, %shift_right_arithmetic3A_476 : vector<16xi32>
      %and3A_478 = arith.constant 3 : i32
      %and3A_479 = vector.broadcast %and3A_478 : i32 to vector<16xi32>
      %and3A_480 = arith.andi %shift_right_arithmetic3A_477, %and3A_479 : vector<16xi32>
      %add3A_481 = arith.addi %add3A_474, %and3A_480 : vector<16xi32>
      %add3A_482 = arith.constant 64 : i32
      %add3A_483 = vector.broadcast %add3A_482 : i32 to vector<16xi32>
      %add3A_484 = arith.addi %add3A_483, %iota3A : vector<16xi32>
      tpu.vector_store_idx %arg8[%add3A_484, %broadcast_in_dim3A], %add3A_481 : memref<128x200xi32, #tpu.memory_space<vmem>>[vector<16xi32>, vector<16xi32>], vector<16xi32>,
      %get3A_485 = arith.constant 0 : i32
      %get3A_486 = arith.constant 0 : i32
      %get3A_487 = arith.constant 0 : i32
      %get3A_488 = tpu.memref_slice %arg7[%scan3A_6, %get3A_485, %get3A_486, %get3A_487] : memref<1x25x8x128xi32, #tpu.memory_space<vmem>> -> memref<1x25x8x128xi32, #tpu.memory_space<vmem>>
      %get3A_489 = tpu.memref_squeeze %get3A_488 : memref<1x25x8x128xi32, #tpu.memory_space<vmem>> -> memref<25x8x128xi32, #tpu.memory_space<vmem>>
      %get3A_490 = arith.index_cast %select_n3A : i32 to index
      %get3A_491 = arith.index_cast %select_n3A_324 : i32 to index
      %get3A_492 = arith.constant 80 : index
      %get3A_493 = tpu.vector_load %get3A_489[%get3A_490, %get3A_491, %get3A_492] {strides = array<i32>} : memref<25x8x128xi32, #tpu.memory_space<vmem>>, vector<16xi32>,
      %shift_right_arithmetic3A_494 = arith.constant 14 : i32
      %shift_right_arithmetic3A_495 = vector.broadcast %shift_right_arithmetic3A_494 : i32 to vector<16xi32>
      %shift_right_arithmetic3A_496 = arith.shrsi %get3A_493, %shift_right_arithmetic3A_495 : vector<16xi32>
      %shift_left3A_497 = arith.constant 14 : i32
      %shift_left3A_498 = vector.broadcast %shift_left3A_497 : i32 to vector<16xi32>
      %shift_left3A_499 = arith.shli %shift_right_arithmetic3A_496, %shift_left3A_498 : vector<16xi32>
      %and3A_500 = arith.constant 4095 : i32
      %and3A_501 = vector.broadcast %and3A_500 : i32 to vector<16xi32>
      %and3A_502 = arith.andi %get3A_493, %and3A_501 : vector<16xi32>
      %shift_left3A_503 = arith.constant 2 : i32
      %shift_left3A_504 = vector.broadcast %shift_left3A_503 : i32 to vector<16xi32>
      %shift_left3A_505 = arith.shli %and3A_502, %shift_left3A_504 : vector<16xi32>
      %add3A_506 = arith.addi %shift_left3A_499, %shift_left3A_505 : vector<16xi32>
      %shift_right_arithmetic3A_507 = arith.constant 12 : i32
      %shift_right_arithmetic3A_508 = vector.broadcast %shift_right_arithmetic3A_507 : i32 to vector<16xi32>
      %shift_right_arithmetic3A_509 = arith.shrsi %get3A_493, %shift_right_arithmetic3A_508 : vector<16xi32>
      %and3A_510 = arith.constant 3 : i32
      %and3A_511 = vector.broadcast %and3A_510 : i32 to vector<16xi32>
      %and3A_512 = arith.andi %shift_right_arithmetic3A_509, %and3A_511 : vector<16xi32>
      %add3A_513 = arith.addi %add3A_506, %and3A_512 : vector<16xi32>
      %add3A_514 = arith.constant 80 : i32
      %add3A_515 = vector.broadcast %add3A_514 : i32 to vector<16xi32>
      %add3A_516 = arith.addi %add3A_515, %iota3A : vector<16xi32>
      tpu.vector_store_idx %arg8[%add3A_516, %broadcast_in_dim3A], %add3A_513 : memref<128x200xi32, #tpu.memory_space<vmem>>[vector<16xi32>, vector<16xi32>], vector<16xi32>,
      %get3A_517 = arith.constant 0 : i32
      %get3A_518 = arith.constant 0 : i32
      %get3A_519 = arith.constant 0 : i32
      %get3A_520 = tpu.memref_slice %arg7[%scan3A_6, %get3A_517, %get3A_518, %get3A_519] : memref<1x25x8x128xi32, #tpu.memory_space<vmem>> -> memref<1x25x8x128xi32, #tpu.memory_space<vmem>>
      %get3A_521 = tpu.memref_squeeze %get3A_520 : memref<1x25x8x128xi32, #tpu.memory_space<vmem>> -> memref<25x8x128xi32, #tpu.memory_space<vmem>>
      %get3A_522 = arith.index_cast %select_n3A : i32 to index
      %get3A_523 = arith.index_cast %select_n3A_324 : i32 to index
      %get3A_524 = arith.constant 96 : index
      %get3A_525 = tpu.vector_load %get3A_521[%get3A_522, %get3A_523, %get3A_524] {strides = array<i32>} : memref<25x8x128xi32, #tpu.memory_space<vmem>>, vector<16xi32>,
      %shift_right_arithmetic3A_526 = arith.constant 14 : i32
      %shift_right_arithmetic3A_527 = vector.broadcast %shift_right_arithmetic3A_526 : i32 to vector<16xi32>
      %shift_right_arithmetic3A_528 = arith.shrsi %get3A_525, %shift_right_arithmetic3A_527 : vector<16xi32>
      %shift_left3A_529 = arith.constant 14 : i32
      %shift_left3A_530 = vector.broadcast %shift_left3A_529 : i32 to vector<16xi32>
      %shift_left3A_531 = arith.shli %shift_right_arithmetic3A_528, %shift_left3A_530 : vector<16xi32>
      %and3A_532 = arith.constant 4095 : i32
      %and3A_533 = vector.broadcast %and3A_532 : i32 to vector<16xi32>
      %and3A_534 = arith.andi %get3A_525, %and3A_533 : vector<16xi32>
      %shift_left3A_535 = arith.constant 2 : i32
      %shift_left3A_536 = vector.broadcast %shift_left3A_535 : i32 to vector<16xi32>
      %shift_left3A_537 = arith.shli %and3A_534, %shift_left3A_536 : vector<16xi32>
      %add3A_538 = arith.addi %shift_left3A_531, %shift_left3A_537 : vector<16xi32>
      %shift_right_arithmetic3A_539 = arith.constant 12 : i32
      %shift_right_arithmetic3A_540 = vector.broadcast %shift_right_arithmetic3A_539 : i32 to vector<16xi32>
      %shift_right_arithmetic3A_541 = arith.shrsi %get3A_525, %shift_right_arithmetic3A_540 : vector<16xi32>
      %and3A_542 = arith.constant 3 : i32
      %and3A_543 = vector.broadcast %and3A_542 : i32 to vector<16xi32>
      %and3A_544 = arith.andi %shift_right_arithmetic3A_541, %and3A_543 : vector<16xi32>
      %add3A_545 = arith.addi %add3A_538, %and3A_544 : vector<16xi32>
      %add3A_546 = arith.constant 96 : i32
      %add3A_547 = vector.broadcast %add3A_546 : i32 to vector<16xi32>
      %add3A_548 = arith.addi %add3A_547, %iota3A : vector<16xi32>
      tpu.vector_store_idx %arg8[%add3A_548, %broadcast_in_dim3A], %add3A_545 : memref<128x200xi32, #tpu.memory_space<vmem>>[vector<16xi32>, vector<16xi32>], vector<16xi32>,
      %get3A_549 = arith.constant 0 : i32
      %get3A_550 = arith.constant 0 : i32
      %get3A_551 = arith.constant 0 : i32
      %get3A_552 = tpu.memref_slice %arg7[%scan3A_6, %get3A_549, %get3A_550, %get3A_551] : memref<1x25x8x128xi32, #tpu.memory_space<vmem>> -> memref<1x25x8x128xi32, #tpu.memory_space<vmem>>
      %get3A_553 = tpu.memref_squeeze %get3A_552 : memref<1x25x8x128xi32, #tpu.memory_space<vmem>> -> memref<25x8x128xi32, #tpu.memory_space<vmem>>
      %get3A_554 = arith.index_cast %select_n3A : i32 to index
      %get3A_555 = arith.index_cast %select_n3A_324 : i32 to index
      %get3A_556 = arith.constant 112 : index
      %get3A_557 = tpu.vector_load %get3A_553[%get3A_554, %get3A_555, %get3A_556] {strides = array<i32>} : memref<25x8x128xi32, #tpu.memory_space<vmem>>, vector<16xi32>,
      %shift_right_arithmetic3A_558 = arith.constant 14 : i32
      %shift_right_arithmetic3A_559 = vector.broadcast %shift_right_arithmetic3A_558 : i32 to vector<16xi32>
      %shift_right_arithmetic3A_560 = arith.shrsi %get3A_557, %shift_right_arithmetic3A_559 : vector<16xi32>
      %shift_left3A_561 = arith.constant 14 : i32
      %shift_left3A_562 = vector.broadcast %shift_left3A_561 : i32 to vector<16xi32>
      %shift_left3A_563 = arith.shli %shift_right_arithmetic3A_560, %shift_left3A_562 : vector<16xi32>
      %and3A_564 = arith.constant 4095 : i32
      %and3A_565 = vector.broadcast %and3A_564 : i32 to vector<16xi32>
      %and3A_566 = arith.andi %get3A_557, %and3A_565 : vector<16xi32>
      %shift_left3A_567 = arith.constant 2 : i32
      %shift_left3A_568 = vector.broadcast %shift_left3A_567 : i32 to vector<16xi32>
      %shift_left3A_569 = arith.shli %and3A_566, %shift_left3A_568 : vector<16xi32>
      %add3A_570 = arith.addi %shift_left3A_563, %shift_left3A_569 : vector<16xi32>
      %shift_right_arithmetic3A_571 = arith.constant 12 : i32
      %shift_right_arithmetic3A_572 = vector.broadcast %shift_right_arithmetic3A_571 : i32 to vector<16xi32>
      %shift_right_arithmetic3A_573 = arith.shrsi %get3A_557, %shift_right_arithmetic3A_572 : vector<16xi32>
      %and3A_574 = arith.constant 3 : i32
      %and3A_575 = vector.broadcast %and3A_574 : i32 to vector<16xi32>
      %and3A_576 = arith.andi %shift_right_arithmetic3A_573, %and3A_575 : vector<16xi32>
      %add3A_577 = arith.addi %add3A_570, %and3A_576 : vector<16xi32>
      %add3A_578 = arith.constant 112 : i32
      %add3A_579 = vector.broadcast %add3A_578 : i32 to vector<16xi32>
      %add3A_580 = arith.addi %add3A_579, %iota3A : vector<16xi32>
      tpu.vector_store_idx %arg8[%add3A_580, %broadcast_in_dim3A], %add3A_577 : memref<128x200xi32, #tpu.memory_space<vmem>>[vector<16xi32>, vector<16xi32>], vector<16xi32>,
    }
    %scan3A_11 = arith.constant 200 : i32
    %dma_start3A = arith.constant 0 : i32
    %dma_start3A_12 = arith.constant 0 : i32
    %dma_start3A_13 = arith.constant 0 : i32
    %dma_start3A_14 = tpu.memref_slice %arg9[%dma_start3A_12, %dma_start3A_13] : memref<200x32xf32, #tpu.memory_space<vmem>> -> memref<128x32xf32, #tpu.memory_space<vmem>>
    %dma_start3A_15 = arith.constant 0 : i32
    %dma_start3A_16 = tpu.memref_slice %arg8[%dma_start3A, %dma_start3A_15] : memref<128x200xi32, #tpu.memory_space<vmem>> -> memref<1x128xi32, #tpu.memory_space<vmem>>
    %dma_start3A_17 = tpu.memref_squeeze %dma_start3A_16 : memref<1x128xi32, #tpu.memory_space<vmem>> -> memref<128xi32, #tpu.memory_space<vmem>>
    %dma_start3A_18 = arith.constant 0 : i32
    %dma_start3A_19 = arith.constant 0 : i32
    %dma_start3A_20 = tpu.memref_slice %arg4[%dma_start3A_18, %dma_start3A_19] : memref<1015808x32xf32, #tpu.memory_space<hbm>> -> memref<1015808x32xf32, #tpu.memory_space<hbm>>
    tpu.enqueue_indirect_dma source(%dma_start3A_20 : memref<1015808x32xf32, #tpu.memory_space<hbm>>) target(%dma_start3A_14 : memref<128x32xf32, #tpu.memory_space<vmem>>) offsets(%dma_start3A_17 : memref<128xi32, #tpu.memory_space<vmem>>) semaphore(%arg12 : memref<!tpu.dma_semaphore, #tpu.memory_space<semaphore_mem>>)
    %dma_start3A_21 = arith.constant 0 : i32
    %dma_start3A_22 = arith.constant 128 : i32
    %dma_start3A_23 = arith.constant 0 : i32
    %dma_start3A_24 = tpu.memref_slice %arg9[%dma_start3A_22, %dma_start3A_23] : memref<200x32xf32, #tpu.memory_space<vmem>> -> memref<72x32xf32, #tpu.memory_space<vmem>>
    %dma_start3A_25 = arith.constant 128 : i32
    %dma_start3A_26 = tpu.memref_slice %arg8[%dma_start3A_21, %dma_start3A_25] : memref<128x200xi32, #tpu.memory_space<vmem>> -> memref<1x72xi32, #tpu.memory_space<vmem>>
    %dma_start3A_27 = tpu.memref_squeeze %dma_start3A_26 : memref<1x72xi32, #tpu.memory_space<vmem>> -> memref<72xi32, #tpu.memory_space<vmem>>
    %dma_start3A_28 = arith.constant 0 : i32
    %dma_start3A_29 = arith.constant 0 : i32
    %dma_start3A_30 = tpu.memref_slice %arg4[%dma_start3A_28, %dma_start3A_29] : memref<1015808x32xf32, #tpu.memory_space<hbm>> -> memref<1015808x32xf32, #tpu.memory_space<hbm>>
    tpu.enqueue_indirect_dma source(%dma_start3A_30 : memref<1015808x32xf32, #tpu.memory_space<hbm>>) target(%dma_start3A_24 : memref<72x32xf32, #tpu.memory_space<vmem>>) offsets(%dma_start3A_27 : memref<72xi32, #tpu.memory_space<vmem>>) semaphore(%arg12 : memref<!tpu.dma_semaphore, #tpu.memory_space<semaphore_mem>>)
    %dma_start3A_31 = arith.constant 1 : i32
    %dma_start3A_32 = arith.constant 0 : i32
    %dma_start3A_33 = arith.constant 0 : i32
    %dma_start3A_34 = tpu.memref_slice %arg10[%dma_start3A_32, %dma_start3A_33] : memref<200x32xf32, #tpu.memory_space<vmem>> -> memref<128x32xf32, #tpu.memory_space<vmem>>
    %dma_start3A_35 = arith.constant 0 : i32
    %dma_start3A_36 = tpu.memref_slice %arg8[%dma_start3A_31, %dma_start3A_35] : memref<128x200xi32, #tpu.memory_space<vmem>> -> memref<1x128xi32, #tpu.memory_space<vmem>>
    %dma_start3A_37 = tpu.memref_squeeze %dma_start3A_36 : memref<1x128xi32, #tpu.memory_space<vmem>> -> memref<128xi32, #tpu.memory_space<vmem>>
    %dma_start3A_38 = arith.constant 0 : i32
    %dma_start3A_39 = arith.constant 0 : i32
    %dma_start3A_40 = tpu.memref_slice %arg4[%dma_start3A_38, %dma_start3A_39] : memref<1015808x32xf32, #tpu.memory_space<hbm>> -> memref<1015808x32xf32, #tpu.memory_space<hbm>>
    tpu.enqueue_indirect_dma source(%dma_start3A_40 : memref<1015808x32xf32, #tpu.memory_space<hbm>>) target(%dma_start3A_34 : memref<128x32xf32, #tpu.memory_space<vmem>>) offsets(%dma_start3A_37 : memref<128xi32, #tpu.memory_space<vmem>>) semaphore(%arg13 : memref<!tpu.dma_semaphore, #tpu.memory_space<semaphore_mem>>)
    %dma_start3A_41 = arith.constant 1 : i32
    %dma_start3A_42 = arith.constant 128 : i32
    %dma_start3A_43 = arith.constant 0 : i32
    %dma_start3A_44 = tpu.memref_slice %arg10[%dma_start3A_42, %dma_start3A_43] : memref<200x32xf32, #tpu.memory_space<vmem>> -> memref<72x32xf32, #tpu.memory_space<vmem>>
    %dma_start3A_45 = arith.constant 128 : i32
    %dma_start3A_46 = tpu.memref_slice %arg8[%dma_start3A_41, %dma_start3A_45] : memref<128x200xi32, #tpu.memory_space<vmem>> -> memref<1x72xi32, #tpu.memory_space<vmem>>
    %dma_start3A_47 = tpu.memref_squeeze %dma_start3A_46 : memref<1x72xi32, #tpu.memory_space<vmem>> -> memref<72xi32, #tpu.memory_space<vmem>>
    %dma_start3A_48 = arith.constant 0 : i32
    %dma_start3A_49 = arith.constant 0 : i32
    %dma_start3A_50 = tpu.memref_slice %arg4[%dma_start3A_48, %dma_start3A_49] : memref<1015808x32xf32, #tpu.memory_space<hbm>> -> memref<1015808x32xf32, #tpu.memory_space<hbm>>
    tpu.enqueue_indirect_dma source(%dma_start3A_50 : memref<1015808x32xf32, #tpu.memory_space<hbm>>) target(%dma_start3A_44 : memref<72x32xf32, #tpu.memory_space<vmem>>) offsets(%dma_start3A_47 : memref<72xi32, #tpu.memory_space<vmem>>) semaphore(%arg13 : memref<!tpu.dma_semaphore, #tpu.memory_space<semaphore_mem>>)
    %scan3A_51 = arith.constant 0 : i32
    %scan3A_52 = arith.constant 0 : i32
    %scan3A_53 = arith.constant 64 : i32
    %scan3A_54 = arith.addi %scan3A_52, %scan3A_53 : i32
    %scan3A_55 = arith.constant 1 : i32
    scf.for %scan3A_293 = %scan3A_52 to %scan3A_54 step %scan3A_55  : i32 {
      %mul3A_294 = arith.constant 2 : i32
      %mul3A_295 = arith.muli %mul3A_294, %scan3A_293 : i32
      %dma_wait3A_296 = arith.constant 0 : i32
      %dma_wait3A_297 = arith.constant 0 : i32
      %dma_wait3A_298 = arith.constant 0 : i32
      %dma_wait3A_299 = tpu.memref_slice %arg9[%dma_wait3A_297, %dma_wait3A_298] : memref<200x32xf32, #tpu.memory_space<vmem>> -> memref<128x32xf32, #tpu.memory_space<vmem>>
      %dma_wait3A_300 = arith.constant 0 : i32
      %dma_wait3A_301 = tpu.memref_slice %arg8[%dma_wait3A_296, %dma_wait3A_300] : memref<128x200xi32, #tpu.memory_space<vmem>> -> memref<1x128xi32, #tpu.memory_space<vmem>>
      %dma_wait3A_302 = tpu.memref_squeeze %dma_wait3A_301 : memref<1x128xi32, #tpu.memory_space<vmem>> -> memref<128xi32, #tpu.memory_space<vmem>>
      %dma_wait3A_303 = arith.constant 0 : i32
      %dma_wait3A_304 = arith.constant 0 : i32
      %dma_wait3A_305 = tpu.memref_slice %arg4[%dma_wait3A_303, %dma_wait3A_304] : memref<1015808x32xf32, #tpu.memory_space<hbm>> -> memref<1015808x32xf32, #tpu.memory_space<hbm>>
      tpu.wait_indirect_dma semaphore(%arg12 : memref<!tpu.dma_semaphore, #tpu.memory_space<semaphore_mem>>) src(%dma_wait3A_305 : memref<1015808x32xf32, #tpu.memory_space<hbm>>) dst(%dma_wait3A_299 : memref<128x32xf32, #tpu.memory_space<vmem>>)
      %dma_wait3A_306 = arith.constant 0 : i32
      %dma_wait3A_307 = arith.constant 128 : i32
      %dma_wait3A_308 = arith.constant 0 : i32
      %dma_wait3A_309 = tpu.memref_slice %arg9[%dma_wait3A_307, %dma_wait3A_308] : memref<200x32xf32, #tpu.memory_space<vmem>> -> memref<72x32xf32, #tpu.memory_space<vmem>>
      %dma_wait3A_310 = arith.constant 128 : i32
      %dma_wait3A_311 = tpu.memref_slice %arg8[%dma_wait3A_306, %dma_wait3A_310] : memref<128x200xi32, #tpu.memory_space<vmem>> -> memref<1x72xi32, #tpu.memory_space<vmem>>
      %dma_wait3A_312 = tpu.memref_squeeze %dma_wait3A_311 : memref<1x72xi32, #tpu.memory_space<vmem>> -> memref<72xi32, #tpu.memory_space<vmem>>
      %dma_wait3A_313 = arith.constant 0 : i32
      %dma_wait3A_314 = arith.constant 0 : i32
      %dma_wait3A_315 = tpu.memref_slice %arg4[%dma_wait3A_313, %dma_wait3A_314] : memref<1015808x32xf32, #tpu.memory_space<hbm>> -> memref<1015808x32xf32, #tpu.memory_space<hbm>>
      tpu.wait_indirect_dma semaphore(%arg12 : memref<!tpu.dma_semaphore, #tpu.memory_space<semaphore_mem>>) src(%dma_wait3A_315 : memref<1015808x32xf32, #tpu.memory_space<hbm>>) dst(%dma_wait3A_309 : memref<72x32xf32, #tpu.memory_space<vmem>>)
      %broadcast_in_dim3A = arith.constant 0.000000e+00 : f32
      %broadcast_in_dim3A_316 = vector.broadcast %broadcast_in_dim3A : f32 to vector<16xf32>
      %scan3A_317 = arith.constant 0 : i32
      %scan3A_318 = arith.constant 25 : i32
      %scan3A_319 = arith.addi %scan3A_317, %scan3A_318 : i32
      %scan3A_320 = arith.constant 1 : i32
      %scan3A_321:2 = scf.for %scan3A_372 = %scan3A_317 to %scan3A_319 step %scan3A_320 iter_args(%scan3A_373 = %broadcast_in_dim3A_316, %scan3A_374 = %broadcast_in_dim3A_316) -> (vector<16xf32>, vector<16xf32>)  : i32 {
        %mul3A_375 = arith.constant 8 : i32
        %mul3A_376 = arith.muli %scan3A_372, %mul3A_375 : i32
        %add3A_377 = arith.constant 0 : i32
        %add3A_378 = arith.addi %mul3A_376, %add3A_377 : i32
        %get3A_379 = arith.index_cast %add3A_378 : i32 to index
        %get3A_380 = arith.constant 0 : index
        %get3A_381 = tpu.vector_load %arg9[%get3A_379, %get3A_380] {strides = array<i32>} : memref<200x32xf32, #tpu.memory_space<vmem>>, vector<16xf32>,
        %add3A_382 = arith.addf %scan3A_373, %get3A_381 : vector<16xf32>
        %mul3A_383 = arith.constant 8 : i32
        %mul3A_384 = arith.muli %scan3A_372, %mul3A_383 : i32
        %add3A_385 = arith.constant 0 : i32
        %add3A_386 = arith.addi %mul3A_384, %add3A_385 : i32
        %get3A_387 = arith.index_cast %add3A_386 : i32 to index
        %get3A_388 = arith.constant 16 : index
        %get3A_389 = tpu.vector_load %arg9[%get3A_387, %get3A_388] {strides = array<i32>} : memref<200x32xf32, #tpu.memory_space<vmem>>, vector<16xf32>,
        %add3A_390 = arith.addf %scan3A_374, %get3A_389 : vector<16xf32>
        %mul3A_391 = arith.constant 8 : i32
        %mul3A_392 = arith.muli %scan3A_372, %mul3A_391 : i32
        %add3A_393 = arith.constant 1 : i32
        %add3A_394 = arith.addi %mul3A_392, %add3A_393 : i32
        %get3A_395 = arith.index_cast %add3A_394 : i32 to index
        %get3A_396 = arith.constant 0 : index
        %get3A_397 = tpu.vector_load %arg9[%get3A_395, %get3A_396] {strides = array<i32>} : memref<200x32xf32, #tpu.memory_space<vmem>>, vector<16xf32>,
        %add3A_398 = arith.addf %add3A_382, %get3A_397 : vector<16xf32>
        %mul3A_399 = arith.constant 8 : i32
        %mul3A_400 = arith.muli %scan3A_372, %mul3A_399 : i32
        %add3A_401 = arith.constant 1 : i32
        %add3A_402 = arith.addi %mul3A_400, %add3A_401 : i32
        %get3A_403 = arith.index_cast %add3A_402 : i32 to index
        %get3A_404 = arith.constant 16 : index
        %get3A_405 = tpu.vector_load %arg9[%get3A_403, %get3A_404] {strides = array<i32>} : memref<200x32xf32, #tpu.memory_space<vmem>>, vector<16xf32>,
        %add3A_406 = arith.addf %add3A_390, %get3A_405 : vector<16xf32>
        %mul3A_407 = arith.constant 8 : i32
        %mul3A_408 = arith.muli %scan3A_372, %mul3A_407 : i32
        %add3A_409 = arith.constant 2 : i32
        %add3A_410 = arith.addi %mul3A_408, %add3A_409 : i32
        %get3A_411 = arith.index_cast %add3A_410 : i32 to index
        %get3A_412 = arith.constant 0 : index
        %get3A_413 = tpu.vector_load %arg9[%get3A_411, %get3A_412] {strides = array<i32>} : memref<200x32xf32, #tpu.memory_space<vmem>>, vector<16xf32>,
        %add3A_414 = arith.addf %add3A_398, %get3A_413 : vector<16xf32>
        %mul3A_415 = arith.constant 8 : i32
        %mul3A_416 = arith.muli %scan3A_372, %mul3A_415 : i32
        %add3A_417 = arith.constant 2 : i32
        %add3A_418 = arith.addi %mul3A_416, %add3A_417 : i32
        %get3A_419 = arith.index_cast %add3A_418 : i32 to index
        %get3A_420 = arith.constant 16 : index
        %get3A_421 = tpu.vector_load %arg9[%get3A_419, %get3A_420] {strides = array<i32>} : memref<200x32xf32, #tpu.memory_space<vmem>>, vector<16xf32>,
        %add3A_422 = arith.addf %add3A_406, %get3A_421 : vector<16xf32>
        %mul3A_423 = arith.constant 8 : i32
        %mul3A_424 = arith.muli %scan3A_372, %mul3A_423 : i32
        %add3A_425 = arith.constant 3 : i32
        %add3A_426 = arith.addi %mul3A_424, %add3A_425 : i32
        %get3A_427 = arith.index_cast %add3A_426 : i32 to index
        %get3A_428 = arith.constant 0 : index
        %get3A_429 = tpu.vector_load %arg9[%get3A_427, %get3A_428] {strides = array<i32>} : memref<200x32xf32, #tpu.memory_space<vmem>>, vector<16xf32>,
        %add3A_430 = arith.addf %add3A_414, %get3A_429 : vector<16xf32>
        %mul3A_431 = arith.constant 8 : i32
        %mul3A_432 = arith.muli %scan3A_372, %mul3A_431 : i32
        %add3A_433 = arith.constant 3 : i32
        %add3A_434 = arith.addi %mul3A_432, %add3A_433 : i32
        %get3A_435 = arith.index_cast %add3A_434 : i32 to index
        %get3A_436 = arith.constant 16 : index
        %get3A_437 = tpu.vector_load %arg9[%get3A_435, %get3A_436] {strides = array<i32>} : memref<200x32xf32, #tpu.memory_space<vmem>>, vector<16xf32>,
        %add3A_438 = arith.addf %add3A_422, %get3A_437 : vector<16xf32>
        %mul3A_439 = arith.constant 8 : i32
        %mul3A_440 = arith.muli %scan3A_372, %mul3A_439 : i32
        %add3A_441 = arith.constant 4 : i32
        %add3A_442 = arith.addi %mul3A_440, %add3A_441 : i32
        %get3A_443 = arith.index_cast %add3A_442 : i32 to index
        %get3A_444 = arith.constant 0 : index
        %get3A_445 = tpu.vector_load %arg9[%get3A_443, %get3A_444] {strides = array<i32>} : memref<200x32xf32, #tpu.memory_space<vmem>>, vector<16xf32>,
        %add3A_446 = arith.addf %add3A_430, %get3A_445 : vector<16xf32>
        %mul3A_447 = arith.constant 8 : i32
        %mul3A_448 = arith.muli %scan3A_372, %mul3A_447 : i32
        %add3A_449 = arith.constant 4 : i32
        %add3A_450 = arith.addi %mul3A_448, %add3A_449 : i32
        %get3A_451 = arith.index_cast %add3A_450 : i32 to index
        %get3A_452 = arith.constant 16 : index
        %get3A_453 = tpu.vector_load %arg9[%get3A_451, %get3A_452] {strides = array<i32>} : memref<200x32xf32, #tpu.memory_space<vmem>>, vector<16xf32>,
        %add3A_454 = arith.addf %add3A_438, %get3A_453 : vector<16xf32>
        %mul3A_455 = arith.constant 8 : i32
        %mul3A_456 = arith.muli %scan3A_372, %mul3A_455 : i32
        %add3A_457 = arith.constant 5 : i32
        %add3A_458 = arith.addi %mul3A_456, %add3A_457 : i32
        %get3A_459 = arith.index_cast %add3A_458 : i32 to index
        %get3A_460 = arith.constant 0 : index
        %get3A_461 = tpu.vector_load %arg9[%get3A_459, %get3A_460] {strides = array<i32>} : memref<200x32xf32, #tpu.memory_space<vmem>>, vector<16xf32>,
        %add3A_462 = arith.addf %add3A_446, %get3A_461 : vector<16xf32>
        %mul3A_463 = arith.constant 8 : i32
        %mul3A_464 = arith.muli %scan3A_372, %mul3A_463 : i32
        %add3A_465 = arith.constant 5 : i32
        %add3A_466 = arith.addi %mul3A_464, %add3A_465 : i32
        %get3A_467 = arith.index_cast %add3A_466 : i32 to index
        %get3A_468 = arith.constant 16 : index
        %get3A_469 = tpu.vector_load %arg9[%get3A_467, %get3A_468] {strides = array<i32>} : memref<200x32xf32, #tpu.memory_space<vmem>>, vector<16xf32>,
        %add3A_470 = arith.addf %add3A_454, %get3A_469 : vector<16xf32>
        %mul3A_471 = arith.constant 8 : i32
        %mul3A_472 = arith.muli %scan3A_372, %mul3A_471 : i32
        %add3A_473 = arith.constant 6 : i32
        %add3A_474 = arith.addi %mul3A_472, %add3A_473 : i32
        %get3A_475 = arith.index_cast %add3A_474 : i32 to index
        %get3A_476 = arith.constant 0 : index
        %get3A_477 = tpu.vector_load %arg9[%get3A_475, %get3A_476] {strides = array<i32>} : memref<200x32xf32, #tpu.memory_space<vmem>>, vector<16xf32>,
        %add3A_478 = arith.addf %add3A_462, %get3A_477 : vector<16xf32>
        %mul3A_479 = arith.constant 8 : i32
        %mul3A_480 = arith.muli %scan3A_372, %mul3A_479 : i32
        %add3A_481 = arith.constant 6 : i32
        %add3A_482 = arith.addi %mul3A_480, %add3A_481 : i32
        %get3A_483 = arith.index_cast %add3A_482 : i32 to index
        %get3A_484 = arith.constant 16 : index
        %get3A_485 = tpu.vector_load %arg9[%get3A_483, %get3A_484] {strides = array<i32>} : memref<200x32xf32, #tpu.memory_space<vmem>>, vector<16xf32>,
        %add3A_486 = arith.addf %add3A_470, %get3A_485 : vector<16xf32>
        %mul3A_487 = arith.constant 8 : i32
        %mul3A_488 = arith.muli %scan3A_372, %mul3A_487 : i32
        %add3A_489 = arith.constant 7 : i32
        %add3A_490 = arith.addi %mul3A_488, %add3A_489 : i32
        %get3A_491 = arith.index_cast %add3A_490 : i32 to index
        %get3A_492 = arith.constant 0 : index
        %get3A_493 = tpu.vector_load %arg9[%get3A_491, %get3A_492] {strides = array<i32>} : memref<200x32xf32, #tpu.memory_space<vmem>>, vector<16xf32>,
        %add3A_494 = arith.addf %add3A_478, %get3A_493 : vector<16xf32>
        %mul3A_495 = arith.constant 8 : i32
        %mul3A_496 = arith.muli %scan3A_372, %mul3A_495 : i32
        %add3A_497 = arith.constant 7 : i32
        %add3A_498 = arith.addi %mul3A_496, %add3A_497 : i32
        %get3A_499 = arith.index_cast %add3A_498 : i32 to index
        %get3A_500 = arith.constant 16 : index
        %get3A_501 = tpu.vector_load %arg9[%get3A_499, %get3A_500] {strides = array<i32>} : memref<200x32xf32, #tpu.memory_space<vmem>>, vector<16xf32>,
        %add3A_502 = arith.addf %add3A_486, %get3A_501 : vector<16xf32>
        scf.yield %add3A_494, %add3A_502 : vector<16xf32>, vector<16xf32>
      }
      %scan3A_322 = arith.constant 25 : i32
      %swap3A_323 = arith.index_cast %mul3A_295 : i32 to index
      %swap3A_324 = arith.constant 0 : index
      %swap3A_325 = tpu.vector_load %arg11[%swap3A_323, %swap3A_324] {strides = array<i32>} : memref<128x32xf32, #tpu.memory_space<vmem>>, vector<16xf32>,
      tpu.vector_store %arg11[%swap3A_323, %swap3A_324], %scan3A_321#0 {strides = array<i32>} : memref<128x32xf32, #tpu.memory_space<vmem>>, vector<16xf32>,
      %swap3A_326 = arith.index_cast %mul3A_295 : i32 to index
      %swap3A_327 = arith.constant 16 : index
      %swap3A_328 = tpu.vector_load %arg11[%swap3A_326, %swap3A_327] {strides = array<i32>} : memref<128x32xf32, #tpu.memory_space<vmem>>, vector<16xf32>,
      tpu.vector_store %arg11[%swap3A_326, %swap3A_327], %scan3A_321#1 {strides = array<i32>} : memref<128x32xf32, #tpu.memory_space<vmem>>, vector<16xf32>,
      %lt3A = arith.constant 63 : i32
      %lt3A_329 = arith.cmpi slt, %scan3A_293, %lt3A : i32
      %convert_element_type3A = arith.extui %lt3A_329 : i1 to i32
      %cond3A = arith.constant 0 : i32
      %cond3A_330 = arith.cmpi ne, %convert_element_type3A, %cond3A : i32
      scf.if %cond3A_330 {
        %add3A_372 = arith.constant 2 : i32
        %add3A_373 = arith.addi %mul3A_295, %add3A_372 : i32
        %dma_start3A_374 = arith.constant 0 : i32
        %dma_start3A_375 = arith.constant 0 : i32
        %dma_start3A_376 = tpu.memref_slice %arg9[%dma_start3A_374, %dma_start3A_375] : memref<200x32xf32, #tpu.memory_space<vmem>> -> memref<128x32xf32, #tpu.memory_space<vmem>>
        %dma_start3A_377 = arith.constant 0 : i32
        %dma_start3A_378 = tpu.memref_slice %arg8[%add3A_373, %dma_start3A_377] : memref<128x200xi32, #tpu.memory_space<vmem>> -> memref<1x128xi32, #tpu.memory_space<vmem>>
        %dma_start3A_379 = tpu.memref_squeeze %dma_start3A_378 : memref<1x128xi32, #tpu.memory_space<vmem>> -> memref<128xi32, #tpu.memory_space<vmem>>
        %dma_start3A_380 = arith.constant 0 : i32
        %dma_start3A_381 = arith.constant 0 : i32
        %dma_start3A_382 = tpu.memref_slice %arg4[%dma_start3A_380, %dma_start3A_381] : memref<1015808x32xf32, #tpu.memory_space<hbm>> -> memref<1015808x32xf32, #tpu.memory_space<hbm>>
        tpu.enqueue_indirect_dma source(%dma_start3A_382 : memref<1015808x32xf32, #tpu.memory_space<hbm>>) target(%dma_start3A_376 : memref<128x32xf32, #tpu.memory_space<vmem>>) offsets(%dma_start3A_379 : memref<128xi32, #tpu.memory_space<vmem>>) semaphore(%arg12 : memref<!tpu.dma_semaphore, #tpu.memory_space<semaphore_mem>>)
        %dma_start3A_383 = arith.constant 128 : i32
        %dma_start3A_384 = arith.constant 0 : i32
        %dma_start3A_385 = tpu.memref_slice %arg9[%dma_start3A_383, %dma_start3A_384] : memref<200x32xf32, #tpu.memory_space<vmem>> -> memref<72x32xf32, #tpu.memory_space<vmem>>
        %dma_start3A_386 = arith.constant 128 : i32
        %dma_start3A_387 = tpu.memref_slice %arg8[%add3A_373, %dma_start3A_386] : memref<128x200xi32, #tpu.memory_space<vmem>> -> memref<1x72xi32, #tpu.memory_space<vmem>>
        %dma_start3A_388 = tpu.memref_squeeze %dma_start3A_387 : memref<1x72xi32, #tpu.memory_space<vmem>> -> memref<72xi32, #tpu.memory_space<vmem>>
        %dma_start3A_389 = arith.constant 0 : i32
        %dma_start3A_390 = arith.constant 0 : i32
        %dma_start3A_391 = tpu.memref_slice %arg4[%dma_start3A_389, %dma_start3A_390] : memref<1015808x32xf32, #tpu.memory_space<hbm>> -> memref<1015808x32xf32, #tpu.memory_space<hbm>>
        tpu.enqueue_indirect_dma source(%dma_start3A_391 : memref<1015808x32xf32, #tpu.memory_space<hbm>>) target(%dma_start3A_385 : memref<72x32xf32, #tpu.memory_space<vmem>>) offsets(%dma_start3A_388 : memref<72xi32, #tpu.memory_space<vmem>>) semaphore(%arg12 : memref<!tpu.dma_semaphore, #tpu.memory_space<semaphore_mem>>)
      } else {
      }
      %dma_wait3A_331 = arith.constant 0 : i32
      %dma_wait3A_332 = arith.constant 0 : i32
      %dma_wait3A_333 = arith.constant 0 : i32
      %dma_wait3A_334 = tpu.memref_slice %arg10[%dma_wait3A_332, %dma_wait3A_333] : memref<200x32xf32, #tpu.memory_space<vmem>> -> memref<128x32xf32, #tpu.memory_space<vmem>>
      %dma_wait3A_335 = arith.constant 0 : i32
      %dma_wait3A_336 = tpu.memref_slice %arg8[%dma_wait3A_331, %dma_wait3A_335] : memref<128x200xi32, #tpu.memory_space<vmem>> -> memref<1x128xi32, #tpu.memory_space<vmem>>
      %dma_wait3A_337 = tpu.memref_squeeze %dma_wait3A_336 : memref<1x128xi32, #tpu.memory_space<vmem>> -> memref<128xi32, #tpu.memory_space<vmem>>
      %dma_wait3A_338 = arith.constant 0 : i32
      %dma_wait3A_339 = arith.constant 0 : i32
      %dma_wait3A_340 = tpu.memref_slice %arg4[%dma_wait3A_338, %dma_wait3A_339] : memref<1015808x32xf32, #tpu.memory_space<hbm>> -> memref<1015808x32xf32, #tpu.memory_space<hbm>>
      tpu.wait_indirect_dma semaphore(%arg13 : memref<!tpu.dma_semaphore, #tpu.memory_space<semaphore_mem>>) src(%dma_wait3A_340 : memref<1015808x32xf32, #tpu.memory_space<hbm>>) dst(%dma_wait3A_334 : memref<128x32xf32, #tpu.memory_space<vmem>>)
      %dma_wait3A_341 = arith.constant 0 : i32
      %dma_wait3A_342 = arith.constant 128 : i32
      %dma_wait3A_343 = arith.constant 0 : i32
      %dma_wait3A_344 = tpu.memref_slice %arg10[%dma_wait3A_342, %dma_wait3A_343] : memref<200x32xf32, #tpu.memory_space<vmem>> -> memref<72x32xf32, #tpu.memory_space<vmem>>
      %dma_wait3A_345 = arith.constant 128 : i32
      %dma_wait3A_346 = tpu.memref_slice %arg8[%dma_wait3A_341, %dma_wait3A_345] : memref<128x200xi32, #tpu.memory_space<vmem>> -> memref<1x72xi32, #tpu.memory_space<vmem>>
      %dma_wait3A_347 = tpu.memref_squeeze %dma_wait3A_346 : memref<1x72xi32, #tpu.memory_space<vmem>> -> memref<72xi32, #tpu.memory_space<vmem>>
      %dma_wait3A_348 = arith.constant 0 : i32
      %dma_wait3A_349 = arith.constant 0 : i32
      %dma_wait3A_350 = tpu.memref_slice %arg4[%dma_wait3A_348, %dma_wait3A_349] : memref<1015808x32xf32, #tpu.memory_space<hbm>> -> memref<1015808x32xf32, #tpu.memory_space<hbm>>
      tpu.wait_indirect_dma semaphore(%arg13 : memref<!tpu.dma_semaphore, #tpu.memory_space<semaphore_mem>>) src(%dma_wait3A_350 : memref<1015808x32xf32, #tpu.memory_space<hbm>>) dst(%dma_wait3A_344 : memref<72x32xf32, #tpu.memory_space<vmem>>)
      %add3A_351 = arith.constant 1 : i32
      %add3A_352 = arith.addi %mul3A_295, %add3A_351 : i32
      %broadcast_in_dim3A_353 = arith.constant 0.000000e+00 : f32
      %broadcast_in_dim3A_354 = vector.broadcast %broadcast_in_dim3A_353 : f32 to vector<16xf32>
      %scan3A_355 = arith.constant 0 : i32
      %scan3A_356 = arith.constant 25 : i32
      %scan3A_357 = arith.addi %scan3A_355, %scan3A_356 : i32
      %scan3A_358 = arith.constant 1 : i32
      %scan3A_359:2 = scf.for %scan3A_372 = %scan3A_355 to %scan3A_357 step %scan3A_358 iter_args(%scan3A_373 = %broadcast_in_dim3A_354, %scan3A_374 = %broadcast_in_dim3A_354) -> (vector<16xf32>, vector<16xf32>)  : i32 {
        %mul3A_375 = arith.constant 8 : i32
        %mul3A_376 = arith.muli %scan3A_372, %mul3A_375 : i32
        %add3A_377 = arith.constant 0 : i32
        %add3A_378 = arith.addi %mul3A_376, %add3A_377 : i32
        %get3A_379 = arith.index_cast %add3A_378 : i32 to index
        %get3A_380 = arith.constant 0 : index
        %get3A_381 = tpu.vector_load %arg10[%get3A_379, %get3A_380] {strides = array<i32>} : memref<200x32xf32, #tpu.memory_space<vmem>>, vector<16xf32>,
        %add3A_382 = arith.addf %scan3A_373, %get3A_381 : vector<16xf32>
        %mul3A_383 = arith.constant 8 : i32
        %mul3A_384 = arith.muli %scan3A_372, %mul3A_383 : i32
        %add3A_385 = arith.constant 0 : i32
        %add3A_386 = arith.addi %mul3A_384, %add3A_385 : i32
        %get3A_387 = arith.index_cast %add3A_386 : i32 to index
        %get3A_388 = arith.constant 16 : index
        %get3A_389 = tpu.vector_load %arg10[%get3A_387, %get3A_388] {strides = array<i32>} : memref<200x32xf32, #tpu.memory_space<vmem>>, vector<16xf32>,
        %add3A_390 = arith.addf %scan3A_374, %get3A_389 : vector<16xf32>
        %mul3A_391 = arith.constant 8 : i32
        %mul3A_392 = arith.muli %scan3A_372, %mul3A_391 : i32
        %add3A_393 = arith.constant 1 : i32
        %add3A_394 = arith.addi %mul3A_392, %add3A_393 : i32
        %get3A_395 = arith.index_cast %add3A_394 : i32 to index
        %get3A_396 = arith.constant 0 : index
        %get3A_397 = tpu.vector_load %arg10[%get3A_395, %get3A_396] {strides = array<i32>} : memref<200x32xf32, #tpu.memory_space<vmem>>, vector<16xf32>,
        %add3A_398 = arith.addf %add3A_382, %get3A_397 : vector<16xf32>
        %mul3A_399 = arith.constant 8 : i32
        %mul3A_400 = arith.muli %scan3A_372, %mul3A_399 : i32
        %add3A_401 = arith.constant 1 : i32
        %add3A_402 = arith.addi %mul3A_400, %add3A_401 : i32
        %get3A_403 = arith.index_cast %add3A_402 : i32 to index
        %get3A_404 = arith.constant 16 : index
        %get3A_405 = tpu.vector_load %arg10[%get3A_403, %get3A_404] {strides = array<i32>} : memref<200x32xf32, #tpu.memory_space<vmem>>, vector<16xf32>,
        %add3A_406 = arith.addf %add3A_390, %get3A_405 : vector<16xf32>
        %mul3A_407 = arith.constant 8 : i32
        %mul3A_408 = arith.muli %scan3A_372, %mul3A_407 : i32
        %add3A_409 = arith.constant 2 : i32
        %add3A_410 = arith.addi %mul3A_408, %add3A_409 : i32
        %get3A_411 = arith.index_cast %add3A_410 : i32 to index
        %get3A_412 = arith.constant 0 : index
        %get3A_413 = tpu.vector_load %arg10[%get3A_411, %get3A_412] {strides = array<i32>} : memref<200x32xf32, #tpu.memory_space<vmem>>, vector<16xf32>,
        %add3A_414 = arith.addf %add3A_398, %get3A_413 : vector<16xf32>
        %mul3A_415 = arith.constant 8 : i32
        %mul3A_416 = arith.muli %scan3A_372, %mul3A_415 : i32
        %add3A_417 = arith.constant 2 : i32
        %add3A_418 = arith.addi %mul3A_416, %add3A_417 : i32
        %get3A_419 = arith.index_cast %add3A_418 : i32 to index
        %get3A_420 = arith.constant 16 : index
        %get3A_421 = tpu.vector_load %arg10[%get3A_419, %get3A_420] {strides = array<i32>} : memref<200x32xf32, #tpu.memory_space<vmem>>, vector<16xf32>,
        %add3A_422 = arith.addf %add3A_406, %get3A_421 : vector<16xf32>
        %mul3A_423 = arith.constant 8 : i32
        %mul3A_424 = arith.muli %scan3A_372, %mul3A_423 : i32
        %add3A_425 = arith.constant 3 : i32
        %add3A_426 = arith.addi %mul3A_424, %add3A_425 : i32
        %get3A_427 = arith.index_cast %add3A_426 : i32 to index
        %get3A_428 = arith.constant 0 : index
        %get3A_429 = tpu.vector_load %arg10[%get3A_427, %get3A_428] {strides = array<i32>} : memref<200x32xf32, #tpu.memory_space<vmem>>, vector<16xf32>,
        %add3A_430 = arith.addf %add3A_414, %get3A_429 : vector<16xf32>
        %mul3A_431 = arith.constant 8 : i32
        %mul3A_432 = arith.muli %scan3A_372, %mul3A_431 : i32
        %add3A_433 = arith.constant 3 : i32
        %add3A_434 = arith.addi %mul3A_432, %add3A_433 : i32
        %get3A_435 = arith.index_cast %add3A_434 : i32 to index
        %get3A_436 = arith.constant 16 : index
        %get3A_437 = tpu.vector_load %arg10[%get3A_435, %get3A_436] {strides = array<i32>} : memref<200x32xf32, #tpu.memory_space<vmem>>, vector<16xf32>,
        %add3A_438 = arith.addf %add3A_422, %get3A_437 : vector<16xf32>
        %mul3A_439 = arith.constant 8 : i32
        %mul3A_440 = arith.muli %scan3A_372, %mul3A_439 : i32
        %add3A_441 = arith.constant 4 : i32
        %add3A_442 = arith.addi %mul3A_440, %add3A_441 : i32
        %get3A_443 = arith.index_cast %add3A_442 : i32 to index
        %get3A_444 = arith.constant 0 : index
        %get3A_445 = tpu.vector_load %arg10[%get3A_443, %get3A_444] {strides = array<i32>} : memref<200x32xf32, #tpu.memory_space<vmem>>, vector<16xf32>,
        %add3A_446 = arith.addf %add3A_430, %get3A_445 : vector<16xf32>
        %mul3A_447 = arith.constant 8 : i32
        %mul3A_448 = arith.muli %scan3A_372, %mul3A_447 : i32
        %add3A_449 = arith.constant 4 : i32
        %add3A_450 = arith.addi %mul3A_448, %add3A_449 : i32
        %get3A_451 = arith.index_cast %add3A_450 : i32 to index
        %get3A_452 = arith.constant 16 : index
        %get3A_453 = tpu.vector_load %arg10[%get3A_451, %get3A_452] {strides = array<i32>} : memref<200x32xf32, #tpu.memory_space<vmem>>, vector<16xf32>,
        %add3A_454 = arith.addf %add3A_438, %get3A_453 : vector<16xf32>
        %mul3A_455 = arith.constant 8 : i32
        %mul3A_456 = arith.muli %scan3A_372, %mul3A_455 : i32
        %add3A_457 = arith.constant 5 : i32
        %add3A_458 = arith.addi %mul3A_456, %add3A_457 : i32
        %get3A_459 = arith.index_cast %add3A_458 : i32 to index
        %get3A_460 = arith.constant 0 : index
        %get3A_461 = tpu.vector_load %arg10[%get3A_459, %get3A_460] {strides = array<i32>} : memref<200x32xf32, #tpu.memory_space<vmem>>, vector<16xf32>,
        %add3A_462 = arith.addf %add3A_446, %get3A_461 : vector<16xf32>
        %mul3A_463 = arith.constant 8 : i32
        %mul3A_464 = arith.muli %scan3A_372, %mul3A_463 : i32
        %add3A_465 = arith.constant 5 : i32
        %add3A_466 = arith.addi %mul3A_464, %add3A_465 : i32
        %get3A_467 = arith.index_cast %add3A_466 : i32 to index
        %get3A_468 = arith.constant 16 : index
        %get3A_469 = tpu.vector_load %arg10[%get3A_467, %get3A_468] {strides = array<i32>} : memref<200x32xf32, #tpu.memory_space<vmem>>, vector<16xf32>,
        %add3A_470 = arith.addf %add3A_454, %get3A_469 : vector<16xf32>
        %mul3A_471 = arith.constant 8 : i32
        %mul3A_472 = arith.muli %scan3A_372, %mul3A_471 : i32
        %add3A_473 = arith.constant 6 : i32
        %add3A_474 = arith.addi %mul3A_472, %add3A_473 : i32
        %get3A_475 = arith.index_cast %add3A_474 : i32 to index
        %get3A_476 = arith.constant 0 : index
        %get3A_477 = tpu.vector_load %arg10[%get3A_475, %get3A_476] {strides = array<i32>} : memref<200x32xf32, #tpu.memory_space<vmem>>, vector<16xf32>,
        %add3A_478 = arith.addf %add3A_462, %get3A_477 : vector<16xf32>
        %mul3A_479 = arith.constant 8 : i32
        %mul3A_480 = arith.muli %scan3A_372, %mul3A_479 : i32
        %add3A_481 = arith.constant 6 : i32
        %add3A_482 = arith.addi %mul3A_480, %add3A_481 : i32
        %get3A_483 = arith.index_cast %add3A_482 : i32 to index
        %get3A_484 = arith.constant 16 : index
        %get3A_485 = tpu.vector_load %arg10[%get3A_483, %get3A_484] {strides = array<i32>} : memref<200x32xf32, #tpu.memory_space<vmem>>, vector<16xf32>,
        %add3A_486 = arith.addf %add3A_470, %get3A_485 : vector<16xf32>
        %mul3A_487 = arith.constant 8 : i32
        %mul3A_488 = arith.muli %scan3A_372, %mul3A_487 : i32
        %add3A_489 = arith.constant 7 : i32
        %add3A_490 = arith.addi %mul3A_488, %add3A_489 : i32
        %get3A_491 = arith.index_cast %add3A_490 : i32 to index
        %get3A_492 = arith.constant 0 : index
        %get3A_493 = tpu.vector_load %arg10[%get3A_491, %get3A_492] {strides = array<i32>} : memref<200x32xf32, #tpu.memory_space<vmem>>, vector<16xf32>,
        %add3A_494 = arith.addf %add3A_478, %get3A_493 : vector<16xf32>
        %mul3A_495 = arith.constant 8 : i32
        %mul3A_496 = arith.muli %scan3A_372, %mul3A_495 : i32
        %add3A_497 = arith.constant 7 : i32
        %add3A_498 = arith.addi %mul3A_496, %add3A_497 : i32
        %get3A_499 = arith.index_cast %add3A_498 : i32 to index
        %get3A_500 = arith.constant 16 : index
        %get3A_501 = tpu.vector_load %arg10[%get3A_499, %get3A_500] {strides = array<i32>} : memref<200x32xf32, #tpu.memory_space<vmem>>, vector<16xf32>,
        %add3A_502 = arith.addf %add3A_486, %get3A_501 : vector<16xf32>
        scf.yield %add3A_494, %add3A_502 : vector<16xf32>, vector<16xf32>
      }
      %scan3A_360 = arith.constant 25 : i32
      %swap3A_361 = arith.index_cast %add3A_352 : i32 to index
      %swap3A_362 = arith.constant 0 : index
      %swap3A_363 = tpu.vector_load %arg11[%swap3A_361, %swap3A_362] {strides = array<i32>} : memref<128x32xf32, #tpu.memory_space<vmem>>, vector<16xf32>,
      tpu.vector_store %arg11[%swap3A_361, %swap3A_362], %scan3A_359#0 {strides = array<i32>} : memref<128x32xf32, #tpu.memory_space<vmem>>, vector<16xf32>,
      %swap3A_364 = arith.index_cast %add3A_352 : i32 to index
      %swap3A_365 = arith.constant 16 : index
      %swap3A_366 = tpu.vector_load %arg11[%swap3A_364, %swap3A_365] {strides = array<i32>} : memref<128x32xf32, #tpu.memory_space<vmem>>, vector<16xf32>,
      tpu.vector_store %arg11[%swap3A_364, %swap3A_365], %scan3A_359#1 {strides = array<i32>} : memref<128x32xf32, #tpu.memory_space<vmem>>, vector<16xf32>,
      %lt3A_367 = arith.constant 63 : i32
      %lt3A_368 = arith.cmpi slt, %scan3A_293, %lt3A_367 : i32
      %convert_element_type3A_369 = arith.extui %lt3A_368 : i1 to i32
      %cond3A_370 = arith.constant 0 : i32
      %cond3A_371 = arith.cmpi ne, %convert_element_type3A_369, %cond3A_370 : i32
      scf.if %cond3A_371 {
        %add3A_372 = arith.constant 3 : i32
        %add3A_373 = arith.addi %mul3A_295, %add3A_372 : i32
        %dma_start3A_374 = arith.constant 0 : i32
        %dma_start3A_375 = arith.constant 0 : i32
        %dma_start3A_376 = tpu.memref_slice %arg10[%dma_start3A_374, %dma_start3A_375] : memref<200x32xf32, #tpu.memory_space<vmem>> -> memref<128x32xf32, #tpu.memory_space<vmem>>
        %dma_start3A_377 = arith.constant 0 : i32
        %dma_start3A_378 = tpu.memref_slice %arg8[%add3A_373, %dma_start3A_377] : memref<128x200xi32, #tpu.memory_space<vmem>> -> memref<1x128xi32, #tpu.memory_space<vmem>>
        %dma_start3A_379 = tpu.memref_squeeze %dma_start3A_378 : memref<1x128xi32, #tpu.memory_space<vmem>> -> memref<128xi32, #tpu.memory_space<vmem>>
        %dma_start3A_380 = arith.constant 0 : i32
        %dma_start3A_381 = arith.constant 0 : i32
        %dma_start3A_382 = tpu.memref_slice %arg4[%dma_start3A_380, %dma_start3A_381] : memref<1015808x32xf32, #tpu.memory_space<hbm>> -> memref<1015808x32xf32, #tpu.memory_space<hbm>>
        tpu.enqueue_indirect_dma source(%dma_start3A_382 : memref<1015808x32xf32, #tpu.memory_space<hbm>>) target(%dma_start3A_376 : memref<128x32xf32, #tpu.memory_space<vmem>>) offsets(%dma_start3A_379 : memref<128xi32, #tpu.memory_space<vmem>>) semaphore(%arg13 : memref<!tpu.dma_semaphore, #tpu.memory_space<semaphore_mem>>)
        %dma_start3A_383 = arith.constant 128 : i32
        %dma_start3A_384 = arith.constant 0 : i32
        %dma_start3A_385 = tpu.memref_slice %arg10[%dma_start3A_383, %dma_start3A_384] : memref<200x32xf32, #tpu.memory_space<vmem>> -> memref<72x32xf32, #tpu.memory_space<vmem>>
        %dma_start3A_386 = arith.constant 128 : i32
        %dma_start3A_387 = tpu.memref_slice %arg8[%add3A_373, %dma_start3A_386] : memref<128x200xi32, #tpu.memory_space<vmem>> -> memref<1x72xi32, #tpu.memory_space<vmem>>
        %dma_start3A_388 = tpu.memref_squeeze %dma_start3A_387 : memref<1x72xi32, #tpu.memory_space<vmem>> -> memref<72xi32, #tpu.memory_space<vmem>>
        %dma_start3A_389 = arith.constant 0 : i32
        %dma_start3A_390 = arith.constant 0 : i32
        %dma_start3A_391 = tpu.memref_slice %arg4[%dma_start3A_389, %dma_start3A_390] : memref<1015808x32xf32, #tpu.memory_space<hbm>> -> memref<1015808x32xf32, #tpu.memory_space<hbm>>
        tpu.enqueue_indirect_dma source(%dma_start3A_391 : memref<1015808x32xf32, #tpu.memory_space<hbm>>) target(%dma_start3A_385 : memref<72x32xf32, #tpu.memory_space<vmem>>) offsets(%dma_start3A_388 : memref<72xi32, #tpu.memory_space<vmem>>) semaphore(%arg13 : memref<!tpu.dma_semaphore, #tpu.memory_space<semaphore_mem>>)
      } else {
      }
    }
    %scan3A_56 = arith.constant 64 : i32
    %run_scoped3A_57 = arith.constant 0 : i32
    "tpu.region"() ({
      %run_scoped3A_293 = tpu.sem_alloc : memref<!tpu.dma_semaphore, #tpu.memory_space<semaphore_mem>>
      %dma_start3A_294 = arith.constant 0 : i32
      %dma_start3A_295 = tpu.memref_slice %arg6[%run_scoped3A_57, %add3A_5, %dma_start3A_294] : memref<2x4096x32xf32, #tpu.memory_space<hbm>> -> memref<1x128x32xf32, #tpu.memory_space<hbm>>
      %dma_start3A_296 = tpu.memref_squeeze %dma_start3A_295 : memref<1x128x32xf32, #tpu.memory_space<hbm>> -> memref<128x32xf32, #tpu.memory_space<hbm>>
      %dma_start3A_297 = arith.constant 0 : i32
      %dma_start3A_298 = tpu.memref_slice %arg6[%run_scoped3A_57, %add3A_5, %dma_start3A_297] : memref<2x4096x32xf32, #tpu.memory_space<hbm>> -> memref<1x128x32xf32, #tpu.memory_space<hbm>>
      %dma_start3A_299 = tpu.memref_squeeze %dma_start3A_298 : memref<1x128x32xf32, #tpu.memory_space<hbm>> -> memref<128x32xf32, #tpu.memory_space<hbm>>
      tpu.enqueue_dma source(%arg11 : memref<128x32xf32, #tpu.memory_space<vmem>>) target(%dma_start3A_299 : memref<128x32xf32, #tpu.memory_space<hbm>>) target_semaphore(%run_scoped3A_293 : memref<!tpu.dma_semaphore, #tpu.memory_space<semaphore_mem>>)
      %dma_wait3A_300 = arith.constant 0 : i32
      %dma_wait3A_301 = tpu.memref_slice %arg6[%run_scoped3A_57, %add3A_5, %dma_wait3A_300] : memref<2x4096x32xf32, #tpu.memory_space<hbm>> -> memref<1x128x32xf32, #tpu.memory_space<hbm>>
      %dma_wait3A_302 = tpu.memref_squeeze %dma_wait3A_301 : memref<1x128x32xf32, #tpu.memory_space<hbm>> -> memref<128x32xf32, #tpu.memory_space<hbm>>
      %dma_wait3A_303 = arith.constant 0 : i32
      %dma_wait3A_304 = tpu.memref_slice %arg6[%run_scoped3A_57, %add3A_5, %dma_wait3A_303] : memref<2x4096x32xf32, #tpu.memory_space<hbm>> -> memref<1x128x32xf32, #tpu.memory_space<hbm>>
      %dma_wait3A_305 = tpu.memref_squeeze %dma_wait3A_304 : memref<1x128x32xf32, #tpu.memory_space<hbm>> -> memref<128x32xf32, #tpu.memory_space<hbm>>
      tpu.wait_dma2 semaphore(%run_scoped3A_293 : memref<!tpu.dma_semaphore, #tpu.memory_space<semaphore_mem>>) src(%arg11 : memref<128x32xf32, #tpu.memory_space<vmem>>) dst(%dma_wait3A_305 : memref<128x32xf32, #tpu.memory_space<hbm>>)
      tpu.yield
    }) : () -> ()
    %run_scoped3A_58 = arith.constant 0 : i32
    %run_scoped3A_59 = arith.constant 0 : i32
    "tpu.region"() ({
      %run_scoped3A_293 = tpu.sem_alloc : memref<!tpu.dma_semaphore, #tpu.memory_space<semaphore_mem>>
      %dma_start3A_294 = arith.constant 0 : i32
      %dma_start3A_295 = tpu.memref_slice %arg8[%run_scoped3A_59, %dma_start3A_294] : memref<128x200xi32, #tpu.memory_space<vmem>> -> memref<1x128xi32, #tpu.memory_space<vmem>>
      %dma_start3A_296 = tpu.memref_squeeze %dma_start3A_295 : memref<1x128xi32, #tpu.memory_space<vmem>> -> memref<128xi32, #tpu.memory_space<vmem>>
      %dma_start3A_297 = tpu.memref_slice %arg3[%run_scoped3A_58, %add3A_5] : memref<1x4096xi32, #tpu.memory_space<hbm>> -> memref<1x128xi32, #tpu.memory_space<hbm>>
      %dma_start3A_298 = tpu.memref_squeeze %dma_start3A_297 : memref<1x128xi32, #tpu.memory_space<hbm>> -> memref<128xi32, #tpu.memory_space<hbm>>
      %dma_start3A_299 = arith.constant 0 : i32
      %dma_start3A_300 = tpu.memref_slice %arg8[%run_scoped3A_59, %dma_start3A_299] : memref<128x200xi32, #tpu.memory_space<vmem>> -> memref<1x128xi32, #tpu.memory_space<vmem>>
      %dma_start3A_301 = tpu.memref_squeeze %dma_start3A_300 : memref<1x128xi32, #tpu.memory_space<vmem>> -> memref<128xi32, #tpu.memory_space<vmem>>
      %dma_start3A_302 = tpu.memref_slice %arg3[%run_scoped3A_58, %add3A_5] : memref<1x4096xi32, #tpu.memory_space<hbm>> -> memref<1x128xi32, #tpu.memory_space<hbm>>
      %dma_start3A_303 = tpu.memref_squeeze %dma_start3A_302 : memref<1x128xi32, #tpu.memory_space<hbm>> -> memref<128xi32, #tpu.memory_space<hbm>>
      tpu.enqueue_dma source(%dma_start3A_303 : memref<128xi32, #tpu.memory_space<hbm>>) target(%dma_start3A_301 : memref<128xi32, #tpu.memory_space<vmem>>) target_semaphore(%run_scoped3A_293 : memref<!tpu.dma_semaphore, #tpu.memory_space<semaphore_mem>>)
      %dma_wait3A_304 = arith.constant 0 : i32
      %dma_wait3A_305 = tpu.memref_slice %arg8[%run_scoped3A_59, %dma_wait3A_304] : memref<128x200xi32, #tpu.memory_space<vmem>> -> memref<1x128xi32, #tpu.memory_space<vmem>>
      %dma_wait3A_306 = tpu.memref_squeeze %dma_wait3A_305 : memref<1x128xi32, #tpu.memory_space<vmem>> -> memref<128xi32, #tpu.memory_space<vmem>>
      %dma_wait3A_307 = tpu.memref_slice %arg3[%run_scoped3A_58, %add3A_5] : memref<1x4096xi32, #tpu.memory_space<hbm>> -> memref<1x128xi32, #tpu.memory_space<hbm>>
      %dma_wait3A_308 = tpu.memref_squeeze %dma_wait3A_307 : memref<1x128xi32, #tpu.memory_space<hbm>> -> memref<128xi32, #tpu.memory_space<hbm>>
      %dma_wait3A_309 = arith.constant 0 : i32
      %dma_wait3A_310 = tpu.memref_slice %arg8[%run_scoped3A_59, %dma_wait3A_309] : memref<128x200xi32, #tpu.memory_space<vmem>> -> memref<1x128xi32, #tpu.memory_space<vmem>>
      %dma_wait3A_311 = tpu.memref_squeeze %dma_wait3A_310 : memref<1x128xi32, #tpu.memory_space<vmem>> -> memref<128xi32, #tpu.memory_space<vmem>>
      %dma_wait3A_312 = tpu.memref_slice %arg3[%run_scoped3A_58, %add3A_5] : memref<1x4096xi32, #tpu.memory_space<hbm>> -> memref<1x128xi32, #tpu.memory_space<hbm>>
      %dma_wait3A_313 = tpu.memref_squeeze %dma_wait3A_312 : memref<1x128xi32, #tpu.memory_space<hbm>> -> memref<128xi32, #tpu.memory_space<hbm>>
      tpu.wait_dma2 semaphore(%run_scoped3A_293 : memref<!tpu.dma_semaphore, #tpu.memory_space<semaphore_mem>>) src(%dma_wait3A_313 : memref<128xi32, #tpu.memory_space<hbm>>) dst(%dma_wait3A_311 : memref<128xi32, #tpu.memory_space<vmem>>)
      tpu.yield
    }) : () -> ()
    %get3A = arith.constant 0 : i32
    %get3A_60 = arith.index_cast %get3A : i32 to index
    %get3A_61 = arith.constant 0 : index
    %get3A_62 = tpu.vector_load %arg8[%get3A_60, %get3A_61] {strides = array<i32>} : memref<128x200xi32, #tpu.memory_space<vmem>>, vector<16xi32>,
    %shift_right_arithmetic3A = arith.constant 14 : i32
    %shift_right_arithmetic3A_63 = vector.broadcast %shift_right_arithmetic3A : i32 to vector<16xi32>
    %shift_right_arithmetic3A_64 = arith.shrsi %get3A_62, %shift_right_arithmetic3A_63 : vector<16xi32>
    %shift_left3A = arith.constant 14 : i32
    %shift_left3A_65 = vector.broadcast %shift_left3A : i32 to vector<16xi32>
    %shift_left3A_66 = arith.shli %shift_right_arithmetic3A_64, %shift_left3A_65 : vector<16xi32>
    %and3A = arith.constant 4095 : i32
    %and3A_67 = vector.broadcast %and3A : i32 to vector<16xi32>
    %and3A_68 = arith.andi %get3A_62, %and3A_67 : vector<16xi32>
    %shift_left3A_69 = arith.constant 2 : i32
    %shift_left3A_70 = vector.broadcast %shift_left3A_69 : i32 to vector<16xi32>
    %shift_left3A_71 = arith.shli %and3A_68, %shift_left3A_70 : vector<16xi32>
    %add3A_72 = arith.addi %shift_left3A_66, %shift_left3A_71 : vector<16xi32>
    %shift_right_arithmetic3A_73 = arith.constant 12 : i32
    %shift_right_arithmetic3A_74 = vector.broadcast %shift_right_arithmetic3A_73 : i32 to vector<16xi32>
    %shift_right_arithmetic3A_75 = arith.shrsi %get3A_62, %shift_right_arithmetic3A_74 : vector<16xi32>
    %and3A_76 = arith.constant 3 : i32
    %and3A_77 = vector.broadcast %and3A_76 : i32 to vector<16xi32>
    %and3A_78 = arith.andi %shift_right_arithmetic3A_75, %and3A_77 : vector<16xi32>
    %add3A_79 = arith.addi %add3A_72, %and3A_78 : vector<16xi32>
    %swap3A = arith.constant 0 : i32
    %swap3A_80 = arith.index_cast %swap3A : i32 to index
    %swap3A_81 = arith.constant 0 : index
    %swap3A_82 = tpu.vector_load %arg8[%swap3A_80, %swap3A_81] {strides = array<i32>} : memref<128x200xi32, #tpu.memory_space<vmem>>, vector<16xi32>,
    tpu.vector_store %arg8[%swap3A_80, %swap3A_81], %add3A_79 {strides = array<i32>} : memref<128x200xi32, #tpu.memory_space<vmem>>, vector<16xi32>,
    %get3A_83 = arith.constant 0 : i32
    %get3A_84 = arith.index_cast %get3A_83 : i32 to index
    %get3A_85 = arith.constant 16 : index
    %get3A_86 = tpu.vector_load %arg8[%get3A_84, %get3A_85] {strides = array<i32>} : memref<128x200xi32, #tpu.memory_space<vmem>>, vector<16xi32>,
    %shift_right_arithmetic3A_87 = arith.constant 14 : i32
    %shift_right_arithmetic3A_88 = vector.broadcast %shift_right_arithmetic3A_87 : i32 to vector<16xi32>
    %shift_right_arithmetic3A_89 = arith.shrsi %get3A_86, %shift_right_arithmetic3A_88 : vector<16xi32>
    %shift_left3A_90 = arith.constant 14 : i32
    %shift_left3A_91 = vector.broadcast %shift_left3A_90 : i32 to vector<16xi32>
    %shift_left3A_92 = arith.shli %shift_right_arithmetic3A_89, %shift_left3A_91 : vector<16xi32>
    %and3A_93 = arith.constant 4095 : i32
    %and3A_94 = vector.broadcast %and3A_93 : i32 to vector<16xi32>
    %and3A_95 = arith.andi %get3A_86, %and3A_94 : vector<16xi32>
    %shift_left3A_96 = arith.constant 2 : i32
    %shift_left3A_97 = vector.broadcast %shift_left3A_96 : i32 to vector<16xi32>
    %shift_left3A_98 = arith.shli %and3A_95, %shift_left3A_97 : vector<16xi32>
    %add3A_99 = arith.addi %shift_left3A_92, %shift_left3A_98 : vector<16xi32>
    %shift_right_arithmetic3A_100 = arith.constant 12 : i32
    %shift_right_arithmetic3A_101 = vector.broadcast %shift_right_arithmetic3A_100 : i32 to vector<16xi32>
    %shift_right_arithmetic3A_102 = arith.shrsi %get3A_86, %shift_right_arithmetic3A_101 : vector<16xi32>
    %and3A_103 = arith.constant 3 : i32
    %and3A_104 = vector.broadcast %and3A_103 : i32 to vector<16xi32>
    %and3A_105 = arith.andi %shift_right_arithmetic3A_102, %and3A_104 : vector<16xi32>
    %add3A_106 = arith.addi %add3A_99, %and3A_105 : vector<16xi32>
    %swap3A_107 = arith.constant 0 : i32
    %swap3A_108 = arith.index_cast %swap3A_107 : i32 to index
    %swap3A_109 = arith.constant 16 : index
    %swap3A_110 = tpu.vector_load %arg8[%swap3A_108, %swap3A_109] {strides = array<i32>} : memref<128x200xi32, #tpu.memory_space<vmem>>, vector<16xi32>,
    tpu.vector_store %arg8[%swap3A_108, %swap3A_109], %add3A_106 {strides = array<i32>} : memref<128x200xi32, #tpu.memory_space<vmem>>, vector<16xi32>,
    %get3A_111 = arith.constant 0 : i32
    %get3A_112 = arith.index_cast %get3A_111 : i32 to index
    %get3A_113 = arith.constant 32 : index
    %get3A_114 = tpu.vector_load %arg8[%get3A_112, %get3A_113] {strides = array<i32>} : memref<128x200xi32, #tpu.memory_space<vmem>>, vector<16xi32>,
    %shift_right_arithmetic3A_115 = arith.constant 14 : i32
    %shift_right_arithmetic3A_116 = vector.broadcast %shift_right_arithmetic3A_115 : i32 to vector<16xi32>
    %shift_right_arithmetic3A_117 = arith.shrsi %get3A_114, %shift_right_arithmetic3A_116 : vector<16xi32>
    %shift_left3A_118 = arith.constant 14 : i32
    %shift_left3A_119 = vector.broadcast %shift_left3A_118 : i32 to vector<16xi32>
    %shift_left3A_120 = arith.shli %shift_right_arithmetic3A_117, %shift_left3A_119 : vector<16xi32>
    %and3A_121 = arith.constant 4095 : i32
    %and3A_122 = vector.broadcast %and3A_121 : i32 to vector<16xi32>
    %and3A_123 = arith.andi %get3A_114, %and3A_122 : vector<16xi32>
    %shift_left3A_124 = arith.constant 2 : i32
    %shift_left3A_125 = vector.broadcast %shift_left3A_124 : i32 to vector<16xi32>
    %shift_left3A_126 = arith.shli %and3A_123, %shift_left3A_125 : vector<16xi32>
    %add3A_127 = arith.addi %shift_left3A_120, %shift_left3A_126 : vector<16xi32>
    %shift_right_arithmetic3A_128 = arith.constant 12 : i32
    %shift_right_arithmetic3A_129 = vector.broadcast %shift_right_arithmetic3A_128 : i32 to vector<16xi32>
    %shift_right_arithmetic3A_130 = arith.shrsi %get3A_114, %shift_right_arithmetic3A_129 : vector<16xi32>
    %and3A_131 = arith.constant 3 : i32
    %and3A_132 = vector.broadcast %and3A_131 : i32 to vector<16xi32>
    %and3A_133 = arith.andi %shift_right_arithmetic3A_130, %and3A_132 : vector<16xi32>
    %add3A_134 = arith.addi %add3A_127, %and3A_133 : vector<16xi32>
    %swap3A_135 = arith.constant 0 : i32
    %swap3A_136 = arith.index_cast %swap3A_135 : i32 to index
    %swap3A_137 = arith.constant 32 : index
    %swap3A_138 = tpu.vector_load %arg8[%swap3A_136, %swap3A_137] {strides = array<i32>} : memref<128x200xi32, #tpu.memory_space<vmem>>, vector<16xi32>,
    tpu.vector_store %arg8[%swap3A_136, %swap3A_137], %add3A_134 {strides = array<i32>} : memref<128x200xi32, #tpu.memory_space<vmem>>, vector<16xi32>,
    %get3A_139 = arith.constant 0 : i32
    %get3A_140 = arith.index_cast %get3A_139 : i32 to index
    %get3A_141 = arith.constant 48 : index
    %get3A_142 = tpu.vector_load %arg8[%get3A_140, %get3A_141] {strides = array<i32>} : memref<128x200xi32, #tpu.memory_space<vmem>>, vector<16xi32>,
    %shift_right_arithmetic3A_143 = arith.constant 14 : i32
    %shift_right_arithmetic3A_144 = vector.broadcast %shift_right_arithmetic3A_143 : i32 to vector<16xi32>
    %shift_right_arithmetic3A_145 = arith.shrsi %get3A_142, %shift_right_arithmetic3A_144 : vector<16xi32>
    %shift_left3A_146 = arith.constant 14 : i32
    %shift_left3A_147 = vector.broadcast %shift_left3A_146 : i32 to vector<16xi32>
    %shift_left3A_148 = arith.shli %shift_right_arithmetic3A_145, %shift_left3A_147 : vector<16xi32>
    %and3A_149 = arith.constant 4095 : i32
    %and3A_150 = vector.broadcast %and3A_149 : i32 to vector<16xi32>
    %and3A_151 = arith.andi %get3A_142, %and3A_150 : vector<16xi32>
    %shift_left3A_152 = arith.constant 2 : i32
    %shift_left3A_153 = vector.broadcast %shift_left3A_152 : i32 to vector<16xi32>
    %shift_left3A_154 = arith.shli %and3A_151, %shift_left3A_153 : vector<16xi32>
    %add3A_155 = arith.addi %shift_left3A_148, %shift_left3A_154 : vector<16xi32>
    %shift_right_arithmetic3A_156 = arith.constant 12 : i32
    %shift_right_arithmetic3A_157 = vector.broadcast %shift_right_arithmetic3A_156 : i32 to vector<16xi32>
    %shift_right_arithmetic3A_158 = arith.shrsi %get3A_142, %shift_right_arithmetic3A_157 : vector<16xi32>
    %and3A_159 = arith.constant 3 : i32
    %and3A_160 = vector.broadcast %and3A_159 : i32 to vector<16xi32>
    %and3A_161 = arith.andi %shift_right_arithmetic3A_158, %and3A_160 : vector<16xi32>
    %add3A_162 = arith.addi %add3A_155, %and3A_161 : vector<16xi32>
    %swap3A_163 = arith.constant 0 : i32
    %swap3A_164 = arith.index_cast %swap3A_163 : i32 to index
    %swap3A_165 = arith.constant 48 : index
    %swap3A_166 = tpu.vector_load %arg8[%swap3A_164, %swap3A_165] {strides = array<i32>} : memref<128x200xi32, #tpu.memory_space<vmem>>, vector<16xi32>,
    tpu.vector_store %arg8[%swap3A_164, %swap3A_165], %add3A_162 {strides = array<i32>} : memref<128x200xi32, #tpu.memory_space<vmem>>, vector<16xi32>,
    %get3A_167 = arith.constant 0 : i32
    %get3A_168 = arith.index_cast %get3A_167 : i32 to index
    %get3A_169 = arith.constant 64 : index
    %get3A_170 = tpu.vector_load %arg8[%get3A_168, %get3A_169] {strides = array<i32>} : memref<128x200xi32, #tpu.memory_space<vmem>>, vector<16xi32>,
    %shift_right_arithmetic3A_171 = arith.constant 14 : i32
    %shift_right_arithmetic3A_172 = vector.broadcast %shift_right_arithmetic3A_171 : i32 to vector<16xi32>
    %shift_right_arithmetic3A_173 = arith.shrsi %get3A_170, %shift_right_arithmetic3A_172 : vector<16xi32>
    %shift_left3A_174 = arith.constant 14 : i32
    %shift_left3A_175 = vector.broadcast %shift_left3A_174 : i32 to vector<16xi32>
    %shift_left3A_176 = arith.shli %shift_right_arithmetic3A_173, %shift_left3A_175 : vector<16xi32>
    %and3A_177 = arith.constant 4095 : i32
    %and3A_178 = vector.broadcast %and3A_177 : i32 to vector<16xi32>
    %and3A_179 = arith.andi %get3A_170, %and3A_178 : vector<16xi32>
    %shift_left3A_180 = arith.constant 2 : i32
    %shift_left3A_181 = vector.broadcast %shift_left3A_180 : i32 to vector<16xi32>
    %shift_left3A_182 = arith.shli %and3A_179, %shift_left3A_181 : vector<16xi32>
    %add3A_183 = arith.addi %shift_left3A_176, %shift_left3A_182 : vector<16xi32>
    %shift_right_arithmetic3A_184 = arith.constant 12 : i32
    %shift_right_arithmetic3A_185 = vector.broadcast %shift_right_arithmetic3A_184 : i32 to vector<16xi32>
    %shift_right_arithmetic3A_186 = arith.shrsi %get3A_170, %shift_right_arithmetic3A_185 : vector<16xi32>
    %and3A_187 = arith.constant 3 : i32
    %and3A_188 = vector.broadcast %and3A_187 : i32 to vector<16xi32>
    %and3A_189 = arith.andi %shift_right_arithmetic3A_186, %and3A_188 : vector<16xi32>
    %add3A_190 = arith.addi %add3A_183, %and3A_189 : vector<16xi32>
    %swap3A_191 = arith.constant 0 : i32
    %swap3A_192 = arith.index_cast %swap3A_191 : i32 to index
    %swap3A_193 = arith.constant 64 : index
    %swap3A_194 = tpu.vector_load %arg8[%swap3A_192, %swap3A_193] {strides = array<i32>} : memref<128x200xi32, #tpu.memory_space<vmem>>, vector<16xi32>,
    tpu.vector_store %arg8[%swap3A_192, %swap3A_193], %add3A_190 {strides = array<i32>} : memref<128x200xi32, #tpu.memory_space<vmem>>, vector<16xi32>,
    %get3A_195 = arith.constant 0 : i32
    %get3A_196 = arith.index_cast %get3A_195 : i32 to index
    %get3A_197 = arith.constant 80 : index
    %get3A_198 = tpu.vector_load %arg8[%get3A_196, %get3A_197] {strides = array<i32>} : memref<128x200xi32, #tpu.memory_space<vmem>>, vector<16xi32>,
    %shift_right_arithmetic3A_199 = arith.constant 14 : i32
    %shift_right_arithmetic3A_200 = vector.broadcast %shift_right_arithmetic3A_199 : i32 to vector<16xi32>
    %shift_right_arithmetic3A_201 = arith.shrsi %get3A_198, %shift_right_arithmetic3A_200 : vector<16xi32>
    %shift_left3A_202 = arith.constant 14 : i32
    %shift_left3A_203 = vector.broadcast %shift_left3A_202 : i32 to vector<16xi32>
    %shift_left3A_204 = arith.shli %shift_right_arithmetic3A_201, %shift_left3A_203 : vector<16xi32>
    %and3A_205 = arith.constant 4095 : i32
    %and3A_206 = vector.broadcast %and3A_205 : i32 to vector<16xi32>
    %and3A_207 = arith.andi %get3A_198, %and3A_206 : vector<16xi32>
    %shift_left3A_208 = arith.constant 2 : i32
    %shift_left3A_209 = vector.broadcast %shift_left3A_208 : i32 to vector<16xi32>
    %shift_left3A_210 = arith.shli %and3A_207, %shift_left3A_209 : vector<16xi32>
    %add3A_211 = arith.addi %shift_left3A_204, %shift_left3A_210 : vector<16xi32>
    %shift_right_arithmetic3A_212 = arith.constant 12 : i32
    %shift_right_arithmetic3A_213 = vector.broadcast %shift_right_arithmetic3A_212 : i32 to vector<16xi32>
    %shift_right_arithmetic3A_214 = arith.shrsi %get3A_198, %shift_right_arithmetic3A_213 : vector<16xi32>
    %and3A_215 = arith.constant 3 : i32
    %and3A_216 = vector.broadcast %and3A_215 : i32 to vector<16xi32>
    %and3A_217 = arith.andi %shift_right_arithmetic3A_214, %and3A_216 : vector<16xi32>
    %add3A_218 = arith.addi %add3A_211, %and3A_217 : vector<16xi32>
    %swap3A_219 = arith.constant 0 : i32
    %swap3A_220 = arith.index_cast %swap3A_219 : i32 to index
    %swap3A_221 = arith.constant 80 : index
    %swap3A_222 = tpu.vector_load %arg8[%swap3A_220, %swap3A_221] {strides = array<i32>} : memref<128x200xi32, #tpu.memory_space<vmem>>, vector<16xi32>,
    tpu.vector_store %arg8[%swap3A_220, %swap3A_221], %add3A_218 {strides = array<i32>} : memref<128x200xi32, #tpu.memory_space<vmem>>, vector<16xi32>,
    %get3A_223 = arith.constant 0 : i32
    %get3A_224 = arith.index_cast %get3A_223 : i32 to index
    %get3A_225 = arith.constant 96 : index
    %get3A_226 = tpu.vector_load %arg8[%get3A_224, %get3A_225] {strides = array<i32>} : memref<128x200xi32, #tpu.memory_space<vmem>>, vector<16xi32>,
    %shift_right_arithmetic3A_227 = arith.constant 14 : i32
    %shift_right_arithmetic3A_228 = vector.broadcast %shift_right_arithmetic3A_227 : i32 to vector<16xi32>
    %shift_right_arithmetic3A_229 = arith.shrsi %get3A_226, %shift_right_arithmetic3A_228 : vector<16xi32>
    %shift_left3A_230 = arith.constant 14 : i32
    %shift_left3A_231 = vector.broadcast %shift_left3A_230 : i32 to vector<16xi32>
    %shift_left3A_232 = arith.shli %shift_right_arithmetic3A_229, %shift_left3A_231 : vector<16xi32>
    %and3A_233 = arith.constant 4095 : i32
    %and3A_234 = vector.broadcast %and3A_233 : i32 to vector<16xi32>
    %and3A_235 = arith.andi %get3A_226, %and3A_234 : vector<16xi32>
    %shift_left3A_236 = arith.constant 2 : i32
    %shift_left3A_237 = vector.broadcast %shift_left3A_236 : i32 to vector<16xi32>
    %shift_left3A_238 = arith.shli %and3A_235, %shift_left3A_237 : vector<16xi32>
    %add3A_239 = arith.addi %shift_left3A_232, %shift_left3A_238 : vector<16xi32>
    %shift_right_arithmetic3A_240 = arith.constant 12 : i32
    %shift_right_arithmetic3A_241 = vector.broadcast %shift_right_arithmetic3A_240 : i32 to vector<16xi32>
    %shift_right_arithmetic3A_242 = arith.shrsi %get3A_226, %shift_right_arithmetic3A_241 : vector<16xi32>
    %and3A_243 = arith.constant 3 : i32
    %and3A_244 = vector.broadcast %and3A_243 : i32 to vector<16xi32>
    %and3A_245 = arith.andi %shift_right_arithmetic3A_242, %and3A_244 : vector<16xi32>
    %add3A_246 = arith.addi %add3A_239, %and3A_245 : vector<16xi32>
    %swap3A_247 = arith.constant 0 : i32
    %swap3A_248 = arith.index_cast %swap3A_247 : i32 to index
    %swap3A_249 = arith.constant 96 : index
    %swap3A_250 = tpu.vector_load %arg8[%swap3A_248, %swap3A_249] {strides = array<i32>} : memref<128x200xi32, #tpu.memory_space<vmem>>, vector<16xi32>,
    tpu.vector_store %arg8[%swap3A_248, %swap3A_249], %add3A_246 {strides = array<i32>} : memref<128x200xi32, #tpu.memory_space<vmem>>, vector<16xi32>,
    %get3A_251 = arith.constant 0 : i32
    %get3A_252 = arith.index_cast %get3A_251 : i32 to index
    %get3A_253 = arith.constant 112 : index
    %get3A_254 = tpu.vector_load %arg8[%get3A_252, %get3A_253] {strides = array<i32>} : memref<128x200xi32, #tpu.memory_space<vmem>>, vector<16xi32>,
    %shift_right_arithmetic3A_255 = arith.constant 14 : i32
    %shift_right_arithmetic3A_256 = vector.broadcast %shift_right_arithmetic3A_255 : i32 to vector<16xi32>
    %shift_right_arithmetic3A_257 = arith.shrsi %get3A_254, %shift_right_arithmetic3A_256 : vector<16xi32>
    %shift_left3A_258 = arith.constant 14 : i32
    %shift_left3A_259 = vector.broadcast %shift_left3A_258 : i32 to vector<16xi32>
    %shift_left3A_260 = arith.shli %shift_right_arithmetic3A_257, %shift_left3A_259 : vector<16xi32>
    %and3A_261 = arith.constant 4095 : i32
    %and3A_262 = vector.broadcast %and3A_261 : i32 to vector<16xi32>
    %and3A_263 = arith.andi %get3A_254, %and3A_262 : vector<16xi32>
    %shift_left3A_264 = arith.constant 2 : i32
    %shift_left3A_265 = vector.broadcast %shift_left3A_264 : i32 to vector<16xi32>
    %shift_left3A_266 = arith.shli %and3A_263, %shift_left3A_265 : vector<16xi32>
    %add3A_267 = arith.addi %shift_left3A_260, %shift_left3A_266 : vector<16xi32>
    %shift_right_arithmetic3A_268 = arith.constant 12 : i32
    %shift_right_arithmetic3A_269 = vector.broadcast %shift_right_arithmetic3A_268 : i32 to vector<16xi32>
    %shift_right_arithmetic3A_270 = arith.shrsi %get3A_254, %shift_right_arithmetic3A_269 : vector<16xi32>
    %and3A_271 = arith.constant 3 : i32
    %and3A_272 = vector.broadcast %and3A_271 : i32 to vector<16xi32>
    %and3A_273 = arith.andi %shift_right_arithmetic3A_270, %and3A_272 : vector<16xi32>
    %add3A_274 = arith.addi %add3A_267, %and3A_273 : vector<16xi32>
    %swap3A_275 = arith.constant 0 : i32
    %swap3A_276 = arith.index_cast %swap3A_275 : i32 to index
    %swap3A_277 = arith.constant 112 : index
    %swap3A_278 = tpu.vector_load %arg8[%swap3A_276, %swap3A_277] {strides = array<i32>} : memref<128x200xi32, #tpu.memory_space<vmem>>, vector<16xi32>,
    tpu.vector_store %arg8[%swap3A_276, %swap3A_277], %add3A_274 {strides = array<i32>} : memref<128x200xi32, #tpu.memory_space<vmem>>, vector<16xi32>,
    %dma_start3A_279 = arith.constant 0 : i32
    %dma_start3A_280 = arith.constant 0 : i32
    %dma_start3A_281 = tpu.memref_slice %arg8[%dma_start3A_279, %dma_start3A_280] : memref<128x200xi32, #tpu.memory_space<vmem>> -> memref<1x128xi32, #tpu.memory_space<vmem>>
    %dma_start3A_282 = tpu.memref_squeeze %dma_start3A_281 : memref<1x128xi32, #tpu.memory_space<vmem>> -> memref<128xi32, #tpu.memory_space<vmem>>
    %dma_start3A_283 = arith.constant 0 : i32
    %dma_start3A_284 = arith.constant 0 : i32
    %dma_start3A_285 = tpu.memref_slice %arg4[%dma_start3A_283, %dma_start3A_284] : memref<1015808x32xf32, #tpu.memory_space<hbm>> -> memref<1015808x32xf32, #tpu.memory_space<hbm>>
    tpu.enqueue_indirect_dma source(%dma_start3A_285 : memref<1015808x32xf32, #tpu.memory_space<hbm>>) target(%arg11 : memref<128x32xf32, #tpu.memory_space<vmem>>) offsets(%dma_start3A_282 : memref<128xi32, #tpu.memory_space<vmem>>) semaphore(%arg12 : memref<!tpu.dma_semaphore, #tpu.memory_space<semaphore_mem>>)
    %dma_wait3A = arith.constant 0 : i32
    %dma_wait3A_286 = arith.constant 0 : i32
    %dma_wait3A_287 = tpu.memref_slice %arg8[%dma_wait3A, %dma_wait3A_286] : memref<128x200xi32, #tpu.memory_space<vmem>> -> memref<1x128xi32, #tpu.memory_space<vmem>>
    %dma_wait3A_288 = tpu.memref_squeeze %dma_wait3A_287 : memref<1x128xi32, #tpu.memory_space<vmem>> -> memref<128xi32, #tpu.memory_space<vmem>>
    %dma_wait3A_289 = arith.constant 0 : i32
    %dma_wait3A_290 = arith.constant 0 : i32
    %dma_wait3A_291 = tpu.memref_slice %arg4[%dma_wait3A_289, %dma_wait3A_290] : memref<1015808x32xf32, #tpu.memory_space<hbm>> -> memref<1015808x32xf32, #tpu.memory_space<hbm>>
    tpu.wait_indirect_dma semaphore(%arg12 : memref<!tpu.dma_semaphore, #tpu.memory_space<semaphore_mem>>) src(%dma_wait3A_291 : memref<1015808x32xf32, #tpu.memory_space<hbm>>) dst(%arg11 : memref<128x32xf32, #tpu.memory_space<vmem>>)
    %run_scoped3A_292 = arith.constant 1 : i32
    "tpu.region"() ({
      %run_scoped3A_293 = tpu.sem_alloc : memref<!tpu.dma_semaphore, #tpu.memory_space<semaphore_mem>>
      %dma_start3A_294 = arith.constant 0 : i32
      %dma_start3A_295 = tpu.memref_slice %arg6[%run_scoped3A_292, %add3A_5, %dma_start3A_294] : memref<2x4096x32xf32, #tpu.memory_space<hbm>> -> memref<1x128x32xf32, #tpu.memory_space<hbm>>
      %dma_start3A_296 = tpu.memref_squeeze %dma_start3A_295 : memref<1x128x32xf32, #tpu.memory_space<hbm>> -> memref<128x32xf32, #tpu.memory_space<hbm>>
      %dma_start3A_297 = arith.constant 0 : i32
      %dma_start3A_298 = tpu.memref_slice %arg6[%run_scoped3A_292, %add3A_5, %dma_start3A_297] : memref<2x4096x32xf32, #tpu.memory_space<hbm>> -> memref<1x128x32xf32, #tpu.memory_space<hbm>>
      %dma_start3A_299 = tpu.memref_squeeze %dma_start3A_298 : memref<1x128x32xf32, #tpu.memory_space<hbm>> -> memref<128x32xf32, #tpu.memory_space<hbm>>
      tpu.enqueue_dma source(%arg11 : memref<128x32xf32, #tpu.memory_space<vmem>>) target(%dma_start3A_299 : memref<128x32xf32, #tpu.memory_space<hbm>>) target_semaphore(%run_scoped3A_293 : memref<!tpu.dma_semaphore, #tpu.memory_space<semaphore_mem>>)
      %dma_wait3A_300 = arith.constant 0 : i32
      %dma_wait3A_301 = tpu.memref_slice %arg6[%run_scoped3A_292, %add3A_5, %dma_wait3A_300] : memref<2x4096x32xf32, #tpu.memory_space<hbm>> -> memref<1x128x32xf32, #tpu.memory_space<hbm>>
      %dma_wait3A_302 = tpu.memref_squeeze %dma_wait3A_301 : memref<1x128x32xf32, #tpu.memory_space<hbm>> -> memref<128x32xf32, #tpu.memory_space<hbm>>
      %dma_wait3A_303 = arith.constant 0 : i32
      %dma_wait3A_304 = tpu.memref_slice %arg6[%run_scoped3A_292, %add3A_5, %dma_wait3A_303] : memref<2x4096x32xf32, #tpu.memory_space<hbm>> -> memref<1x128x32xf32, #tpu.memory_space<hbm>>
      %dma_wait3A_305 = tpu.memref_squeeze %dma_wait3A_304 : memref<1x128x32xf32, #tpu.memory_space<hbm>> -> memref<128x32xf32, #tpu.memory_space<hbm>>
      tpu.wait_dma2 semaphore(%run_scoped3A_293 : memref<!tpu.dma_semaphore, #tpu.memory_space<semaphore_mem>>) src(%arg11 : memref<128x32xf32, #tpu.memory_space<vmem>>) dst(%dma_wait3A_305 : memref<128x32xf32, #tpu.memory_space<hbm>>)
      tpu.yield
    }) : () -> ()
    return
  }
}

#map = affine_map<(d0, d1) -> (0, 0, 0, 0)>
#map1 = affine_map<(d0, d1) -> (0, 0)>
#map2 = affine_map<(d0, d1) -> (0, 0, 0)>
module attributes {stable_mosaic.version = 14 : i64} {
  func.func @k(%arg0: i32, %arg1: i32, %arg2: memref<25x32x8x128xi32, #tpu.memory_space<hbm>>, %arg3: memref<25x32x8x128xi32, #tpu.memory_space<hbm>>, %arg4: memref<25x32x8x128xi32, #tpu.memory_space<hbm>>, %arg5: memref<1x4096xi32, #tpu.memory_space<hbm>>, %arg6: memref<1000x32xf32, #tpu.memory_space<hbm>>, %arg7: memref<200x32xf32, #tpu.memory_space<hbm>>, %arg8: memref<801x32xf32, #tpu.memory_space<hbm>>, %arg9: memref<4x4096x32xf32, #tpu.memory_space<hbm>>, %arg10: memref<2x25x8x128xi32, #tpu.memory_space<vmem>>, %arg11: memref<128x200xi32, #tpu.memory_space<vmem>>, %arg12: memref<200x32xf32, #tpu.memory_space<vmem>>, %arg13: memref<200x32xf32, #tpu.memory_space<vmem>>, %arg14: memref<128x32xf32, #tpu.memory_space<vmem>>, %arg15: memref<1000x32xf32, #tpu.memory_space<vmem_shared>>, %arg16: memref<200x32xf32, #tpu.memory_space<vmem_shared>>, %arg17: memref<801x32xf32, #tpu.memory_space<vmem_shared>>, %arg18: memref<!tpu.dma_semaphore, #tpu.memory_space<semaphore_mem>>, %arg19: memref<!tpu.dma_semaphore, #tpu.memory_space<semaphore_mem>>, %arg20: memref<!tpu.dma_semaphore, #tpu.memory_space<semaphore_mem>>) attributes {dimension_semantics = [#tpu.dimension_semantics<core_parallel>, #tpu.dimension_semantics<subcore_parallel>], iteration_bounds = array<i64: 2, 16>, scalar_prefetch = 0 : i64, scratch_operands = 11 : i64, tpu.core_type = #tpu.core_type<sc_vector_subcore>, window_params = [{transform_indices = #map}, {transform_indices = #map}, {transform_indices = #map}, {transform_indices = #map1}, {transform_indices = #map1}, {transform_indices = #map1}, {transform_indices = #map1}, {transform_indices = #map2}]} {
    %mul3A = arith.constant 16 : i32
    %mul3A_0 = arith.muli %arg0, %mul3A : i32
    %add3A = arith.addi %mul3A_0, %arg1 : i32
    %mul3A_1 = arith.constant 2048 : i32
    %mul3A_2 = arith.muli %arg0, %mul3A_1 : i32
    %mul3A_3 = arith.constant 128 : i32
    %mul3A_4 = arith.muli %arg1, %mul3A_3 : i32
    %add3A_5 = arith.addi %mul3A_2, %mul3A_4 : i32
    %iota3A = tpu.iota {dimensions = array<i32: 0>} : vector<16xi32>
    %eq3A = arith.constant 0 : i32
    %eq3A_6 = arith.cmpi eq, %arg1, %eq3A : i32
    %convert_element_type3A = arith.extui %eq3A_6 : i1 to i32
    %cond3A = arith.constant 0 : i32
    %cond3A_7 = arith.cmpi ne, %convert_element_type3A, %cond3A : i32
    scf.if %cond3A_7 {
      "tpu.region"() ({
        %run_scoped3A_319 = tpu.sem_alloc : memref<!tpu.dma_semaphore, #tpu.memory_space<semaphore_mem>>
        tpu.enqueue_dma source(%arg6 : memref<1000x32xf32, #tpu.memory_space<hbm>>) target(%arg15 : memref<1000x32xf32, #tpu.memory_space<vmem_shared>>) target_semaphore(%run_scoped3A_319 : memref<!tpu.dma_semaphore, #tpu.memory_space<semaphore_mem>>)
        tpu.wait_dma2 semaphore(%run_scoped3A_319 : memref<!tpu.dma_semaphore, #tpu.memory_space<semaphore_mem>>) src(%arg6 : memref<1000x32xf32, #tpu.memory_space<hbm>>) dst(%arg15 : memref<1000x32xf32, #tpu.memory_space<vmem_shared>>)
        tpu.yield
      }) : () -> ()
    } else {
    }
    %eq3A_8 = arith.constant 1 : i32
    %eq3A_9 = arith.cmpi eq, %arg1, %eq3A_8 : i32
    %convert_element_type3A_10 = arith.extui %eq3A_9 : i1 to i32
    %cond3A_11 = arith.constant 0 : i32
    %cond3A_12 = arith.cmpi ne, %convert_element_type3A_10, %cond3A_11 : i32
    scf.if %cond3A_12 {
      "tpu.region"() ({
        %run_scoped3A_319 = tpu.sem_alloc : memref<!tpu.dma_semaphore, #tpu.memory_space<semaphore_mem>>
        tpu.enqueue_dma source(%arg7 : memref<200x32xf32, #tpu.memory_space<hbm>>) target(%arg16 : memref<200x32xf32, #tpu.memory_space<vmem_shared>>) target_semaphore(%run_scoped3A_319 : memref<!tpu.dma_semaphore, #tpu.memory_space<semaphore_mem>>)
        tpu.wait_dma2 semaphore(%run_scoped3A_319 : memref<!tpu.dma_semaphore, #tpu.memory_space<semaphore_mem>>) src(%arg7 : memref<200x32xf32, #tpu.memory_space<hbm>>) dst(%arg16 : memref<200x32xf32, #tpu.memory_space<vmem_shared>>)
        tpu.yield
      }) : () -> ()
    } else {
    }
    %eq3A_13 = arith.constant 2 : i32
    %eq3A_14 = arith.cmpi eq, %arg1, %eq3A_13 : i32
    %convert_element_type3A_15 = arith.extui %eq3A_14 : i1 to i32
    %cond3A_16 = arith.constant 0 : i32
    %cond3A_17 = arith.cmpi ne, %convert_element_type3A_15, %cond3A_16 : i32
    scf.if %cond3A_17 {
      "tpu.region"() ({
        %run_scoped3A_319 = tpu.sem_alloc : memref<!tpu.dma_semaphore, #tpu.memory_space<semaphore_mem>>
        tpu.enqueue_dma source(%arg8 : memref<801x32xf32, #tpu.memory_space<hbm>>) target(%arg17 : memref<801x32xf32, #tpu.memory_space<vmem_shared>>) target_semaphore(%run_scoped3A_319 : memref<!tpu.dma_semaphore, #tpu.memory_space<semaphore_mem>>)
        tpu.wait_dma2 semaphore(%run_scoped3A_319 : memref<!tpu.dma_semaphore, #tpu.memory_space<semaphore_mem>>) src(%arg8 : memref<801x32xf32, #tpu.memory_space<hbm>>) dst(%arg17 : memref<801x32xf32, #tpu.memory_space<vmem_shared>>)
        tpu.yield
      }) : () -> ()
    } else {
    }
    %barrier3A = arith.constant 0 : index
    tpu.barrier barrier_id(%barrier3A)
    %dma_start3A = arith.constant 0 : i32
    %dma_start3A_18 = arith.constant 0 : i32
    %dma_start3A_19 = arith.constant 0 : i32
    %dma_start3A_20 = arith.constant 0 : i32
    %dma_start3A_21 = tpu.memref_slice %arg10[%dma_start3A, %dma_start3A_18, %dma_start3A_19, %dma_start3A_20] : memref<2x25x8x128xi32, #tpu.memory_space<vmem>> -> memref<1x25x8x128xi32, #tpu.memory_space<vmem>>
    %dma_start3A_22 = tpu.memref_squeeze %dma_start3A_21 : memref<1x25x8x128xi32, #tpu.memory_space<vmem>> -> memref<25x8x128xi32, #tpu.memory_space<vmem>>
    %dma_start3A_23 = arith.constant 0 : i32
    %dma_start3A_24 = arith.constant 0 : i32
    %dma_start3A_25 = arith.constant 0 : i32
    %dma_start3A_26 = tpu.memref_slice %arg2[%dma_start3A_23, %add3A, %dma_start3A_24, %dma_start3A_25] : memref<25x32x8x128xi32, #tpu.memory_space<hbm>> -> memref<25x1x8x128xi32, #tpu.memory_space<hbm>>
    %dma_start3A_27 = tpu.memref_squeeze %dma_start3A_26 : memref<25x1x8x128xi32, #tpu.memory_space<hbm>> -> memref<25x8x128xi32, #tpu.memory_space<hbm>>
    %dma_start3A_28 = arith.constant 0 : i32
    %dma_start3A_29 = arith.constant 0 : i32
    %dma_start3A_30 = arith.constant 0 : i32
    %dma_start3A_31 = tpu.memref_slice %arg10[%dma_start3A, %dma_start3A_28, %dma_start3A_29, %dma_start3A_30] : memref<2x25x8x128xi32, #tpu.memory_space<vmem>> -> memref<1x25x8x128xi32, #tpu.memory_space<vmem>>
    %dma_start3A_32 = tpu.memref_squeeze %dma_start3A_31 : memref<1x25x8x128xi32, #tpu.memory_space<vmem>> -> memref<25x8x128xi32, #tpu.memory_space<vmem>>
    %dma_start3A_33 = arith.constant 0 : i32
    %dma_start3A_34 = arith.constant 0 : i32
    %dma_start3A_35 = arith.constant 0 : i32
    %dma_start3A_36 = tpu.memref_slice %arg2[%dma_start3A_33, %add3A, %dma_start3A_34, %dma_start3A_35] : memref<25x32x8x128xi32, #tpu.memory_space<hbm>> -> memref<25x1x8x128xi32, #tpu.memory_space<hbm>>
    %dma_start3A_37 = tpu.memref_squeeze %dma_start3A_36 : memref<25x1x8x128xi32, #tpu.memory_space<hbm>> -> memref<25x8x128xi32, #tpu.memory_space<hbm>>
    tpu.enqueue_dma source(%dma_start3A_37 : memref<25x8x128xi32, #tpu.memory_space<hbm>>) target(%dma_start3A_32 : memref<25x8x128xi32, #tpu.memory_space<vmem>>) target_semaphore(%arg20 : memref<!tpu.dma_semaphore, #tpu.memory_space<semaphore_mem>>)
    %dma_wait3A = arith.constant 0 : i32
    %dma_wait3A_38 = arith.constant 0 : i32
    %dma_wait3A_39 = arith.constant 0 : i32
    %dma_wait3A_40 = arith.constant 0 : i32
    %dma_wait3A_41 = tpu.memref_slice %arg10[%dma_wait3A, %dma_wait3A_38, %dma_wait3A_39, %dma_wait3A_40] : memref<2x25x8x128xi32, #tpu.memory_space<vmem>> -> memref<1x25x8x128xi32, #tpu.memory_space<vmem>>
    %dma_wait3A_42 = tpu.memref_squeeze %dma_wait3A_41 : memref<1x25x8x128xi32, #tpu.memory_space<vmem>> -> memref<25x8x128xi32, #tpu.memory_space<vmem>>
    %dma_wait3A_43 = arith.constant 0 : i32
    %dma_wait3A_44 = arith.constant 0 : i32
    %dma_wait3A_45 = arith.constant 0 : i32
    %dma_wait3A_46 = tpu.memref_slice %arg2[%dma_wait3A_43, %add3A, %dma_wait3A_44, %dma_wait3A_45] : memref<25x32x8x128xi32, #tpu.memory_space<hbm>> -> memref<25x1x8x128xi32, #tpu.memory_space<hbm>>
    %dma_wait3A_47 = tpu.memref_squeeze %dma_wait3A_46 : memref<25x1x8x128xi32, #tpu.memory_space<hbm>> -> memref<25x8x128xi32, #tpu.memory_space<hbm>>
    %dma_wait3A_48 = arith.constant 0 : i32
    %dma_wait3A_49 = arith.constant 0 : i32
    %dma_wait3A_50 = arith.constant 0 : i32
    %dma_wait3A_51 = tpu.memref_slice %arg10[%dma_wait3A, %dma_wait3A_48, %dma_wait3A_49, %dma_wait3A_50] : memref<2x25x8x128xi32, #tpu.memory_space<vmem>> -> memref<1x25x8x128xi32, #tpu.memory_space<vmem>>
    %dma_wait3A_52 = tpu.memref_squeeze %dma_wait3A_51 : memref<1x25x8x128xi32, #tpu.memory_space<vmem>> -> memref<25x8x128xi32, #tpu.memory_space<vmem>>
    %dma_wait3A_53 = arith.constant 0 : i32
    %dma_wait3A_54 = arith.constant 0 : i32
    %dma_wait3A_55 = arith.constant 0 : i32
    %dma_wait3A_56 = tpu.memref_slice %arg2[%dma_wait3A_53, %add3A, %dma_wait3A_54, %dma_wait3A_55] : memref<25x32x8x128xi32, #tpu.memory_space<hbm>> -> memref<25x1x8x128xi32, #tpu.memory_space<hbm>>
    %dma_wait3A_57 = tpu.memref_squeeze %dma_wait3A_56 : memref<25x1x8x128xi32, #tpu.memory_space<hbm>> -> memref<25x8x128xi32, #tpu.memory_space<hbm>>
    tpu.wait_dma2 semaphore(%arg20 : memref<!tpu.dma_semaphore, #tpu.memory_space<semaphore_mem>>) src(%dma_wait3A_57 : memref<25x8x128xi32, #tpu.memory_space<hbm>>) dst(%dma_wait3A_52 : memref<25x8x128xi32, #tpu.memory_space<vmem>>)
    %dma_start3A_58 = arith.constant 1 : i32
    %dma_start3A_59 = arith.constant 0 : i32
    %dma_start3A_60 = arith.constant 0 : i32
    %dma_start3A_61 = arith.constant 0 : i32
    %dma_start3A_62 = tpu.memref_slice %arg10[%dma_start3A_58, %dma_start3A_59, %dma_start3A_60, %dma_start3A_61] : memref<2x25x8x128xi32, #tpu.memory_space<vmem>> -> memref<1x25x8x128xi32, #tpu.memory_space<vmem>>
    %dma_start3A_63 = tpu.memref_squeeze %dma_start3A_62 : memref<1x25x8x128xi32, #tpu.memory_space<vmem>> -> memref<25x8x128xi32, #tpu.memory_space<vmem>>
    %dma_start3A_64 = arith.constant 0 : i32
    %dma_start3A_65 = arith.constant 0 : i32
    %dma_start3A_66 = arith.constant 0 : i32
    %dma_start3A_67 = tpu.memref_slice %arg3[%dma_start3A_64, %add3A, %dma_start3A_65, %dma_start3A_66] : memref<25x32x8x128xi32, #tpu.memory_space<hbm>> -> memref<25x1x8x128xi32, #tpu.memory_space<hbm>>
    %dma_start3A_68 = tpu.memref_squeeze %dma_start3A_67 : memref<25x1x8x128xi32, #tpu.memory_space<hbm>> -> memref<25x8x128xi32, #tpu.memory_space<hbm>>
    %dma_start3A_69 = arith.constant 0 : i32
    %dma_start3A_70 = arith.constant 0 : i32
    %dma_start3A_71 = arith.constant 0 : i32
    %dma_start3A_72 = tpu.memref_slice %arg10[%dma_start3A_58, %dma_start3A_69, %dma_start3A_70, %dma_start3A_71] : memref<2x25x8x128xi32, #tpu.memory_space<vmem>> -> memref<1x25x8x128xi32, #tpu.memory_space<vmem>>
    %dma_start3A_73 = tpu.memref_squeeze %dma_start3A_72 : memref<1x25x8x128xi32, #tpu.memory_space<vmem>> -> memref<25x8x128xi32, #tpu.memory_space<vmem>>
    %dma_start3A_74 = arith.constant 0 : i32
    %dma_start3A_75 = arith.constant 0 : i32
    %dma_start3A_76 = arith.constant 0 : i32
    %dma_start3A_77 = tpu.memref_slice %arg3[%dma_start3A_74, %add3A, %dma_start3A_75, %dma_start3A_76] : memref<25x32x8x128xi32, #tpu.memory_space<hbm>> -> memref<25x1x8x128xi32, #tpu.memory_space<hbm>>
    %dma_start3A_78 = tpu.memref_squeeze %dma_start3A_77 : memref<25x1x8x128xi32, #tpu.memory_space<hbm>> -> memref<25x8x128xi32, #tpu.memory_space<hbm>>
    tpu.enqueue_dma source(%dma_start3A_78 : memref<25x8x128xi32, #tpu.memory_space<hbm>>) target(%dma_start3A_73 : memref<25x8x128xi32, #tpu.memory_space<vmem>>) target_semaphore(%arg20 : memref<!tpu.dma_semaphore, #tpu.memory_space<semaphore_mem>>)
    %scan3A = arith.constant 0 : i32
    %scan3A_79 = arith.constant 0 : i32
    %scan3A_80 = arith.constant 0 : i32
    %scan3A_81 = arith.constant 200 : i32
    %scan3A_82 = arith.addi %scan3A_80, %scan3A_81 : i32
    %scan3A_83 = arith.constant 1 : i32
    scf.for %scan3A_319 = %scan3A_80 to %scan3A_82 step %scan3A_83  : i32 {
      %jit3A = arith.constant 8 : i32
      %div3A = arith.divsi %scan3A_319, %jit3A : i32
      %sign3A = arith.constant 0 : i32
      %sign3A_320 = arith.cmpi sgt, %scan3A_319, %sign3A : i32
      %sign3A_321 = arith.extui %sign3A_320 : i1 to i32
      %sign3A_322 = arith.constant 0 : i32
      %sign3A_323 = arith.cmpi slt, %scan3A_319, %sign3A_322 : i32
      %sign3A_324 = arith.extui %sign3A_323 : i1 to i32
      %sign3A_325 = arith.subi %sign3A_321, %sign3A_324 : i32
      %sign3A_326 = arith.constant 0 : i32
      %sign3A_327 = arith.cmpi sgt, %jit3A, %sign3A_326 : i32
      %sign3A_328 = arith.extui %sign3A_327 : i1 to i32
      %sign3A_329 = arith.constant 0 : i32
      %sign3A_330 = arith.cmpi slt, %jit3A, %sign3A_329 : i32
      %sign3A_331 = arith.extui %sign3A_330 : i1 to i32
      %sign3A_332 = arith.subi %sign3A_328, %sign3A_331 : i32
      %ne3A = arith.cmpi ne, %sign3A_325, %sign3A_332 : i32
      %rem3A = arith.remsi %scan3A_319, %jit3A : i32
      %ne3A_333 = arith.constant 0 : i32
      %ne3A_334 = arith.cmpi ne, %rem3A, %ne3A_333 : i32
      %and3A = arith.andi %ne3A, %ne3A_334 : i1
      %sub3A = arith.constant 1 : i32
      %sub3A_335 = arith.subi %div3A, %sub3A : i32
      %select_n3A = arith.select %and3A, %sub3A_335, %div3A : i32
      %jit3A_336 = arith.constant 8 : i32
      %eq3A_337 = arith.constant 0 : i32
      %eq3A_338 = arith.cmpi eq, %jit3A_336, %eq3A_337 : i32
      %jit3A_339 = arith.constant 1 : i32
      %select_n3A_340 = arith.select %eq3A_338, %jit3A_339, %jit3A_336 : i32
      %rem3A_341 = arith.remsi %scan3A_319, %select_n3A_340 : i32
      %ne3A_342 = arith.constant 0 : i32
      %ne3A_343 = arith.cmpi ne, %rem3A_341, %ne3A_342 : i32
      %lt3A = arith.constant 0 : i32
      %lt3A_344 = arith.cmpi slt, %rem3A_341, %lt3A : i32
      %lt3A_345 = arith.constant 0 : i32
      %lt3A_346 = arith.cmpi slt, %select_n3A_340, %lt3A_345 : i32
      %ne3A_347 = arith.xori %lt3A_344, %lt3A_346 : i1
      %and3A_348 = arith.andi %ne3A_347, %ne3A_343 : i1
      %add3A_349 = arith.addi %rem3A_341, %select_n3A_340 : i32
      %select_n3A_350 = arith.select %and3A_348, %add3A_349, %rem3A_341 : i32
      %broadcast_in_dim3A = vector.broadcast %scan3A_319 : i32 to vector<16xi32>
      %get3A = arith.constant 0 : i32
      %get3A_351 = arith.constant 0 : i32
      %get3A_352 = arith.constant 0 : i32
      %get3A_353 = tpu.memref_slice %arg10[%scan3A_79, %get3A, %get3A_351, %get3A_352] : memref<2x25x8x128xi32, #tpu.memory_space<vmem>> -> memref<1x25x8x128xi32, #tpu.memory_space<vmem>>
      %get3A_354 = tpu.memref_squeeze %get3A_353 : memref<1x25x8x128xi32, #tpu.memory_space<vmem>> -> memref<25x8x128xi32, #tpu.memory_space<vmem>>
      %get3A_355 = arith.index_cast %select_n3A : i32 to index
      %get3A_356 = arith.index_cast %select_n3A_350 : i32 to index
      %get3A_357 = arith.constant 0 : index
      %get3A_358 = tpu.vector_load %get3A_354[%get3A_355, %get3A_356, %get3A_357] {strides = array<i32>} : memref<25x8x128xi32, #tpu.memory_space<vmem>>, vector<16xi32>,
      %add3A_359 = arith.constant 0 : i32
      %add3A_360 = vector.broadcast %add3A_359 : i32 to vector<16xi32>
      %add3A_361 = arith.addi %add3A_360, %iota3A : vector<16xi32>
      tpu.vector_store_idx %arg11[%add3A_361, %broadcast_in_dim3A], %get3A_358 : memref<128x200xi32, #tpu.memory_space<vmem>>[vector<16xi32>, vector<16xi32>], vector<16xi32>,
      %get3A_362 = arith.constant 0 : i32
      %get3A_363 = arith.constant 0 : i32
      %get3A_364 = arith.constant 0 : i32
      %get3A_365 = tpu.memref_slice %arg10[%scan3A_79, %get3A_362, %get3A_363, %get3A_364] : memref<2x25x8x128xi32, #tpu.memory_space<vmem>> -> memref<1x25x8x128xi32, #tpu.memory_space<vmem>>
      %get3A_366 = tpu.memref_squeeze %get3A_365 : memref<1x25x8x128xi32, #tpu.memory_space<vmem>> -> memref<25x8x128xi32, #tpu.memory_space<vmem>>
      %get3A_367 = arith.index_cast %select_n3A : i32 to index
      %get3A_368 = arith.index_cast %select_n3A_350 : i32 to index
      %get3A_369 = arith.constant 16 : index
      %get3A_370 = tpu.vector_load %get3A_366[%get3A_367, %get3A_368, %get3A_369] {strides = array<i32>} : memref<25x8x128xi32, #tpu.memory_space<vmem>>, vector<16xi32>,
      %add3A_371 = arith.constant 16 : i32
      %add3A_372 = vector.broadcast %add3A_371 : i32 to vector<16xi32>
      %add3A_373 = arith.addi %add3A_372, %iota3A : vector<16xi32>
      tpu.vector_store_idx %arg11[%add3A_373, %broadcast_in_dim3A], %get3A_370 : memref<128x200xi32, #tpu.memory_space<vmem>>[vector<16xi32>, vector<16xi32>], vector<16xi32>,
      %get3A_374 = arith.constant 0 : i32
      %get3A_375 = arith.constant 0 : i32
      %get3A_376 = arith.constant 0 : i32
      %get3A_377 = tpu.memref_slice %arg10[%scan3A_79, %get3A_374, %get3A_375, %get3A_376] : memref<2x25x8x128xi32, #tpu.memory_space<vmem>> -> memref<1x25x8x128xi32, #tpu.memory_space<vmem>>
      %get3A_378 = tpu.memref_squeeze %get3A_377 : memref<1x25x8x128xi32, #tpu.memory_space<vmem>> -> memref<25x8x128xi32, #tpu.memory_space<vmem>>
      %get3A_379 = arith.index_cast %select_n3A : i32 to index
      %get3A_380 = arith.index_cast %select_n3A_350 : i32 to index
      %get3A_381 = arith.constant 32 : index
      %get3A_382 = tpu.vector_load %get3A_378[%get3A_379, %get3A_380, %get3A_381] {strides = array<i32>} : memref<25x8x128xi32, #tpu.memory_space<vmem>>, vector<16xi32>,
      %add3A_383 = arith.constant 32 : i32
      %add3A_384 = vector.broadcast %add3A_383 : i32 to vector<16xi32>
      %add3A_385 = arith.addi %add3A_384, %iota3A : vector<16xi32>
      tpu.vector_store_idx %arg11[%add3A_385, %broadcast_in_dim3A], %get3A_382 : memref<128x200xi32, #tpu.memory_space<vmem>>[vector<16xi32>, vector<16xi32>], vector<16xi32>,
      %get3A_386 = arith.constant 0 : i32
      %get3A_387 = arith.constant 0 : i32
      %get3A_388 = arith.constant 0 : i32
      %get3A_389 = tpu.memref_slice %arg10[%scan3A_79, %get3A_386, %get3A_387, %get3A_388] : memref<2x25x8x128xi32, #tpu.memory_space<vmem>> -> memref<1x25x8x128xi32, #tpu.memory_space<vmem>>
      %get3A_390 = tpu.memref_squeeze %get3A_389 : memref<1x25x8x128xi32, #tpu.memory_space<vmem>> -> memref<25x8x128xi32, #tpu.memory_space<vmem>>
      %get3A_391 = arith.index_cast %select_n3A : i32 to index
      %get3A_392 = arith.index_cast %select_n3A_350 : i32 to index
      %get3A_393 = arith.constant 48 : index
      %get3A_394 = tpu.vector_load %get3A_390[%get3A_391, %get3A_392, %get3A_393] {strides = array<i32>} : memref<25x8x128xi32, #tpu.memory_space<vmem>>, vector<16xi32>,
      %add3A_395 = arith.constant 48 : i32
      %add3A_396 = vector.broadcast %add3A_395 : i32 to vector<16xi32>
      %add3A_397 = arith.addi %add3A_396, %iota3A : vector<16xi32>
      tpu.vector_store_idx %arg11[%add3A_397, %broadcast_in_dim3A], %get3A_394 : memref<128x200xi32, #tpu.memory_space<vmem>>[vector<16xi32>, vector<16xi32>], vector<16xi32>,
      %get3A_398 = arith.constant 0 : i32
      %get3A_399 = arith.constant 0 : i32
      %get3A_400 = arith.constant 0 : i32
      %get3A_401 = tpu.memref_slice %arg10[%scan3A_79, %get3A_398, %get3A_399, %get3A_400] : memref<2x25x8x128xi32, #tpu.memory_space<vmem>> -> memref<1x25x8x128xi32, #tpu.memory_space<vmem>>
      %get3A_402 = tpu.memref_squeeze %get3A_401 : memref<1x25x8x128xi32, #tpu.memory_space<vmem>> -> memref<25x8x128xi32, #tpu.memory_space<vmem>>
      %get3A_403 = arith.index_cast %select_n3A : i32 to index
      %get3A_404 = arith.index_cast %select_n3A_350 : i32 to index
      %get3A_405 = arith.constant 64 : index
      %get3A_406 = tpu.vector_load %get3A_402[%get3A_403, %get3A_404, %get3A_405] {strides = array<i32>} : memref<25x8x128xi32, #tpu.memory_space<vmem>>, vector<16xi32>,
      %add3A_407 = arith.constant 64 : i32
      %add3A_408 = vector.broadcast %add3A_407 : i32 to vector<16xi32>
      %add3A_409 = arith.addi %add3A_408, %iota3A : vector<16xi32>
      tpu.vector_store_idx %arg11[%add3A_409, %broadcast_in_dim3A], %get3A_406 : memref<128x200xi32, #tpu.memory_space<vmem>>[vector<16xi32>, vector<16xi32>], vector<16xi32>,
      %get3A_410 = arith.constant 0 : i32
      %get3A_411 = arith.constant 0 : i32
      %get3A_412 = arith.constant 0 : i32
      %get3A_413 = tpu.memref_slice %arg10[%scan3A_79, %get3A_410, %get3A_411, %get3A_412] : memref<2x25x8x128xi32, #tpu.memory_space<vmem>> -> memref<1x25x8x128xi32, #tpu.memory_space<vmem>>
      %get3A_414 = tpu.memref_squeeze %get3A_413 : memref<1x25x8x128xi32, #tpu.memory_space<vmem>> -> memref<25x8x128xi32, #tpu.memory_space<vmem>>
      %get3A_415 = arith.index_cast %select_n3A : i32 to index
      %get3A_416 = arith.index_cast %select_n3A_350 : i32 to index
      %get3A_417 = arith.constant 80 : index
      %get3A_418 = tpu.vector_load %get3A_414[%get3A_415, %get3A_416, %get3A_417] {strides = array<i32>} : memref<25x8x128xi32, #tpu.memory_space<vmem>>, vector<16xi32>,
      %add3A_419 = arith.constant 80 : i32
      %add3A_420 = vector.broadcast %add3A_419 : i32 to vector<16xi32>
      %add3A_421 = arith.addi %add3A_420, %iota3A : vector<16xi32>
      tpu.vector_store_idx %arg11[%add3A_421, %broadcast_in_dim3A], %get3A_418 : memref<128x200xi32, #tpu.memory_space<vmem>>[vector<16xi32>, vector<16xi32>], vector<16xi32>,
      %get3A_422 = arith.constant 0 : i32
      %get3A_423 = arith.constant 0 : i32
      %get3A_424 = arith.constant 0 : i32
      %get3A_425 = tpu.memref_slice %arg10[%scan3A_79, %get3A_422, %get3A_423, %get3A_424] : memref<2x25x8x128xi32, #tpu.memory_space<vmem>> -> memref<1x25x8x128xi32, #tpu.memory_space<vmem>>
      %get3A_426 = tpu.memref_squeeze %get3A_425 : memref<1x25x8x128xi32, #tpu.memory_space<vmem>> -> memref<25x8x128xi32, #tpu.memory_space<vmem>>
      %get3A_427 = arith.index_cast %select_n3A : i32 to index
      %get3A_428 = arith.index_cast %select_n3A_350 : i32 to index
      %get3A_429 = arith.constant 96 : index
      %get3A_430 = tpu.vector_load %get3A_426[%get3A_427, %get3A_428, %get3A_429] {strides = array<i32>} : memref<25x8x128xi32, #tpu.memory_space<vmem>>, vector<16xi32>,
      %add3A_431 = arith.constant 96 : i32
      %add3A_432 = vector.broadcast %add3A_431 : i32 to vector<16xi32>
      %add3A_433 = arith.addi %add3A_432, %iota3A : vector<16xi32>
      tpu.vector_store_idx %arg11[%add3A_433, %broadcast_in_dim3A], %get3A_430 : memref<128x200xi32, #tpu.memory_space<vmem>>[vector<16xi32>, vector<16xi32>], vector<16xi32>,
      %get3A_434 = arith.constant 0 : i32
      %get3A_435 = arith.constant 0 : i32
      %get3A_436 = arith.constant 0 : i32
      %get3A_437 = tpu.memref_slice %arg10[%scan3A_79, %get3A_434, %get3A_435, %get3A_436] : memref<2x25x8x128xi32, #tpu.memory_space<vmem>> -> memref<1x25x8x128xi32, #tpu.memory_space<vmem>>
      %get3A_438 = tpu.memref_squeeze %get3A_437 : memref<1x25x8x128xi32, #tpu.memory_space<vmem>> -> memref<25x8x128xi32, #tpu.memory_space<vmem>>
      %get3A_439 = arith.index_cast %select_n3A : i32 to index
      %get3A_440 = arith.index_cast %select_n3A_350 : i32 to index
      %get3A_441 = arith.constant 112 : index
      %get3A_442 = tpu.vector_load %get3A_438[%get3A_439, %get3A_440, %get3A_441] {strides = array<i32>} : memref<25x8x128xi32, #tpu.memory_space<vmem>>, vector<16xi32>,
      %add3A_443 = arith.constant 112 : i32
      %add3A_444 = vector.broadcast %add3A_443 : i32 to vector<16xi32>
      %add3A_445 = arith.addi %add3A_444, %iota3A : vector<16xi32>
      tpu.vector_store_idx %arg11[%add3A_445, %broadcast_in_dim3A], %get3A_442 : memref<128x200xi32, #tpu.memory_space<vmem>>[vector<16xi32>, vector<16xi32>], vector<16xi32>,
    }
    %scan3A_84 = arith.constant 200 : i32
    %dma_start3A_85 = arith.constant 0 : i32
    %dma_start3A_86 = arith.constant 0 : i32
    %dma_start3A_87 = arith.constant 0 : i32
    %dma_start3A_88 = tpu.memref_slice %arg12[%dma_start3A_86, %dma_start3A_87] : memref<200x32xf32, #tpu.memory_space<vmem>> -> memref<128x32xf32, #tpu.memory_space<vmem>>
    %dma_start3A_89 = arith.constant 0 : i32
    %dma_start3A_90 = tpu.memref_slice %arg11[%dma_start3A_85, %dma_start3A_89] : memref<128x200xi32, #tpu.memory_space<vmem>> -> memref<1x128xi32, #tpu.memory_space<vmem>>
    %dma_start3A_91 = tpu.memref_squeeze %dma_start3A_90 : memref<1x128xi32, #tpu.memory_space<vmem>> -> memref<128xi32, #tpu.memory_space<vmem>>
    %dma_start3A_92 = arith.constant 0 : i32
    %dma_start3A_93 = arith.constant 0 : i32
    %dma_start3A_94 = tpu.memref_slice %arg15[%dma_start3A_92, %dma_start3A_93] : memref<1000x32xf32, #tpu.memory_space<vmem_shared>> -> memref<1000x32xf32, #tpu.memory_space<vmem_shared>>
    tpu.enqueue_indirect_dma source(%dma_start3A_94 : memref<1000x32xf32, #tpu.memory_space<vmem_shared>>) target(%dma_start3A_88 : memref<128x32xf32, #tpu.memory_space<vmem>>) offsets(%dma_start3A_91 : memref<128xi32, #tpu.memory_space<vmem>>) semaphore(%arg18 : memref<!tpu.dma_semaphore, #tpu.memory_space<semaphore_mem>>)
    %dma_start3A_95 = arith.constant 0 : i32
    %dma_start3A_96 = arith.constant 128 : i32
    %dma_start3A_97 = arith.constant 0 : i32
    %dma_start3A_98 = tpu.memref_slice %arg12[%dma_start3A_96, %dma_start3A_97] : memref<200x32xf32, #tpu.memory_space<vmem>> -> memref<72x32xf32, #tpu.memory_space<vmem>>
    %dma_start3A_99 = arith.constant 128 : i32
    %dma_start3A_100 = tpu.memref_slice %arg11[%dma_start3A_95, %dma_start3A_99] : memref<128x200xi32, #tpu.memory_space<vmem>> -> memref<1x72xi32, #tpu.memory_space<vmem>>
    %dma_start3A_101 = tpu.memref_squeeze %dma_start3A_100 : memref<1x72xi32, #tpu.memory_space<vmem>> -> memref<72xi32, #tpu.memory_space<vmem>>
    %dma_start3A_102 = arith.constant 0 : i32
    %dma_start3A_103 = arith.constant 0 : i32
    %dma_start3A_104 = tpu.memref_slice %arg15[%dma_start3A_102, %dma_start3A_103] : memref<1000x32xf32, #tpu.memory_space<vmem_shared>> -> memref<1000x32xf32, #tpu.memory_space<vmem_shared>>
    tpu.enqueue_indirect_dma source(%dma_start3A_104 : memref<1000x32xf32, #tpu.memory_space<vmem_shared>>) target(%dma_start3A_98 : memref<72x32xf32, #tpu.memory_space<vmem>>) offsets(%dma_start3A_101 : memref<72xi32, #tpu.memory_space<vmem>>) semaphore(%arg18 : memref<!tpu.dma_semaphore, #tpu.memory_space<semaphore_mem>>)
    %dma_start3A_105 = arith.constant 1 : i32
    %dma_start3A_106 = arith.constant 0 : i32
    %dma_start3A_107 = arith.constant 0 : i32
    %dma_start3A_108 = tpu.memref_slice %arg13[%dma_start3A_106, %dma_start3A_107] : memref<200x32xf32, #tpu.memory_space<vmem>> -> memref<128x32xf32, #tpu.memory_space<vmem>>
    %dma_start3A_109 = arith.constant 0 : i32
    %dma_start3A_110 = tpu.memref_slice %arg11[%dma_start3A_105, %dma_start3A_109] : memref<128x200xi32, #tpu.memory_space<vmem>> -> memref<1x128xi32, #tpu.memory_space<vmem>>
    %dma_start3A_111 = tpu.memref_squeeze %dma_start3A_110 : memref<1x128xi32, #tpu.memory_space<vmem>> -> memref<128xi32, #tpu.memory_space<vmem>>
    %dma_start3A_112 = arith.constant 0 : i32
    %dma_start3A_113 = arith.constant 0 : i32
    %dma_start3A_114 = tpu.memref_slice %arg15[%dma_start3A_112, %dma_start3A_113] : memref<1000x32xf32, #tpu.memory_space<vmem_shared>> -> memref<1000x32xf32, #tpu.memory_space<vmem_shared>>
    tpu.enqueue_indirect_dma source(%dma_start3A_114 : memref<1000x32xf32, #tpu.memory_space<vmem_shared>>) target(%dma_start3A_108 : memref<128x32xf32, #tpu.memory_space<vmem>>) offsets(%dma_start3A_111 : memref<128xi32, #tpu.memory_space<vmem>>) semaphore(%arg19 : memref<!tpu.dma_semaphore, #tpu.memory_space<semaphore_mem>>)
    %dma_start3A_115 = arith.constant 1 : i32
    %dma_start3A_116 = arith.constant 128 : i32
    %dma_start3A_117 = arith.constant 0 : i32
    %dma_start3A_118 = tpu.memref_slice %arg13[%dma_start3A_116, %dma_start3A_117] : memref<200x32xf32, #tpu.memory_space<vmem>> -> memref<72x32xf32, #tpu.memory_space<vmem>>
    %dma_start3A_119 = arith.constant 128 : i32
    %dma_start3A_120 = tpu.memref_slice %arg11[%dma_start3A_115, %dma_start3A_119] : memref<128x200xi32, #tpu.memory_space<vmem>> -> memref<1x72xi32, #tpu.memory_space<vmem>>
    %dma_start3A_121 = tpu.memref_squeeze %dma_start3A_120 : memref<1x72xi32, #tpu.memory_space<vmem>> -> memref<72xi32, #tpu.memory_space<vmem>>
    %dma_start3A_122 = arith.constant 0 : i32
    %dma_start3A_123 = arith.constant 0 : i32
    %dma_start3A_124 = tpu.memref_slice %arg15[%dma_start3A_122, %dma_start3A_123] : memref<1000x32xf32, #tpu.memory_space<vmem_shared>> -> memref<1000x32xf32, #tpu.memory_space<vmem_shared>>
    tpu.enqueue_indirect_dma source(%dma_start3A_124 : memref<1000x32xf32, #tpu.memory_space<vmem_shared>>) target(%dma_start3A_118 : memref<72x32xf32, #tpu.memory_space<vmem>>) offsets(%dma_start3A_121 : memref<72xi32, #tpu.memory_space<vmem>>) semaphore(%arg19 : memref<!tpu.dma_semaphore, #tpu.memory_space<semaphore_mem>>)
    %scan3A_125 = arith.constant 0 : i32
    %scan3A_126 = arith.constant 0 : i32
    %scan3A_127 = arith.constant 64 : i32
    %scan3A_128 = arith.addi %scan3A_126, %scan3A_127 : i32
    %scan3A_129 = arith.constant 1 : i32
    scf.for %scan3A_319 = %scan3A_126 to %scan3A_128 step %scan3A_129  : i32 {
      %mul3A_320 = arith.constant 2 : i32
      %mul3A_321 = arith.muli %mul3A_320, %scan3A_319 : i32
      %dma_wait3A_322 = arith.constant 0 : i32
      %dma_wait3A_323 = arith.constant 0 : i32
      %dma_wait3A_324 = arith.constant 0 : i32
      %dma_wait3A_325 = tpu.memref_slice %arg12[%dma_wait3A_323, %dma_wait3A_324] : memref<200x32xf32, #tpu.memory_space<vmem>> -> memref<128x32xf32, #tpu.memory_space<vmem>>
      %dma_wait3A_326 = arith.constant 0 : i32
      %dma_wait3A_327 = tpu.memref_slice %arg11[%dma_wait3A_322, %dma_wait3A_326] : memref<128x200xi32, #tpu.memory_space<vmem>> -> memref<1x128xi32, #tpu.memory_space<vmem>>
      %dma_wait3A_328 = tpu.memref_squeeze %dma_wait3A_327 : memref<1x128xi32, #tpu.memory_space<vmem>> -> memref<128xi32, #tpu.memory_space<vmem>>
      %dma_wait3A_329 = arith.constant 0 : i32
      %dma_wait3A_330 = arith.constant 0 : i32
      %dma_wait3A_331 = tpu.memref_slice %arg15[%dma_wait3A_329, %dma_wait3A_330] : memref<1000x32xf32, #tpu.memory_space<vmem_shared>> -> memref<1000x32xf32, #tpu.memory_space<vmem_shared>>
      tpu.wait_indirect_dma semaphore(%arg18 : memref<!tpu.dma_semaphore, #tpu.memory_space<semaphore_mem>>) src(%dma_wait3A_331 : memref<1000x32xf32, #tpu.memory_space<vmem_shared>>) dst(%dma_wait3A_325 : memref<128x32xf32, #tpu.memory_space<vmem>>)
      %dma_wait3A_332 = arith.constant 0 : i32
      %dma_wait3A_333 = arith.constant 128 : i32
      %dma_wait3A_334 = arith.constant 0 : i32
      %dma_wait3A_335 = tpu.memref_slice %arg12[%dma_wait3A_333, %dma_wait3A_334] : memref<200x32xf32, #tpu.memory_space<vmem>> -> memref<72x32xf32, #tpu.memory_space<vmem>>
      %dma_wait3A_336 = arith.constant 128 : i32
      %dma_wait3A_337 = tpu.memref_slice %arg11[%dma_wait3A_332, %dma_wait3A_336] : memref<128x200xi32, #tpu.memory_space<vmem>> -> memref<1x72xi32, #tpu.memory_space<vmem>>
      %dma_wait3A_338 = tpu.memref_squeeze %dma_wait3A_337 : memref<1x72xi32, #tpu.memory_space<vmem>> -> memref<72xi32, #tpu.memory_space<vmem>>
      %dma_wait3A_339 = arith.constant 0 : i32
      %dma_wait3A_340 = arith.constant 0 : i32
      %dma_wait3A_341 = tpu.memref_slice %arg15[%dma_wait3A_339, %dma_wait3A_340] : memref<1000x32xf32, #tpu.memory_space<vmem_shared>> -> memref<1000x32xf32, #tpu.memory_space<vmem_shared>>
      tpu.wait_indirect_dma semaphore(%arg18 : memref<!tpu.dma_semaphore, #tpu.memory_space<semaphore_mem>>) src(%dma_wait3A_341 : memref<1000x32xf32, #tpu.memory_space<vmem_shared>>) dst(%dma_wait3A_335 : memref<72x32xf32, #tpu.memory_space<vmem>>)
      %broadcast_in_dim3A = arith.constant 0.000000e+00 : f32
      %broadcast_in_dim3A_342 = vector.broadcast %broadcast_in_dim3A : f32 to vector<16xf32>
      %scan3A_343 = arith.constant 0 : i32
      %scan3A_344 = arith.constant 25 : i32
      %scan3A_345 = arith.addi %scan3A_343, %scan3A_344 : i32
      %scan3A_346 = arith.constant 1 : i32
      %scan3A_347:2 = scf.for %scan3A_399 = %scan3A_343 to %scan3A_345 step %scan3A_346 iter_args(%scan3A_400 = %broadcast_in_dim3A_342, %scan3A_401 = %broadcast_in_dim3A_342) -> (vector<16xf32>, vector<16xf32>)  : i32 {
        %mul3A_402 = arith.constant 8 : i32
        %mul3A_403 = arith.muli %scan3A_399, %mul3A_402 : i32
        %add3A_404 = arith.constant 0 : i32
        %add3A_405 = arith.addi %mul3A_403, %add3A_404 : i32
        %get3A = arith.index_cast %add3A_405 : i32 to index
        %get3A_406 = arith.constant 0 : index
        %get3A_407 = tpu.vector_load %arg12[%get3A, %get3A_406] {strides = array<i32>} : memref<200x32xf32, #tpu.memory_space<vmem>>, vector<16xf32>,
        %add3A_408 = arith.addf %scan3A_400, %get3A_407 : vector<16xf32>
        %mul3A_409 = arith.constant 8 : i32
        %mul3A_410 = arith.muli %scan3A_399, %mul3A_409 : i32
        %add3A_411 = arith.constant 0 : i32
        %add3A_412 = arith.addi %mul3A_410, %add3A_411 : i32
        %get3A_413 = arith.index_cast %add3A_412 : i32 to index
        %get3A_414 = arith.constant 16 : index
        %get3A_415 = tpu.vector_load %arg12[%get3A_413, %get3A_414] {strides = array<i32>} : memref<200x32xf32, #tpu.memory_space<vmem>>, vector<16xf32>,
        %add3A_416 = arith.addf %scan3A_401, %get3A_415 : vector<16xf32>
        %mul3A_417 = arith.constant 8 : i32
        %mul3A_418 = arith.muli %scan3A_399, %mul3A_417 : i32
        %add3A_419 = arith.constant 1 : i32
        %add3A_420 = arith.addi %mul3A_418, %add3A_419 : i32
        %get3A_421 = arith.index_cast %add3A_420 : i32 to index
        %get3A_422 = arith.constant 0 : index
        %get3A_423 = tpu.vector_load %arg12[%get3A_421, %get3A_422] {strides = array<i32>} : memref<200x32xf32, #tpu.memory_space<vmem>>, vector<16xf32>,
        %add3A_424 = arith.addf %add3A_408, %get3A_423 : vector<16xf32>
        %mul3A_425 = arith.constant 8 : i32
        %mul3A_426 = arith.muli %scan3A_399, %mul3A_425 : i32
        %add3A_427 = arith.constant 1 : i32
        %add3A_428 = arith.addi %mul3A_426, %add3A_427 : i32
        %get3A_429 = arith.index_cast %add3A_428 : i32 to index
        %get3A_430 = arith.constant 16 : index
        %get3A_431 = tpu.vector_load %arg12[%get3A_429, %get3A_430] {strides = array<i32>} : memref<200x32xf32, #tpu.memory_space<vmem>>, vector<16xf32>,
        %add3A_432 = arith.addf %add3A_416, %get3A_431 : vector<16xf32>
        %mul3A_433 = arith.constant 8 : i32
        %mul3A_434 = arith.muli %scan3A_399, %mul3A_433 : i32
        %add3A_435 = arith.constant 2 : i32
        %add3A_436 = arith.addi %mul3A_434, %add3A_435 : i32
        %get3A_437 = arith.index_cast %add3A_436 : i32 to index
        %get3A_438 = arith.constant 0 : index
        %get3A_439 = tpu.vector_load %arg12[%get3A_437, %get3A_438] {strides = array<i32>} : memref<200x32xf32, #tpu.memory_space<vmem>>, vector<16xf32>,
        %add3A_440 = arith.addf %add3A_424, %get3A_439 : vector<16xf32>
        %mul3A_441 = arith.constant 8 : i32
        %mul3A_442 = arith.muli %scan3A_399, %mul3A_441 : i32
        %add3A_443 = arith.constant 2 : i32
        %add3A_444 = arith.addi %mul3A_442, %add3A_443 : i32
        %get3A_445 = arith.index_cast %add3A_444 : i32 to index
        %get3A_446 = arith.constant 16 : index
        %get3A_447 = tpu.vector_load %arg12[%get3A_445, %get3A_446] {strides = array<i32>} : memref<200x32xf32, #tpu.memory_space<vmem>>, vector<16xf32>,
        %add3A_448 = arith.addf %add3A_432, %get3A_447 : vector<16xf32>
        %mul3A_449 = arith.constant 8 : i32
        %mul3A_450 = arith.muli %scan3A_399, %mul3A_449 : i32
        %add3A_451 = arith.constant 3 : i32
        %add3A_452 = arith.addi %mul3A_450, %add3A_451 : i32
        %get3A_453 = arith.index_cast %add3A_452 : i32 to index
        %get3A_454 = arith.constant 0 : index
        %get3A_455 = tpu.vector_load %arg12[%get3A_453, %get3A_454] {strides = array<i32>} : memref<200x32xf32, #tpu.memory_space<vmem>>, vector<16xf32>,
        %add3A_456 = arith.addf %add3A_440, %get3A_455 : vector<16xf32>
        %mul3A_457 = arith.constant 8 : i32
        %mul3A_458 = arith.muli %scan3A_399, %mul3A_457 : i32
        %add3A_459 = arith.constant 3 : i32
        %add3A_460 = arith.addi %mul3A_458, %add3A_459 : i32
        %get3A_461 = arith.index_cast %add3A_460 : i32 to index
        %get3A_462 = arith.constant 16 : index
        %get3A_463 = tpu.vector_load %arg12[%get3A_461, %get3A_462] {strides = array<i32>} : memref<200x32xf32, #tpu.memory_space<vmem>>, vector<16xf32>,
        %add3A_464 = arith.addf %add3A_448, %get3A_463 : vector<16xf32>
        %mul3A_465 = arith.constant 8 : i32
        %mul3A_466 = arith.muli %scan3A_399, %mul3A_465 : i32
        %add3A_467 = arith.constant 4 : i32
        %add3A_468 = arith.addi %mul3A_466, %add3A_467 : i32
        %get3A_469 = arith.index_cast %add3A_468 : i32 to index
        %get3A_470 = arith.constant 0 : index
        %get3A_471 = tpu.vector_load %arg12[%get3A_469, %get3A_470] {strides = array<i32>} : memref<200x32xf32, #tpu.memory_space<vmem>>, vector<16xf32>,
        %add3A_472 = arith.addf %add3A_456, %get3A_471 : vector<16xf32>
        %mul3A_473 = arith.constant 8 : i32
        %mul3A_474 = arith.muli %scan3A_399, %mul3A_473 : i32
        %add3A_475 = arith.constant 4 : i32
        %add3A_476 = arith.addi %mul3A_474, %add3A_475 : i32
        %get3A_477 = arith.index_cast %add3A_476 : i32 to index
        %get3A_478 = arith.constant 16 : index
        %get3A_479 = tpu.vector_load %arg12[%get3A_477, %get3A_478] {strides = array<i32>} : memref<200x32xf32, #tpu.memory_space<vmem>>, vector<16xf32>,
        %add3A_480 = arith.addf %add3A_464, %get3A_479 : vector<16xf32>
        %mul3A_481 = arith.constant 8 : i32
        %mul3A_482 = arith.muli %scan3A_399, %mul3A_481 : i32
        %add3A_483 = arith.constant 5 : i32
        %add3A_484 = arith.addi %mul3A_482, %add3A_483 : i32
        %get3A_485 = arith.index_cast %add3A_484 : i32 to index
        %get3A_486 = arith.constant 0 : index
        %get3A_487 = tpu.vector_load %arg12[%get3A_485, %get3A_486] {strides = array<i32>} : memref<200x32xf32, #tpu.memory_space<vmem>>, vector<16xf32>,
        %add3A_488 = arith.addf %add3A_472, %get3A_487 : vector<16xf32>
        %mul3A_489 = arith.constant 8 : i32
        %mul3A_490 = arith.muli %scan3A_399, %mul3A_489 : i32
        %add3A_491 = arith.constant 5 : i32
        %add3A_492 = arith.addi %mul3A_490, %add3A_491 : i32
        %get3A_493 = arith.index_cast %add3A_492 : i32 to index
        %get3A_494 = arith.constant 16 : index
        %get3A_495 = tpu.vector_load %arg12[%get3A_493, %get3A_494] {strides = array<i32>} : memref<200x32xf32, #tpu.memory_space<vmem>>, vector<16xf32>,
        %add3A_496 = arith.addf %add3A_480, %get3A_495 : vector<16xf32>
        %mul3A_497 = arith.constant 8 : i32
        %mul3A_498 = arith.muli %scan3A_399, %mul3A_497 : i32
        %add3A_499 = arith.constant 6 : i32
        %add3A_500 = arith.addi %mul3A_498, %add3A_499 : i32
        %get3A_501 = arith.index_cast %add3A_500 : i32 to index
        %get3A_502 = arith.constant 0 : index
        %get3A_503 = tpu.vector_load %arg12[%get3A_501, %get3A_502] {strides = array<i32>} : memref<200x32xf32, #tpu.memory_space<vmem>>, vector<16xf32>,
        %add3A_504 = arith.addf %add3A_488, %get3A_503 : vector<16xf32>
        %mul3A_505 = arith.constant 8 : i32
        %mul3A_506 = arith.muli %scan3A_399, %mul3A_505 : i32
        %add3A_507 = arith.constant 6 : i32
        %add3A_508 = arith.addi %mul3A_506, %add3A_507 : i32
        %get3A_509 = arith.index_cast %add3A_508 : i32 to index
        %get3A_510 = arith.constant 16 : index
        %get3A_511 = tpu.vector_load %arg12[%get3A_509, %get3A_510] {strides = array<i32>} : memref<200x32xf32, #tpu.memory_space<vmem>>, vector<16xf32>,
        %add3A_512 = arith.addf %add3A_496, %get3A_511 : vector<16xf32>
        %mul3A_513 = arith.constant 8 : i32
        %mul3A_514 = arith.muli %scan3A_399, %mul3A_513 : i32
        %add3A_515 = arith.constant 7 : i32
        %add3A_516 = arith.addi %mul3A_514, %add3A_515 : i32
        %get3A_517 = arith.index_cast %add3A_516 : i32 to index
        %get3A_518 = arith.constant 0 : index
        %get3A_519 = tpu.vector_load %arg12[%get3A_517, %get3A_518] {strides = array<i32>} : memref<200x32xf32, #tpu.memory_space<vmem>>, vector<16xf32>,
        %add3A_520 = arith.addf %add3A_504, %get3A_519 : vector<16xf32>
        %mul3A_521 = arith.constant 8 : i32
        %mul3A_522 = arith.muli %scan3A_399, %mul3A_521 : i32
        %add3A_523 = arith.constant 7 : i32
        %add3A_524 = arith.addi %mul3A_522, %add3A_523 : i32
        %get3A_525 = arith.index_cast %add3A_524 : i32 to index
        %get3A_526 = arith.constant 16 : index
        %get3A_527 = tpu.vector_load %arg12[%get3A_525, %get3A_526] {strides = array<i32>} : memref<200x32xf32, #tpu.memory_space<vmem>>, vector<16xf32>,
        %add3A_528 = arith.addf %add3A_512, %get3A_527 : vector<16xf32>
        scf.yield %add3A_520, %add3A_528 : vector<16xf32>, vector<16xf32>
      }
      %scan3A_348 = arith.constant 25 : i32
      %swap3A = arith.index_cast %mul3A_321 : i32 to index
      %swap3A_349 = arith.constant 0 : index
      %swap3A_350 = tpu.vector_load %arg14[%swap3A, %swap3A_349] {strides = array<i32>} : memref<128x32xf32, #tpu.memory_space<vmem>>, vector<16xf32>,
      tpu.vector_store %arg14[%swap3A, %swap3A_349], %scan3A_347#0 {strides = array<i32>} : memref<128x32xf32, #tpu.memory_space<vmem>>, vector<16xf32>,
      %swap3A_351 = arith.index_cast %mul3A_321 : i32 to index
      %swap3A_352 = arith.constant 16 : index
      %swap3A_353 = tpu.vector_load %arg14[%swap3A_351, %swap3A_352] {strides = array<i32>} : memref<128x32xf32, #tpu.memory_space<vmem>>, vector<16xf32>,
      tpu.vector_store %arg14[%swap3A_351, %swap3A_352], %scan3A_347#1 {strides = array<i32>} : memref<128x32xf32, #tpu.memory_space<vmem>>, vector<16xf32>,
      %lt3A = arith.constant 63 : i32
      %lt3A_354 = arith.cmpi slt, %scan3A_319, %lt3A : i32
      %convert_element_type3A_355 = arith.extui %lt3A_354 : i1 to i32
      %cond3A_356 = arith.constant 0 : i32
      %cond3A_357 = arith.cmpi ne, %convert_element_type3A_355, %cond3A_356 : i32
      scf.if %cond3A_357 {
        %add3A_399 = arith.constant 2 : i32
        %add3A_400 = arith.addi %mul3A_321, %add3A_399 : i32
        %dma_start3A_401 = arith.constant 0 : i32
        %dma_start3A_402 = arith.constant 0 : i32
        %dma_start3A_403 = tpu.memref_slice %arg12[%dma_start3A_401, %dma_start3A_402] : memref<200x32xf32, #tpu.memory_space<vmem>> -> memref<128x32xf32, #tpu.memory_space<vmem>>
        %dma_start3A_404 = arith.constant 0 : i32
        %dma_start3A_405 = tpu.memref_slice %arg11[%add3A_400, %dma_start3A_404] : memref<128x200xi32, #tpu.memory_space<vmem>> -> memref<1x128xi32, #tpu.memory_space<vmem>>
        %dma_start3A_406 = tpu.memref_squeeze %dma_start3A_405 : memref<1x128xi32, #tpu.memory_space<vmem>> -> memref<128xi32, #tpu.memory_space<vmem>>
        %dma_start3A_407 = arith.constant 0 : i32
        %dma_start3A_408 = arith.constant 0 : i32
        %dma_start3A_409 = tpu.memref_slice %arg15[%dma_start3A_407, %dma_start3A_408] : memref<1000x32xf32, #tpu.memory_space<vmem_shared>> -> memref<1000x32xf32, #tpu.memory_space<vmem_shared>>
        tpu.enqueue_indirect_dma source(%dma_start3A_409 : memref<1000x32xf32, #tpu.memory_space<vmem_shared>>) target(%dma_start3A_403 : memref<128x32xf32, #tpu.memory_space<vmem>>) offsets(%dma_start3A_406 : memref<128xi32, #tpu.memory_space<vmem>>) semaphore(%arg18 : memref<!tpu.dma_semaphore, #tpu.memory_space<semaphore_mem>>)
        %dma_start3A_410 = arith.constant 128 : i32
        %dma_start3A_411 = arith.constant 0 : i32
        %dma_start3A_412 = tpu.memref_slice %arg12[%dma_start3A_410, %dma_start3A_411] : memref<200x32xf32, #tpu.memory_space<vmem>> -> memref<72x32xf32, #tpu.memory_space<vmem>>
        %dma_start3A_413 = arith.constant 128 : i32
        %dma_start3A_414 = tpu.memref_slice %arg11[%add3A_400, %dma_start3A_413] : memref<128x200xi32, #tpu.memory_space<vmem>> -> memref<1x72xi32, #tpu.memory_space<vmem>>
        %dma_start3A_415 = tpu.memref_squeeze %dma_start3A_414 : memref<1x72xi32, #tpu.memory_space<vmem>> -> memref<72xi32, #tpu.memory_space<vmem>>
        %dma_start3A_416 = arith.constant 0 : i32
        %dma_start3A_417 = arith.constant 0 : i32
        %dma_start3A_418 = tpu.memref_slice %arg15[%dma_start3A_416, %dma_start3A_417] : memref<1000x32xf32, #tpu.memory_space<vmem_shared>> -> memref<1000x32xf32, #tpu.memory_space<vmem_shared>>
        tpu.enqueue_indirect_dma source(%dma_start3A_418 : memref<1000x32xf32, #tpu.memory_space<vmem_shared>>) target(%dma_start3A_412 : memref<72x32xf32, #tpu.memory_space<vmem>>) offsets(%dma_start3A_415 : memref<72xi32, #tpu.memory_space<vmem>>) semaphore(%arg18 : memref<!tpu.dma_semaphore, #tpu.memory_space<semaphore_mem>>)
      } else {
      }
      %dma_wait3A_358 = arith.constant 0 : i32
      %dma_wait3A_359 = arith.constant 0 : i32
      %dma_wait3A_360 = arith.constant 0 : i32
      %dma_wait3A_361 = tpu.memref_slice %arg13[%dma_wait3A_359, %dma_wait3A_360] : memref<200x32xf32, #tpu.memory_space<vmem>> -> memref<128x32xf32, #tpu.memory_space<vmem>>
      %dma_wait3A_362 = arith.constant 0 : i32
      %dma_wait3A_363 = tpu.memref_slice %arg11[%dma_wait3A_358, %dma_wait3A_362] : memref<128x200xi32, #tpu.memory_space<vmem>> -> memref<1x128xi32, #tpu.memory_space<vmem>>
      %dma_wait3A_364 = tpu.memref_squeeze %dma_wait3A_363 : memref<1x128xi32, #tpu.memory_space<vmem>> -> memref<128xi32, #tpu.memory_space<vmem>>
      %dma_wait3A_365 = arith.constant 0 : i32
      %dma_wait3A_366 = arith.constant 0 : i32
      %dma_wait3A_367 = tpu.memref_slice %arg15[%dma_wait3A_365, %dma_wait3A_366] : memref<1000x32xf32, #tpu.memory_space<vmem_shared>> -> memref<1000x32xf32, #tpu.memory_space<vmem_shared>>
      tpu.wait_indirect_dma semaphore(%arg19 : memref<!tpu.dma_semaphore, #tpu.memory_space<semaphore_mem>>) src(%dma_wait3A_367 : memref<1000x32xf32, #tpu.memory_space<vmem_shared>>) dst(%dma_wait3A_361 : memref<128x32xf32, #tpu.memory_space<vmem>>)
      %dma_wait3A_368 = arith.constant 0 : i32
      %dma_wait3A_369 = arith.constant 128 : i32
      %dma_wait3A_370 = arith.constant 0 : i32
      %dma_wait3A_371 = tpu.memref_slice %arg13[%dma_wait3A_369, %dma_wait3A_370] : memref<200x32xf32, #tpu.memory_space<vmem>> -> memref<72x32xf32, #tpu.memory_space<vmem>>
      %dma_wait3A_372 = arith.constant 128 : i32
      %dma_wait3A_373 = tpu.memref_slice %arg11[%dma_wait3A_368, %dma_wait3A_372] : memref<128x200xi32, #tpu.memory_space<vmem>> -> memref<1x72xi32, #tpu.memory_space<vmem>>
      %dma_wait3A_374 = tpu.memref_squeeze %dma_wait3A_373 : memref<1x72xi32, #tpu.memory_space<vmem>> -> memref<72xi32, #tpu.memory_space<vmem>>
      %dma_wait3A_375 = arith.constant 0 : i32
      %dma_wait3A_376 = arith.constant 0 : i32
      %dma_wait3A_377 = tpu.memref_slice %arg15[%dma_wait3A_375, %dma_wait3A_376] : memref<1000x32xf32, #tpu.memory_space<vmem_shared>> -> memref<1000x32xf32, #tpu.memory_space<vmem_shared>>
      tpu.wait_indirect_dma semaphore(%arg19 : memref<!tpu.dma_semaphore, #tpu.memory_space<semaphore_mem>>) src(%dma_wait3A_377 : memref<1000x32xf32, #tpu.memory_space<vmem_shared>>) dst(%dma_wait3A_371 : memref<72x32xf32, #tpu.memory_space<vmem>>)
      %add3A_378 = arith.constant 1 : i32
      %add3A_379 = arith.addi %mul3A_321, %add3A_378 : i32
      %broadcast_in_dim3A_380 = arith.constant 0.000000e+00 : f32
      %broadcast_in_dim3A_381 = vector.broadcast %broadcast_in_dim3A_380 : f32 to vector<16xf32>
      %scan3A_382 = arith.constant 0 : i32
      %scan3A_383 = arith.constant 25 : i32
      %scan3A_384 = arith.addi %scan3A_382, %scan3A_383 : i32
      %scan3A_385 = arith.constant 1 : i32
      %scan3A_386:2 = scf.for %scan3A_399 = %scan3A_382 to %scan3A_384 step %scan3A_385 iter_args(%scan3A_400 = %broadcast_in_dim3A_381, %scan3A_401 = %broadcast_in_dim3A_381) -> (vector<16xf32>, vector<16xf32>)  : i32 {
        %mul3A_402 = arith.constant 8 : i32
        %mul3A_403 = arith.muli %scan3A_399, %mul3A_402 : i32
        %add3A_404 = arith.constant 0 : i32
        %add3A_405 = arith.addi %mul3A_403, %add3A_404 : i32
        %get3A = arith.index_cast %add3A_405 : i32 to index
        %get3A_406 = arith.constant 0 : index
        %get3A_407 = tpu.vector_load %arg13[%get3A, %get3A_406] {strides = array<i32>} : memref<200x32xf32, #tpu.memory_space<vmem>>, vector<16xf32>,
        %add3A_408 = arith.addf %scan3A_400, %get3A_407 : vector<16xf32>
        %mul3A_409 = arith.constant 8 : i32
        %mul3A_410 = arith.muli %scan3A_399, %mul3A_409 : i32
        %add3A_411 = arith.constant 0 : i32
        %add3A_412 = arith.addi %mul3A_410, %add3A_411 : i32
        %get3A_413 = arith.index_cast %add3A_412 : i32 to index
        %get3A_414 = arith.constant 16 : index
        %get3A_415 = tpu.vector_load %arg13[%get3A_413, %get3A_414] {strides = array<i32>} : memref<200x32xf32, #tpu.memory_space<vmem>>, vector<16xf32>,
        %add3A_416 = arith.addf %scan3A_401, %get3A_415 : vector<16xf32>
        %mul3A_417 = arith.constant 8 : i32
        %mul3A_418 = arith.muli %scan3A_399, %mul3A_417 : i32
        %add3A_419 = arith.constant 1 : i32
        %add3A_420 = arith.addi %mul3A_418, %add3A_419 : i32
        %get3A_421 = arith.index_cast %add3A_420 : i32 to index
        %get3A_422 = arith.constant 0 : index
        %get3A_423 = tpu.vector_load %arg13[%get3A_421, %get3A_422] {strides = array<i32>} : memref<200x32xf32, #tpu.memory_space<vmem>>, vector<16xf32>,
        %add3A_424 = arith.addf %add3A_408, %get3A_423 : vector<16xf32>
        %mul3A_425 = arith.constant 8 : i32
        %mul3A_426 = arith.muli %scan3A_399, %mul3A_425 : i32
        %add3A_427 = arith.constant 1 : i32
        %add3A_428 = arith.addi %mul3A_426, %add3A_427 : i32
        %get3A_429 = arith.index_cast %add3A_428 : i32 to index
        %get3A_430 = arith.constant 16 : index
        %get3A_431 = tpu.vector_load %arg13[%get3A_429, %get3A_430] {strides = array<i32>} : memref<200x32xf32, #tpu.memory_space<vmem>>, vector<16xf32>,
        %add3A_432 = arith.addf %add3A_416, %get3A_431 : vector<16xf32>
        %mul3A_433 = arith.constant 8 : i32
        %mul3A_434 = arith.muli %scan3A_399, %mul3A_433 : i32
        %add3A_435 = arith.constant 2 : i32
        %add3A_436 = arith.addi %mul3A_434, %add3A_435 : i32
        %get3A_437 = arith.index_cast %add3A_436 : i32 to index
        %get3A_438 = arith.constant 0 : index
        %get3A_439 = tpu.vector_load %arg13[%get3A_437, %get3A_438] {strides = array<i32>} : memref<200x32xf32, #tpu.memory_space<vmem>>, vector<16xf32>,
        %add3A_440 = arith.addf %add3A_424, %get3A_439 : vector<16xf32>
        %mul3A_441 = arith.constant 8 : i32
        %mul3A_442 = arith.muli %scan3A_399, %mul3A_441 : i32
        %add3A_443 = arith.constant 2 : i32
        %add3A_444 = arith.addi %mul3A_442, %add3A_443 : i32
        %get3A_445 = arith.index_cast %add3A_444 : i32 to index
        %get3A_446 = arith.constant 16 : index
        %get3A_447 = tpu.vector_load %arg13[%get3A_445, %get3A_446] {strides = array<i32>} : memref<200x32xf32, #tpu.memory_space<vmem>>, vector<16xf32>,
        %add3A_448 = arith.addf %add3A_432, %get3A_447 : vector<16xf32>
        %mul3A_449 = arith.constant 8 : i32
        %mul3A_450 = arith.muli %scan3A_399, %mul3A_449 : i32
        %add3A_451 = arith.constant 3 : i32
        %add3A_452 = arith.addi %mul3A_450, %add3A_451 : i32
        %get3A_453 = arith.index_cast %add3A_452 : i32 to index
        %get3A_454 = arith.constant 0 : index
        %get3A_455 = tpu.vector_load %arg13[%get3A_453, %get3A_454] {strides = array<i32>} : memref<200x32xf32, #tpu.memory_space<vmem>>, vector<16xf32>,
        %add3A_456 = arith.addf %add3A_440, %get3A_455 : vector<16xf32>
        %mul3A_457 = arith.constant 8 : i32
        %mul3A_458 = arith.muli %scan3A_399, %mul3A_457 : i32
        %add3A_459 = arith.constant 3 : i32
        %add3A_460 = arith.addi %mul3A_458, %add3A_459 : i32
        %get3A_461 = arith.index_cast %add3A_460 : i32 to index
        %get3A_462 = arith.constant 16 : index
        %get3A_463 = tpu.vector_load %arg13[%get3A_461, %get3A_462] {strides = array<i32>} : memref<200x32xf32, #tpu.memory_space<vmem>>, vector<16xf32>,
        %add3A_464 = arith.addf %add3A_448, %get3A_463 : vector<16xf32>
        %mul3A_465 = arith.constant 8 : i32
        %mul3A_466 = arith.muli %scan3A_399, %mul3A_465 : i32
        %add3A_467 = arith.constant 4 : i32
        %add3A_468 = arith.addi %mul3A_466, %add3A_467 : i32
        %get3A_469 = arith.index_cast %add3A_468 : i32 to index
        %get3A_470 = arith.constant 0 : index
        %get3A_471 = tpu.vector_load %arg13[%get3A_469, %get3A_470] {strides = array<i32>} : memref<200x32xf32, #tpu.memory_space<vmem>>, vector<16xf32>,
        %add3A_472 = arith.addf %add3A_456, %get3A_471 : vector<16xf32>
        %mul3A_473 = arith.constant 8 : i32
        %mul3A_474 = arith.muli %scan3A_399, %mul3A_473 : i32
        %add3A_475 = arith.constant 4 : i32
        %add3A_476 = arith.addi %mul3A_474, %add3A_475 : i32
        %get3A_477 = arith.index_cast %add3A_476 : i32 to index
        %get3A_478 = arith.constant 16 : index
        %get3A_479 = tpu.vector_load %arg13[%get3A_477, %get3A_478] {strides = array<i32>} : memref<200x32xf32, #tpu.memory_space<vmem>>, vector<16xf32>,
        %add3A_480 = arith.addf %add3A_464, %get3A_479 : vector<16xf32>
        %mul3A_481 = arith.constant 8 : i32
        %mul3A_482 = arith.muli %scan3A_399, %mul3A_481 : i32
        %add3A_483 = arith.constant 5 : i32
        %add3A_484 = arith.addi %mul3A_482, %add3A_483 : i32
        %get3A_485 = arith.index_cast %add3A_484 : i32 to index
        %get3A_486 = arith.constant 0 : index
        %get3A_487 = tpu.vector_load %arg13[%get3A_485, %get3A_486] {strides = array<i32>} : memref<200x32xf32, #tpu.memory_space<vmem>>, vector<16xf32>,
        %add3A_488 = arith.addf %add3A_472, %get3A_487 : vector<16xf32>
        %mul3A_489 = arith.constant 8 : i32
        %mul3A_490 = arith.muli %scan3A_399, %mul3A_489 : i32
        %add3A_491 = arith.constant 5 : i32
        %add3A_492 = arith.addi %mul3A_490, %add3A_491 : i32
        %get3A_493 = arith.index_cast %add3A_492 : i32 to index
        %get3A_494 = arith.constant 16 : index
        %get3A_495 = tpu.vector_load %arg13[%get3A_493, %get3A_494] {strides = array<i32>} : memref<200x32xf32, #tpu.memory_space<vmem>>, vector<16xf32>,
        %add3A_496 = arith.addf %add3A_480, %get3A_495 : vector<16xf32>
        %mul3A_497 = arith.constant 8 : i32
        %mul3A_498 = arith.muli %scan3A_399, %mul3A_497 : i32
        %add3A_499 = arith.constant 6 : i32
        %add3A_500 = arith.addi %mul3A_498, %add3A_499 : i32
        %get3A_501 = arith.index_cast %add3A_500 : i32 to index
        %get3A_502 = arith.constant 0 : index
        %get3A_503 = tpu.vector_load %arg13[%get3A_501, %get3A_502] {strides = array<i32>} : memref<200x32xf32, #tpu.memory_space<vmem>>, vector<16xf32>,
        %add3A_504 = arith.addf %add3A_488, %get3A_503 : vector<16xf32>
        %mul3A_505 = arith.constant 8 : i32
        %mul3A_506 = arith.muli %scan3A_399, %mul3A_505 : i32
        %add3A_507 = arith.constant 6 : i32
        %add3A_508 = arith.addi %mul3A_506, %add3A_507 : i32
        %get3A_509 = arith.index_cast %add3A_508 : i32 to index
        %get3A_510 = arith.constant 16 : index
        %get3A_511 = tpu.vector_load %arg13[%get3A_509, %get3A_510] {strides = array<i32>} : memref<200x32xf32, #tpu.memory_space<vmem>>, vector<16xf32>,
        %add3A_512 = arith.addf %add3A_496, %get3A_511 : vector<16xf32>
        %mul3A_513 = arith.constant 8 : i32
        %mul3A_514 = arith.muli %scan3A_399, %mul3A_513 : i32
        %add3A_515 = arith.constant 7 : i32
        %add3A_516 = arith.addi %mul3A_514, %add3A_515 : i32
        %get3A_517 = arith.index_cast %add3A_516 : i32 to index
        %get3A_518 = arith.constant 0 : index
        %get3A_519 = tpu.vector_load %arg13[%get3A_517, %get3A_518] {strides = array<i32>} : memref<200x32xf32, #tpu.memory_space<vmem>>, vector<16xf32>,
        %add3A_520 = arith.addf %add3A_504, %get3A_519 : vector<16xf32>
        %mul3A_521 = arith.constant 8 : i32
        %mul3A_522 = arith.muli %scan3A_399, %mul3A_521 : i32
        %add3A_523 = arith.constant 7 : i32
        %add3A_524 = arith.addi %mul3A_522, %add3A_523 : i32
        %get3A_525 = arith.index_cast %add3A_524 : i32 to index
        %get3A_526 = arith.constant 16 : index
        %get3A_527 = tpu.vector_load %arg13[%get3A_525, %get3A_526] {strides = array<i32>} : memref<200x32xf32, #tpu.memory_space<vmem>>, vector<16xf32>,
        %add3A_528 = arith.addf %add3A_512, %get3A_527 : vector<16xf32>
        scf.yield %add3A_520, %add3A_528 : vector<16xf32>, vector<16xf32>
      }
      %scan3A_387 = arith.constant 25 : i32
      %swap3A_388 = arith.index_cast %add3A_379 : i32 to index
      %swap3A_389 = arith.constant 0 : index
      %swap3A_390 = tpu.vector_load %arg14[%swap3A_388, %swap3A_389] {strides = array<i32>} : memref<128x32xf32, #tpu.memory_space<vmem>>, vector<16xf32>,
      tpu.vector_store %arg14[%swap3A_388, %swap3A_389], %scan3A_386#0 {strides = array<i32>} : memref<128x32xf32, #tpu.memory_space<vmem>>, vector<16xf32>,
      %swap3A_391 = arith.index_cast %add3A_379 : i32 to index
      %swap3A_392 = arith.constant 16 : index
      %swap3A_393 = tpu.vector_load %arg14[%swap3A_391, %swap3A_392] {strides = array<i32>} : memref<128x32xf32, #tpu.memory_space<vmem>>, vector<16xf32>,
      tpu.vector_store %arg14[%swap3A_391, %swap3A_392], %scan3A_386#1 {strides = array<i32>} : memref<128x32xf32, #tpu.memory_space<vmem>>, vector<16xf32>,
      %lt3A_394 = arith.constant 63 : i32
      %lt3A_395 = arith.cmpi slt, %scan3A_319, %lt3A_394 : i32
      %convert_element_type3A_396 = arith.extui %lt3A_395 : i1 to i32
      %cond3A_397 = arith.constant 0 : i32
      %cond3A_398 = arith.cmpi ne, %convert_element_type3A_396, %cond3A_397 : i32
      scf.if %cond3A_398 {
        %add3A_399 = arith.constant 3 : i32
        %add3A_400 = arith.addi %mul3A_321, %add3A_399 : i32
        %dma_start3A_401 = arith.constant 0 : i32
        %dma_start3A_402 = arith.constant 0 : i32
        %dma_start3A_403 = tpu.memref_slice %arg13[%dma_start3A_401, %dma_start3A_402] : memref<200x32xf32, #tpu.memory_space<vmem>> -> memref<128x32xf32, #tpu.memory_space<vmem>>
        %dma_start3A_404 = arith.constant 0 : i32
        %dma_start3A_405 = tpu.memref_slice %arg11[%add3A_400, %dma_start3A_404] : memref<128x200xi32, #tpu.memory_space<vmem>> -> memref<1x128xi32, #tpu.memory_space<vmem>>
        %dma_start3A_406 = tpu.memref_squeeze %dma_start3A_405 : memref<1x128xi32, #tpu.memory_space<vmem>> -> memref<128xi32, #tpu.memory_space<vmem>>
        %dma_start3A_407 = arith.constant 0 : i32
        %dma_start3A_408 = arith.constant 0 : i32
        %dma_start3A_409 = tpu.memref_slice %arg15[%dma_start3A_407, %dma_start3A_408] : memref<1000x32xf32, #tpu.memory_space<vmem_shared>> -> memref<1000x32xf32, #tpu.memory_space<vmem_shared>>
        tpu.enqueue_indirect_dma source(%dma_start3A_409 : memref<1000x32xf32, #tpu.memory_space<vmem_shared>>) target(%dma_start3A_403 : memref<128x32xf32, #tpu.memory_space<vmem>>) offsets(%dma_start3A_406 : memref<128xi32, #tpu.memory_space<vmem>>) semaphore(%arg19 : memref<!tpu.dma_semaphore, #tpu.memory_space<semaphore_mem>>)
        %dma_start3A_410 = arith.constant 128 : i32
        %dma_start3A_411 = arith.constant 0 : i32
        %dma_start3A_412 = tpu.memref_slice %arg13[%dma_start3A_410, %dma_start3A_411] : memref<200x32xf32, #tpu.memory_space<vmem>> -> memref<72x32xf32, #tpu.memory_space<vmem>>
        %dma_start3A_413 = arith.constant 128 : i32
        %dma_start3A_414 = tpu.memref_slice %arg11[%add3A_400, %dma_start3A_413] : memref<128x200xi32, #tpu.memory_space<vmem>> -> memref<1x72xi32, #tpu.memory_space<vmem>>
        %dma_start3A_415 = tpu.memref_squeeze %dma_start3A_414 : memref<1x72xi32, #tpu.memory_space<vmem>> -> memref<72xi32, #tpu.memory_space<vmem>>
        %dma_start3A_416 = arith.constant 0 : i32
        %dma_start3A_417 = arith.constant 0 : i32
        %dma_start3A_418 = tpu.memref_slice %arg15[%dma_start3A_416, %dma_start3A_417] : memref<1000x32xf32, #tpu.memory_space<vmem_shared>> -> memref<1000x32xf32, #tpu.memory_space<vmem_shared>>
        tpu.enqueue_indirect_dma source(%dma_start3A_418 : memref<1000x32xf32, #tpu.memory_space<vmem_shared>>) target(%dma_start3A_412 : memref<72x32xf32, #tpu.memory_space<vmem>>) offsets(%dma_start3A_415 : memref<72xi32, #tpu.memory_space<vmem>>) semaphore(%arg19 : memref<!tpu.dma_semaphore, #tpu.memory_space<semaphore_mem>>)
      } else {
      }
    }
    %scan3A_130 = arith.constant 64 : i32
    %run_scoped3A = arith.constant 0 : i32
    "tpu.region"() ({
      %run_scoped3A_319 = tpu.sem_alloc : memref<!tpu.dma_semaphore, #tpu.memory_space<semaphore_mem>>
      %dma_start3A_320 = arith.constant 0 : i32
      %dma_start3A_321 = tpu.memref_slice %arg9[%run_scoped3A, %add3A_5, %dma_start3A_320] : memref<4x4096x32xf32, #tpu.memory_space<hbm>> -> memref<1x128x32xf32, #tpu.memory_space<hbm>>
      %dma_start3A_322 = tpu.memref_squeeze %dma_start3A_321 : memref<1x128x32xf32, #tpu.memory_space<hbm>> -> memref<128x32xf32, #tpu.memory_space<hbm>>
      %dma_start3A_323 = arith.constant 0 : i32
      %dma_start3A_324 = tpu.memref_slice %arg9[%run_scoped3A, %add3A_5, %dma_start3A_323] : memref<4x4096x32xf32, #tpu.memory_space<hbm>> -> memref<1x128x32xf32, #tpu.memory_space<hbm>>
      %dma_start3A_325 = tpu.memref_squeeze %dma_start3A_324 : memref<1x128x32xf32, #tpu.memory_space<hbm>> -> memref<128x32xf32, #tpu.memory_space<hbm>>
      tpu.enqueue_dma source(%arg14 : memref<128x32xf32, #tpu.memory_space<vmem>>) target(%dma_start3A_325 : memref<128x32xf32, #tpu.memory_space<hbm>>) target_semaphore(%run_scoped3A_319 : memref<!tpu.dma_semaphore, #tpu.memory_space<semaphore_mem>>)
      %dma_wait3A_326 = arith.constant 0 : i32
      %dma_wait3A_327 = tpu.memref_slice %arg9[%run_scoped3A, %add3A_5, %dma_wait3A_326] : memref<4x4096x32xf32, #tpu.memory_space<hbm>> -> memref<1x128x32xf32, #tpu.memory_space<hbm>>
      %dma_wait3A_328 = tpu.memref_squeeze %dma_wait3A_327 : memref<1x128x32xf32, #tpu.memory_space<hbm>> -> memref<128x32xf32, #tpu.memory_space<hbm>>
      %dma_wait3A_329 = arith.constant 0 : i32
      %dma_wait3A_330 = tpu.memref_slice %arg9[%run_scoped3A, %add3A_5, %dma_wait3A_329] : memref<4x4096x32xf32, #tpu.memory_space<hbm>> -> memref<1x128x32xf32, #tpu.memory_space<hbm>>
      %dma_wait3A_331 = tpu.memref_squeeze %dma_wait3A_330 : memref<1x128x32xf32, #tpu.memory_space<hbm>> -> memref<128x32xf32, #tpu.memory_space<hbm>>
      tpu.wait_dma2 semaphore(%run_scoped3A_319 : memref<!tpu.dma_semaphore, #tpu.memory_space<semaphore_mem>>) src(%arg14 : memref<128x32xf32, #tpu.memory_space<vmem>>) dst(%dma_wait3A_331 : memref<128x32xf32, #tpu.memory_space<hbm>>)
      tpu.yield
    }) : () -> ()
    %dma_wait3A_131 = arith.constant 1 : i32
    %dma_wait3A_132 = arith.constant 0 : i32
    %dma_wait3A_133 = arith.constant 0 : i32
    %dma_wait3A_134 = arith.constant 0 : i32
    %dma_wait3A_135 = tpu.memref_slice %arg10[%dma_wait3A_131, %dma_wait3A_132, %dma_wait3A_133, %dma_wait3A_134] : memref<2x25x8x128xi32, #tpu.memory_space<vmem>> -> memref<1x25x8x128xi32, #tpu.memory_space<vmem>>
    %dma_wait3A_136 = tpu.memref_squeeze %dma_wait3A_135 : memref<1x25x8x128xi32, #tpu.memory_space<vmem>> -> memref<25x8x128xi32, #tpu.memory_space<vmem>>
    %dma_wait3A_137 = arith.constant 0 : i32
    %dma_wait3A_138 = arith.constant 0 : i32
    %dma_wait3A_139 = arith.constant 0 : i32
    %dma_wait3A_140 = tpu.memref_slice %arg3[%dma_wait3A_137, %add3A, %dma_wait3A_138, %dma_wait3A_139] : memref<25x32x8x128xi32, #tpu.memory_space<hbm>> -> memref<25x1x8x128xi32, #tpu.memory_space<hbm>>
    %dma_wait3A_141 = tpu.memref_squeeze %dma_wait3A_140 : memref<25x1x8x128xi32, #tpu.memory_space<hbm>> -> memref<25x8x128xi32, #tpu.memory_space<hbm>>
    %dma_wait3A_142 = arith.constant 0 : i32
    %dma_wait3A_143 = arith.constant 0 : i32
    %dma_wait3A_144 = arith.constant 0 : i32
    %dma_wait3A_145 = tpu.memref_slice %arg10[%dma_wait3A_131, %dma_wait3A_142, %dma_wait3A_143, %dma_wait3A_144] : memref<2x25x8x128xi32, #tpu.memory_space<vmem>> -> memref<1x25x8x128xi32, #tpu.memory_space<vmem>>
    %dma_wait3A_146 = tpu.memref_squeeze %dma_wait3A_145 : memref<1x25x8x128xi32, #tpu.memory_space<vmem>> -> memref<25x8x128xi32, #tpu.memory_space<vmem>>
    %dma_wait3A_147 = arith.constant 0 : i32
    %dma_wait3A_148 = arith.constant 0 : i32
    %dma_wait3A_149 = arith.constant 0 : i32
    %dma_wait3A_150 = tpu.memref_slice %arg3[%dma_wait3A_147, %add3A, %dma_wait3A_148, %dma_wait3A_149] : memref<25x32x8x128xi32, #tpu.memory_space<hbm>> -> memref<25x1x8x128xi32, #tpu.memory_space<hbm>>
    %dma_wait3A_151 = tpu.memref_squeeze %dma_wait3A_150 : memref<25x1x8x128xi32, #tpu.memory_space<hbm>> -> memref<25x8x128xi32, #tpu.memory_space<hbm>>
    tpu.wait_dma2 semaphore(%arg20 : memref<!tpu.dma_semaphore, #tpu.memory_space<semaphore_mem>>) src(%dma_wait3A_151 : memref<25x8x128xi32, #tpu.memory_space<hbm>>) dst(%dma_wait3A_146 : memref<25x8x128xi32, #tpu.memory_space<vmem>>)
    %dma_start3A_152 = arith.constant 0 : i32
    %dma_start3A_153 = arith.constant 0 : i32
    %dma_start3A_154 = arith.constant 0 : i32
    %dma_start3A_155 = arith.constant 0 : i32
    %dma_start3A_156 = tpu.memref_slice %arg10[%dma_start3A_152, %dma_start3A_153, %dma_start3A_154, %dma_start3A_155] : memref<2x25x8x128xi32, #tpu.memory_space<vmem>> -> memref<1x25x8x128xi32, #tpu.memory_space<vmem>>
    %dma_start3A_157 = tpu.memref_squeeze %dma_start3A_156 : memref<1x25x8x128xi32, #tpu.memory_space<vmem>> -> memref<25x8x128xi32, #tpu.memory_space<vmem>>
    %dma_start3A_158 = arith.constant 0 : i32
    %dma_start3A_159 = arith.constant 0 : i32
    %dma_start3A_160 = arith.constant 0 : i32
    %dma_start3A_161 = tpu.memref_slice %arg4[%dma_start3A_158, %add3A, %dma_start3A_159, %dma_start3A_160] : memref<25x32x8x128xi32, #tpu.memory_space<hbm>> -> memref<25x1x8x128xi32, #tpu.memory_space<hbm>>
    %dma_start3A_162 = tpu.memref_squeeze %dma_start3A_161 : memref<25x1x8x128xi32, #tpu.memory_space<hbm>> -> memref<25x8x128xi32, #tpu.memory_space<hbm>>
    %dma_start3A_163 = arith.constant 0 : i32
    %dma_start3A_164 = arith.constant 0 : i32
    %dma_start3A_165 = arith.constant 0 : i32
    %dma_start3A_166 = tpu.memref_slice %arg10[%dma_start3A_152, %dma_start3A_163, %dma_start3A_164, %dma_start3A_165] : memref<2x25x8x128xi32, #tpu.memory_space<vmem>> -> memref<1x25x8x128xi32, #tpu.memory_space<vmem>>
    %dma_start3A_167 = tpu.memref_squeeze %dma_start3A_166 : memref<1x25x8x128xi32, #tpu.memory_space<vmem>> -> memref<25x8x128xi32, #tpu.memory_space<vmem>>
    %dma_start3A_168 = arith.constant 0 : i32
    %dma_start3A_169 = arith.constant 0 : i32
    %dma_start3A_170 = arith.constant 0 : i32
    %dma_start3A_171 = tpu.memref_slice %arg4[%dma_start3A_168, %add3A, %dma_start3A_169, %dma_start3A_170] : memref<25x32x8x128xi32, #tpu.memory_space<hbm>> -> memref<25x1x8x128xi32, #tpu.memory_space<hbm>>
    %dma_start3A_172 = tpu.memref_squeeze %dma_start3A_171 : memref<25x1x8x128xi32, #tpu.memory_space<hbm>> -> memref<25x8x128xi32, #tpu.memory_space<hbm>>
    tpu.enqueue_dma source(%dma_start3A_172 : memref<25x8x128xi32, #tpu.memory_space<hbm>>) target(%dma_start3A_167 : memref<25x8x128xi32, #tpu.memory_space<vmem>>) target_semaphore(%arg20 : memref<!tpu.dma_semaphore, #tpu.memory_space<semaphore_mem>>)
    %scan3A_173 = arith.constant 0 : i32
    %scan3A_174 = arith.constant 1 : i32
    %scan3A_175 = arith.constant 0 : i32
    %scan3A_176 = arith.constant 200 : i32
    %scan3A_177 = arith.addi %scan3A_175, %scan3A_176 : i32
    %scan3A_178 = arith.constant 1 : i32
    scf.for %scan3A_319 = %scan3A_175 to %scan3A_177 step %scan3A_178  : i32 {
      %jit3A = arith.constant 8 : i32
      %div3A = arith.divsi %scan3A_319, %jit3A : i32
      %sign3A = arith.constant 0 : i32
      %sign3A_320 = arith.cmpi sgt, %scan3A_319, %sign3A : i32
      %sign3A_321 = arith.extui %sign3A_320 : i1 to i32
      %sign3A_322 = arith.constant 0 : i32
      %sign3A_323 = arith.cmpi slt, %scan3A_319, %sign3A_322 : i32
      %sign3A_324 = arith.extui %sign3A_323 : i1 to i32
      %sign3A_325 = arith.subi %sign3A_321, %sign3A_324 : i32
      %sign3A_326 = arith.constant 0 : i32
      %sign3A_327 = arith.cmpi sgt, %jit3A, %sign3A_326 : i32
      %sign3A_328 = arith.extui %sign3A_327 : i1 to i32
      %sign3A_329 = arith.constant 0 : i32
      %sign3A_330 = arith.cmpi slt, %jit3A, %sign3A_329 : i32
      %sign3A_331 = arith.extui %sign3A_330 : i1 to i32
      %sign3A_332 = arith.subi %sign3A_328, %sign3A_331 : i32
      %ne3A = arith.cmpi ne, %sign3A_325, %sign3A_332 : i32
      %rem3A = arith.remsi %scan3A_319, %jit3A : i32
      %ne3A_333 = arith.constant 0 : i32
      %ne3A_334 = arith.cmpi ne, %rem3A, %ne3A_333 : i32
      %and3A = arith.andi %ne3A, %ne3A_334 : i1
      %sub3A = arith.constant 1 : i32
      %sub3A_335 = arith.subi %div3A, %sub3A : i32
      %select_n3A = arith.select %and3A, %sub3A_335, %div3A : i32
      %jit3A_336 = arith.constant 8 : i32
      %eq3A_337 = arith.constant 0 : i32
      %eq3A_338 = arith.cmpi eq, %jit3A_336, %eq3A_337 : i32
      %jit3A_339 = arith.constant 1 : i32
      %select_n3A_340 = arith.select %eq3A_338, %jit3A_339, %jit3A_336 : i32
      %rem3A_341 = arith.remsi %scan3A_319, %select_n3A_340 : i32
      %ne3A_342 = arith.constant 0 : i32
      %ne3A_343 = arith.cmpi ne, %rem3A_341, %ne3A_342 : i32
      %lt3A = arith.constant 0 : i32
      %lt3A_344 = arith.cmpi slt, %rem3A_341, %lt3A : i32
      %lt3A_345 = arith.constant 0 : i32
      %lt3A_346 = arith.cmpi slt, %select_n3A_340, %lt3A_345 : i32
      %ne3A_347 = arith.xori %lt3A_344, %lt3A_346 : i1
      %and3A_348 = arith.andi %ne3A_347, %ne3A_343 : i1
      %add3A_349 = arith.addi %rem3A_341, %select_n3A_340 : i32
      %select_n3A_350 = arith.select %and3A_348, %add3A_349, %rem3A_341 : i32
      %broadcast_in_dim3A = vector.broadcast %scan3A_319 : i32 to vector<16xi32>
      %get3A = arith.constant 0 : i32
      %get3A_351 = arith.constant 0 : i32
      %get3A_352 = arith.constant 0 : i32
      %get3A_353 = tpu.memref_slice %arg10[%scan3A_174, %get3A, %get3A_351, %get3A_352] : memref<2x25x8x128xi32, #tpu.memory_space<vmem>> -> memref<1x25x8x128xi32, #tpu.memory_space<vmem>>
      %get3A_354 = tpu.memref_squeeze %get3A_353 : memref<1x25x8x128xi32, #tpu.memory_space<vmem>> -> memref<25x8x128xi32, #tpu.memory_space<vmem>>
      %get3A_355 = arith.index_cast %select_n3A : i32 to index
      %get3A_356 = arith.index_cast %select_n3A_350 : i32 to index
      %get3A_357 = arith.constant 0 : index
      %get3A_358 = tpu.vector_load %get3A_354[%get3A_355, %get3A_356, %get3A_357] {strides = array<i32>} : memref<25x8x128xi32, #tpu.memory_space<vmem>>, vector<16xi32>,
      %add3A_359 = arith.constant 0 : i32
      %add3A_360 = vector.broadcast %add3A_359 : i32 to vector<16xi32>
      %add3A_361 = arith.addi %add3A_360, %iota3A : vector<16xi32>
      tpu.vector_store_idx %arg11[%add3A_361, %broadcast_in_dim3A], %get3A_358 : memref<128x200xi32, #tpu.memory_space<vmem>>[vector<16xi32>, vector<16xi32>], vector<16xi32>,
      %get3A_362 = arith.constant 0 : i32
      %get3A_363 = arith.constant 0 : i32
      %get3A_364 = arith.constant 0 : i32
      %get3A_365 = tpu.memref_slice %arg10[%scan3A_174, %get3A_362, %get3A_363, %get3A_364] : memref<2x25x8x128xi32, #tpu.memory_space<vmem>> -> memref<1x25x8x128xi32, #tpu.memory_space<vmem>>
      %get3A_366 = tpu.memref_squeeze %get3A_365 : memref<1x25x8x128xi32, #tpu.memory_space<vmem>> -> memref<25x8x128xi32, #tpu.memory_space<vmem>>
      %get3A_367 = arith.index_cast %select_n3A : i32 to index
      %get3A_368 = arith.index_cast %select_n3A_350 : i32 to index
      %get3A_369 = arith.constant 16 : index
      %get3A_370 = tpu.vector_load %get3A_366[%get3A_367, %get3A_368, %get3A_369] {strides = array<i32>} : memref<25x8x128xi32, #tpu.memory_space<vmem>>, vector<16xi32>,
      %add3A_371 = arith.constant 16 : i32
      %add3A_372 = vector.broadcast %add3A_371 : i32 to vector<16xi32>
      %add3A_373 = arith.addi %add3A_372, %iota3A : vector<16xi32>
      tpu.vector_store_idx %arg11[%add3A_373, %broadcast_in_dim3A], %get3A_370 : memref<128x200xi32, #tpu.memory_space<vmem>>[vector<16xi32>, vector<16xi32>], vector<16xi32>,
      %get3A_374 = arith.constant 0 : i32
      %get3A_375 = arith.constant 0 : i32
      %get3A_376 = arith.constant 0 : i32
      %get3A_377 = tpu.memref_slice %arg10[%scan3A_174, %get3A_374, %get3A_375, %get3A_376] : memref<2x25x8x128xi32, #tpu.memory_space<vmem>> -> memref<1x25x8x128xi32, #tpu.memory_space<vmem>>
      %get3A_378 = tpu.memref_squeeze %get3A_377 : memref<1x25x8x128xi32, #tpu.memory_space<vmem>> -> memref<25x8x128xi32, #tpu.memory_space<vmem>>
      %get3A_379 = arith.index_cast %select_n3A : i32 to index
      %get3A_380 = arith.index_cast %select_n3A_350 : i32 to index
      %get3A_381 = arith.constant 32 : index
      %get3A_382 = tpu.vector_load %get3A_378[%get3A_379, %get3A_380, %get3A_381] {strides = array<i32>} : memref<25x8x128xi32, #tpu.memory_space<vmem>>, vector<16xi32>,
      %add3A_383 = arith.constant 32 : i32
      %add3A_384 = vector.broadcast %add3A_383 : i32 to vector<16xi32>
      %add3A_385 = arith.addi %add3A_384, %iota3A : vector<16xi32>
      tpu.vector_store_idx %arg11[%add3A_385, %broadcast_in_dim3A], %get3A_382 : memref<128x200xi32, #tpu.memory_space<vmem>>[vector<16xi32>, vector<16xi32>], vector<16xi32>,
      %get3A_386 = arith.constant 0 : i32
      %get3A_387 = arith.constant 0 : i32
      %get3A_388 = arith.constant 0 : i32
      %get3A_389 = tpu.memref_slice %arg10[%scan3A_174, %get3A_386, %get3A_387, %get3A_388] : memref<2x25x8x128xi32, #tpu.memory_space<vmem>> -> memref<1x25x8x128xi32, #tpu.memory_space<vmem>>
      %get3A_390 = tpu.memref_squeeze %get3A_389 : memref<1x25x8x128xi32, #tpu.memory_space<vmem>> -> memref<25x8x128xi32, #tpu.memory_space<vmem>>
      %get3A_391 = arith.index_cast %select_n3A : i32 to index
      %get3A_392 = arith.index_cast %select_n3A_350 : i32 to index
      %get3A_393 = arith.constant 48 : index
      %get3A_394 = tpu.vector_load %get3A_390[%get3A_391, %get3A_392, %get3A_393] {strides = array<i32>} : memref<25x8x128xi32, #tpu.memory_space<vmem>>, vector<16xi32>,
      %add3A_395 = arith.constant 48 : i32
      %add3A_396 = vector.broadcast %add3A_395 : i32 to vector<16xi32>
      %add3A_397 = arith.addi %add3A_396, %iota3A : vector<16xi32>
      tpu.vector_store_idx %arg11[%add3A_397, %broadcast_in_dim3A], %get3A_394 : memref<128x200xi32, #tpu.memory_space<vmem>>[vector<16xi32>, vector<16xi32>], vector<16xi32>,
      %get3A_398 = arith.constant 0 : i32
      %get3A_399 = arith.constant 0 : i32
      %get3A_400 = arith.constant 0 : i32
      %get3A_401 = tpu.memref_slice %arg10[%scan3A_174, %get3A_398, %get3A_399, %get3A_400] : memref<2x25x8x128xi32, #tpu.memory_space<vmem>> -> memref<1x25x8x128xi32, #tpu.memory_space<vmem>>
      %get3A_402 = tpu.memref_squeeze %get3A_401 : memref<1x25x8x128xi32, #tpu.memory_space<vmem>> -> memref<25x8x128xi32, #tpu.memory_space<vmem>>
      %get3A_403 = arith.index_cast %select_n3A : i32 to index
      %get3A_404 = arith.index_cast %select_n3A_350 : i32 to index
      %get3A_405 = arith.constant 64 : index
      %get3A_406 = tpu.vector_load %get3A_402[%get3A_403, %get3A_404, %get3A_405] {strides = array<i32>} : memref<25x8x128xi32, #tpu.memory_space<vmem>>, vector<16xi32>,
      %add3A_407 = arith.constant 64 : i32
      %add3A_408 = vector.broadcast %add3A_407 : i32 to vector<16xi32>
      %add3A_409 = arith.addi %add3A_408, %iota3A : vector<16xi32>
      tpu.vector_store_idx %arg11[%add3A_409, %broadcast_in_dim3A], %get3A_406 : memref<128x200xi32, #tpu.memory_space<vmem>>[vector<16xi32>, vector<16xi32>], vector<16xi32>,
      %get3A_410 = arith.constant 0 : i32
      %get3A_411 = arith.constant 0 : i32
      %get3A_412 = arith.constant 0 : i32
      %get3A_413 = tpu.memref_slice %arg10[%scan3A_174, %get3A_410, %get3A_411, %get3A_412] : memref<2x25x8x128xi32, #tpu.memory_space<vmem>> -> memref<1x25x8x128xi32, #tpu.memory_space<vmem>>
      %get3A_414 = tpu.memref_squeeze %get3A_413 : memref<1x25x8x128xi32, #tpu.memory_space<vmem>> -> memref<25x8x128xi32, #tpu.memory_space<vmem>>
      %get3A_415 = arith.index_cast %select_n3A : i32 to index
      %get3A_416 = arith.index_cast %select_n3A_350 : i32 to index
      %get3A_417 = arith.constant 80 : index
      %get3A_418 = tpu.vector_load %get3A_414[%get3A_415, %get3A_416, %get3A_417] {strides = array<i32>} : memref<25x8x128xi32, #tpu.memory_space<vmem>>, vector<16xi32>,
      %add3A_419 = arith.constant 80 : i32
      %add3A_420 = vector.broadcast %add3A_419 : i32 to vector<16xi32>
      %add3A_421 = arith.addi %add3A_420, %iota3A : vector<16xi32>
      tpu.vector_store_idx %arg11[%add3A_421, %broadcast_in_dim3A], %get3A_418 : memref<128x200xi32, #tpu.memory_space<vmem>>[vector<16xi32>, vector<16xi32>], vector<16xi32>,
      %get3A_422 = arith.constant 0 : i32
      %get3A_423 = arith.constant 0 : i32
      %get3A_424 = arith.constant 0 : i32
      %get3A_425 = tpu.memref_slice %arg10[%scan3A_174, %get3A_422, %get3A_423, %get3A_424] : memref<2x25x8x128xi32, #tpu.memory_space<vmem>> -> memref<1x25x8x128xi32, #tpu.memory_space<vmem>>
      %get3A_426 = tpu.memref_squeeze %get3A_425 : memref<1x25x8x128xi32, #tpu.memory_space<vmem>> -> memref<25x8x128xi32, #tpu.memory_space<vmem>>
      %get3A_427 = arith.index_cast %select_n3A : i32 to index
      %get3A_428 = arith.index_cast %select_n3A_350 : i32 to index
      %get3A_429 = arith.constant 96 : index
      %get3A_430 = tpu.vector_load %get3A_426[%get3A_427, %get3A_428, %get3A_429] {strides = array<i32>} : memref<25x8x128xi32, #tpu.memory_space<vmem>>, vector<16xi32>,
      %add3A_431 = arith.constant 96 : i32
      %add3A_432 = vector.broadcast %add3A_431 : i32 to vector<16xi32>
      %add3A_433 = arith.addi %add3A_432, %iota3A : vector<16xi32>
      tpu.vector_store_idx %arg11[%add3A_433, %broadcast_in_dim3A], %get3A_430 : memref<128x200xi32, #tpu.memory_space<vmem>>[vector<16xi32>, vector<16xi32>], vector<16xi32>,
      %get3A_434 = arith.constant 0 : i32
      %get3A_435 = arith.constant 0 : i32
      %get3A_436 = arith.constant 0 : i32
      %get3A_437 = tpu.memref_slice %arg10[%scan3A_174, %get3A_434, %get3A_435, %get3A_436] : memref<2x25x8x128xi32, #tpu.memory_space<vmem>> -> memref<1x25x8x128xi32, #tpu.memory_space<vmem>>
      %get3A_438 = tpu.memref_squeeze %get3A_437 : memref<1x25x8x128xi32, #tpu.memory_space<vmem>> -> memref<25x8x128xi32, #tpu.memory_space<vmem>>
      %get3A_439 = arith.index_cast %select_n3A : i32 to index
      %get3A_440 = arith.index_cast %select_n3A_350 : i32 to index
      %get3A_441 = arith.constant 112 : index
      %get3A_442 = tpu.vector_load %get3A_438[%get3A_439, %get3A_440, %get3A_441] {strides = array<i32>} : memref<25x8x128xi32, #tpu.memory_space<vmem>>, vector<16xi32>,
      %add3A_443 = arith.constant 112 : i32
      %add3A_444 = vector.broadcast %add3A_443 : i32 to vector<16xi32>
      %add3A_445 = arith.addi %add3A_444, %iota3A : vector<16xi32>
      tpu.vector_store_idx %arg11[%add3A_445, %broadcast_in_dim3A], %get3A_442 : memref<128x200xi32, #tpu.memory_space<vmem>>[vector<16xi32>, vector<16xi32>], vector<16xi32>,
    }
    %scan3A_179 = arith.constant 200 : i32
    %dma_start3A_180 = arith.constant 0 : i32
    %dma_start3A_181 = arith.constant 0 : i32
    %dma_start3A_182 = arith.constant 0 : i32
    %dma_start3A_183 = tpu.memref_slice %arg12[%dma_start3A_181, %dma_start3A_182] : memref<200x32xf32, #tpu.memory_space<vmem>> -> memref<128x32xf32, #tpu.memory_space<vmem>>
    %dma_start3A_184 = arith.constant 0 : i32
    %dma_start3A_185 = tpu.memref_slice %arg11[%dma_start3A_180, %dma_start3A_184] : memref<128x200xi32, #tpu.memory_space<vmem>> -> memref<1x128xi32, #tpu.memory_space<vmem>>
    %dma_start3A_186 = tpu.memref_squeeze %dma_start3A_185 : memref<1x128xi32, #tpu.memory_space<vmem>> -> memref<128xi32, #tpu.memory_space<vmem>>
    %dma_start3A_187 = arith.constant 0 : i32
    %dma_start3A_188 = arith.constant 0 : i32
    %dma_start3A_189 = tpu.memref_slice %arg16[%dma_start3A_187, %dma_start3A_188] : memref<200x32xf32, #tpu.memory_space<vmem_shared>> -> memref<200x32xf32, #tpu.memory_space<vmem_shared>>
    tpu.enqueue_indirect_dma source(%dma_start3A_189 : memref<200x32xf32, #tpu.memory_space<vmem_shared>>) target(%dma_start3A_183 : memref<128x32xf32, #tpu.memory_space<vmem>>) offsets(%dma_start3A_186 : memref<128xi32, #tpu.memory_space<vmem>>) semaphore(%arg18 : memref<!tpu.dma_semaphore, #tpu.memory_space<semaphore_mem>>)
    %dma_start3A_190 = arith.constant 0 : i32
    %dma_start3A_191 = arith.constant 128 : i32
    %dma_start3A_192 = arith.constant 0 : i32
    %dma_start3A_193 = tpu.memref_slice %arg12[%dma_start3A_191, %dma_start3A_192] : memref<200x32xf32, #tpu.memory_space<vmem>> -> memref<72x32xf32, #tpu.memory_space<vmem>>
    %dma_start3A_194 = arith.constant 128 : i32
    %dma_start3A_195 = tpu.memref_slice %arg11[%dma_start3A_190, %dma_start3A_194] : memref<128x200xi32, #tpu.memory_space<vmem>> -> memref<1x72xi32, #tpu.memory_space<vmem>>
    %dma_start3A_196 = tpu.memref_squeeze %dma_start3A_195 : memref<1x72xi32, #tpu.memory_space<vmem>> -> memref<72xi32, #tpu.memory_space<vmem>>
    %dma_start3A_197 = arith.constant 0 : i32
    %dma_start3A_198 = arith.constant 0 : i32
    %dma_start3A_199 = tpu.memref_slice %arg16[%dma_start3A_197, %dma_start3A_198] : memref<200x32xf32, #tpu.memory_space<vmem_shared>> -> memref<200x32xf32, #tpu.memory_space<vmem_shared>>
    tpu.enqueue_indirect_dma source(%dma_start3A_199 : memref<200x32xf32, #tpu.memory_space<vmem_shared>>) target(%dma_start3A_193 : memref<72x32xf32, #tpu.memory_space<vmem>>) offsets(%dma_start3A_196 : memref<72xi32, #tpu.memory_space<vmem>>) semaphore(%arg18 : memref<!tpu.dma_semaphore, #tpu.memory_space<semaphore_mem>>)
    %dma_start3A_200 = arith.constant 1 : i32
    %dma_start3A_201 = arith.constant 0 : i32
    %dma_start3A_202 = arith.constant 0 : i32
    %dma_start3A_203 = tpu.memref_slice %arg13[%dma_start3A_201, %dma_start3A_202] : memref<200x32xf32, #tpu.memory_space<vmem>> -> memref<128x32xf32, #tpu.memory_space<vmem>>
    %dma_start3A_204 = arith.constant 0 : i32
    %dma_start3A_205 = tpu.memref_slice %arg11[%dma_start3A_200, %dma_start3A_204] : memref<128x200xi32, #tpu.memory_space<vmem>> -> memref<1x128xi32, #tpu.memory_space<vmem>>
    %dma_start3A_206 = tpu.memref_squeeze %dma_start3A_205 : memref<1x128xi32, #tpu.memory_space<vmem>> -> memref<128xi32, #tpu.memory_space<vmem>>
    %dma_start3A_207 = arith.constant 0 : i32
    %dma_start3A_208 = arith.constant 0 : i32
    %dma_start3A_209 = tpu.memref_slice %arg16[%dma_start3A_207, %dma_start3A_208] : memref<200x32xf32, #tpu.memory_space<vmem_shared>> -> memref<200x32xf32, #tpu.memory_space<vmem_shared>>
    tpu.enqueue_indirect_dma source(%dma_start3A_209 : memref<200x32xf32, #tpu.memory_space<vmem_shared>>) target(%dma_start3A_203 : memref<128x32xf32, #tpu.memory_space<vmem>>) offsets(%dma_start3A_206 : memref<128xi32, #tpu.memory_space<vmem>>) semaphore(%arg19 : memref<!tpu.dma_semaphore, #tpu.memory_space<semaphore_mem>>)
    %dma_start3A_210 = arith.constant 1 : i32
    %dma_start3A_211 = arith.constant 128 : i32
    %dma_start3A_212 = arith.constant 0 : i32
    %dma_start3A_213 = tpu.memref_slice %arg13[%dma_start3A_211, %dma_start3A_212] : memref<200x32xf32, #tpu.memory_space<vmem>> -> memref<72x32xf32, #tpu.memory_space<vmem>>
    %dma_start3A_214 = arith.constant 128 : i32
    %dma_start3A_215 = tpu.memref_slice %arg11[%dma_start3A_210, %dma_start3A_214] : memref<128x200xi32, #tpu.memory_space<vmem>> -> memref<1x72xi32, #tpu.memory_space<vmem>>
    %dma_start3A_216 = tpu.memref_squeeze %dma_start3A_215 : memref<1x72xi32, #tpu.memory_space<vmem>> -> memref<72xi32, #tpu.memory_space<vmem>>
    %dma_start3A_217 = arith.constant 0 : i32
    %dma_start3A_218 = arith.constant 0 : i32
    %dma_start3A_219 = tpu.memref_slice %arg16[%dma_start3A_217, %dma_start3A_218] : memref<200x32xf32, #tpu.memory_space<vmem_shared>> -> memref<200x32xf32, #tpu.memory_space<vmem_shared>>
    tpu.enqueue_indirect_dma source(%dma_start3A_219 : memref<200x32xf32, #tpu.memory_space<vmem_shared>>) target(%dma_start3A_213 : memref<72x32xf32, #tpu.memory_space<vmem>>) offsets(%dma_start3A_216 : memref<72xi32, #tpu.memory_space<vmem>>) semaphore(%arg19 : memref<!tpu.dma_semaphore, #tpu.memory_space<semaphore_mem>>)
    %scan3A_220 = arith.constant 0 : i32
    %scan3A_221 = arith.constant 0 : i32
    %scan3A_222 = arith.constant 64 : i32
    %scan3A_223 = arith.addi %scan3A_221, %scan3A_222 : i32
    %scan3A_224 = arith.constant 1 : i32
    scf.for %scan3A_319 = %scan3A_221 to %scan3A_223 step %scan3A_224  : i32 {
      %mul3A_320 = arith.constant 2 : i32
      %mul3A_321 = arith.muli %mul3A_320, %scan3A_319 : i32
      %dma_wait3A_322 = arith.constant 0 : i32
      %dma_wait3A_323 = arith.constant 0 : i32
      %dma_wait3A_324 = arith.constant 0 : i32
      %dma_wait3A_325 = tpu.memref_slice %arg12[%dma_wait3A_323, %dma_wait3A_324] : memref<200x32xf32, #tpu.memory_space<vmem>> -> memref<128x32xf32, #tpu.memory_space<vmem>>
      %dma_wait3A_326 = arith.constant 0 : i32
      %dma_wait3A_327 = tpu.memref_slice %arg11[%dma_wait3A_322, %dma_wait3A_326] : memref<128x200xi32, #tpu.memory_space<vmem>> -> memref<1x128xi32, #tpu.memory_space<vmem>>
      %dma_wait3A_328 = tpu.memref_squeeze %dma_wait3A_327 : memref<1x128xi32, #tpu.memory_space<vmem>> -> memref<128xi32, #tpu.memory_space<vmem>>
      %dma_wait3A_329 = arith.constant 0 : i32
      %dma_wait3A_330 = arith.constant 0 : i32
      %dma_wait3A_331 = tpu.memref_slice %arg16[%dma_wait3A_329, %dma_wait3A_330] : memref<200x32xf32, #tpu.memory_space<vmem_shared>> -> memref<200x32xf32, #tpu.memory_space<vmem_shared>>
      tpu.wait_indirect_dma semaphore(%arg18 : memref<!tpu.dma_semaphore, #tpu.memory_space<semaphore_mem>>) src(%dma_wait3A_331 : memref<200x32xf32, #tpu.memory_space<vmem_shared>>) dst(%dma_wait3A_325 : memref<128x32xf32, #tpu.memory_space<vmem>>)
      %dma_wait3A_332 = arith.constant 0 : i32
      %dma_wait3A_333 = arith.constant 128 : i32
      %dma_wait3A_334 = arith.constant 0 : i32
      %dma_wait3A_335 = tpu.memref_slice %arg12[%dma_wait3A_333, %dma_wait3A_334] : memref<200x32xf32, #tpu.memory_space<vmem>> -> memref<72x32xf32, #tpu.memory_space<vmem>>
      %dma_wait3A_336 = arith.constant 128 : i32
      %dma_wait3A_337 = tpu.memref_slice %arg11[%dma_wait3A_332, %dma_wait3A_336] : memref<128x200xi32, #tpu.memory_space<vmem>> -> memref<1x72xi32, #tpu.memory_space<vmem>>
      %dma_wait3A_338 = tpu.memref_squeeze %dma_wait3A_337 : memref<1x72xi32, #tpu.memory_space<vmem>> -> memref<72xi32, #tpu.memory_space<vmem>>
      %dma_wait3A_339 = arith.constant 0 : i32
      %dma_wait3A_340 = arith.constant 0 : i32
      %dma_wait3A_341 = tpu.memref_slice %arg16[%dma_wait3A_339, %dma_wait3A_340] : memref<200x32xf32, #tpu.memory_space<vmem_shared>> -> memref<200x32xf32, #tpu.memory_space<vmem_shared>>
      tpu.wait_indirect_dma semaphore(%arg18 : memref<!tpu.dma_semaphore, #tpu.memory_space<semaphore_mem>>) src(%dma_wait3A_341 : memref<200x32xf32, #tpu.memory_space<vmem_shared>>) dst(%dma_wait3A_335 : memref<72x32xf32, #tpu.memory_space<vmem>>)
      %broadcast_in_dim3A = arith.constant 0.000000e+00 : f32
      %broadcast_in_dim3A_342 = vector.broadcast %broadcast_in_dim3A : f32 to vector<16xf32>
      %scan3A_343 = arith.constant 0 : i32
      %scan3A_344 = arith.constant 25 : i32
      %scan3A_345 = arith.addi %scan3A_343, %scan3A_344 : i32
      %scan3A_346 = arith.constant 1 : i32
      %scan3A_347:2 = scf.for %scan3A_399 = %scan3A_343 to %scan3A_345 step %scan3A_346 iter_args(%scan3A_400 = %broadcast_in_dim3A_342, %scan3A_401 = %broadcast_in_dim3A_342) -> (vector<16xf32>, vector<16xf32>)  : i32 {
        %mul3A_402 = arith.constant 8 : i32
        %mul3A_403 = arith.muli %scan3A_399, %mul3A_402 : i32
        %add3A_404 = arith.constant 0 : i32
        %add3A_405 = arith.addi %mul3A_403, %add3A_404 : i32
        %get3A = arith.index_cast %add3A_405 : i32 to index
        %get3A_406 = arith.constant 0 : index
        %get3A_407 = tpu.vector_load %arg12[%get3A, %get3A_406] {strides = array<i32>} : memref<200x32xf32, #tpu.memory_space<vmem>>, vector<16xf32>,
        %add3A_408 = arith.addf %scan3A_400, %get3A_407 : vector<16xf32>
        %mul3A_409 = arith.constant 8 : i32
        %mul3A_410 = arith.muli %scan3A_399, %mul3A_409 : i32
        %add3A_411 = arith.constant 0 : i32
        %add3A_412 = arith.addi %mul3A_410, %add3A_411 : i32
        %get3A_413 = arith.index_cast %add3A_412 : i32 to index
        %get3A_414 = arith.constant 16 : index
        %get3A_415 = tpu.vector_load %arg12[%get3A_413, %get3A_414] {strides = array<i32>} : memref<200x32xf32, #tpu.memory_space<vmem>>, vector<16xf32>,
        %add3A_416 = arith.addf %scan3A_401, %get3A_415 : vector<16xf32>
        %mul3A_417 = arith.constant 8 : i32
        %mul3A_418 = arith.muli %scan3A_399, %mul3A_417 : i32
        %add3A_419 = arith.constant 1 : i32
        %add3A_420 = arith.addi %mul3A_418, %add3A_419 : i32
        %get3A_421 = arith.index_cast %add3A_420 : i32 to index
        %get3A_422 = arith.constant 0 : index
        %get3A_423 = tpu.vector_load %arg12[%get3A_421, %get3A_422] {strides = array<i32>} : memref<200x32xf32, #tpu.memory_space<vmem>>, vector<16xf32>,
        %add3A_424 = arith.addf %add3A_408, %get3A_423 : vector<16xf32>
        %mul3A_425 = arith.constant 8 : i32
        %mul3A_426 = arith.muli %scan3A_399, %mul3A_425 : i32
        %add3A_427 = arith.constant 1 : i32
        %add3A_428 = arith.addi %mul3A_426, %add3A_427 : i32
        %get3A_429 = arith.index_cast %add3A_428 : i32 to index
        %get3A_430 = arith.constant 16 : index
        %get3A_431 = tpu.vector_load %arg12[%get3A_429, %get3A_430] {strides = array<i32>} : memref<200x32xf32, #tpu.memory_space<vmem>>, vector<16xf32>,
        %add3A_432 = arith.addf %add3A_416, %get3A_431 : vector<16xf32>
        %mul3A_433 = arith.constant 8 : i32
        %mul3A_434 = arith.muli %scan3A_399, %mul3A_433 : i32
        %add3A_435 = arith.constant 2 : i32
        %add3A_436 = arith.addi %mul3A_434, %add3A_435 : i32
        %get3A_437 = arith.index_cast %add3A_436 : i32 to index
        %get3A_438 = arith.constant 0 : index
        %get3A_439 = tpu.vector_load %arg12[%get3A_437, %get3A_438] {strides = array<i32>} : memref<200x32xf32, #tpu.memory_space<vmem>>, vector<16xf32>,
        %add3A_440 = arith.addf %add3A_424, %get3A_439 : vector<16xf32>
        %mul3A_441 = arith.constant 8 : i32
        %mul3A_442 = arith.muli %scan3A_399, %mul3A_441 : i32
        %add3A_443 = arith.constant 2 : i32
        %add3A_444 = arith.addi %mul3A_442, %add3A_443 : i32
        %get3A_445 = arith.index_cast %add3A_444 : i32 to index
        %get3A_446 = arith.constant 16 : index
        %get3A_447 = tpu.vector_load %arg12[%get3A_445, %get3A_446] {strides = array<i32>} : memref<200x32xf32, #tpu.memory_space<vmem>>, vector<16xf32>,
        %add3A_448 = arith.addf %add3A_432, %get3A_447 : vector<16xf32>
        %mul3A_449 = arith.constant 8 : i32
        %mul3A_450 = arith.muli %scan3A_399, %mul3A_449 : i32
        %add3A_451 = arith.constant 3 : i32
        %add3A_452 = arith.addi %mul3A_450, %add3A_451 : i32
        %get3A_453 = arith.index_cast %add3A_452 : i32 to index
        %get3A_454 = arith.constant 0 : index
        %get3A_455 = tpu.vector_load %arg12[%get3A_453, %get3A_454] {strides = array<i32>} : memref<200x32xf32, #tpu.memory_space<vmem>>, vector<16xf32>,
        %add3A_456 = arith.addf %add3A_440, %get3A_455 : vector<16xf32>
        %mul3A_457 = arith.constant 8 : i32
        %mul3A_458 = arith.muli %scan3A_399, %mul3A_457 : i32
        %add3A_459 = arith.constant 3 : i32
        %add3A_460 = arith.addi %mul3A_458, %add3A_459 : i32
        %get3A_461 = arith.index_cast %add3A_460 : i32 to index
        %get3A_462 = arith.constant 16 : index
        %get3A_463 = tpu.vector_load %arg12[%get3A_461, %get3A_462] {strides = array<i32>} : memref<200x32xf32, #tpu.memory_space<vmem>>, vector<16xf32>,
        %add3A_464 = arith.addf %add3A_448, %get3A_463 : vector<16xf32>
        %mul3A_465 = arith.constant 8 : i32
        %mul3A_466 = arith.muli %scan3A_399, %mul3A_465 : i32
        %add3A_467 = arith.constant 4 : i32
        %add3A_468 = arith.addi %mul3A_466, %add3A_467 : i32
        %get3A_469 = arith.index_cast %add3A_468 : i32 to index
        %get3A_470 = arith.constant 0 : index
        %get3A_471 = tpu.vector_load %arg12[%get3A_469, %get3A_470] {strides = array<i32>} : memref<200x32xf32, #tpu.memory_space<vmem>>, vector<16xf32>,
        %add3A_472 = arith.addf %add3A_456, %get3A_471 : vector<16xf32>
        %mul3A_473 = arith.constant 8 : i32
        %mul3A_474 = arith.muli %scan3A_399, %mul3A_473 : i32
        %add3A_475 = arith.constant 4 : i32
        %add3A_476 = arith.addi %mul3A_474, %add3A_475 : i32
        %get3A_477 = arith.index_cast %add3A_476 : i32 to index
        %get3A_478 = arith.constant 16 : index
        %get3A_479 = tpu.vector_load %arg12[%get3A_477, %get3A_478] {strides = array<i32>} : memref<200x32xf32, #tpu.memory_space<vmem>>, vector<16xf32>,
        %add3A_480 = arith.addf %add3A_464, %get3A_479 : vector<16xf32>
        %mul3A_481 = arith.constant 8 : i32
        %mul3A_482 = arith.muli %scan3A_399, %mul3A_481 : i32
        %add3A_483 = arith.constant 5 : i32
        %add3A_484 = arith.addi %mul3A_482, %add3A_483 : i32
        %get3A_485 = arith.index_cast %add3A_484 : i32 to index
        %get3A_486 = arith.constant 0 : index
        %get3A_487 = tpu.vector_load %arg12[%get3A_485, %get3A_486] {strides = array<i32>} : memref<200x32xf32, #tpu.memory_space<vmem>>, vector<16xf32>,
        %add3A_488 = arith.addf %add3A_472, %get3A_487 : vector<16xf32>
        %mul3A_489 = arith.constant 8 : i32
        %mul3A_490 = arith.muli %scan3A_399, %mul3A_489 : i32
        %add3A_491 = arith.constant 5 : i32
        %add3A_492 = arith.addi %mul3A_490, %add3A_491 : i32
        %get3A_493 = arith.index_cast %add3A_492 : i32 to index
        %get3A_494 = arith.constant 16 : index
        %get3A_495 = tpu.vector_load %arg12[%get3A_493, %get3A_494] {strides = array<i32>} : memref<200x32xf32, #tpu.memory_space<vmem>>, vector<16xf32>,
        %add3A_496 = arith.addf %add3A_480, %get3A_495 : vector<16xf32>
        %mul3A_497 = arith.constant 8 : i32
        %mul3A_498 = arith.muli %scan3A_399, %mul3A_497 : i32
        %add3A_499 = arith.constant 6 : i32
        %add3A_500 = arith.addi %mul3A_498, %add3A_499 : i32
        %get3A_501 = arith.index_cast %add3A_500 : i32 to index
        %get3A_502 = arith.constant 0 : index
        %get3A_503 = tpu.vector_load %arg12[%get3A_501, %get3A_502] {strides = array<i32>} : memref<200x32xf32, #tpu.memory_space<vmem>>, vector<16xf32>,
        %add3A_504 = arith.addf %add3A_488, %get3A_503 : vector<16xf32>
        %mul3A_505 = arith.constant 8 : i32
        %mul3A_506 = arith.muli %scan3A_399, %mul3A_505 : i32
        %add3A_507 = arith.constant 6 : i32
        %add3A_508 = arith.addi %mul3A_506, %add3A_507 : i32
        %get3A_509 = arith.index_cast %add3A_508 : i32 to index
        %get3A_510 = arith.constant 16 : index
        %get3A_511 = tpu.vector_load %arg12[%get3A_509, %get3A_510] {strides = array<i32>} : memref<200x32xf32, #tpu.memory_space<vmem>>, vector<16xf32>,
        %add3A_512 = arith.addf %add3A_496, %get3A_511 : vector<16xf32>
        %mul3A_513 = arith.constant 8 : i32
        %mul3A_514 = arith.muli %scan3A_399, %mul3A_513 : i32
        %add3A_515 = arith.constant 7 : i32
        %add3A_516 = arith.addi %mul3A_514, %add3A_515 : i32
        %get3A_517 = arith.index_cast %add3A_516 : i32 to index
        %get3A_518 = arith.constant 0 : index
        %get3A_519 = tpu.vector_load %arg12[%get3A_517, %get3A_518] {strides = array<i32>} : memref<200x32xf32, #tpu.memory_space<vmem>>, vector<16xf32>,
        %add3A_520 = arith.addf %add3A_504, %get3A_519 : vector<16xf32>
        %mul3A_521 = arith.constant 8 : i32
        %mul3A_522 = arith.muli %scan3A_399, %mul3A_521 : i32
        %add3A_523 = arith.constant 7 : i32
        %add3A_524 = arith.addi %mul3A_522, %add3A_523 : i32
        %get3A_525 = arith.index_cast %add3A_524 : i32 to index
        %get3A_526 = arith.constant 16 : index
        %get3A_527 = tpu.vector_load %arg12[%get3A_525, %get3A_526] {strides = array<i32>} : memref<200x32xf32, #tpu.memory_space<vmem>>, vector<16xf32>,
        %add3A_528 = arith.addf %add3A_512, %get3A_527 : vector<16xf32>
        scf.yield %add3A_520, %add3A_528 : vector<16xf32>, vector<16xf32>
      }
      %scan3A_348 = arith.constant 25 : i32
      %swap3A = arith.index_cast %mul3A_321 : i32 to index
      %swap3A_349 = arith.constant 0 : index
      %swap3A_350 = tpu.vector_load %arg14[%swap3A, %swap3A_349] {strides = array<i32>} : memref<128x32xf32, #tpu.memory_space<vmem>>, vector<16xf32>,
      tpu.vector_store %arg14[%swap3A, %swap3A_349], %scan3A_347#0 {strides = array<i32>} : memref<128x32xf32, #tpu.memory_space<vmem>>, vector<16xf32>,
      %swap3A_351 = arith.index_cast %mul3A_321 : i32 to index
      %swap3A_352 = arith.constant 16 : index
      %swap3A_353 = tpu.vector_load %arg14[%swap3A_351, %swap3A_352] {strides = array<i32>} : memref<128x32xf32, #tpu.memory_space<vmem>>, vector<16xf32>,
      tpu.vector_store %arg14[%swap3A_351, %swap3A_352], %scan3A_347#1 {strides = array<i32>} : memref<128x32xf32, #tpu.memory_space<vmem>>, vector<16xf32>,
      %lt3A = arith.constant 63 : i32
      %lt3A_354 = arith.cmpi slt, %scan3A_319, %lt3A : i32
      %convert_element_type3A_355 = arith.extui %lt3A_354 : i1 to i32
      %cond3A_356 = arith.constant 0 : i32
      %cond3A_357 = arith.cmpi ne, %convert_element_type3A_355, %cond3A_356 : i32
      scf.if %cond3A_357 {
        %add3A_399 = arith.constant 2 : i32
        %add3A_400 = arith.addi %mul3A_321, %add3A_399 : i32
        %dma_start3A_401 = arith.constant 0 : i32
        %dma_start3A_402 = arith.constant 0 : i32
        %dma_start3A_403 = tpu.memref_slice %arg12[%dma_start3A_401, %dma_start3A_402] : memref<200x32xf32, #tpu.memory_space<vmem>> -> memref<128x32xf32, #tpu.memory_space<vmem>>
        %dma_start3A_404 = arith.constant 0 : i32
        %dma_start3A_405 = tpu.memref_slice %arg11[%add3A_400, %dma_start3A_404] : memref<128x200xi32, #tpu.memory_space<vmem>> -> memref<1x128xi32, #tpu.memory_space<vmem>>
        %dma_start3A_406 = tpu.memref_squeeze %dma_start3A_405 : memref<1x128xi32, #tpu.memory_space<vmem>> -> memref<128xi32, #tpu.memory_space<vmem>>
        %dma_start3A_407 = arith.constant 0 : i32
        %dma_start3A_408 = arith.constant 0 : i32
        %dma_start3A_409 = tpu.memref_slice %arg16[%dma_start3A_407, %dma_start3A_408] : memref<200x32xf32, #tpu.memory_space<vmem_shared>> -> memref<200x32xf32, #tpu.memory_space<vmem_shared>>
        tpu.enqueue_indirect_dma source(%dma_start3A_409 : memref<200x32xf32, #tpu.memory_space<vmem_shared>>) target(%dma_start3A_403 : memref<128x32xf32, #tpu.memory_space<vmem>>) offsets(%dma_start3A_406 : memref<128xi32, #tpu.memory_space<vmem>>) semaphore(%arg18 : memref<!tpu.dma_semaphore, #tpu.memory_space<semaphore_mem>>)
        %dma_start3A_410 = arith.constant 128 : i32
        %dma_start3A_411 = arith.constant 0 : i32
        %dma_start3A_412 = tpu.memref_slice %arg12[%dma_start3A_410, %dma_start3A_411] : memref<200x32xf32, #tpu.memory_space<vmem>> -> memref<72x32xf32, #tpu.memory_space<vmem>>
        %dma_start3A_413 = arith.constant 128 : i32
        %dma_start3A_414 = tpu.memref_slice %arg11[%add3A_400, %dma_start3A_413] : memref<128x200xi32, #tpu.memory_space<vmem>> -> memref<1x72xi32, #tpu.memory_space<vmem>>
        %dma_start3A_415 = tpu.memref_squeeze %dma_start3A_414 : memref<1x72xi32, #tpu.memory_space<vmem>> -> memref<72xi32, #tpu.memory_space<vmem>>
        %dma_start3A_416 = arith.constant 0 : i32
        %dma_start3A_417 = arith.constant 0 : i32
        %dma_start3A_418 = tpu.memref_slice %arg16[%dma_start3A_416, %dma_start3A_417] : memref<200x32xf32, #tpu.memory_space<vmem_shared>> -> memref<200x32xf32, #tpu.memory_space<vmem_shared>>
        tpu.enqueue_indirect_dma source(%dma_start3A_418 : memref<200x32xf32, #tpu.memory_space<vmem_shared>>) target(%dma_start3A_412 : memref<72x32xf32, #tpu.memory_space<vmem>>) offsets(%dma_start3A_415 : memref<72xi32, #tpu.memory_space<vmem>>) semaphore(%arg18 : memref<!tpu.dma_semaphore, #tpu.memory_space<semaphore_mem>>)
      } else {
      }
      %dma_wait3A_358 = arith.constant 0 : i32
      %dma_wait3A_359 = arith.constant 0 : i32
      %dma_wait3A_360 = arith.constant 0 : i32
      %dma_wait3A_361 = tpu.memref_slice %arg13[%dma_wait3A_359, %dma_wait3A_360] : memref<200x32xf32, #tpu.memory_space<vmem>> -> memref<128x32xf32, #tpu.memory_space<vmem>>
      %dma_wait3A_362 = arith.constant 0 : i32
      %dma_wait3A_363 = tpu.memref_slice %arg11[%dma_wait3A_358, %dma_wait3A_362] : memref<128x200xi32, #tpu.memory_space<vmem>> -> memref<1x128xi32, #tpu.memory_space<vmem>>
      %dma_wait3A_364 = tpu.memref_squeeze %dma_wait3A_363 : memref<1x128xi32, #tpu.memory_space<vmem>> -> memref<128xi32, #tpu.memory_space<vmem>>
      %dma_wait3A_365 = arith.constant 0 : i32
      %dma_wait3A_366 = arith.constant 0 : i32
      %dma_wait3A_367 = tpu.memref_slice %arg16[%dma_wait3A_365, %dma_wait3A_366] : memref<200x32xf32, #tpu.memory_space<vmem_shared>> -> memref<200x32xf32, #tpu.memory_space<vmem_shared>>
      tpu.wait_indirect_dma semaphore(%arg19 : memref<!tpu.dma_semaphore, #tpu.memory_space<semaphore_mem>>) src(%dma_wait3A_367 : memref<200x32xf32, #tpu.memory_space<vmem_shared>>) dst(%dma_wait3A_361 : memref<128x32xf32, #tpu.memory_space<vmem>>)
      %dma_wait3A_368 = arith.constant 0 : i32
      %dma_wait3A_369 = arith.constant 128 : i32
      %dma_wait3A_370 = arith.constant 0 : i32
      %dma_wait3A_371 = tpu.memref_slice %arg13[%dma_wait3A_369, %dma_wait3A_370] : memref<200x32xf32, #tpu.memory_space<vmem>> -> memref<72x32xf32, #tpu.memory_space<vmem>>
      %dma_wait3A_372 = arith.constant 128 : i32
      %dma_wait3A_373 = tpu.memref_slice %arg11[%dma_wait3A_368, %dma_wait3A_372] : memref<128x200xi32, #tpu.memory_space<vmem>> -> memref<1x72xi32, #tpu.memory_space<vmem>>
      %dma_wait3A_374 = tpu.memref_squeeze %dma_wait3A_373 : memref<1x72xi32, #tpu.memory_space<vmem>> -> memref<72xi32, #tpu.memory_space<vmem>>
      %dma_wait3A_375 = arith.constant 0 : i32
      %dma_wait3A_376 = arith.constant 0 : i32
      %dma_wait3A_377 = tpu.memref_slice %arg16[%dma_wait3A_375, %dma_wait3A_376] : memref<200x32xf32, #tpu.memory_space<vmem_shared>> -> memref<200x32xf32, #tpu.memory_space<vmem_shared>>
      tpu.wait_indirect_dma semaphore(%arg19 : memref<!tpu.dma_semaphore, #tpu.memory_space<semaphore_mem>>) src(%dma_wait3A_377 : memref<200x32xf32, #tpu.memory_space<vmem_shared>>) dst(%dma_wait3A_371 : memref<72x32xf32, #tpu.memory_space<vmem>>)
      %add3A_378 = arith.constant 1 : i32
      %add3A_379 = arith.addi %mul3A_321, %add3A_378 : i32
      %broadcast_in_dim3A_380 = arith.constant 0.000000e+00 : f32
      %broadcast_in_dim3A_381 = vector.broadcast %broadcast_in_dim3A_380 : f32 to vector<16xf32>
      %scan3A_382 = arith.constant 0 : i32
      %scan3A_383 = arith.constant 25 : i32
      %scan3A_384 = arith.addi %scan3A_382, %scan3A_383 : i32
      %scan3A_385 = arith.constant 1 : i32
      %scan3A_386:2 = scf.for %scan3A_399 = %scan3A_382 to %scan3A_384 step %scan3A_385 iter_args(%scan3A_400 = %broadcast_in_dim3A_381, %scan3A_401 = %broadcast_in_dim3A_381) -> (vector<16xf32>, vector<16xf32>)  : i32 {
        %mul3A_402 = arith.constant 8 : i32
        %mul3A_403 = arith.muli %scan3A_399, %mul3A_402 : i32
        %add3A_404 = arith.constant 0 : i32
        %add3A_405 = arith.addi %mul3A_403, %add3A_404 : i32
        %get3A = arith.index_cast %add3A_405 : i32 to index
        %get3A_406 = arith.constant 0 : index
        %get3A_407 = tpu.vector_load %arg13[%get3A, %get3A_406] {strides = array<i32>} : memref<200x32xf32, #tpu.memory_space<vmem>>, vector<16xf32>,
        %add3A_408 = arith.addf %scan3A_400, %get3A_407 : vector<16xf32>
        %mul3A_409 = arith.constant 8 : i32
        %mul3A_410 = arith.muli %scan3A_399, %mul3A_409 : i32
        %add3A_411 = arith.constant 0 : i32
        %add3A_412 = arith.addi %mul3A_410, %add3A_411 : i32
        %get3A_413 = arith.index_cast %add3A_412 : i32 to index
        %get3A_414 = arith.constant 16 : index
        %get3A_415 = tpu.vector_load %arg13[%get3A_413, %get3A_414] {strides = array<i32>} : memref<200x32xf32, #tpu.memory_space<vmem>>, vector<16xf32>,
        %add3A_416 = arith.addf %scan3A_401, %get3A_415 : vector<16xf32>
        %mul3A_417 = arith.constant 8 : i32
        %mul3A_418 = arith.muli %scan3A_399, %mul3A_417 : i32
        %add3A_419 = arith.constant 1 : i32
        %add3A_420 = arith.addi %mul3A_418, %add3A_419 : i32
        %get3A_421 = arith.index_cast %add3A_420 : i32 to index
        %get3A_422 = arith.constant 0 : index
        %get3A_423 = tpu.vector_load %arg13[%get3A_421, %get3A_422] {strides = array<i32>} : memref<200x32xf32, #tpu.memory_space<vmem>>, vector<16xf32>,
        %add3A_424 = arith.addf %add3A_408, %get3A_423 : vector<16xf32>
        %mul3A_425 = arith.constant 8 : i32
        %mul3A_426 = arith.muli %scan3A_399, %mul3A_425 : i32
        %add3A_427 = arith.constant 1 : i32
        %add3A_428 = arith.addi %mul3A_426, %add3A_427 : i32
        %get3A_429 = arith.index_cast %add3A_428 : i32 to index
        %get3A_430 = arith.constant 16 : index
        %get3A_431 = tpu.vector_load %arg13[%get3A_429, %get3A_430] {strides = array<i32>} : memref<200x32xf32, #tpu.memory_space<vmem>>, vector<16xf32>,
        %add3A_432 = arith.addf %add3A_416, %get3A_431 : vector<16xf32>
        %mul3A_433 = arith.constant 8 : i32
        %mul3A_434 = arith.muli %scan3A_399, %mul3A_433 : i32
        %add3A_435 = arith.constant 2 : i32
        %add3A_436 = arith.addi %mul3A_434, %add3A_435 : i32
        %get3A_437 = arith.index_cast %add3A_436 : i32 to index
        %get3A_438 = arith.constant 0 : index
        %get3A_439 = tpu.vector_load %arg13[%get3A_437, %get3A_438] {strides = array<i32>} : memref<200x32xf32, #tpu.memory_space<vmem>>, vector<16xf32>,
        %add3A_440 = arith.addf %add3A_424, %get3A_439 : vector<16xf32>
        %mul3A_441 = arith.constant 8 : i32
        %mul3A_442 = arith.muli %scan3A_399, %mul3A_441 : i32
        %add3A_443 = arith.constant 2 : i32
        %add3A_444 = arith.addi %mul3A_442, %add3A_443 : i32
        %get3A_445 = arith.index_cast %add3A_444 : i32 to index
        %get3A_446 = arith.constant 16 : index
        %get3A_447 = tpu.vector_load %arg13[%get3A_445, %get3A_446] {strides = array<i32>} : memref<200x32xf32, #tpu.memory_space<vmem>>, vector<16xf32>,
        %add3A_448 = arith.addf %add3A_432, %get3A_447 : vector<16xf32>
        %mul3A_449 = arith.constant 8 : i32
        %mul3A_450 = arith.muli %scan3A_399, %mul3A_449 : i32
        %add3A_451 = arith.constant 3 : i32
        %add3A_452 = arith.addi %mul3A_450, %add3A_451 : i32
        %get3A_453 = arith.index_cast %add3A_452 : i32 to index
        %get3A_454 = arith.constant 0 : index
        %get3A_455 = tpu.vector_load %arg13[%get3A_453, %get3A_454] {strides = array<i32>} : memref<200x32xf32, #tpu.memory_space<vmem>>, vector<16xf32>,
        %add3A_456 = arith.addf %add3A_440, %get3A_455 : vector<16xf32>
        %mul3A_457 = arith.constant 8 : i32
        %mul3A_458 = arith.muli %scan3A_399, %mul3A_457 : i32
        %add3A_459 = arith.constant 3 : i32
        %add3A_460 = arith.addi %mul3A_458, %add3A_459 : i32
        %get3A_461 = arith.index_cast %add3A_460 : i32 to index
        %get3A_462 = arith.constant 16 : index
        %get3A_463 = tpu.vector_load %arg13[%get3A_461, %get3A_462] {strides = array<i32>} : memref<200x32xf32, #tpu.memory_space<vmem>>, vector<16xf32>,
        %add3A_464 = arith.addf %add3A_448, %get3A_463 : vector<16xf32>
        %mul3A_465 = arith.constant 8 : i32
        %mul3A_466 = arith.muli %scan3A_399, %mul3A_465 : i32
        %add3A_467 = arith.constant 4 : i32
        %add3A_468 = arith.addi %mul3A_466, %add3A_467 : i32
        %get3A_469 = arith.index_cast %add3A_468 : i32 to index
        %get3A_470 = arith.constant 0 : index
        %get3A_471 = tpu.vector_load %arg13[%get3A_469, %get3A_470] {strides = array<i32>} : memref<200x32xf32, #tpu.memory_space<vmem>>, vector<16xf32>,
        %add3A_472 = arith.addf %add3A_456, %get3A_471 : vector<16xf32>
        %mul3A_473 = arith.constant 8 : i32
        %mul3A_474 = arith.muli %scan3A_399, %mul3A_473 : i32
        %add3A_475 = arith.constant 4 : i32
        %add3A_476 = arith.addi %mul3A_474, %add3A_475 : i32
        %get3A_477 = arith.index_cast %add3A_476 : i32 to index
        %get3A_478 = arith.constant 16 : index
        %get3A_479 = tpu.vector_load %arg13[%get3A_477, %get3A_478] {strides = array<i32>} : memref<200x32xf32, #tpu.memory_space<vmem>>, vector<16xf32>,
        %add3A_480 = arith.addf %add3A_464, %get3A_479 : vector<16xf32>
        %mul3A_481 = arith.constant 8 : i32
        %mul3A_482 = arith.muli %scan3A_399, %mul3A_481 : i32
        %add3A_483 = arith.constant 5 : i32
        %add3A_484 = arith.addi %mul3A_482, %add3A_483 : i32
        %get3A_485 = arith.index_cast %add3A_484 : i32 to index
        %get3A_486 = arith.constant 0 : index
        %get3A_487 = tpu.vector_load %arg13[%get3A_485, %get3A_486] {strides = array<i32>} : memref<200x32xf32, #tpu.memory_space<vmem>>, vector<16xf32>,
        %add3A_488 = arith.addf %add3A_472, %get3A_487 : vector<16xf32>
        %mul3A_489 = arith.constant 8 : i32
        %mul3A_490 = arith.muli %scan3A_399, %mul3A_489 : i32
        %add3A_491 = arith.constant 5 : i32
        %add3A_492 = arith.addi %mul3A_490, %add3A_491 : i32
        %get3A_493 = arith.index_cast %add3A_492 : i32 to index
        %get3A_494 = arith.constant 16 : index
        %get3A_495 = tpu.vector_load %arg13[%get3A_493, %get3A_494] {strides = array<i32>} : memref<200x32xf32, #tpu.memory_space<vmem>>, vector<16xf32>,
        %add3A_496 = arith.addf %add3A_480, %get3A_495 : vector<16xf32>
        %mul3A_497 = arith.constant 8 : i32
        %mul3A_498 = arith.muli %scan3A_399, %mul3A_497 : i32
        %add3A_499 = arith.constant 6 : i32
        %add3A_500 = arith.addi %mul3A_498, %add3A_499 : i32
        %get3A_501 = arith.index_cast %add3A_500 : i32 to index
        %get3A_502 = arith.constant 0 : index
        %get3A_503 = tpu.vector_load %arg13[%get3A_501, %get3A_502] {strides = array<i32>} : memref<200x32xf32, #tpu.memory_space<vmem>>, vector<16xf32>,
        %add3A_504 = arith.addf %add3A_488, %get3A_503 : vector<16xf32>
        %mul3A_505 = arith.constant 8 : i32
        %mul3A_506 = arith.muli %scan3A_399, %mul3A_505 : i32
        %add3A_507 = arith.constant 6 : i32
        %add3A_508 = arith.addi %mul3A_506, %add3A_507 : i32
        %get3A_509 = arith.index_cast %add3A_508 : i32 to index
        %get3A_510 = arith.constant 16 : index
        %get3A_511 = tpu.vector_load %arg13[%get3A_509, %get3A_510] {strides = array<i32>} : memref<200x32xf32, #tpu.memory_space<vmem>>, vector<16xf32>,
        %add3A_512 = arith.addf %add3A_496, %get3A_511 : vector<16xf32>
        %mul3A_513 = arith.constant 8 : i32
        %mul3A_514 = arith.muli %scan3A_399, %mul3A_513 : i32
        %add3A_515 = arith.constant 7 : i32
        %add3A_516 = arith.addi %mul3A_514, %add3A_515 : i32
        %get3A_517 = arith.index_cast %add3A_516 : i32 to index
        %get3A_518 = arith.constant 0 : index
        %get3A_519 = tpu.vector_load %arg13[%get3A_517, %get3A_518] {strides = array<i32>} : memref<200x32xf32, #tpu.memory_space<vmem>>, vector<16xf32>,
        %add3A_520 = arith.addf %add3A_504, %get3A_519 : vector<16xf32>
        %mul3A_521 = arith.constant 8 : i32
        %mul3A_522 = arith.muli %scan3A_399, %mul3A_521 : i32
        %add3A_523 = arith.constant 7 : i32
        %add3A_524 = arith.addi %mul3A_522, %add3A_523 : i32
        %get3A_525 = arith.index_cast %add3A_524 : i32 to index
        %get3A_526 = arith.constant 16 : index
        %get3A_527 = tpu.vector_load %arg13[%get3A_525, %get3A_526] {strides = array<i32>} : memref<200x32xf32, #tpu.memory_space<vmem>>, vector<16xf32>,
        %add3A_528 = arith.addf %add3A_512, %get3A_527 : vector<16xf32>
        scf.yield %add3A_520, %add3A_528 : vector<16xf32>, vector<16xf32>
      }
      %scan3A_387 = arith.constant 25 : i32
      %swap3A_388 = arith.index_cast %add3A_379 : i32 to index
      %swap3A_389 = arith.constant 0 : index
      %swap3A_390 = tpu.vector_load %arg14[%swap3A_388, %swap3A_389] {strides = array<i32>} : memref<128x32xf32, #tpu.memory_space<vmem>>, vector<16xf32>,
      tpu.vector_store %arg14[%swap3A_388, %swap3A_389], %scan3A_386#0 {strides = array<i32>} : memref<128x32xf32, #tpu.memory_space<vmem>>, vector<16xf32>,
      %swap3A_391 = arith.index_cast %add3A_379 : i32 to index
      %swap3A_392 = arith.constant 16 : index
      %swap3A_393 = tpu.vector_load %arg14[%swap3A_391, %swap3A_392] {strides = array<i32>} : memref<128x32xf32, #tpu.memory_space<vmem>>, vector<16xf32>,
      tpu.vector_store %arg14[%swap3A_391, %swap3A_392], %scan3A_386#1 {strides = array<i32>} : memref<128x32xf32, #tpu.memory_space<vmem>>, vector<16xf32>,
      %lt3A_394 = arith.constant 63 : i32
      %lt3A_395 = arith.cmpi slt, %scan3A_319, %lt3A_394 : i32
      %convert_element_type3A_396 = arith.extui %lt3A_395 : i1 to i32
      %cond3A_397 = arith.constant 0 : i32
      %cond3A_398 = arith.cmpi ne, %convert_element_type3A_396, %cond3A_397 : i32
      scf.if %cond3A_398 {
        %add3A_399 = arith.constant 3 : i32
        %add3A_400 = arith.addi %mul3A_321, %add3A_399 : i32
        %dma_start3A_401 = arith.constant 0 : i32
        %dma_start3A_402 = arith.constant 0 : i32
        %dma_start3A_403 = tpu.memref_slice %arg13[%dma_start3A_401, %dma_start3A_402] : memref<200x32xf32, #tpu.memory_space<vmem>> -> memref<128x32xf32, #tpu.memory_space<vmem>>
        %dma_start3A_404 = arith.constant 0 : i32
        %dma_start3A_405 = tpu.memref_slice %arg11[%add3A_400, %dma_start3A_404] : memref<128x200xi32, #tpu.memory_space<vmem>> -> memref<1x128xi32, #tpu.memory_space<vmem>>
        %dma_start3A_406 = tpu.memref_squeeze %dma_start3A_405 : memref<1x128xi32, #tpu.memory_space<vmem>> -> memref<128xi32, #tpu.memory_space<vmem>>
        %dma_start3A_407 = arith.constant 0 : i32
        %dma_start3A_408 = arith.constant 0 : i32
        %dma_start3A_409 = tpu.memref_slice %arg16[%dma_start3A_407, %dma_start3A_408] : memref<200x32xf32, #tpu.memory_space<vmem_shared>> -> memref<200x32xf32, #tpu.memory_space<vmem_shared>>
        tpu.enqueue_indirect_dma source(%dma_start3A_409 : memref<200x32xf32, #tpu.memory_space<vmem_shared>>) target(%dma_start3A_403 : memref<128x32xf32, #tpu.memory_space<vmem>>) offsets(%dma_start3A_406 : memref<128xi32, #tpu.memory_space<vmem>>) semaphore(%arg19 : memref<!tpu.dma_semaphore, #tpu.memory_space<semaphore_mem>>)
        %dma_start3A_410 = arith.constant 128 : i32
        %dma_start3A_411 = arith.constant 0 : i32
        %dma_start3A_412 = tpu.memref_slice %arg13[%dma_start3A_410, %dma_start3A_411] : memref<200x32xf32, #tpu.memory_space<vmem>> -> memref<72x32xf32, #tpu.memory_space<vmem>>
        %dma_start3A_413 = arith.constant 128 : i32
        %dma_start3A_414 = tpu.memref_slice %arg11[%add3A_400, %dma_start3A_413] : memref<128x200xi32, #tpu.memory_space<vmem>> -> memref<1x72xi32, #tpu.memory_space<vmem>>
        %dma_start3A_415 = tpu.memref_squeeze %dma_start3A_414 : memref<1x72xi32, #tpu.memory_space<vmem>> -> memref<72xi32, #tpu.memory_space<vmem>>
        %dma_start3A_416 = arith.constant 0 : i32
        %dma_start3A_417 = arith.constant 0 : i32
        %dma_start3A_418 = tpu.memref_slice %arg16[%dma_start3A_416, %dma_start3A_417] : memref<200x32xf32, #tpu.memory_space<vmem_shared>> -> memref<200x32xf32, #tpu.memory_space<vmem_shared>>
        tpu.enqueue_indirect_dma source(%dma_start3A_418 : memref<200x32xf32, #tpu.memory_space<vmem_shared>>) target(%dma_start3A_412 : memref<72x32xf32, #tpu.memory_space<vmem>>) offsets(%dma_start3A_415 : memref<72xi32, #tpu.memory_space<vmem>>) semaphore(%arg19 : memref<!tpu.dma_semaphore, #tpu.memory_space<semaphore_mem>>)
      } else {
      }
    }
    %scan3A_225 = arith.constant 64 : i32
    %run_scoped3A_226 = arith.constant 1 : i32
    "tpu.region"() ({
      %run_scoped3A_319 = tpu.sem_alloc : memref<!tpu.dma_semaphore, #tpu.memory_space<semaphore_mem>>
      %dma_start3A_320 = arith.constant 0 : i32
      %dma_start3A_321 = tpu.memref_slice %arg9[%run_scoped3A_226, %add3A_5, %dma_start3A_320] : memref<4x4096x32xf32, #tpu.memory_space<hbm>> -> memref<1x128x32xf32, #tpu.memory_space<hbm>>
      %dma_start3A_322 = tpu.memref_squeeze %dma_start3A_321 : memref<1x128x32xf32, #tpu.memory_space<hbm>> -> memref<128x32xf32, #tpu.memory_space<hbm>>
      %dma_start3A_323 = arith.constant 0 : i32
      %dma_start3A_324 = tpu.memref_slice %arg9[%run_scoped3A_226, %add3A_5, %dma_start3A_323] : memref<4x4096x32xf32, #tpu.memory_space<hbm>> -> memref<1x128x32xf32, #tpu.memory_space<hbm>>
      %dma_start3A_325 = tpu.memref_squeeze %dma_start3A_324 : memref<1x128x32xf32, #tpu.memory_space<hbm>> -> memref<128x32xf32, #tpu.memory_space<hbm>>
      tpu.enqueue_dma source(%arg14 : memref<128x32xf32, #tpu.memory_space<vmem>>) target(%dma_start3A_325 : memref<128x32xf32, #tpu.memory_space<hbm>>) target_semaphore(%run_scoped3A_319 : memref<!tpu.dma_semaphore, #tpu.memory_space<semaphore_mem>>)
      %dma_wait3A_326 = arith.constant 0 : i32
      %dma_wait3A_327 = tpu.memref_slice %arg9[%run_scoped3A_226, %add3A_5, %dma_wait3A_326] : memref<4x4096x32xf32, #tpu.memory_space<hbm>> -> memref<1x128x32xf32, #tpu.memory_space<hbm>>
      %dma_wait3A_328 = tpu.memref_squeeze %dma_wait3A_327 : memref<1x128x32xf32, #tpu.memory_space<hbm>> -> memref<128x32xf32, #tpu.memory_space<hbm>>
      %dma_wait3A_329 = arith.constant 0 : i32
      %dma_wait3A_330 = tpu.memref_slice %arg9[%run_scoped3A_226, %add3A_5, %dma_wait3A_329] : memref<4x4096x32xf32, #tpu.memory_space<hbm>> -> memref<1x128x32xf32, #tpu.memory_space<hbm>>
      %dma_wait3A_331 = tpu.memref_squeeze %dma_wait3A_330 : memref<1x128x32xf32, #tpu.memory_space<hbm>> -> memref<128x32xf32, #tpu.memory_space<hbm>>
      tpu.wait_dma2 semaphore(%run_scoped3A_319 : memref<!tpu.dma_semaphore, #tpu.memory_space<semaphore_mem>>) src(%arg14 : memref<128x32xf32, #tpu.memory_space<vmem>>) dst(%dma_wait3A_331 : memref<128x32xf32, #tpu.memory_space<hbm>>)
      tpu.yield
    }) : () -> ()
    %dma_wait3A_227 = arith.constant 0 : i32
    %dma_wait3A_228 = arith.constant 0 : i32
    %dma_wait3A_229 = arith.constant 0 : i32
    %dma_wait3A_230 = arith.constant 0 : i32
    %dma_wait3A_231 = tpu.memref_slice %arg10[%dma_wait3A_227, %dma_wait3A_228, %dma_wait3A_229, %dma_wait3A_230] : memref<2x25x8x128xi32, #tpu.memory_space<vmem>> -> memref<1x25x8x128xi32, #tpu.memory_space<vmem>>
    %dma_wait3A_232 = tpu.memref_squeeze %dma_wait3A_231 : memref<1x25x8x128xi32, #tpu.memory_space<vmem>> -> memref<25x8x128xi32, #tpu.memory_space<vmem>>
    %dma_wait3A_233 = arith.constant 0 : i32
    %dma_wait3A_234 = arith.constant 0 : i32
    %dma_wait3A_235 = arith.constant 0 : i32
    %dma_wait3A_236 = tpu.memref_slice %arg4[%dma_wait3A_233, %add3A, %dma_wait3A_234, %dma_wait3A_235] : memref<25x32x8x128xi32, #tpu.memory_space<hbm>> -> memref<25x1x8x128xi32, #tpu.memory_space<hbm>>
    %dma_wait3A_237 = tpu.memref_squeeze %dma_wait3A_236 : memref<25x1x8x128xi32, #tpu.memory_space<hbm>> -> memref<25x8x128xi32, #tpu.memory_space<hbm>>
    %dma_wait3A_238 = arith.constant 0 : i32
    %dma_wait3A_239 = arith.constant 0 : i32
    %dma_wait3A_240 = arith.constant 0 : i32
    %dma_wait3A_241 = tpu.memref_slice %arg10[%dma_wait3A_227, %dma_wait3A_238, %dma_wait3A_239, %dma_wait3A_240] : memref<2x25x8x128xi32, #tpu.memory_space<vmem>> -> memref<1x25x8x128xi32, #tpu.memory_space<vmem>>
    %dma_wait3A_242 = tpu.memref_squeeze %dma_wait3A_241 : memref<1x25x8x128xi32, #tpu.memory_space<vmem>> -> memref<25x8x128xi32, #tpu.memory_space<vmem>>
    %dma_wait3A_243 = arith.constant 0 : i32
    %dma_wait3A_244 = arith.constant 0 : i32
    %dma_wait3A_245 = arith.constant 0 : i32
    %dma_wait3A_246 = tpu.memref_slice %arg4[%dma_wait3A_243, %add3A, %dma_wait3A_244, %dma_wait3A_245] : memref<25x32x8x128xi32, #tpu.memory_space<hbm>> -> memref<25x1x8x128xi32, #tpu.memory_space<hbm>>
    %dma_wait3A_247 = tpu.memref_squeeze %dma_wait3A_246 : memref<25x1x8x128xi32, #tpu.memory_space<hbm>> -> memref<25x8x128xi32, #tpu.memory_space<hbm>>
    tpu.wait_dma2 semaphore(%arg20 : memref<!tpu.dma_semaphore, #tpu.memory_space<semaphore_mem>>) src(%dma_wait3A_247 : memref<25x8x128xi32, #tpu.memory_space<hbm>>) dst(%dma_wait3A_242 : memref<25x8x128xi32, #tpu.memory_space<vmem>>)
    %scan3A_248 = arith.constant 0 : i32
    %scan3A_249 = arith.constant 0 : i32
    %scan3A_250 = arith.constant 0 : i32
    %scan3A_251 = arith.constant 200 : i32
    %scan3A_252 = arith.addi %scan3A_250, %scan3A_251 : i32
    %scan3A_253 = arith.constant 1 : i32
    scf.for %scan3A_319 = %scan3A_250 to %scan3A_252 step %scan3A_253  : i32 {
      %jit3A = arith.constant 8 : i32
      %div3A = arith.divsi %scan3A_319, %jit3A : i32
      %sign3A = arith.constant 0 : i32
      %sign3A_320 = arith.cmpi sgt, %scan3A_319, %sign3A : i32
      %sign3A_321 = arith.extui %sign3A_320 : i1 to i32
      %sign3A_322 = arith.constant 0 : i32
      %sign3A_323 = arith.cmpi slt, %scan3A_319, %sign3A_322 : i32
      %sign3A_324 = arith.extui %sign3A_323 : i1 to i32
      %sign3A_325 = arith.subi %sign3A_321, %sign3A_324 : i32
      %sign3A_326 = arith.constant 0 : i32
      %sign3A_327 = arith.cmpi sgt, %jit3A, %sign3A_326 : i32
      %sign3A_328 = arith.extui %sign3A_327 : i1 to i32
      %sign3A_329 = arith.constant 0 : i32
      %sign3A_330 = arith.cmpi slt, %jit3A, %sign3A_329 : i32
      %sign3A_331 = arith.extui %sign3A_330 : i1 to i32
      %sign3A_332 = arith.subi %sign3A_328, %sign3A_331 : i32
      %ne3A = arith.cmpi ne, %sign3A_325, %sign3A_332 : i32
      %rem3A = arith.remsi %scan3A_319, %jit3A : i32
      %ne3A_333 = arith.constant 0 : i32
      %ne3A_334 = arith.cmpi ne, %rem3A, %ne3A_333 : i32
      %and3A = arith.andi %ne3A, %ne3A_334 : i1
      %sub3A = arith.constant 1 : i32
      %sub3A_335 = arith.subi %div3A, %sub3A : i32
      %select_n3A = arith.select %and3A, %sub3A_335, %div3A : i32
      %jit3A_336 = arith.constant 8 : i32
      %eq3A_337 = arith.constant 0 : i32
      %eq3A_338 = arith.cmpi eq, %jit3A_336, %eq3A_337 : i32
      %jit3A_339 = arith.constant 1 : i32
      %select_n3A_340 = arith.select %eq3A_338, %jit3A_339, %jit3A_336 : i32
      %rem3A_341 = arith.remsi %scan3A_319, %select_n3A_340 : i32
      %ne3A_342 = arith.constant 0 : i32
      %ne3A_343 = arith.cmpi ne, %rem3A_341, %ne3A_342 : i32
      %lt3A = arith.constant 0 : i32
      %lt3A_344 = arith.cmpi slt, %rem3A_341, %lt3A : i32
      %lt3A_345 = arith.constant 0 : i32
      %lt3A_346 = arith.cmpi slt, %select_n3A_340, %lt3A_345 : i32
      %ne3A_347 = arith.xori %lt3A_344, %lt3A_346 : i1
      %and3A_348 = arith.andi %ne3A_347, %ne3A_343 : i1
      %add3A_349 = arith.addi %rem3A_341, %select_n3A_340 : i32
      %select_n3A_350 = arith.select %and3A_348, %add3A_349, %rem3A_341 : i32
      %broadcast_in_dim3A = vector.broadcast %scan3A_319 : i32 to vector<16xi32>
      %get3A = arith.constant 0 : i32
      %get3A_351 = arith.constant 0 : i32
      %get3A_352 = arith.constant 0 : i32
      %get3A_353 = tpu.memref_slice %arg10[%scan3A_249, %get3A, %get3A_351, %get3A_352] : memref<2x25x8x128xi32, #tpu.memory_space<vmem>> -> memref<1x25x8x128xi32, #tpu.memory_space<vmem>>
      %get3A_354 = tpu.memref_squeeze %get3A_353 : memref<1x25x8x128xi32, #tpu.memory_space<vmem>> -> memref<25x8x128xi32, #tpu.memory_space<vmem>>
      %get3A_355 = arith.index_cast %select_n3A : i32 to index
      %get3A_356 = arith.index_cast %select_n3A_350 : i32 to index
      %get3A_357 = arith.constant 0 : index
      %get3A_358 = tpu.vector_load %get3A_354[%get3A_355, %get3A_356, %get3A_357] {strides = array<i32>} : memref<25x8x128xi32, #tpu.memory_space<vmem>>, vector<16xi32>,
      %add3A_359 = arith.constant 0 : i32
      %add3A_360 = vector.broadcast %add3A_359 : i32 to vector<16xi32>
      %add3A_361 = arith.addi %add3A_360, %iota3A : vector<16xi32>
      tpu.vector_store_idx %arg11[%add3A_361, %broadcast_in_dim3A], %get3A_358 : memref<128x200xi32, #tpu.memory_space<vmem>>[vector<16xi32>, vector<16xi32>], vector<16xi32>,
      %get3A_362 = arith.constant 0 : i32
      %get3A_363 = arith.constant 0 : i32
      %get3A_364 = arith.constant 0 : i32
      %get3A_365 = tpu.memref_slice %arg10[%scan3A_249, %get3A_362, %get3A_363, %get3A_364] : memref<2x25x8x128xi32, #tpu.memory_space<vmem>> -> memref<1x25x8x128xi32, #tpu.memory_space<vmem>>
      %get3A_366 = tpu.memref_squeeze %get3A_365 : memref<1x25x8x128xi32, #tpu.memory_space<vmem>> -> memref<25x8x128xi32, #tpu.memory_space<vmem>>
      %get3A_367 = arith.index_cast %select_n3A : i32 to index
      %get3A_368 = arith.index_cast %select_n3A_350 : i32 to index
      %get3A_369 = arith.constant 16 : index
      %get3A_370 = tpu.vector_load %get3A_366[%get3A_367, %get3A_368, %get3A_369] {strides = array<i32>} : memref<25x8x128xi32, #tpu.memory_space<vmem>>, vector<16xi32>,
      %add3A_371 = arith.constant 16 : i32
      %add3A_372 = vector.broadcast %add3A_371 : i32 to vector<16xi32>
      %add3A_373 = arith.addi %add3A_372, %iota3A : vector<16xi32>
      tpu.vector_store_idx %arg11[%add3A_373, %broadcast_in_dim3A], %get3A_370 : memref<128x200xi32, #tpu.memory_space<vmem>>[vector<16xi32>, vector<16xi32>], vector<16xi32>,
      %get3A_374 = arith.constant 0 : i32
      %get3A_375 = arith.constant 0 : i32
      %get3A_376 = arith.constant 0 : i32
      %get3A_377 = tpu.memref_slice %arg10[%scan3A_249, %get3A_374, %get3A_375, %get3A_376] : memref<2x25x8x128xi32, #tpu.memory_space<vmem>> -> memref<1x25x8x128xi32, #tpu.memory_space<vmem>>
      %get3A_378 = tpu.memref_squeeze %get3A_377 : memref<1x25x8x128xi32, #tpu.memory_space<vmem>> -> memref<25x8x128xi32, #tpu.memory_space<vmem>>
      %get3A_379 = arith.index_cast %select_n3A : i32 to index
      %get3A_380 = arith.index_cast %select_n3A_350 : i32 to index
      %get3A_381 = arith.constant 32 : index
      %get3A_382 = tpu.vector_load %get3A_378[%get3A_379, %get3A_380, %get3A_381] {strides = array<i32>} : memref<25x8x128xi32, #tpu.memory_space<vmem>>, vector<16xi32>,
      %add3A_383 = arith.constant 32 : i32
      %add3A_384 = vector.broadcast %add3A_383 : i32 to vector<16xi32>
      %add3A_385 = arith.addi %add3A_384, %iota3A : vector<16xi32>
      tpu.vector_store_idx %arg11[%add3A_385, %broadcast_in_dim3A], %get3A_382 : memref<128x200xi32, #tpu.memory_space<vmem>>[vector<16xi32>, vector<16xi32>], vector<16xi32>,
      %get3A_386 = arith.constant 0 : i32
      %get3A_387 = arith.constant 0 : i32
      %get3A_388 = arith.constant 0 : i32
      %get3A_389 = tpu.memref_slice %arg10[%scan3A_249, %get3A_386, %get3A_387, %get3A_388] : memref<2x25x8x128xi32, #tpu.memory_space<vmem>> -> memref<1x25x8x128xi32, #tpu.memory_space<vmem>>
      %get3A_390 = tpu.memref_squeeze %get3A_389 : memref<1x25x8x128xi32, #tpu.memory_space<vmem>> -> memref<25x8x128xi32, #tpu.memory_space<vmem>>
      %get3A_391 = arith.index_cast %select_n3A : i32 to index
      %get3A_392 = arith.index_cast %select_n3A_350 : i32 to index
      %get3A_393 = arith.constant 48 : index
      %get3A_394 = tpu.vector_load %get3A_390[%get3A_391, %get3A_392, %get3A_393] {strides = array<i32>} : memref<25x8x128xi32, #tpu.memory_space<vmem>>, vector<16xi32>,
      %add3A_395 = arith.constant 48 : i32
      %add3A_396 = vector.broadcast %add3A_395 : i32 to vector<16xi32>
      %add3A_397 = arith.addi %add3A_396, %iota3A : vector<16xi32>
      tpu.vector_store_idx %arg11[%add3A_397, %broadcast_in_dim3A], %get3A_394 : memref<128x200xi32, #tpu.memory_space<vmem>>[vector<16xi32>, vector<16xi32>], vector<16xi32>,
      %get3A_398 = arith.constant 0 : i32
      %get3A_399 = arith.constant 0 : i32
      %get3A_400 = arith.constant 0 : i32
      %get3A_401 = tpu.memref_slice %arg10[%scan3A_249, %get3A_398, %get3A_399, %get3A_400] : memref<2x25x8x128xi32, #tpu.memory_space<vmem>> -> memref<1x25x8x128xi32, #tpu.memory_space<vmem>>
      %get3A_402 = tpu.memref_squeeze %get3A_401 : memref<1x25x8x128xi32, #tpu.memory_space<vmem>> -> memref<25x8x128xi32, #tpu.memory_space<vmem>>
      %get3A_403 = arith.index_cast %select_n3A : i32 to index
      %get3A_404 = arith.index_cast %select_n3A_350 : i32 to index
      %get3A_405 = arith.constant 64 : index
      %get3A_406 = tpu.vector_load %get3A_402[%get3A_403, %get3A_404, %get3A_405] {strides = array<i32>} : memref<25x8x128xi32, #tpu.memory_space<vmem>>, vector<16xi32>,
      %add3A_407 = arith.constant 64 : i32
      %add3A_408 = vector.broadcast %add3A_407 : i32 to vector<16xi32>
      %add3A_409 = arith.addi %add3A_408, %iota3A : vector<16xi32>
      tpu.vector_store_idx %arg11[%add3A_409, %broadcast_in_dim3A], %get3A_406 : memref<128x200xi32, #tpu.memory_space<vmem>>[vector<16xi32>, vector<16xi32>], vector<16xi32>,
      %get3A_410 = arith.constant 0 : i32
      %get3A_411 = arith.constant 0 : i32
      %get3A_412 = arith.constant 0 : i32
      %get3A_413 = tpu.memref_slice %arg10[%scan3A_249, %get3A_410, %get3A_411, %get3A_412] : memref<2x25x8x128xi32, #tpu.memory_space<vmem>> -> memref<1x25x8x128xi32, #tpu.memory_space<vmem>>
      %get3A_414 = tpu.memref_squeeze %get3A_413 : memref<1x25x8x128xi32, #tpu.memory_space<vmem>> -> memref<25x8x128xi32, #tpu.memory_space<vmem>>
      %get3A_415 = arith.index_cast %select_n3A : i32 to index
      %get3A_416 = arith.index_cast %select_n3A_350 : i32 to index
      %get3A_417 = arith.constant 80 : index
      %get3A_418 = tpu.vector_load %get3A_414[%get3A_415, %get3A_416, %get3A_417] {strides = array<i32>} : memref<25x8x128xi32, #tpu.memory_space<vmem>>, vector<16xi32>,
      %add3A_419 = arith.constant 80 : i32
      %add3A_420 = vector.broadcast %add3A_419 : i32 to vector<16xi32>
      %add3A_421 = arith.addi %add3A_420, %iota3A : vector<16xi32>
      tpu.vector_store_idx %arg11[%add3A_421, %broadcast_in_dim3A], %get3A_418 : memref<128x200xi32, #tpu.memory_space<vmem>>[vector<16xi32>, vector<16xi32>], vector<16xi32>,
      %get3A_422 = arith.constant 0 : i32
      %get3A_423 = arith.constant 0 : i32
      %get3A_424 = arith.constant 0 : i32
      %get3A_425 = tpu.memref_slice %arg10[%scan3A_249, %get3A_422, %get3A_423, %get3A_424] : memref<2x25x8x128xi32, #tpu.memory_space<vmem>> -> memref<1x25x8x128xi32, #tpu.memory_space<vmem>>
      %get3A_426 = tpu.memref_squeeze %get3A_425 : memref<1x25x8x128xi32, #tpu.memory_space<vmem>> -> memref<25x8x128xi32, #tpu.memory_space<vmem>>
      %get3A_427 = arith.index_cast %select_n3A : i32 to index
      %get3A_428 = arith.index_cast %select_n3A_350 : i32 to index
      %get3A_429 = arith.constant 96 : index
      %get3A_430 = tpu.vector_load %get3A_426[%get3A_427, %get3A_428, %get3A_429] {strides = array<i32>} : memref<25x8x128xi32, #tpu.memory_space<vmem>>, vector<16xi32>,
      %add3A_431 = arith.constant 96 : i32
      %add3A_432 = vector.broadcast %add3A_431 : i32 to vector<16xi32>
      %add3A_433 = arith.addi %add3A_432, %iota3A : vector<16xi32>
      tpu.vector_store_idx %arg11[%add3A_433, %broadcast_in_dim3A], %get3A_430 : memref<128x200xi32, #tpu.memory_space<vmem>>[vector<16xi32>, vector<16xi32>], vector<16xi32>,
      %get3A_434 = arith.constant 0 : i32
      %get3A_435 = arith.constant 0 : i32
      %get3A_436 = arith.constant 0 : i32
      %get3A_437 = tpu.memref_slice %arg10[%scan3A_249, %get3A_434, %get3A_435, %get3A_436] : memref<2x25x8x128xi32, #tpu.memory_space<vmem>> -> memref<1x25x8x128xi32, #tpu.memory_space<vmem>>
      %get3A_438 = tpu.memref_squeeze %get3A_437 : memref<1x25x8x128xi32, #tpu.memory_space<vmem>> -> memref<25x8x128xi32, #tpu.memory_space<vmem>>
      %get3A_439 = arith.index_cast %select_n3A : i32 to index
      %get3A_440 = arith.index_cast %select_n3A_350 : i32 to index
      %get3A_441 = arith.constant 112 : index
      %get3A_442 = tpu.vector_load %get3A_438[%get3A_439, %get3A_440, %get3A_441] {strides = array<i32>} : memref<25x8x128xi32, #tpu.memory_space<vmem>>, vector<16xi32>,
      %add3A_443 = arith.constant 112 : i32
      %add3A_444 = vector.broadcast %add3A_443 : i32 to vector<16xi32>
      %add3A_445 = arith.addi %add3A_444, %iota3A : vector<16xi32>
      tpu.vector_store_idx %arg11[%add3A_445, %broadcast_in_dim3A], %get3A_442 : memref<128x200xi32, #tpu.memory_space<vmem>>[vector<16xi32>, vector<16xi32>], vector<16xi32>,
    }
    %scan3A_254 = arith.constant 200 : i32
    %dma_start3A_255 = arith.constant 0 : i32
    %dma_start3A_256 = arith.constant 0 : i32
    %dma_start3A_257 = arith.constant 0 : i32
    %dma_start3A_258 = tpu.memref_slice %arg12[%dma_start3A_256, %dma_start3A_257] : memref<200x32xf32, #tpu.memory_space<vmem>> -> memref<128x32xf32, #tpu.memory_space<vmem>>
    %dma_start3A_259 = arith.constant 0 : i32
    %dma_start3A_260 = tpu.memref_slice %arg11[%dma_start3A_255, %dma_start3A_259] : memref<128x200xi32, #tpu.memory_space<vmem>> -> memref<1x128xi32, #tpu.memory_space<vmem>>
    %dma_start3A_261 = tpu.memref_squeeze %dma_start3A_260 : memref<1x128xi32, #tpu.memory_space<vmem>> -> memref<128xi32, #tpu.memory_space<vmem>>
    %dma_start3A_262 = arith.constant 0 : i32
    %dma_start3A_263 = arith.constant 0 : i32
    %dma_start3A_264 = tpu.memref_slice %arg17[%dma_start3A_262, %dma_start3A_263] : memref<801x32xf32, #tpu.memory_space<vmem_shared>> -> memref<801x32xf32, #tpu.memory_space<vmem_shared>>
    tpu.enqueue_indirect_dma source(%dma_start3A_264 : memref<801x32xf32, #tpu.memory_space<vmem_shared>>) target(%dma_start3A_258 : memref<128x32xf32, #tpu.memory_space<vmem>>) offsets(%dma_start3A_261 : memref<128xi32, #tpu.memory_space<vmem>>) semaphore(%arg18 : memref<!tpu.dma_semaphore, #tpu.memory_space<semaphore_mem>>)
    %dma_start3A_265 = arith.constant 0 : i32
    %dma_start3A_266 = arith.constant 128 : i32
    %dma_start3A_267 = arith.constant 0 : i32
    %dma_start3A_268 = tpu.memref_slice %arg12[%dma_start3A_266, %dma_start3A_267] : memref<200x32xf32, #tpu.memory_space<vmem>> -> memref<72x32xf32, #tpu.memory_space<vmem>>
    %dma_start3A_269 = arith.constant 128 : i32
    %dma_start3A_270 = tpu.memref_slice %arg11[%dma_start3A_265, %dma_start3A_269] : memref<128x200xi32, #tpu.memory_space<vmem>> -> memref<1x72xi32, #tpu.memory_space<vmem>>
    %dma_start3A_271 = tpu.memref_squeeze %dma_start3A_270 : memref<1x72xi32, #tpu.memory_space<vmem>> -> memref<72xi32, #tpu.memory_space<vmem>>
    %dma_start3A_272 = arith.constant 0 : i32
    %dma_start3A_273 = arith.constant 0 : i32
    %dma_start3A_274 = tpu.memref_slice %arg17[%dma_start3A_272, %dma_start3A_273] : memref<801x32xf32, #tpu.memory_space<vmem_shared>> -> memref<801x32xf32, #tpu.memory_space<vmem_shared>>
    tpu.enqueue_indirect_dma source(%dma_start3A_274 : memref<801x32xf32, #tpu.memory_space<vmem_shared>>) target(%dma_start3A_268 : memref<72x32xf32, #tpu.memory_space<vmem>>) offsets(%dma_start3A_271 : memref<72xi32, #tpu.memory_space<vmem>>) semaphore(%arg18 : memref<!tpu.dma_semaphore, #tpu.memory_space<semaphore_mem>>)
    %dma_start3A_275 = arith.constant 1 : i32
    %dma_start3A_276 = arith.constant 0 : i32
    %dma_start3A_277 = arith.constant 0 : i32
    %dma_start3A_278 = tpu.memref_slice %arg13[%dma_start3A_276, %dma_start3A_277] : memref<200x32xf32, #tpu.memory_space<vmem>> -> memref<128x32xf32, #tpu.memory_space<vmem>>
    %dma_start3A_279 = arith.constant 0 : i32
    %dma_start3A_280 = tpu.memref_slice %arg11[%dma_start3A_275, %dma_start3A_279] : memref<128x200xi32, #tpu.memory_space<vmem>> -> memref<1x128xi32, #tpu.memory_space<vmem>>
    %dma_start3A_281 = tpu.memref_squeeze %dma_start3A_280 : memref<1x128xi32, #tpu.memory_space<vmem>> -> memref<128xi32, #tpu.memory_space<vmem>>
    %dma_start3A_282 = arith.constant 0 : i32
    %dma_start3A_283 = arith.constant 0 : i32
    %dma_start3A_284 = tpu.memref_slice %arg17[%dma_start3A_282, %dma_start3A_283] : memref<801x32xf32, #tpu.memory_space<vmem_shared>> -> memref<801x32xf32, #tpu.memory_space<vmem_shared>>
    tpu.enqueue_indirect_dma source(%dma_start3A_284 : memref<801x32xf32, #tpu.memory_space<vmem_shared>>) target(%dma_start3A_278 : memref<128x32xf32, #tpu.memory_space<vmem>>) offsets(%dma_start3A_281 : memref<128xi32, #tpu.memory_space<vmem>>) semaphore(%arg19 : memref<!tpu.dma_semaphore, #tpu.memory_space<semaphore_mem>>)
    %dma_start3A_285 = arith.constant 1 : i32
    %dma_start3A_286 = arith.constant 128 : i32
    %dma_start3A_287 = arith.constant 0 : i32
    %dma_start3A_288 = tpu.memref_slice %arg13[%dma_start3A_286, %dma_start3A_287] : memref<200x32xf32, #tpu.memory_space<vmem>> -> memref<72x32xf32, #tpu.memory_space<vmem>>
    %dma_start3A_289 = arith.constant 128 : i32
    %dma_start3A_290 = tpu.memref_slice %arg11[%dma_start3A_285, %dma_start3A_289] : memref<128x200xi32, #tpu.memory_space<vmem>> -> memref<1x72xi32, #tpu.memory_space<vmem>>
    %dma_start3A_291 = tpu.memref_squeeze %dma_start3A_290 : memref<1x72xi32, #tpu.memory_space<vmem>> -> memref<72xi32, #tpu.memory_space<vmem>>
    %dma_start3A_292 = arith.constant 0 : i32
    %dma_start3A_293 = arith.constant 0 : i32
    %dma_start3A_294 = tpu.memref_slice %arg17[%dma_start3A_292, %dma_start3A_293] : memref<801x32xf32, #tpu.memory_space<vmem_shared>> -> memref<801x32xf32, #tpu.memory_space<vmem_shared>>
    tpu.enqueue_indirect_dma source(%dma_start3A_294 : memref<801x32xf32, #tpu.memory_space<vmem_shared>>) target(%dma_start3A_288 : memref<72x32xf32, #tpu.memory_space<vmem>>) offsets(%dma_start3A_291 : memref<72xi32, #tpu.memory_space<vmem>>) semaphore(%arg19 : memref<!tpu.dma_semaphore, #tpu.memory_space<semaphore_mem>>)
    %scan3A_295 = arith.constant 0 : i32
    %scan3A_296 = arith.constant 0 : i32
    %scan3A_297 = arith.constant 64 : i32
    %scan3A_298 = arith.addi %scan3A_296, %scan3A_297 : i32
    %scan3A_299 = arith.constant 1 : i32
    scf.for %scan3A_319 = %scan3A_296 to %scan3A_298 step %scan3A_299  : i32 {
      %mul3A_320 = arith.constant 2 : i32
      %mul3A_321 = arith.muli %mul3A_320, %scan3A_319 : i32
      %dma_wait3A_322 = arith.constant 0 : i32
      %dma_wait3A_323 = arith.constant 0 : i32
      %dma_wait3A_324 = arith.constant 0 : i32
      %dma_wait3A_325 = tpu.memref_slice %arg12[%dma_wait3A_323, %dma_wait3A_324] : memref<200x32xf32, #tpu.memory_space<vmem>> -> memref<128x32xf32, #tpu.memory_space<vmem>>
      %dma_wait3A_326 = arith.constant 0 : i32
      %dma_wait3A_327 = tpu.memref_slice %arg11[%dma_wait3A_322, %dma_wait3A_326] : memref<128x200xi32, #tpu.memory_space<vmem>> -> memref<1x128xi32, #tpu.memory_space<vmem>>
      %dma_wait3A_328 = tpu.memref_squeeze %dma_wait3A_327 : memref<1x128xi32, #tpu.memory_space<vmem>> -> memref<128xi32, #tpu.memory_space<vmem>>
      %dma_wait3A_329 = arith.constant 0 : i32
      %dma_wait3A_330 = arith.constant 0 : i32
      %dma_wait3A_331 = tpu.memref_slice %arg17[%dma_wait3A_329, %dma_wait3A_330] : memref<801x32xf32, #tpu.memory_space<vmem_shared>> -> memref<801x32xf32, #tpu.memory_space<vmem_shared>>
      tpu.wait_indirect_dma semaphore(%arg18 : memref<!tpu.dma_semaphore, #tpu.memory_space<semaphore_mem>>) src(%dma_wait3A_331 : memref<801x32xf32, #tpu.memory_space<vmem_shared>>) dst(%dma_wait3A_325 : memref<128x32xf32, #tpu.memory_space<vmem>>)
      %dma_wait3A_332 = arith.constant 0 : i32
      %dma_wait3A_333 = arith.constant 128 : i32
      %dma_wait3A_334 = arith.constant 0 : i32
      %dma_wait3A_335 = tpu.memref_slice %arg12[%dma_wait3A_333, %dma_wait3A_334] : memref<200x32xf32, #tpu.memory_space<vmem>> -> memref<72x32xf32, #tpu.memory_space<vmem>>
      %dma_wait3A_336 = arith.constant 128 : i32
      %dma_wait3A_337 = tpu.memref_slice %arg11[%dma_wait3A_332, %dma_wait3A_336] : memref<128x200xi32, #tpu.memory_space<vmem>> -> memref<1x72xi32, #tpu.memory_space<vmem>>
      %dma_wait3A_338 = tpu.memref_squeeze %dma_wait3A_337 : memref<1x72xi32, #tpu.memory_space<vmem>> -> memref<72xi32, #tpu.memory_space<vmem>>
      %dma_wait3A_339 = arith.constant 0 : i32
      %dma_wait3A_340 = arith.constant 0 : i32
      %dma_wait3A_341 = tpu.memref_slice %arg17[%dma_wait3A_339, %dma_wait3A_340] : memref<801x32xf32, #tpu.memory_space<vmem_shared>> -> memref<801x32xf32, #tpu.memory_space<vmem_shared>>
      tpu.wait_indirect_dma semaphore(%arg18 : memref<!tpu.dma_semaphore, #tpu.memory_space<semaphore_mem>>) src(%dma_wait3A_341 : memref<801x32xf32, #tpu.memory_space<vmem_shared>>) dst(%dma_wait3A_335 : memref<72x32xf32, #tpu.memory_space<vmem>>)
      %broadcast_in_dim3A = arith.constant 0.000000e+00 : f32
      %broadcast_in_dim3A_342 = vector.broadcast %broadcast_in_dim3A : f32 to vector<16xf32>
      %scan3A_343 = arith.constant 0 : i32
      %scan3A_344 = arith.constant 25 : i32
      %scan3A_345 = arith.addi %scan3A_343, %scan3A_344 : i32
      %scan3A_346 = arith.constant 1 : i32
      %scan3A_347:2 = scf.for %scan3A_399 = %scan3A_343 to %scan3A_345 step %scan3A_346 iter_args(%scan3A_400 = %broadcast_in_dim3A_342, %scan3A_401 = %broadcast_in_dim3A_342) -> (vector<16xf32>, vector<16xf32>)  : i32 {
        %mul3A_402 = arith.constant 8 : i32
        %mul3A_403 = arith.muli %scan3A_399, %mul3A_402 : i32
        %add3A_404 = arith.constant 0 : i32
        %add3A_405 = arith.addi %mul3A_403, %add3A_404 : i32
        %get3A = arith.index_cast %add3A_405 : i32 to index
        %get3A_406 = arith.constant 0 : index
        %get3A_407 = tpu.vector_load %arg12[%get3A, %get3A_406] {strides = array<i32>} : memref<200x32xf32, #tpu.memory_space<vmem>>, vector<16xf32>,
        %add3A_408 = arith.addf %scan3A_400, %get3A_407 : vector<16xf32>
        %mul3A_409 = arith.constant 8 : i32
        %mul3A_410 = arith.muli %scan3A_399, %mul3A_409 : i32
        %add3A_411 = arith.constant 0 : i32
        %add3A_412 = arith.addi %mul3A_410, %add3A_411 : i32
        %get3A_413 = arith.index_cast %add3A_412 : i32 to index
        %get3A_414 = arith.constant 16 : index
        %get3A_415 = tpu.vector_load %arg12[%get3A_413, %get3A_414] {strides = array<i32>} : memref<200x32xf32, #tpu.memory_space<vmem>>, vector<16xf32>,
        %add3A_416 = arith.addf %scan3A_401, %get3A_415 : vector<16xf32>
        %mul3A_417 = arith.constant 8 : i32
        %mul3A_418 = arith.muli %scan3A_399, %mul3A_417 : i32
        %add3A_419 = arith.constant 1 : i32
        %add3A_420 = arith.addi %mul3A_418, %add3A_419 : i32
        %get3A_421 = arith.index_cast %add3A_420 : i32 to index
        %get3A_422 = arith.constant 0 : index
        %get3A_423 = tpu.vector_load %arg12[%get3A_421, %get3A_422] {strides = array<i32>} : memref<200x32xf32, #tpu.memory_space<vmem>>, vector<16xf32>,
        %add3A_424 = arith.addf %add3A_408, %get3A_423 : vector<16xf32>
        %mul3A_425 = arith.constant 8 : i32
        %mul3A_426 = arith.muli %scan3A_399, %mul3A_425 : i32
        %add3A_427 = arith.constant 1 : i32
        %add3A_428 = arith.addi %mul3A_426, %add3A_427 : i32
        %get3A_429 = arith.index_cast %add3A_428 : i32 to index
        %get3A_430 = arith.constant 16 : index
        %get3A_431 = tpu.vector_load %arg12[%get3A_429, %get3A_430] {strides = array<i32>} : memref<200x32xf32, #tpu.memory_space<vmem>>, vector<16xf32>,
        %add3A_432 = arith.addf %add3A_416, %get3A_431 : vector<16xf32>
        %mul3A_433 = arith.constant 8 : i32
        %mul3A_434 = arith.muli %scan3A_399, %mul3A_433 : i32
        %add3A_435 = arith.constant 2 : i32
        %add3A_436 = arith.addi %mul3A_434, %add3A_435 : i32
        %get3A_437 = arith.index_cast %add3A_436 : i32 to index
        %get3A_438 = arith.constant 0 : index
        %get3A_439 = tpu.vector_load %arg12[%get3A_437, %get3A_438] {strides = array<i32>} : memref<200x32xf32, #tpu.memory_space<vmem>>, vector<16xf32>,
        %add3A_440 = arith.addf %add3A_424, %get3A_439 : vector<16xf32>
        %mul3A_441 = arith.constant 8 : i32
        %mul3A_442 = arith.muli %scan3A_399, %mul3A_441 : i32
        %add3A_443 = arith.constant 2 : i32
        %add3A_444 = arith.addi %mul3A_442, %add3A_443 : i32
        %get3A_445 = arith.index_cast %add3A_444 : i32 to index
        %get3A_446 = arith.constant 16 : index
        %get3A_447 = tpu.vector_load %arg12[%get3A_445, %get3A_446] {strides = array<i32>} : memref<200x32xf32, #tpu.memory_space<vmem>>, vector<16xf32>,
        %add3A_448 = arith.addf %add3A_432, %get3A_447 : vector<16xf32>
        %mul3A_449 = arith.constant 8 : i32
        %mul3A_450 = arith.muli %scan3A_399, %mul3A_449 : i32
        %add3A_451 = arith.constant 3 : i32
        %add3A_452 = arith.addi %mul3A_450, %add3A_451 : i32
        %get3A_453 = arith.index_cast %add3A_452 : i32 to index
        %get3A_454 = arith.constant 0 : index
        %get3A_455 = tpu.vector_load %arg12[%get3A_453, %get3A_454] {strides = array<i32>} : memref<200x32xf32, #tpu.memory_space<vmem>>, vector<16xf32>,
        %add3A_456 = arith.addf %add3A_440, %get3A_455 : vector<16xf32>
        %mul3A_457 = arith.constant 8 : i32
        %mul3A_458 = arith.muli %scan3A_399, %mul3A_457 : i32
        %add3A_459 = arith.constant 3 : i32
        %add3A_460 = arith.addi %mul3A_458, %add3A_459 : i32
        %get3A_461 = arith.index_cast %add3A_460 : i32 to index
        %get3A_462 = arith.constant 16 : index
        %get3A_463 = tpu.vector_load %arg12[%get3A_461, %get3A_462] {strides = array<i32>} : memref<200x32xf32, #tpu.memory_space<vmem>>, vector<16xf32>,
        %add3A_464 = arith.addf %add3A_448, %get3A_463 : vector<16xf32>
        %mul3A_465 = arith.constant 8 : i32
        %mul3A_466 = arith.muli %scan3A_399, %mul3A_465 : i32
        %add3A_467 = arith.constant 4 : i32
        %add3A_468 = arith.addi %mul3A_466, %add3A_467 : i32
        %get3A_469 = arith.index_cast %add3A_468 : i32 to index
        %get3A_470 = arith.constant 0 : index
        %get3A_471 = tpu.vector_load %arg12[%get3A_469, %get3A_470] {strides = array<i32>} : memref<200x32xf32, #tpu.memory_space<vmem>>, vector<16xf32>,
        %add3A_472 = arith.addf %add3A_456, %get3A_471 : vector<16xf32>
        %mul3A_473 = arith.constant 8 : i32
        %mul3A_474 = arith.muli %scan3A_399, %mul3A_473 : i32
        %add3A_475 = arith.constant 4 : i32
        %add3A_476 = arith.addi %mul3A_474, %add3A_475 : i32
        %get3A_477 = arith.index_cast %add3A_476 : i32 to index
        %get3A_478 = arith.constant 16 : index
        %get3A_479 = tpu.vector_load %arg12[%get3A_477, %get3A_478] {strides = array<i32>} : memref<200x32xf32, #tpu.memory_space<vmem>>, vector<16xf32>,
        %add3A_480 = arith.addf %add3A_464, %get3A_479 : vector<16xf32>
        %mul3A_481 = arith.constant 8 : i32
        %mul3A_482 = arith.muli %scan3A_399, %mul3A_481 : i32
        %add3A_483 = arith.constant 5 : i32
        %add3A_484 = arith.addi %mul3A_482, %add3A_483 : i32
        %get3A_485 = arith.index_cast %add3A_484 : i32 to index
        %get3A_486 = arith.constant 0 : index
        %get3A_487 = tpu.vector_load %arg12[%get3A_485, %get3A_486] {strides = array<i32>} : memref<200x32xf32, #tpu.memory_space<vmem>>, vector<16xf32>,
        %add3A_488 = arith.addf %add3A_472, %get3A_487 : vector<16xf32>
        %mul3A_489 = arith.constant 8 : i32
        %mul3A_490 = arith.muli %scan3A_399, %mul3A_489 : i32
        %add3A_491 = arith.constant 5 : i32
        %add3A_492 = arith.addi %mul3A_490, %add3A_491 : i32
        %get3A_493 = arith.index_cast %add3A_492 : i32 to index
        %get3A_494 = arith.constant 16 : index
        %get3A_495 = tpu.vector_load %arg12[%get3A_493, %get3A_494] {strides = array<i32>} : memref<200x32xf32, #tpu.memory_space<vmem>>, vector<16xf32>,
        %add3A_496 = arith.addf %add3A_480, %get3A_495 : vector<16xf32>
        %mul3A_497 = arith.constant 8 : i32
        %mul3A_498 = arith.muli %scan3A_399, %mul3A_497 : i32
        %add3A_499 = arith.constant 6 : i32
        %add3A_500 = arith.addi %mul3A_498, %add3A_499 : i32
        %get3A_501 = arith.index_cast %add3A_500 : i32 to index
        %get3A_502 = arith.constant 0 : index
        %get3A_503 = tpu.vector_load %arg12[%get3A_501, %get3A_502] {strides = array<i32>} : memref<200x32xf32, #tpu.memory_space<vmem>>, vector<16xf32>,
        %add3A_504 = arith.addf %add3A_488, %get3A_503 : vector<16xf32>
        %mul3A_505 = arith.constant 8 : i32
        %mul3A_506 = arith.muli %scan3A_399, %mul3A_505 : i32
        %add3A_507 = arith.constant 6 : i32
        %add3A_508 = arith.addi %mul3A_506, %add3A_507 : i32
        %get3A_509 = arith.index_cast %add3A_508 : i32 to index
        %get3A_510 = arith.constant 16 : index
        %get3A_511 = tpu.vector_load %arg12[%get3A_509, %get3A_510] {strides = array<i32>} : memref<200x32xf32, #tpu.memory_space<vmem>>, vector<16xf32>,
        %add3A_512 = arith.addf %add3A_496, %get3A_511 : vector<16xf32>
        %mul3A_513 = arith.constant 8 : i32
        %mul3A_514 = arith.muli %scan3A_399, %mul3A_513 : i32
        %add3A_515 = arith.constant 7 : i32
        %add3A_516 = arith.addi %mul3A_514, %add3A_515 : i32
        %get3A_517 = arith.index_cast %add3A_516 : i32 to index
        %get3A_518 = arith.constant 0 : index
        %get3A_519 = tpu.vector_load %arg12[%get3A_517, %get3A_518] {strides = array<i32>} : memref<200x32xf32, #tpu.memory_space<vmem>>, vector<16xf32>,
        %add3A_520 = arith.addf %add3A_504, %get3A_519 : vector<16xf32>
        %mul3A_521 = arith.constant 8 : i32
        %mul3A_522 = arith.muli %scan3A_399, %mul3A_521 : i32
        %add3A_523 = arith.constant 7 : i32
        %add3A_524 = arith.addi %mul3A_522, %add3A_523 : i32
        %get3A_525 = arith.index_cast %add3A_524 : i32 to index
        %get3A_526 = arith.constant 16 : index
        %get3A_527 = tpu.vector_load %arg12[%get3A_525, %get3A_526] {strides = array<i32>} : memref<200x32xf32, #tpu.memory_space<vmem>>, vector<16xf32>,
        %add3A_528 = arith.addf %add3A_512, %get3A_527 : vector<16xf32>
        scf.yield %add3A_520, %add3A_528 : vector<16xf32>, vector<16xf32>
      }
      %scan3A_348 = arith.constant 25 : i32
      %swap3A = arith.index_cast %mul3A_321 : i32 to index
      %swap3A_349 = arith.constant 0 : index
      %swap3A_350 = tpu.vector_load %arg14[%swap3A, %swap3A_349] {strides = array<i32>} : memref<128x32xf32, #tpu.memory_space<vmem>>, vector<16xf32>,
      tpu.vector_store %arg14[%swap3A, %swap3A_349], %scan3A_347#0 {strides = array<i32>} : memref<128x32xf32, #tpu.memory_space<vmem>>, vector<16xf32>,
      %swap3A_351 = arith.index_cast %mul3A_321 : i32 to index
      %swap3A_352 = arith.constant 16 : index
      %swap3A_353 = tpu.vector_load %arg14[%swap3A_351, %swap3A_352] {strides = array<i32>} : memref<128x32xf32, #tpu.memory_space<vmem>>, vector<16xf32>,
      tpu.vector_store %arg14[%swap3A_351, %swap3A_352], %scan3A_347#1 {strides = array<i32>} : memref<128x32xf32, #tpu.memory_space<vmem>>, vector<16xf32>,
      %lt3A = arith.constant 63 : i32
      %lt3A_354 = arith.cmpi slt, %scan3A_319, %lt3A : i32
      %convert_element_type3A_355 = arith.extui %lt3A_354 : i1 to i32
      %cond3A_356 = arith.constant 0 : i32
      %cond3A_357 = arith.cmpi ne, %convert_element_type3A_355, %cond3A_356 : i32
      scf.if %cond3A_357 {
        %add3A_399 = arith.constant 2 : i32
        %add3A_400 = arith.addi %mul3A_321, %add3A_399 : i32
        %dma_start3A_401 = arith.constant 0 : i32
        %dma_start3A_402 = arith.constant 0 : i32
        %dma_start3A_403 = tpu.memref_slice %arg12[%dma_start3A_401, %dma_start3A_402] : memref<200x32xf32, #tpu.memory_space<vmem>> -> memref<128x32xf32, #tpu.memory_space<vmem>>
        %dma_start3A_404 = arith.constant 0 : i32
        %dma_start3A_405 = tpu.memref_slice %arg11[%add3A_400, %dma_start3A_404] : memref<128x200xi32, #tpu.memory_space<vmem>> -> memref<1x128xi32, #tpu.memory_space<vmem>>
        %dma_start3A_406 = tpu.memref_squeeze %dma_start3A_405 : memref<1x128xi32, #tpu.memory_space<vmem>> -> memref<128xi32, #tpu.memory_space<vmem>>
        %dma_start3A_407 = arith.constant 0 : i32
        %dma_start3A_408 = arith.constant 0 : i32
        %dma_start3A_409 = tpu.memref_slice %arg17[%dma_start3A_407, %dma_start3A_408] : memref<801x32xf32, #tpu.memory_space<vmem_shared>> -> memref<801x32xf32, #tpu.memory_space<vmem_shared>>
        tpu.enqueue_indirect_dma source(%dma_start3A_409 : memref<801x32xf32, #tpu.memory_space<vmem_shared>>) target(%dma_start3A_403 : memref<128x32xf32, #tpu.memory_space<vmem>>) offsets(%dma_start3A_406 : memref<128xi32, #tpu.memory_space<vmem>>) semaphore(%arg18 : memref<!tpu.dma_semaphore, #tpu.memory_space<semaphore_mem>>)
        %dma_start3A_410 = arith.constant 128 : i32
        %dma_start3A_411 = arith.constant 0 : i32
        %dma_start3A_412 = tpu.memref_slice %arg12[%dma_start3A_410, %dma_start3A_411] : memref<200x32xf32, #tpu.memory_space<vmem>> -> memref<72x32xf32, #tpu.memory_space<vmem>>
        %dma_start3A_413 = arith.constant 128 : i32
        %dma_start3A_414 = tpu.memref_slice %arg11[%add3A_400, %dma_start3A_413] : memref<128x200xi32, #tpu.memory_space<vmem>> -> memref<1x72xi32, #tpu.memory_space<vmem>>
        %dma_start3A_415 = tpu.memref_squeeze %dma_start3A_414 : memref<1x72xi32, #tpu.memory_space<vmem>> -> memref<72xi32, #tpu.memory_space<vmem>>
        %dma_start3A_416 = arith.constant 0 : i32
        %dma_start3A_417 = arith.constant 0 : i32
        %dma_start3A_418 = tpu.memref_slice %arg17[%dma_start3A_416, %dma_start3A_417] : memref<801x32xf32, #tpu.memory_space<vmem_shared>> -> memref<801x32xf32, #tpu.memory_space<vmem_shared>>
        tpu.enqueue_indirect_dma source(%dma_start3A_418 : memref<801x32xf32, #tpu.memory_space<vmem_shared>>) target(%dma_start3A_412 : memref<72x32xf32, #tpu.memory_space<vmem>>) offsets(%dma_start3A_415 : memref<72xi32, #tpu.memory_space<vmem>>) semaphore(%arg18 : memref<!tpu.dma_semaphore, #tpu.memory_space<semaphore_mem>>)
      } else {
      }
      %dma_wait3A_358 = arith.constant 0 : i32
      %dma_wait3A_359 = arith.constant 0 : i32
      %dma_wait3A_360 = arith.constant 0 : i32
      %dma_wait3A_361 = tpu.memref_slice %arg13[%dma_wait3A_359, %dma_wait3A_360] : memref<200x32xf32, #tpu.memory_space<vmem>> -> memref<128x32xf32, #tpu.memory_space<vmem>>
      %dma_wait3A_362 = arith.constant 0 : i32
      %dma_wait3A_363 = tpu.memref_slice %arg11[%dma_wait3A_358, %dma_wait3A_362] : memref<128x200xi32, #tpu.memory_space<vmem>> -> memref<1x128xi32, #tpu.memory_space<vmem>>
      %dma_wait3A_364 = tpu.memref_squeeze %dma_wait3A_363 : memref<1x128xi32, #tpu.memory_space<vmem>> -> memref<128xi32, #tpu.memory_space<vmem>>
      %dma_wait3A_365 = arith.constant 0 : i32
      %dma_wait3A_366 = arith.constant 0 : i32
      %dma_wait3A_367 = tpu.memref_slice %arg17[%dma_wait3A_365, %dma_wait3A_366] : memref<801x32xf32, #tpu.memory_space<vmem_shared>> -> memref<801x32xf32, #tpu.memory_space<vmem_shared>>
      tpu.wait_indirect_dma semaphore(%arg19 : memref<!tpu.dma_semaphore, #tpu.memory_space<semaphore_mem>>) src(%dma_wait3A_367 : memref<801x32xf32, #tpu.memory_space<vmem_shared>>) dst(%dma_wait3A_361 : memref<128x32xf32, #tpu.memory_space<vmem>>)
      %dma_wait3A_368 = arith.constant 0 : i32
      %dma_wait3A_369 = arith.constant 128 : i32
      %dma_wait3A_370 = arith.constant 0 : i32
      %dma_wait3A_371 = tpu.memref_slice %arg13[%dma_wait3A_369, %dma_wait3A_370] : memref<200x32xf32, #tpu.memory_space<vmem>> -> memref<72x32xf32, #tpu.memory_space<vmem>>
      %dma_wait3A_372 = arith.constant 128 : i32
      %dma_wait3A_373 = tpu.memref_slice %arg11[%dma_wait3A_368, %dma_wait3A_372] : memref<128x200xi32, #tpu.memory_space<vmem>> -> memref<1x72xi32, #tpu.memory_space<vmem>>
      %dma_wait3A_374 = tpu.memref_squeeze %dma_wait3A_373 : memref<1x72xi32, #tpu.memory_space<vmem>> -> memref<72xi32, #tpu.memory_space<vmem>>
      %dma_wait3A_375 = arith.constant 0 : i32
      %dma_wait3A_376 = arith.constant 0 : i32
      %dma_wait3A_377 = tpu.memref_slice %arg17[%dma_wait3A_375, %dma_wait3A_376] : memref<801x32xf32, #tpu.memory_space<vmem_shared>> -> memref<801x32xf32, #tpu.memory_space<vmem_shared>>
      tpu.wait_indirect_dma semaphore(%arg19 : memref<!tpu.dma_semaphore, #tpu.memory_space<semaphore_mem>>) src(%dma_wait3A_377 : memref<801x32xf32, #tpu.memory_space<vmem_shared>>) dst(%dma_wait3A_371 : memref<72x32xf32, #tpu.memory_space<vmem>>)
      %add3A_378 = arith.constant 1 : i32
      %add3A_379 = arith.addi %mul3A_321, %add3A_378 : i32
      %broadcast_in_dim3A_380 = arith.constant 0.000000e+00 : f32
      %broadcast_in_dim3A_381 = vector.broadcast %broadcast_in_dim3A_380 : f32 to vector<16xf32>
      %scan3A_382 = arith.constant 0 : i32
      %scan3A_383 = arith.constant 25 : i32
      %scan3A_384 = arith.addi %scan3A_382, %scan3A_383 : i32
      %scan3A_385 = arith.constant 1 : i32
      %scan3A_386:2 = scf.for %scan3A_399 = %scan3A_382 to %scan3A_384 step %scan3A_385 iter_args(%scan3A_400 = %broadcast_in_dim3A_381, %scan3A_401 = %broadcast_in_dim3A_381) -> (vector<16xf32>, vector<16xf32>)  : i32 {
        %mul3A_402 = arith.constant 8 : i32
        %mul3A_403 = arith.muli %scan3A_399, %mul3A_402 : i32
        %add3A_404 = arith.constant 0 : i32
        %add3A_405 = arith.addi %mul3A_403, %add3A_404 : i32
        %get3A = arith.index_cast %add3A_405 : i32 to index
        %get3A_406 = arith.constant 0 : index
        %get3A_407 = tpu.vector_load %arg13[%get3A, %get3A_406] {strides = array<i32>} : memref<200x32xf32, #tpu.memory_space<vmem>>, vector<16xf32>,
        %add3A_408 = arith.addf %scan3A_400, %get3A_407 : vector<16xf32>
        %mul3A_409 = arith.constant 8 : i32
        %mul3A_410 = arith.muli %scan3A_399, %mul3A_409 : i32
        %add3A_411 = arith.constant 0 : i32
        %add3A_412 = arith.addi %mul3A_410, %add3A_411 : i32
        %get3A_413 = arith.index_cast %add3A_412 : i32 to index
        %get3A_414 = arith.constant 16 : index
        %get3A_415 = tpu.vector_load %arg13[%get3A_413, %get3A_414] {strides = array<i32>} : memref<200x32xf32, #tpu.memory_space<vmem>>, vector<16xf32>,
        %add3A_416 = arith.addf %scan3A_401, %get3A_415 : vector<16xf32>
        %mul3A_417 = arith.constant 8 : i32
        %mul3A_418 = arith.muli %scan3A_399, %mul3A_417 : i32
        %add3A_419 = arith.constant 1 : i32
        %add3A_420 = arith.addi %mul3A_418, %add3A_419 : i32
        %get3A_421 = arith.index_cast %add3A_420 : i32 to index
        %get3A_422 = arith.constant 0 : index
        %get3A_423 = tpu.vector_load %arg13[%get3A_421, %get3A_422] {strides = array<i32>} : memref<200x32xf32, #tpu.memory_space<vmem>>, vector<16xf32>,
        %add3A_424 = arith.addf %add3A_408, %get3A_423 : vector<16xf32>
        %mul3A_425 = arith.constant 8 : i32
        %mul3A_426 = arith.muli %scan3A_399, %mul3A_425 : i32
        %add3A_427 = arith.constant 1 : i32
        %add3A_428 = arith.addi %mul3A_426, %add3A_427 : i32
        %get3A_429 = arith.index_cast %add3A_428 : i32 to index
        %get3A_430 = arith.constant 16 : index
        %get3A_431 = tpu.vector_load %arg13[%get3A_429, %get3A_430] {strides = array<i32>} : memref<200x32xf32, #tpu.memory_space<vmem>>, vector<16xf32>,
        %add3A_432 = arith.addf %add3A_416, %get3A_431 : vector<16xf32>
        %mul3A_433 = arith.constant 8 : i32
        %mul3A_434 = arith.muli %scan3A_399, %mul3A_433 : i32
        %add3A_435 = arith.constant 2 : i32
        %add3A_436 = arith.addi %mul3A_434, %add3A_435 : i32
        %get3A_437 = arith.index_cast %add3A_436 : i32 to index
        %get3A_438 = arith.constant 0 : index
        %get3A_439 = tpu.vector_load %arg13[%get3A_437, %get3A_438] {strides = array<i32>} : memref<200x32xf32, #tpu.memory_space<vmem>>, vector<16xf32>,
        %add3A_440 = arith.addf %add3A_424, %get3A_439 : vector<16xf32>
        %mul3A_441 = arith.constant 8 : i32
        %mul3A_442 = arith.muli %scan3A_399, %mul3A_441 : i32
        %add3A_443 = arith.constant 2 : i32
        %add3A_444 = arith.addi %mul3A_442, %add3A_443 : i32
        %get3A_445 = arith.index_cast %add3A_444 : i32 to index
        %get3A_446 = arith.constant 16 : index
        %get3A_447 = tpu.vector_load %arg13[%get3A_445, %get3A_446] {strides = array<i32>} : memref<200x32xf32, #tpu.memory_space<vmem>>, vector<16xf32>,
        %add3A_448 = arith.addf %add3A_432, %get3A_447 : vector<16xf32>
        %mul3A_449 = arith.constant 8 : i32
        %mul3A_450 = arith.muli %scan3A_399, %mul3A_449 : i32
        %add3A_451 = arith.constant 3 : i32
        %add3A_452 = arith.addi %mul3A_450, %add3A_451 : i32
        %get3A_453 = arith.index_cast %add3A_452 : i32 to index
        %get3A_454 = arith.constant 0 : index
        %get3A_455 = tpu.vector_load %arg13[%get3A_453, %get3A_454] {strides = array<i32>} : memref<200x32xf32, #tpu.memory_space<vmem>>, vector<16xf32>,
        %add3A_456 = arith.addf %add3A_440, %get3A_455 : vector<16xf32>
        %mul3A_457 = arith.constant 8 : i32
        %mul3A_458 = arith.muli %scan3A_399, %mul3A_457 : i32
        %add3A_459 = arith.constant 3 : i32
        %add3A_460 = arith.addi %mul3A_458, %add3A_459 : i32
        %get3A_461 = arith.index_cast %add3A_460 : i32 to index
        %get3A_462 = arith.constant 16 : index
        %get3A_463 = tpu.vector_load %arg13[%get3A_461, %get3A_462] {strides = array<i32>} : memref<200x32xf32, #tpu.memory_space<vmem>>, vector<16xf32>,
        %add3A_464 = arith.addf %add3A_448, %get3A_463 : vector<16xf32>
        %mul3A_465 = arith.constant 8 : i32
        %mul3A_466 = arith.muli %scan3A_399, %mul3A_465 : i32
        %add3A_467 = arith.constant 4 : i32
        %add3A_468 = arith.addi %mul3A_466, %add3A_467 : i32
        %get3A_469 = arith.index_cast %add3A_468 : i32 to index
        %get3A_470 = arith.constant 0 : index
        %get3A_471 = tpu.vector_load %arg13[%get3A_469, %get3A_470] {strides = array<i32>} : memref<200x32xf32, #tpu.memory_space<vmem>>, vector<16xf32>,
        %add3A_472 = arith.addf %add3A_456, %get3A_471 : vector<16xf32>
        %mul3A_473 = arith.constant 8 : i32
        %mul3A_474 = arith.muli %scan3A_399, %mul3A_473 : i32
        %add3A_475 = arith.constant 4 : i32
        %add3A_476 = arith.addi %mul3A_474, %add3A_475 : i32
        %get3A_477 = arith.index_cast %add3A_476 : i32 to index
        %get3A_478 = arith.constant 16 : index
        %get3A_479 = tpu.vector_load %arg13[%get3A_477, %get3A_478] {strides = array<i32>} : memref<200x32xf32, #tpu.memory_space<vmem>>, vector<16xf32>,
        %add3A_480 = arith.addf %add3A_464, %get3A_479 : vector<16xf32>
        %mul3A_481 = arith.constant 8 : i32
        %mul3A_482 = arith.muli %scan3A_399, %mul3A_481 : i32
        %add3A_483 = arith.constant 5 : i32
        %add3A_484 = arith.addi %mul3A_482, %add3A_483 : i32
        %get3A_485 = arith.index_cast %add3A_484 : i32 to index
        %get3A_486 = arith.constant 0 : index
        %get3A_487 = tpu.vector_load %arg13[%get3A_485, %get3A_486] {strides = array<i32>} : memref<200x32xf32, #tpu.memory_space<vmem>>, vector<16xf32>,
        %add3A_488 = arith.addf %add3A_472, %get3A_487 : vector<16xf32>
        %mul3A_489 = arith.constant 8 : i32
        %mul3A_490 = arith.muli %scan3A_399, %mul3A_489 : i32
        %add3A_491 = arith.constant 5 : i32
        %add3A_492 = arith.addi %mul3A_490, %add3A_491 : i32
        %get3A_493 = arith.index_cast %add3A_492 : i32 to index
        %get3A_494 = arith.constant 16 : index
        %get3A_495 = tpu.vector_load %arg13[%get3A_493, %get3A_494] {strides = array<i32>} : memref<200x32xf32, #tpu.memory_space<vmem>>, vector<16xf32>,
        %add3A_496 = arith.addf %add3A_480, %get3A_495 : vector<16xf32>
        %mul3A_497 = arith.constant 8 : i32
        %mul3A_498 = arith.muli %scan3A_399, %mul3A_497 : i32
        %add3A_499 = arith.constant 6 : i32
        %add3A_500 = arith.addi %mul3A_498, %add3A_499 : i32
        %get3A_501 = arith.index_cast %add3A_500 : i32 to index
        %get3A_502 = arith.constant 0 : index
        %get3A_503 = tpu.vector_load %arg13[%get3A_501, %get3A_502] {strides = array<i32>} : memref<200x32xf32, #tpu.memory_space<vmem>>, vector<16xf32>,
        %add3A_504 = arith.addf %add3A_488, %get3A_503 : vector<16xf32>
        %mul3A_505 = arith.constant 8 : i32
        %mul3A_506 = arith.muli %scan3A_399, %mul3A_505 : i32
        %add3A_507 = arith.constant 6 : i32
        %add3A_508 = arith.addi %mul3A_506, %add3A_507 : i32
        %get3A_509 = arith.index_cast %add3A_508 : i32 to index
        %get3A_510 = arith.constant 16 : index
        %get3A_511 = tpu.vector_load %arg13[%get3A_509, %get3A_510] {strides = array<i32>} : memref<200x32xf32, #tpu.memory_space<vmem>>, vector<16xf32>,
        %add3A_512 = arith.addf %add3A_496, %get3A_511 : vector<16xf32>
        %mul3A_513 = arith.constant 8 : i32
        %mul3A_514 = arith.muli %scan3A_399, %mul3A_513 : i32
        %add3A_515 = arith.constant 7 : i32
        %add3A_516 = arith.addi %mul3A_514, %add3A_515 : i32
        %get3A_517 = arith.index_cast %add3A_516 : i32 to index
        %get3A_518 = arith.constant 0 : index
        %get3A_519 = tpu.vector_load %arg13[%get3A_517, %get3A_518] {strides = array<i32>} : memref<200x32xf32, #tpu.memory_space<vmem>>, vector<16xf32>,
        %add3A_520 = arith.addf %add3A_504, %get3A_519 : vector<16xf32>
        %mul3A_521 = arith.constant 8 : i32
        %mul3A_522 = arith.muli %scan3A_399, %mul3A_521 : i32
        %add3A_523 = arith.constant 7 : i32
        %add3A_524 = arith.addi %mul3A_522, %add3A_523 : i32
        %get3A_525 = arith.index_cast %add3A_524 : i32 to index
        %get3A_526 = arith.constant 16 : index
        %get3A_527 = tpu.vector_load %arg13[%get3A_525, %get3A_526] {strides = array<i32>} : memref<200x32xf32, #tpu.memory_space<vmem>>, vector<16xf32>,
        %add3A_528 = arith.addf %add3A_512, %get3A_527 : vector<16xf32>
        scf.yield %add3A_520, %add3A_528 : vector<16xf32>, vector<16xf32>
      }
      %scan3A_387 = arith.constant 25 : i32
      %swap3A_388 = arith.index_cast %add3A_379 : i32 to index
      %swap3A_389 = arith.constant 0 : index
      %swap3A_390 = tpu.vector_load %arg14[%swap3A_388, %swap3A_389] {strides = array<i32>} : memref<128x32xf32, #tpu.memory_space<vmem>>, vector<16xf32>,
      tpu.vector_store %arg14[%swap3A_388, %swap3A_389], %scan3A_386#0 {strides = array<i32>} : memref<128x32xf32, #tpu.memory_space<vmem>>, vector<16xf32>,
      %swap3A_391 = arith.index_cast %add3A_379 : i32 to index
      %swap3A_392 = arith.constant 16 : index
      %swap3A_393 = tpu.vector_load %arg14[%swap3A_391, %swap3A_392] {strides = array<i32>} : memref<128x32xf32, #tpu.memory_space<vmem>>, vector<16xf32>,
      tpu.vector_store %arg14[%swap3A_391, %swap3A_392], %scan3A_386#1 {strides = array<i32>} : memref<128x32xf32, #tpu.memory_space<vmem>>, vector<16xf32>,
      %lt3A_394 = arith.constant 63 : i32
      %lt3A_395 = arith.cmpi slt, %scan3A_319, %lt3A_394 : i32
      %convert_element_type3A_396 = arith.extui %lt3A_395 : i1 to i32
      %cond3A_397 = arith.constant 0 : i32
      %cond3A_398 = arith.cmpi ne, %convert_element_type3A_396, %cond3A_397 : i32
      scf.if %cond3A_398 {
        %add3A_399 = arith.constant 3 : i32
        %add3A_400 = arith.addi %mul3A_321, %add3A_399 : i32
        %dma_start3A_401 = arith.constant 0 : i32
        %dma_start3A_402 = arith.constant 0 : i32
        %dma_start3A_403 = tpu.memref_slice %arg13[%dma_start3A_401, %dma_start3A_402] : memref<200x32xf32, #tpu.memory_space<vmem>> -> memref<128x32xf32, #tpu.memory_space<vmem>>
        %dma_start3A_404 = arith.constant 0 : i32
        %dma_start3A_405 = tpu.memref_slice %arg11[%add3A_400, %dma_start3A_404] : memref<128x200xi32, #tpu.memory_space<vmem>> -> memref<1x128xi32, #tpu.memory_space<vmem>>
        %dma_start3A_406 = tpu.memref_squeeze %dma_start3A_405 : memref<1x128xi32, #tpu.memory_space<vmem>> -> memref<128xi32, #tpu.memory_space<vmem>>
        %dma_start3A_407 = arith.constant 0 : i32
        %dma_start3A_408 = arith.constant 0 : i32
        %dma_start3A_409 = tpu.memref_slice %arg17[%dma_start3A_407, %dma_start3A_408] : memref<801x32xf32, #tpu.memory_space<vmem_shared>> -> memref<801x32xf32, #tpu.memory_space<vmem_shared>>
        tpu.enqueue_indirect_dma source(%dma_start3A_409 : memref<801x32xf32, #tpu.memory_space<vmem_shared>>) target(%dma_start3A_403 : memref<128x32xf32, #tpu.memory_space<vmem>>) offsets(%dma_start3A_406 : memref<128xi32, #tpu.memory_space<vmem>>) semaphore(%arg19 : memref<!tpu.dma_semaphore, #tpu.memory_space<semaphore_mem>>)
        %dma_start3A_410 = arith.constant 128 : i32
        %dma_start3A_411 = arith.constant 0 : i32
        %dma_start3A_412 = tpu.memref_slice %arg13[%dma_start3A_410, %dma_start3A_411] : memref<200x32xf32, #tpu.memory_space<vmem>> -> memref<72x32xf32, #tpu.memory_space<vmem>>
        %dma_start3A_413 = arith.constant 128 : i32
        %dma_start3A_414 = tpu.memref_slice %arg11[%add3A_400, %dma_start3A_413] : memref<128x200xi32, #tpu.memory_space<vmem>> -> memref<1x72xi32, #tpu.memory_space<vmem>>
        %dma_start3A_415 = tpu.memref_squeeze %dma_start3A_414 : memref<1x72xi32, #tpu.memory_space<vmem>> -> memref<72xi32, #tpu.memory_space<vmem>>
        %dma_start3A_416 = arith.constant 0 : i32
        %dma_start3A_417 = arith.constant 0 : i32
        %dma_start3A_418 = tpu.memref_slice %arg17[%dma_start3A_416, %dma_start3A_417] : memref<801x32xf32, #tpu.memory_space<vmem_shared>> -> memref<801x32xf32, #tpu.memory_space<vmem_shared>>
        tpu.enqueue_indirect_dma source(%dma_start3A_418 : memref<801x32xf32, #tpu.memory_space<vmem_shared>>) target(%dma_start3A_412 : memref<72x32xf32, #tpu.memory_space<vmem>>) offsets(%dma_start3A_415 : memref<72xi32, #tpu.memory_space<vmem>>) semaphore(%arg19 : memref<!tpu.dma_semaphore, #tpu.memory_space<semaphore_mem>>)
      } else {
      }
    }
    %scan3A_300 = arith.constant 64 : i32
    %run_scoped3A_301 = arith.constant 2 : i32
    "tpu.region"() ({
      %run_scoped3A_319 = tpu.sem_alloc : memref<!tpu.dma_semaphore, #tpu.memory_space<semaphore_mem>>
      %dma_start3A_320 = arith.constant 0 : i32
      %dma_start3A_321 = tpu.memref_slice %arg9[%run_scoped3A_301, %add3A_5, %dma_start3A_320] : memref<4x4096x32xf32, #tpu.memory_space<hbm>> -> memref<1x128x32xf32, #tpu.memory_space<hbm>>
      %dma_start3A_322 = tpu.memref_squeeze %dma_start3A_321 : memref<1x128x32xf32, #tpu.memory_space<hbm>> -> memref<128x32xf32, #tpu.memory_space<hbm>>
      %dma_start3A_323 = arith.constant 0 : i32
      %dma_start3A_324 = tpu.memref_slice %arg9[%run_scoped3A_301, %add3A_5, %dma_start3A_323] : memref<4x4096x32xf32, #tpu.memory_space<hbm>> -> memref<1x128x32xf32, #tpu.memory_space<hbm>>
      %dma_start3A_325 = tpu.memref_squeeze %dma_start3A_324 : memref<1x128x32xf32, #tpu.memory_space<hbm>> -> memref<128x32xf32, #tpu.memory_space<hbm>>
      tpu.enqueue_dma source(%arg14 : memref<128x32xf32, #tpu.memory_space<vmem>>) target(%dma_start3A_325 : memref<128x32xf32, #tpu.memory_space<hbm>>) target_semaphore(%run_scoped3A_319 : memref<!tpu.dma_semaphore, #tpu.memory_space<semaphore_mem>>)
      %dma_wait3A_326 = arith.constant 0 : i32
      %dma_wait3A_327 = tpu.memref_slice %arg9[%run_scoped3A_301, %add3A_5, %dma_wait3A_326] : memref<4x4096x32xf32, #tpu.memory_space<hbm>> -> memref<1x128x32xf32, #tpu.memory_space<hbm>>
      %dma_wait3A_328 = tpu.memref_squeeze %dma_wait3A_327 : memref<1x128x32xf32, #tpu.memory_space<hbm>> -> memref<128x32xf32, #tpu.memory_space<hbm>>
      %dma_wait3A_329 = arith.constant 0 : i32
      %dma_wait3A_330 = tpu.memref_slice %arg9[%run_scoped3A_301, %add3A_5, %dma_wait3A_329] : memref<4x4096x32xf32, #tpu.memory_space<hbm>> -> memref<1x128x32xf32, #tpu.memory_space<hbm>>
      %dma_wait3A_331 = tpu.memref_squeeze %dma_wait3A_330 : memref<1x128x32xf32, #tpu.memory_space<hbm>> -> memref<128x32xf32, #tpu.memory_space<hbm>>
      tpu.wait_dma2 semaphore(%run_scoped3A_319 : memref<!tpu.dma_semaphore, #tpu.memory_space<semaphore_mem>>) src(%arg14 : memref<128x32xf32, #tpu.memory_space<vmem>>) dst(%dma_wait3A_331 : memref<128x32xf32, #tpu.memory_space<hbm>>)
      tpu.yield
    }) : () -> ()
    %run_scoped3A_302 = arith.constant 0 : i32
    %run_scoped3A_303 = arith.constant 0 : i32
    "tpu.region"() ({
      %run_scoped3A_319 = tpu.sem_alloc : memref<!tpu.dma_semaphore, #tpu.memory_space<semaphore_mem>>
      %dma_start3A_320 = arith.constant 0 : i32
      %dma_start3A_321 = tpu.memref_slice %arg11[%run_scoped3A_303, %dma_start3A_320] : memref<128x200xi32, #tpu.memory_space<vmem>> -> memref<1x128xi32, #tpu.memory_space<vmem>>
      %dma_start3A_322 = tpu.memref_squeeze %dma_start3A_321 : memref<1x128xi32, #tpu.memory_space<vmem>> -> memref<128xi32, #tpu.memory_space<vmem>>
      %dma_start3A_323 = tpu.memref_slice %arg5[%run_scoped3A_302, %add3A_5] : memref<1x4096xi32, #tpu.memory_space<hbm>> -> memref<1x128xi32, #tpu.memory_space<hbm>>
      %dma_start3A_324 = tpu.memref_squeeze %dma_start3A_323 : memref<1x128xi32, #tpu.memory_space<hbm>> -> memref<128xi32, #tpu.memory_space<hbm>>
      %dma_start3A_325 = arith.constant 0 : i32
      %dma_start3A_326 = tpu.memref_slice %arg11[%run_scoped3A_303, %dma_start3A_325] : memref<128x200xi32, #tpu.memory_space<vmem>> -> memref<1x128xi32, #tpu.memory_space<vmem>>
      %dma_start3A_327 = tpu.memref_squeeze %dma_start3A_326 : memref<1x128xi32, #tpu.memory_space<vmem>> -> memref<128xi32, #tpu.memory_space<vmem>>
      %dma_start3A_328 = tpu.memref_slice %arg5[%run_scoped3A_302, %add3A_5] : memref<1x4096xi32, #tpu.memory_space<hbm>> -> memref<1x128xi32, #tpu.memory_space<hbm>>
      %dma_start3A_329 = tpu.memref_squeeze %dma_start3A_328 : memref<1x128xi32, #tpu.memory_space<hbm>> -> memref<128xi32, #tpu.memory_space<hbm>>
      tpu.enqueue_dma source(%dma_start3A_329 : memref<128xi32, #tpu.memory_space<hbm>>) target(%dma_start3A_327 : memref<128xi32, #tpu.memory_space<vmem>>) target_semaphore(%run_scoped3A_319 : memref<!tpu.dma_semaphore, #tpu.memory_space<semaphore_mem>>)
      %dma_wait3A_330 = arith.constant 0 : i32
      %dma_wait3A_331 = tpu.memref_slice %arg11[%run_scoped3A_303, %dma_wait3A_330] : memref<128x200xi32, #tpu.memory_space<vmem>> -> memref<1x128xi32, #tpu.memory_space<vmem>>
      %dma_wait3A_332 = tpu.memref_squeeze %dma_wait3A_331 : memref<1x128xi32, #tpu.memory_space<vmem>> -> memref<128xi32, #tpu.memory_space<vmem>>
      %dma_wait3A_333 = tpu.memref_slice %arg5[%run_scoped3A_302, %add3A_5] : memref<1x4096xi32, #tpu.memory_space<hbm>> -> memref<1x128xi32, #tpu.memory_space<hbm>>
      %dma_wait3A_334 = tpu.memref_squeeze %dma_wait3A_333 : memref<1x128xi32, #tpu.memory_space<hbm>> -> memref<128xi32, #tpu.memory_space<hbm>>
      %dma_wait3A_335 = arith.constant 0 : i32
      %dma_wait3A_336 = tpu.memref_slice %arg11[%run_scoped3A_303, %dma_wait3A_335] : memref<128x200xi32, #tpu.memory_space<vmem>> -> memref<1x128xi32, #tpu.memory_space<vmem>>
      %dma_wait3A_337 = tpu.memref_squeeze %dma_wait3A_336 : memref<1x128xi32, #tpu.memory_space<vmem>> -> memref<128xi32, #tpu.memory_space<vmem>>
      %dma_wait3A_338 = tpu.memref_slice %arg5[%run_scoped3A_302, %add3A_5] : memref<1x4096xi32, #tpu.memory_space<hbm>> -> memref<1x128xi32, #tpu.memory_space<hbm>>
      %dma_wait3A_339 = tpu.memref_squeeze %dma_wait3A_338 : memref<1x128xi32, #tpu.memory_space<hbm>> -> memref<128xi32, #tpu.memory_space<hbm>>
      tpu.wait_dma2 semaphore(%run_scoped3A_319 : memref<!tpu.dma_semaphore, #tpu.memory_space<semaphore_mem>>) src(%dma_wait3A_339 : memref<128xi32, #tpu.memory_space<hbm>>) dst(%dma_wait3A_337 : memref<128xi32, #tpu.memory_space<vmem>>)
      tpu.yield
    }) : () -> ()
    %dma_start3A_304 = arith.constant 0 : i32
    %dma_start3A_305 = arith.constant 0 : i32
    %dma_start3A_306 = tpu.memref_slice %arg11[%dma_start3A_304, %dma_start3A_305] : memref<128x200xi32, #tpu.memory_space<vmem>> -> memref<1x128xi32, #tpu.memory_space<vmem>>
    %dma_start3A_307 = tpu.memref_squeeze %dma_start3A_306 : memref<1x128xi32, #tpu.memory_space<vmem>> -> memref<128xi32, #tpu.memory_space<vmem>>
    %dma_start3A_308 = arith.constant 0 : i32
    %dma_start3A_309 = arith.constant 0 : i32
    %dma_start3A_310 = tpu.memref_slice %arg17[%dma_start3A_308, %dma_start3A_309] : memref<801x32xf32, #tpu.memory_space<vmem_shared>> -> memref<801x32xf32, #tpu.memory_space<vmem_shared>>
    tpu.enqueue_indirect_dma source(%dma_start3A_310 : memref<801x32xf32, #tpu.memory_space<vmem_shared>>) target(%arg14 : memref<128x32xf32, #tpu.memory_space<vmem>>) offsets(%dma_start3A_307 : memref<128xi32, #tpu.memory_space<vmem>>) semaphore(%arg18 : memref<!tpu.dma_semaphore, #tpu.memory_space<semaphore_mem>>)
    %dma_wait3A_311 = arith.constant 0 : i32
    %dma_wait3A_312 = arith.constant 0 : i32
    %dma_wait3A_313 = tpu.memref_slice %arg11[%dma_wait3A_311, %dma_wait3A_312] : memref<128x200xi32, #tpu.memory_space<vmem>> -> memref<1x128xi32, #tpu.memory_space<vmem>>
    %dma_wait3A_314 = tpu.memref_squeeze %dma_wait3A_313 : memref<1x128xi32, #tpu.memory_space<vmem>> -> memref<128xi32, #tpu.memory_space<vmem>>
    %dma_wait3A_315 = arith.constant 0 : i32
    %dma_wait3A_316 = arith.constant 0 : i32
    %dma_wait3A_317 = tpu.memref_slice %arg17[%dma_wait3A_315, %dma_wait3A_316] : memref<801x32xf32, #tpu.memory_space<vmem_shared>> -> memref<801x32xf32, #tpu.memory_space<vmem_shared>>
    tpu.wait_indirect_dma semaphore(%arg18 : memref<!tpu.dma_semaphore, #tpu.memory_space<semaphore_mem>>) src(%dma_wait3A_317 : memref<801x32xf32, #tpu.memory_space<vmem_shared>>) dst(%arg14 : memref<128x32xf32, #tpu.memory_space<vmem>>)
    %run_scoped3A_318 = arith.constant 3 : i32
    "tpu.region"() ({
      %run_scoped3A_319 = tpu.sem_alloc : memref<!tpu.dma_semaphore, #tpu.memory_space<semaphore_mem>>
      %dma_start3A_320 = arith.constant 0 : i32
      %dma_start3A_321 = tpu.memref_slice %arg9[%run_scoped3A_318, %add3A_5, %dma_start3A_320] : memref<4x4096x32xf32, #tpu.memory_space<hbm>> -> memref<1x128x32xf32, #tpu.memory_space<hbm>>
      %dma_start3A_322 = tpu.memref_squeeze %dma_start3A_321 : memref<1x128x32xf32, #tpu.memory_space<hbm>> -> memref<128x32xf32, #tpu.memory_space<hbm>>
      %dma_start3A_323 = arith.constant 0 : i32
      %dma_start3A_324 = tpu.memref_slice %arg9[%run_scoped3A_318, %add3A_5, %dma_start3A_323] : memref<4x4096x32xf32, #tpu.memory_space<hbm>> -> memref<1x128x32xf32, #tpu.memory_space<hbm>>
      %dma_start3A_325 = tpu.memref_squeeze %dma_start3A_324 : memref<1x128x32xf32, #tpu.memory_space<hbm>> -> memref<128x32xf32, #tpu.memory_space<hbm>>
      tpu.enqueue_dma source(%arg14 : memref<128x32xf32, #tpu.memory_space<vmem>>) target(%dma_start3A_325 : memref<128x32xf32, #tpu.memory_space<hbm>>) target_semaphore(%run_scoped3A_319 : memref<!tpu.dma_semaphore, #tpu.memory_space<semaphore_mem>>)
      %dma_wait3A_326 = arith.constant 0 : i32
      %dma_wait3A_327 = tpu.memref_slice %arg9[%run_scoped3A_318, %add3A_5, %dma_wait3A_326] : memref<4x4096x32xf32, #tpu.memory_space<hbm>> -> memref<1x128x32xf32, #tpu.memory_space<hbm>>
      %dma_wait3A_328 = tpu.memref_squeeze %dma_wait3A_327 : memref<1x128x32xf32, #tpu.memory_space<hbm>> -> memref<128x32xf32, #tpu.memory_space<hbm>>
      %dma_wait3A_329 = arith.constant 0 : i32
      %dma_wait3A_330 = tpu.memref_slice %arg9[%run_scoped3A_318, %add3A_5, %dma_wait3A_329] : memref<4x4096x32xf32, #tpu.memory_space<hbm>> -> memref<1x128x32xf32, #tpu.memory_space<hbm>>
      %dma_wait3A_331 = tpu.memref_squeeze %dma_wait3A_330 : memref<1x128x32xf32, #tpu.memory_space<hbm>> -> memref<128x32xf32, #tpu.memory_space<hbm>>
      tpu.wait_dma2 semaphore(%run_scoped3A_319 : memref<!tpu.dma_semaphore, #tpu.memory_space<semaphore_mem>>) src(%arg14 : memref<128x32xf32, #tpu.memory_space<vmem>>) dst(%dma_wait3A_331 : memref<128x32xf32, #tpu.memory_space<hbm>>)
      tpu.yield
    }) : () -> ()
    return
  }
}

module attributes {stable_mosaic.version = 14 : i64} {
  func.func @_relayout_body(%arg0: i32, %arg1: memref<32x16384xf32, #tpu.memory_space<vmem>>, %arg2: memref<4096x128xf32, #tpu.memory_space<vmem>>) attributes {dimension_semantics = [#tpu.dimension_semantics<arbitrary>], iteration_bounds = array<i64: 62>, scalar_prefetch = 0 : i64, scratch_operands = 0 : i64, tpu.core_type = #tpu.core_type<tc>, window_params = [{transform_indices = @transform_0, window_bounds = array<i64: 32, 16384>}, {transform_indices = @transform_1, window_bounds = array<i64: 4096, 128>}]} {
    %get3A = arith.constant 0 : index
    %get3A_0 = arith.constant 0 : index
    %get3A_1 = vector.load %arg1[%get3A, %get3A_0] : memref<32x16384xf32, #tpu.memory_space<vmem>>, vector<32x16384xf32>
    %slice3A = vector.extract_strided_slice %get3A_1 {offsets = [0, 0], sizes = [32, 4096], strides = [1, 1]} : vector<32x16384xf32> to vector<32x4096xf32>
    %slice3A_2 = vector.extract_strided_slice %get3A_1 {offsets = [0, 4096], sizes = [32, 4096], strides = [1, 1]} : vector<32x16384xf32> to vector<32x4096xf32>
    %slice3A_3 = vector.extract_strided_slice %get3A_1 {offsets = [0, 8192], sizes = [32, 4096], strides = [1, 1]} : vector<32x16384xf32> to vector<32x4096xf32>
    %slice3A_4 = vector.extract_strided_slice %get3A_1 {offsets = [0, 12288], sizes = [32, 4096], strides = [1, 1]} : vector<32x16384xf32> to vector<32x4096xf32>
    %concatenate3A = tpu.concatenate %slice3A, %slice3A_2, %slice3A_3, %slice3A_4 in 0 : vector<32x4096xf32>, vector<32x4096xf32>, vector<32x4096xf32>, vector<32x4096xf32> -> vector<128x4096xf32>
    %transpose3A = tpu.transpose %concatenate3A, [1, 0] : vector<128x4096xf32> -> vector<4096x128xf32>
    %swap3A = arith.constant 0 : index
    %swap3A_5 = arith.constant 0 : index
    %swap3A_6 = vector.load %arg2[%swap3A, %swap3A_5] : memref<4096x128xf32, #tpu.memory_space<vmem>>, vector<4096x128xf32>
    tpu.vector_store %arg2[%swap3A, %swap3A_5], %transpose3A {strides = array<i32>} : memref<4096x128xf32, #tpu.memory_space<vmem>>, vector<4096x128xf32>,
    return
  }
  func.func @transform_0(%arg0: i32) -> (i32, i32) {
    %c0_i32 = arith.constant 0 : i32
    %c0_i32_0 = arith.constant 0 : i32
    return %c0_i32, %arg0 : i32, i32
  }
  func.func @transform_1(%arg0: i32) -> (i32, i32) {
    %c0_i32 = arith.constant 0 : i32
    %c0_i32_0 = arith.constant 0 : i32
    return %arg0, %c0_i32 : i32, i32
  }
}

module attributes {stable_mosaic.version = 14 : i64} {
  func.func @_mlp_body(%arg0: memref<4096x128xf32, #tpu.memory_space<vmem>>, %arg1: memref<4096x64xf32, #tpu.memory_space<vmem>>, %arg2: memref<128x200xf32, #tpu.memory_space<vmem>>, %arg3: memref<64x200xf32, #tpu.memory_space<vmem>>, %arg4: memref<1x200xf32, #tpu.memory_space<vmem>>, %arg5: memref<1x200xf32, #tpu.memory_space<vmem>>, %arg6: memref<1x200xf32, #tpu.memory_space<vmem>>, %arg7: memref<1x1xf32, #tpu.memory_space<vmem>>, %arg8: memref<200x80xf32, #tpu.memory_space<vmem>>, %arg9: memref<1x80xf32, #tpu.memory_space<vmem>>, %arg10: memref<1x80xf32, #tpu.memory_space<vmem>>, %arg11: memref<1x80xf32, #tpu.memory_space<vmem>>, %arg12: memref<1x1xf32, #tpu.memory_space<vmem>>, %arg13: memref<80x2xf32, #tpu.memory_space<vmem>>, %arg14: memref<1x2xf32, #tpu.memory_space<vmem>>, %arg15: memref<4096x2xf32, #tpu.memory_space<vmem>>, %arg16: memref<4096x200xf32, #tpu.memory_space<vmem>>, %arg17: memref<4096x80xf32, #tpu.memory_space<vmem>>) attributes {dimension_semantics = [], scalar_prefetch = 0 : i64, scratch_operands = 2 : i64, tpu.core_type = #tpu.core_type<tc>} {
    %broadcast_in_dim3A = arith.constant 0.000000e+00 : f32
    %broadcast_in_dim3A_0 = vector.broadcast %broadcast_in_dim3A : f32 to vector<1x200xf32>
    %scan3A = arith.constant 0 : i32
    %scan3A_1 = arith.constant 8 : i32
    %scan3A_2 = arith.addi %scan3A, %scan3A_1 : i32
    %scan3A_3 = arith.constant 1 : i32
    %scan3A_4 = scf.for %scan3A_47 = %scan3A to %scan3A_2 step %scan3A_3 iter_args(%scan3A_48 = %broadcast_in_dim3A_0) -> (vector<1x200xf32>)  : i32 {
      %mul3A = arith.constant 512 : i32
      %mul3A_49 = arith.muli %scan3A_47, %mul3A : i32
      %get3A = arith.index_cast %mul3A_49 : i32 to index
      %get3A_50 = arith.constant 0 : index
      %get3A_51 = vector.load %arg0[%get3A, %get3A_50] : memref<4096x128xf32, #tpu.memory_space<vmem>>, vector<512x128xf32>
      %get3A_52 = arith.constant 0 : index
      %get3A_53 = arith.constant 0 : index
      %get3A_54 = vector.load %arg2[%get3A_52, %get3A_53] : memref<128x200xf32, #tpu.memory_space<vmem>>, vector<128x200xf32>
      %dot_general3A = arith.constant dense<0.000000e+00> : vector<512x200xf32>
      %dot_general3A_55 = tpu.matmul %get3A_51, %get3A_54, %dot_general3A {dimension_numbers = #tpu.dot_dimension_numbers<[1], [0], [0], [1], [0, 0, 1, 1], [], []>, precision = #tpu.contract_precision<fp32>, transpose_lhs_hint = false} : vector<512x128xf32>, vector<128x200xf32>, vector<512x200xf32> -> vector<512x200xf32>
      %mul3A_56 = arith.constant 512 : i32
      %mul3A_57 = arith.muli %scan3A_47, %mul3A_56 : i32
      %get3A_58 = arith.index_cast %mul3A_57 : i32 to index
      %get3A_59 = arith.constant 0 : index
      %get3A_60 = vector.load %arg1[%get3A_58, %get3A_59] : memref<4096x64xf32, #tpu.memory_space<vmem>>, vector<512x64xf32>
      %get3A_61 = arith.constant 0 : index
      %get3A_62 = arith.constant 0 : index
      %get3A_63 = vector.load %arg3[%get3A_61, %get3A_62] : memref<64x200xf32, #tpu.memory_space<vmem>>, vector<64x200xf32>
      %dot_general3A_64 = arith.constant dense<0.000000e+00> : vector<512x200xf32>
      %dot_general3A_65 = tpu.matmul %get3A_60, %get3A_63, %dot_general3A_64 {dimension_numbers = #tpu.dot_dimension_numbers<[1], [0], [0], [1], [0, 0, 1, 1], [], []>, precision = #tpu.contract_precision<fp32>, transpose_lhs_hint = false} : vector<512x64xf32>, vector<64x200xf32>, vector<512x200xf32> -> vector<512x200xf32>
      %add3A = arith.addf %dot_general3A_55, %dot_general3A_65 : vector<512x200xf32>
      %get3A_66 = arith.constant 0 : index
      %get3A_67 = arith.constant 0 : index
      %get3A_68 = vector.load %arg4[%get3A_66, %get3A_67] : memref<1x200xf32, #tpu.memory_space<vmem>>, vector<1x200xf32>
      %get3A_69 = vector.shape_cast %get3A_68 : vector<1x200xf32> to vector<200xf32>
      %broadcast_in_dim3A_70 = vector.shape_cast %get3A_69 : vector<200xf32> to vector<1x200xf32>
      %add3A_71 = vector.broadcast %broadcast_in_dim3A_70 : vector<1x200xf32> to vector<512x200xf32>
      %add3A_72 = arith.addf %add3A, %add3A_71 : vector<512x200xf32>
      %get3A_73 = arith.constant 0 : index
      %get3A_74 = arith.constant 0 : index
      %get3A_75 = vector.load %arg5[%get3A_73, %get3A_74] : memref<1x200xf32, #tpu.memory_space<vmem>>, vector<1x200xf32>
      %get3A_76 = vector.shape_cast %get3A_75 : vector<1x200xf32> to vector<200xf32>
      %sqrt3A_77 = arith.constant 1.000010e+00 : f32
      %sqrt3A_78 = math.sqrt %sqrt3A_77 : f32
      %div3A_79 = vector.broadcast %sqrt3A_78 : f32 to vector<200xf32>
      %div3A_80 = arith.divf %get3A_76, %div3A_79 : vector<200xf32>
      %broadcast_in_dim3A_81 = vector.shape_cast %div3A_80 : vector<200xf32> to vector<1x200xf32>
      %mul3A_82 = vector.broadcast %broadcast_in_dim3A_81 : vector<1x200xf32> to vector<512x200xf32>
      %mul3A_83 = arith.mulf %add3A_72, %mul3A_82 : vector<512x200xf32>
      %get3A_84 = arith.constant 0 : index
      %get3A_85 = arith.constant 0 : index
      %get3A_86 = vector.load %arg6[%get3A_84, %get3A_85] : memref<1x200xf32, #tpu.memory_space<vmem>>, vector<1x200xf32>
      %get3A_87 = vector.shape_cast %get3A_86 : vector<1x200xf32> to vector<200xf32>
      %broadcast_in_dim3A_88 = vector.shape_cast %get3A_87 : vector<200xf32> to vector<1x200xf32>
      %add3A_89 = vector.broadcast %broadcast_in_dim3A_88 : vector<1x200xf32> to vector<512x200xf32>
      %add3A_90 = arith.addf %mul3A_83, %add3A_89 : vector<512x200xf32>
      %mul3A_91 = arith.constant 512 : i32
      %mul3A_92 = arith.muli %scan3A_47, %mul3A_91 : i32
      %swap3A = arith.index_cast %mul3A_92 : i32 to index
      %swap3A_93 = arith.constant 0 : index
      %swap3A_94 = vector.load %arg16[%swap3A, %swap3A_93] : memref<4096x200xf32, #tpu.memory_space<vmem>>, vector<512x200xf32>
      tpu.vector_store %arg16[%swap3A, %swap3A_93], %add3A_90 {strides = array<i32>} : memref<4096x200xf32, #tpu.memory_space<vmem>>, vector<512x200xf32>,
      %reduce_sum3A = arith.constant dense<0.000000e+00> : vector<200xf32>
      %reduce_sum3A_95 = vector.multi_reduction <add>, %add3A_90, %reduce_sum3A [0] : vector<512x200xf32> to vector<200xf32>
      %broadcast_in_dim3A_96 = vector.shape_cast %reduce_sum3A_95 : vector<200xf32> to vector<1x200xf32>
      %add3A_97 = arith.addf %scan3A_48, %broadcast_in_dim3A_96 : vector<1x200xf32>
      scf.yield %add3A_97 : vector<1x200xf32>
    }
    %scan3A_5 = arith.constant 8 : i32
    %div3A = arith.constant 4.096000e+03 : f32
    %div3A_6 = vector.broadcast %div3A : f32 to vector<1x200xf32>
    %div3A_7 = arith.divf %scan3A_4, %div3A_6 : vector<1x200xf32>
    %broadcast_in_dim3A_8 = arith.constant 0.000000e+00 : f32
    %broadcast_in_dim3A_9 = vector.broadcast %broadcast_in_dim3A_8 : f32 to vector<1x200xf32>
    %scan3A_10 = arith.constant 0 : i32
    %scan3A_11 = arith.constant 8 : i32
    %scan3A_12 = arith.addi %scan3A_10, %scan3A_11 : i32
    %scan3A_13 = arith.constant 1 : i32
    %scan3A_14 = scf.for %scan3A_47 = %scan3A_10 to %scan3A_12 step %scan3A_13 iter_args(%scan3A_48 = %broadcast_in_dim3A_9) -> (vector<1x200xf32>)  : i32 {
      %mul3A = arith.constant 512 : i32
      %mul3A_49 = arith.muli %scan3A_47, %mul3A : i32
      %get3A = arith.index_cast %mul3A_49 : i32 to index
      %get3A_50 = arith.constant 0 : index
      %get3A_51 = vector.load %arg16[%get3A, %get3A_50] : memref<4096x200xf32, #tpu.memory_space<vmem>>, vector<512x200xf32>
      %sub3A = vector.broadcast %div3A_7 : vector<1x200xf32> to vector<512x200xf32>
      %sub3A_52 = arith.subf %get3A_51, %sub3A : vector<512x200xf32>
      %mul3A_53 = arith.mulf %sub3A_52, %sub3A_52 : vector<512x200xf32>
      %reduce_sum3A = arith.constant dense<0.000000e+00> : vector<200xf32>
      %reduce_sum3A_54 = vector.multi_reduction <add>, %mul3A_53, %reduce_sum3A [0] : vector<512x200xf32> to vector<200xf32>
      %broadcast_in_dim3A_55 = vector.shape_cast %reduce_sum3A_54 : vector<200xf32> to vector<1x200xf32>
      %add3A = arith.addf %scan3A_48, %broadcast_in_dim3A_55 : vector<1x200xf32>
      scf.yield %add3A : vector<1x200xf32>
    }
    %scan3A_15 = arith.constant 8 : i32
    %div3A_16 = arith.constant 4.095000e+03 : f32
    %div3A_17 = vector.broadcast %div3A_16 : f32 to vector<1x200xf32>
    %div3A_18 = arith.divf %scan3A_14, %div3A_17 : vector<1x200xf32>
    %sqrt3A = math.sqrt %div3A_18 : vector<1x200xf32>
    %broadcast_in_dim3A_19 = arith.constant 0.000000e+00 : f32
    %broadcast_in_dim3A_20 = vector.broadcast %broadcast_in_dim3A_19 : f32 to vector<1x80xf32>
    %scan3A_21 = arith.constant 0 : i32
    %scan3A_22 = arith.constant 8 : i32
    %scan3A_23 = arith.addi %scan3A_21, %scan3A_22 : i32
    %scan3A_24 = arith.constant 1 : i32
    %scan3A_25 = scf.for %scan3A_47 = %scan3A_21 to %scan3A_23 step %scan3A_24 iter_args(%scan3A_48 = %broadcast_in_dim3A_20) -> (vector<1x80xf32>)  : i32 {
      %mul3A = arith.constant 512 : i32
      %mul3A_49 = arith.muli %scan3A_47, %mul3A : i32
      %get3A = arith.index_cast %mul3A_49 : i32 to index
      %get3A_50 = arith.constant 0 : index
      %get3A_51 = vector.load %arg16[%get3A, %get3A_50] : memref<4096x200xf32, #tpu.memory_space<vmem>>, vector<512x200xf32>
      %sub3A = vector.broadcast %div3A_7 : vector<1x200xf32> to vector<512x200xf32>
      %sub3A_52 = arith.subf %get3A_51, %sub3A : vector<512x200xf32>
      %div3A_53 = vector.broadcast %sqrt3A : vector<1x200xf32> to vector<512x200xf32>
      %div3A_54 = arith.divf %sub3A_52, %div3A_53 : vector<512x200xf32>
      %logistic3A = arith.negf %div3A_54 : vector<512x200xf32>
      %logistic3A_55 = math.exp %logistic3A : vector<512x200xf32>
      %logistic3A_56 = arith.constant 1.000000e+00 : f32
      %logistic3A_57 = vector.broadcast %logistic3A_56 : f32 to vector<512x200xf32>
      %logistic3A_58 = arith.addf %logistic3A_57, %logistic3A_55 : vector<512x200xf32>
      %logistic3A_59 = arith.divf %logistic3A_57, %logistic3A_58 : vector<512x200xf32>
      %mul3A_60 = arith.mulf %get3A_51, %logistic3A_59 : vector<512x200xf32>
      %get3A_61 = arith.constant 0 : index
      %get3A_62 = arith.constant 0 : index
      %get3A_63 = vector.load %arg7[%get3A_61, %get3A_62] : memref<1x1xf32, #tpu.memory_space<vmem>>, vector<1x1xf32>
      %get3A_64 = vector.extract %get3A_63[0, 0] : f32 from vector<1x1xf32>
      %mul3A_65 = vector.broadcast %get3A_64 : f32 to vector<512x200xf32>
      %mul3A_66 = arith.mulf %mul3A_65, %get3A_51 : vector<512x200xf32>
      %sub3A_67 = arith.constant 1.000000e+00 : f32
      %sub3A_68 = vector.broadcast %sub3A_67 : f32 to vector<512x200xf32>
      %sub3A_69 = arith.subf %sub3A_68, %logistic3A_59 : vector<512x200xf32>
      %mul3A_70 = arith.mulf %mul3A_66, %sub3A_69 : vector<512x200xf32>
      %add3A = arith.addf %mul3A_60, %mul3A_70 : vector<512x200xf32>
      %get3A_71 = arith.constant 0 : index
      %get3A_72 = arith.constant 0 : index
      %get3A_73 = vector.load %arg8[%get3A_71, %get3A_72] : memref<200x80xf32, #tpu.memory_space<vmem>>, vector<200x80xf32>
      %dot_general3A = arith.constant dense<0.000000e+00> : vector<512x80xf32>
      %dot_general3A_74 = tpu.matmul %add3A, %get3A_73, %dot_general3A {dimension_numbers = #tpu.dot_dimension_numbers<[1], [0], [0], [1], [0, 0, 1, 1], [], []>, precision = #tpu.contract_precision<fp32>, transpose_lhs_hint = false} : vector<512x200xf32>, vector<200x80xf32>, vector<512x80xf32> -> vector<512x80xf32>
      %get3A_75 = arith.constant 0 : index
      %get3A_76 = arith.constant 0 : index
      %get3A_77 = vector.load %arg9[%get3A_75, %get3A_76] : memref<1x80xf32, #tpu.memory_space<vmem>>, vector<1x80xf32>
      %get3A_78 = vector.shape_cast %get3A_77 : vector<1x80xf32> to vector<80xf32>
      %broadcast_in_dim3A_79 = vector.shape_cast %get3A_78 : vector<80xf32> to vector<1x80xf32>
      %add3A_80 = vector.broadcast %broadcast_in_dim3A_79 : vector<1x80xf32> to vector<512x80xf32>
      %add3A_81 = arith.addf %dot_general3A_74, %add3A_80 : vector<512x80xf32>
      %get3A_82 = arith.constant 0 : index
      %get3A_83 = arith.constant 0 : index
      %get3A_84 = vector.load %arg10[%get3A_82, %get3A_83] : memref<1x80xf32, #tpu.memory_space<vmem>>, vector<1x80xf32>
      %get3A_85 = vector.shape_cast %get3A_84 : vector<1x80xf32> to vector<80xf32>
      %sqrt3A_86 = arith.constant 1.000010e+00 : f32
      %sqrt3A_87 = math.sqrt %sqrt3A_86 : f32
      %div3A_88 = vector.broadcast %sqrt3A_87 : f32 to vector<80xf32>
      %div3A_89 = arith.divf %get3A_85, %div3A_88 : vector<80xf32>
      %broadcast_in_dim3A_90 = vector.shape_cast %div3A_89 : vector<80xf32> to vector<1x80xf32>
      %mul3A_91 = vector.broadcast %broadcast_in_dim3A_90 : vector<1x80xf32> to vector<512x80xf32>
      %mul3A_92 = arith.mulf %add3A_81, %mul3A_91 : vector<512x80xf32>
      %get3A_93 = arith.constant 0 : index
      %get3A_94 = arith.constant 0 : index
      %get3A_95 = vector.load %arg11[%get3A_93, %get3A_94] : memref<1x80xf32, #tpu.memory_space<vmem>>, vector<1x80xf32>
      %get3A_96 = vector.shape_cast %get3A_95 : vector<1x80xf32> to vector<80xf32>
      %broadcast_in_dim3A_97 = vector.shape_cast %get3A_96 : vector<80xf32> to vector<1x80xf32>
      %add3A_98 = vector.broadcast %broadcast_in_dim3A_97 : vector<1x80xf32> to vector<512x80xf32>
      %add3A_99 = arith.addf %mul3A_92, %add3A_98 : vector<512x80xf32>
      %mul3A_100 = arith.constant 512 : i32
      %mul3A_101 = arith.muli %scan3A_47, %mul3A_100 : i32
      %swap3A = arith.index_cast %mul3A_101 : i32 to index
      %swap3A_102 = arith.constant 0 : index
      %swap3A_103 = vector.load %arg17[%swap3A, %swap3A_102] : memref<4096x80xf32, #tpu.memory_space<vmem>>, vector<512x80xf32>
      tpu.vector_store %arg17[%swap3A, %swap3A_102], %add3A_99 {strides = array<i32>} : memref<4096x80xf32, #tpu.memory_space<vmem>>, vector<512x80xf32>,
      %reduce_sum3A = arith.constant dense<0.000000e+00> : vector<80xf32>
      %reduce_sum3A_104 = vector.multi_reduction <add>, %add3A_99, %reduce_sum3A [0] : vector<512x80xf32> to vector<80xf32>
      %broadcast_in_dim3A_105 = vector.shape_cast %reduce_sum3A_104 : vector<80xf32> to vector<1x80xf32>
      %add3A_106 = arith.addf %scan3A_48, %broadcast_in_dim3A_105 : vector<1x80xf32>
      scf.yield %add3A_106 : vector<1x80xf32>
    }
    %scan3A_26 = arith.constant 8 : i32
    %div3A_27 = arith.constant 4.096000e+03 : f32
    %div3A_28 = vector.broadcast %div3A_27 : f32 to vector<1x80xf32>
    %div3A_29 = arith.divf %scan3A_25, %div3A_28 : vector<1x80xf32>
    %broadcast_in_dim3A_30 = arith.constant 0.000000e+00 : f32
    %broadcast_in_dim3A_31 = vector.broadcast %broadcast_in_dim3A_30 : f32 to vector<1x80xf32>
    %scan3A_32 = arith.constant 0 : i32
    %scan3A_33 = arith.constant 8 : i32
    %scan3A_34 = arith.addi %scan3A_32, %scan3A_33 : i32
    %scan3A_35 = arith.constant 1 : i32
    %scan3A_36 = scf.for %scan3A_47 = %scan3A_32 to %scan3A_34 step %scan3A_35 iter_args(%scan3A_48 = %broadcast_in_dim3A_31) -> (vector<1x80xf32>)  : i32 {
      %mul3A = arith.constant 512 : i32
      %mul3A_49 = arith.muli %scan3A_47, %mul3A : i32
      %get3A = arith.index_cast %mul3A_49 : i32 to index
      %get3A_50 = arith.constant 0 : index
      %get3A_51 = vector.load %arg17[%get3A, %get3A_50] : memref<4096x80xf32, #tpu.memory_space<vmem>>, vector<512x80xf32>
      %sub3A = vector.broadcast %div3A_29 : vector<1x80xf32> to vector<512x80xf32>
      %sub3A_52 = arith.subf %get3A_51, %sub3A : vector<512x80xf32>
      %mul3A_53 = arith.mulf %sub3A_52, %sub3A_52 : vector<512x80xf32>
      %reduce_sum3A = arith.constant dense<0.000000e+00> : vector<80xf32>
      %reduce_sum3A_54 = vector.multi_reduction <add>, %mul3A_53, %reduce_sum3A [0] : vector<512x80xf32> to vector<80xf32>
      %broadcast_in_dim3A_55 = vector.shape_cast %reduce_sum3A_54 : vector<80xf32> to vector<1x80xf32>
      %add3A = arith.addf %scan3A_48, %broadcast_in_dim3A_55 : vector<1x80xf32>
      scf.yield %add3A : vector<1x80xf32>
    }
    %scan3A_37 = arith.constant 8 : i32
    %div3A_38 = arith.constant 4.095000e+03 : f32
    %div3A_39 = vector.broadcast %div3A_38 : f32 to vector<1x80xf32>
    %div3A_40 = arith.divf %scan3A_36, %div3A_39 : vector<1x80xf32>
    %sqrt3A_41 = math.sqrt %div3A_40 : vector<1x80xf32>
    %scan3A_42 = arith.constant 0 : i32
    %scan3A_43 = arith.constant 8 : i32
    %scan3A_44 = arith.addi %scan3A_42, %scan3A_43 : i32
    %scan3A_45 = arith.constant 1 : i32
    scf.for %scan3A_47 = %scan3A_42 to %scan3A_44 step %scan3A_45  : i32 {
      %mul3A = arith.constant 512 : i32
      %mul3A_48 = arith.muli %scan3A_47, %mul3A : i32
      %get3A = arith.index_cast %mul3A_48 : i32 to index
      %get3A_49 = arith.constant 0 : index
      %get3A_50 = vector.load %arg17[%get3A, %get3A_49] : memref<4096x80xf32, #tpu.memory_space<vmem>>, vector<512x80xf32>
      %sub3A = vector.broadcast %div3A_29 : vector<1x80xf32> to vector<512x80xf32>
      %sub3A_51 = arith.subf %get3A_50, %sub3A : vector<512x80xf32>
      %div3A_52 = vector.broadcast %sqrt3A_41 : vector<1x80xf32> to vector<512x80xf32>
      %div3A_53 = arith.divf %sub3A_51, %div3A_52 : vector<512x80xf32>
      %logistic3A = arith.negf %div3A_53 : vector<512x80xf32>
      %logistic3A_54 = math.exp %logistic3A : vector<512x80xf32>
      %logistic3A_55 = arith.constant 1.000000e+00 : f32
      %logistic3A_56 = vector.broadcast %logistic3A_55 : f32 to vector<512x80xf32>
      %logistic3A_57 = arith.addf %logistic3A_56, %logistic3A_54 : vector<512x80xf32>
      %logistic3A_58 = arith.divf %logistic3A_56, %logistic3A_57 : vector<512x80xf32>
      %mul3A_59 = arith.mulf %get3A_50, %logistic3A_58 : vector<512x80xf32>
      %get3A_60 = arith.constant 0 : index
      %get3A_61 = arith.constant 0 : index
      %get3A_62 = vector.load %arg12[%get3A_60, %get3A_61] : memref<1x1xf32, #tpu.memory_space<vmem>>, vector<1x1xf32>
      %get3A_63 = vector.extract %get3A_62[0, 0] : f32 from vector<1x1xf32>
      %mul3A_64 = vector.broadcast %get3A_63 : f32 to vector<512x80xf32>
      %mul3A_65 = arith.mulf %mul3A_64, %get3A_50 : vector<512x80xf32>
      %sub3A_66 = arith.constant 1.000000e+00 : f32
      %sub3A_67 = vector.broadcast %sub3A_66 : f32 to vector<512x80xf32>
      %sub3A_68 = arith.subf %sub3A_67, %logistic3A_58 : vector<512x80xf32>
      %mul3A_69 = arith.mulf %mul3A_65, %sub3A_68 : vector<512x80xf32>
      %add3A = arith.addf %mul3A_59, %mul3A_69 : vector<512x80xf32>
      %get3A_70 = arith.constant 0 : index
      %get3A_71 = arith.constant 0 : index
      %get3A_72 = vector.load %arg13[%get3A_70, %get3A_71] : memref<80x2xf32, #tpu.memory_space<vmem>>, vector<80x2xf32>
      %dot_general3A = arith.constant dense<0.000000e+00> : vector<512x2xf32>
      %dot_general3A_73 = tpu.matmul %add3A, %get3A_72, %dot_general3A {dimension_numbers = #tpu.dot_dimension_numbers<[1], [0], [0], [1], [0, 0, 1, 1], [], []>, precision = #tpu.contract_precision<fp32>, transpose_lhs_hint = false} : vector<512x80xf32>, vector<80x2xf32>, vector<512x2xf32> -> vector<512x2xf32>
      %get3A_74 = arith.constant 0 : index
      %get3A_75 = arith.constant 0 : index
      %get3A_76 = vector.load %arg14[%get3A_74, %get3A_75] : memref<1x2xf32, #tpu.memory_space<vmem>>, vector<1x2xf32>
      %get3A_77 = vector.shape_cast %get3A_76 : vector<1x2xf32> to vector<2xf32>
      %broadcast_in_dim3A_78 = vector.shape_cast %get3A_77 : vector<2xf32> to vector<1x2xf32>
      %add3A_79 = vector.broadcast %broadcast_in_dim3A_78 : vector<1x2xf32> to vector<512x2xf32>
      %add3A_80 = arith.addf %dot_general3A_73, %add3A_79 : vector<512x2xf32>
      %logistic3A_81 = arith.negf %add3A_80 : vector<512x2xf32>
      %logistic3A_82 = math.exp %logistic3A_81 : vector<512x2xf32>
      %logistic3A_83 = arith.constant 1.000000e+00 : f32
      %logistic3A_84 = vector.broadcast %logistic3A_83 : f32 to vector<512x2xf32>
      %logistic3A_85 = arith.addf %logistic3A_84, %logistic3A_82 : vector<512x2xf32>
      %logistic3A_86 = arith.divf %logistic3A_84, %logistic3A_85 : vector<512x2xf32>
      %mul3A_87 = arith.constant 512 : i32
      %mul3A_88 = arith.muli %scan3A_47, %mul3A_87 : i32
      %swap3A = arith.index_cast %mul3A_88 : i32 to index
      %swap3A_89 = arith.constant 0 : index
      %swap3A_90 = vector.load %arg15[%swap3A, %swap3A_89] : memref<4096x2xf32, #tpu.memory_space<vmem>>, vector<512x2xf32>
      tpu.vector_store %arg15[%swap3A, %swap3A_89], %logistic3A_86 {strides = array<i32>} : memref<4096x2xf32, #tpu.memory_space<vmem>>, vector<512x2xf32>,
    }
    %scan3A_46 = arith.constant 8 : i32
    return
  }
}

</mosaic_0001>

<sc_bundles>
// kernel: kernel.6.cloned.1.call-start
scs
__scs_entry_jumppad:
0x0: {  	(pc) =	sbr.rel $0x88, $3  }
0x1: {  	(tag) =	ssettag $0x0;
	lr =	simm.s32 $0x1  }
0x2: {  	[smem:$0x3F8B] =	sst lr;
	_ =	strace $0xD0000000  }
0x3: {  	_ = 	snop  }
0x4: {  	_ = 	snop  }
0x5: {  	_ = 	snop  }
0x6: {  	_ = 	snop  }
0x7: {  	_ = 	snop  }
__scs_overlays_trampoline_lowered:
0x8: {  	[smem:$0x3F9A] =	sst s0  }
0x9: {  	[smem:$0x3F9B] =	sst s1  }
0xa: {  	[smem:$0x3F9C] =	sst s2  }
0xb: {  	[smem:$0x3F9D] =	sst s3  }
0xc: {  	[smem:$0x3F9E] =	sst s4  }
0xd: {  	[smem:$0x3F9F] =	sst s5  }
0xe: {  	[smem:$0x3FA0] =	sst s6  }
0xf: {  	[smem:$0x3FA1] =	sst s7  }
0x10: {  	[smem:$0x3FA2] =	sst s8  }
0x11: {  	[smem:$0x3FA3] =	sst s9;
	s0 =	simm.s32 @!p0 $0x0  }
0x12: {  	s1 =	sld [smem:$0x3F89];
	s0 =	simm.s32 @p0 $0x1  }
0x13: {  	[smem:$0x3FA4] =	sst s0;
	s0 =	simm.s32 @!p1 $0x0  }
0x14: {  	s2 =	sld [smem:$0x3F88];
	s0 =	simm.s32 @p1 $0x1  }
0x15: {  	[smem:$0x3FA5] =	sst s0;
	s0 =	simm.s32 @!p2 $0x0  }
0x16: {  	s3 =	sld [smem:$0x3FDB];
	s0 =	simm.s32 @p2 $0x1  }
0x17: {  	s4 =	simm.s32 $0x1BF5;
	[smem:$0x3FA7] =	sst s0  }
0x18: {  	s0 =	sld [smem:$0x3F8A];
	_ =	swait.ge [sflag:s4], $0x0  }
0x19: {  	s7 =	sld [smem:$0x3F8B]  }
0x1a: {  	s8 =	sadd.s32 $0xFFFFE003, lr  }
0x1b: {  	s9 =	sadd.s32 $0xFFFFFEF7, lr;
	s5 =	simm.s32 $0xFFFFFFFF;
	p2 =	slt.u32 s8, $0xFFFFF086  }
0x1c: {  	p1 =	slt.u32 s9, $0xF7A;
	s5 =	simm.s32 @!p2 $0x0  }
0x1d: {  	s5 =	simm.s32 @p1 $0x1;
	p0 =	seq.s32 s7, s2  }
0x1e: {  	s7 =	smul.u32 @!p0 $0xF7A, s2;
	p2 =	seq.s32 @!p0 s5, $0x0  }
0x1f: {  	s9 =	smul.u32 $0xF7A, s1;
	s8 =	simm.s32 @!p0 $0x1BF5;
	p2 =	por !p2, p0  }
0x20: {  	[sflag:s8] =	ssyncset.s32 @!p0 $0xFFFFF086;
	s6 =	sadd.s32 @!p0 s3, s7;
	s7 =	simm.s32 @!p0 $0x108  }
0x21: {  	s3 =	sadd.s32 s3, s9;
	s6 =	sadd.s32 @!p0 $0x88, s6;
	s7 =	simm.s32 @p2 $0x1082  }
0x22: {  	[simem:s7], [sflag:s8] =	dma.local @!p0 [hbm:s6], $0xF7A  }
0x23: {  	s9 =	sor.u32 $0xD0000000, s2;
	s6 =	simm.s32 $0x108;
	_ =	swait.ge @!p0 [sflag:s8], $0x0  }
0x24: {  	s3 =	sadd.s32 $0x88, s3;
	s6 =	simm.s32 @!p1 $0x1082;
	[sflag:s4] =	ssyncset.s32 $0xFFFFF086  }
0x25: {  	[simem:s6], [sflag:s4] =	dma.local [hbm:s3], $0xF7A  }
0x26: {  	[smem:$0x3F8B] =	sst s1;
	(tag) =	ssettag s2;
	_ =	strace s9  }
0x27: {  	s1 =	sld [smem:$0x3F9B]  }
0x28: {  	s2 =	sld [smem:$0x3F9C]  }
0x29: {  	s4 =	sld [smem:$0x3F9E]  }
0x2a: {  	p0 =	seq.s32 s5, $0x0;
	s5 =	sld [smem:$0x3F9F]  }
0x2b: {  	s6 =	sld [smem:$0x3FA0]  }
0x2c: {  	s7 =	sld [smem:$0x3FA1]  }
0x2d: {  	s3 =	simm.s32 $0x108;
	s8 =	sld [smem:$0x3FA2]  }
0x2e: {  	s3 =	simm.s32 @!p0 $0x1082;
	s9 =	sld [smem:$0x3FA3]  }
0x2f: {  	lr =	sadd.s32 s0, s3;
	s0 =	sld [smem:$0x3F9A]  }
0x30: {  	s3 =	sld [smem:$0x3F9D]  }
0x31: {  	[smem:$0x3FA6] =	sst s10  }
0x32: {  	s10 =	sld [smem:$0x3FA4];
	_ =	sdelay $0x3  }
0x33: {  	p0 =	seq.s32 s10, $0x1;
	s10 =	sld [smem:$0x3FA6];
	_ =	sdelay $0x3  }
0x34: {  	[smem:$0x3FA6] =	sst s10  }
0x35: {  	s10 =	sld [smem:$0x3FA5];
	_ =	sdelay $0x3  }
0x36: {  	p1 =	seq.s32 s10, $0x1;
	s10 =	sld [smem:$0x3FA6];
	_ =	sdelay $0x3  }
0x37: {  	[smem:$0x3FA6] =	sst s10  }
0x38: {  	s10 =	sld [smem:$0x3FA7]  }
0x39: {  	_ = 	snop;
	(pc) =	sbr.ind lr, $3  }
0x3a: {  	_ = 	snop  }
0x3b: {  	_ = 	snop  }
0x3c: {  	p2 =	seq.s32 s10, $0x1;
	s10 =	sld [smem:$0x3FA6]  }
0x3d: {  	_ =	shalt  }
0x3e: {  	_ =	shalt  }
0x3f: {  	_ =	shalt  }
0x40: {  	_ =	shalt  }
0x41: {  	_ =	shalt  }
0x42: {  	_ =	shalt  }
0x43: {  	_ =	shalt  }
0x44: {  	_ =	shalt  }
0x45: {  	_ =	shalt  }
0x46: {  	_ =	shalt  }
0x47: {  	_ =	shalt  }
0x48: {  	_ =	shalt  }
0x49: {  	_ =	shalt  }
0x4a: {  	_ =	shalt  }
0x4b: {  	_ =	shalt  }
0x4c: {  	_ =	shalt  }
0x4d: {  	_ =	shalt  }
0x4e: {  	_ =	shalt  }
0x4f: {  	_ =	shalt  }
0x50: {  	_ =	shalt  }
0x51: {  	_ =	shalt  }
0x52: {  	_ =	shalt  }
0x53: {  	_ =	shalt  }
0x54: {  	_ =	shalt  }
0x55: {  	_ =	shalt  }
0x56: {  	_ =	shalt  }
0x57: {  	_ =	shalt  }
0x58: {  	_ =	shalt  }
0x59: {  	_ =	shalt  }
0x5a: {  	_ =	shalt  }
0x5b: {  	_ =	shalt  }
0x5c: {  	_ =	shalt  }
0x5d: {  	_ =	shalt  }
0x5e: {  	_ =	shalt  }
0x5f: {  	_ =	shalt  }
0x60: {  	_ =	shalt  }
0x61: {  	_ =	shalt  }
0x62: {  	_ =	shalt  }
0x63: {  	_ =	shalt  }
0x64: {  	_ =	shalt  }
0x65: {  	_ =	shalt  }
0x66: {  	_ =	shalt  }
0x67: {  	_ =	shalt  }
0x68: {  	_ =	shalt  }
0x69: {  	_ =	shalt  }
0x6a: {  	_ =	shalt  }
0x6b: {  	_ =	shalt  }
0x6c: {  	_ =	shalt  }
0x6d: {  	_ =	shalt  }
0x6e: {  	_ =	shalt  }
0x6f: {  	_ =	shalt  }
0x70: {  	_ =	shalt  }
0x71: {  	_ =	shalt  }
0x72: {  	_ =	shalt  }
0x73: {  	_ =	shalt  }
0x74: {  	_ =	shalt  }
0x75: {  	_ =	shalt  }
0x76: {  	_ =	shalt  }
0x77: {  	_ =	shalt  }
0x78: {  	_ =	shalt  }
0x79: {  	_ =	shalt  }
0x7a: {  	_ =	shalt  }
0x7b: {  	_ =	shalt  }
0x7c: {  	_ =	shalt  }
0x7d: {  	_ =	shalt  }
0x7e: {  	_ =	shalt  }
0x7f: {  	_ =	shalt  }
0x80: {  	_ =	shalt  }
0x81: {  	_ =	shalt  }
0x82: {  	_ =	shalt  }
0x83: {  	_ =	shalt  }
0x84: {  	_ =	shalt  }
0x85: {  	_ =	shalt  }
0x86: {  	_ =	shalt  }
0x87: {  	_ =	shalt  }
.Lfunc_end0:
.L_simem_size_0:
called_computation_lowered:
.L_overlay_start_0:
0x88: {  	s2 =	sld [smem:$0x3FD9]  }
0x89: {  	s3 =	sld [smem:$0x3FFE];
	_ =	sdelay $0x1  }
0x8a: {  	s1 =	srdreg.scid  }
0x8b: {  	s0 =	sand.u32 $0x1, s1  }
0x8c: {  	s17 =	sshll.u32 s0, $0xA;
	s2 =	sadd.s32 s3, s2  }
0x8d: {  	s2 =	sadd.s32 s2, s17  }
0x8e: {  	[smem:$0x3FB2] =	sst s2  }
0x8f: {  	_ = 	snop  }
0x90: {  	s2 =	sld [smem:$0x3FC9]  }
0x91: {  	s18 =	sld [smem:$0x3FC8]  }
0x92: {  	s4 =	sld [smem:$0x3FC6]  }
0x93: {  	s5 =	sld [smem:$0x3FC4]  }
0x94: {  	s6 =	sld [smem:$0x3FD0];
	(tm) =	ssettm $0x1  }
0x95: {  	s7 =	sld [smem:$0x3FFB];
	_ =	sdelay $0x3  }
0x96: {  	_ =	strace s7  }
0x97: {  	s7 =	sld [smem:$0x3FFC];
	_ =	sdelay $0x3  }
0x98: {  	_ =	strace s7  }
0x99: {  	s7 =	sld [smem:$0x3FFD];
	_ =	sdelay $0x3  }
0x9a: {  	_ =	strace s7  }
0x9b: {  	_ =	strace $0x8FFFFFFF  }
0x9c: {  	s19 =	sld [smem:$0x3FDB];
	_ =	sdelay $0x1  }
0x9d: {  	s8 =	simm.s32 $_scs_section_size  }
0x9e: {  	s9 =	simm.s32 $_size__tile_overlayer_lowered;
	s10 =	simm.s32 $_tile_overlayer_lowered  }
0x9f: {  	s22 =	simm.s32 $0x1BFF;
	s21 =	sshll.u32 s10, $0x1;
	s7 =	sadd.s32 s8, s19  }
0xa0: {  	s11 =	simm.s32 $0x0;
	s20 =	sshll.u32 s9, $0x1;
	s9 =	sadd.s32 s21, s7  }
0xa1: {  	[timem:s11], [sflag:s22] =	dma.local [hbm:s9], s20  }
0xa2: {  	_ =	swait.ge [sflag:s22], s20  }
0xa3: {  	s8 =	ssub.s32 $0x0, s20;
	[sflag:s22] =	ssyncset.done $0x0  }
0xa4: {  	[sflag:s22] =	ssyncadd.s32 s8;
	_ =	sdelay $0x1  }
0xa5: {  	s23 =	simm.s32 $0x1B8B  }
0xa6: {  	_ =	swait.ge [sflag:s23], $0x1  }
0xa7: {  	[sflag:s23] =	ssyncset.done $0x0  }
0xa8: {  	s25 =	simm.s32 $0x1B8E;
	s24 =	sld [smem:$0x3FFE];
	[sflag:s23] =	ssyncadd.s32 $0xFFFFFFFF  }
0xa9: {  	s26 =	simm.s32 $execute0_lowered;
	[smem:$0x3FD2] =	sst s25  }
0xaa: {  	s9 =	sshll.u32 s26, $0x1;
	_ =	strace $0x80000046;
	[dreg:$0x1] =	wrdreg $0xFFFFFFFF  }
0xab: {  	s28 =	simm.s32 $_size_execute0_lowered;
	s7 =	sadd.s32 s7, s9;
	[dreg:$0x0] =	wrdreg $0x0  }
0xac: {  	s9 =	sshll.u32 s28, $0x1;
	[dreg:$0x2] =	wrdreg s7  }
0xad: {  	[dreg:$0x3] =	wrdreg s9  }
0xae: {  	[dreg:$0x4] =	wrdreg $0xC0  }
0xaf: {  	_ =	task [dreg:s11], $0x5FFFF  }
0xb0: {  	[dreg:$0x1] =	wrdreg $0xFFFFFFFF  }
0xb1: {  	[dreg:$0x0] =	wrdreg $0x60  }
0xb2: {  	[dreg:$0x2] =	wrdreg s2  }
0xb3: {  	[dreg:$0x3] =	wrdreg s18  }
0xb4: {  	[dreg:$0x4] =	wrdreg s4  }
0xb5: {  	[dreg:$0x5] =	wrdreg s5  }
0xb6: {  	[dreg:$0x6] =	wrdreg s24  }
0xb7: {  	[dreg:$0x7] =	wrdreg s6  }
0xb8: {  	[dreg:$0x8] =	wrdreg $0x16E000  }
0xb9: {  	[dreg:$0x9] =	wrdreg $0x175D00  }
0xba: {  	[dreg:$0xa] =	wrdreg $0x177600  }
0xbb: {  	[dreg:$0xb] =	wrdreg $0x9  }
0xbc: {  	_ =	task.clear_ibuf [dreg:s11], $0xCFFFF;
	_ =	strace $0x90000046  }
0xbd: {  	s29 =	simm.s32 $0x9;
	_ =	strace $0x80000048  }
0xbe: {  	_ =	swait.ge [sflag:s29], $0x1  }
0xbf: {  	[sflag:s29] =	ssyncadd.s32 $0xFFFFFFFF  }
0xc0: {  	_ =	strace $0x90000048  }
0xc1: {  	_ =	sfence  }
0xc2: {  	s30 =	sld [smem:$0x0];
	_ =	sdelay $0x2  }
0xc3: {  	s31 =	sshll.u32 s1, $0xD;
	s1 =	sshrl.u32 s1, $0x2  }
0xc4: {  	s3 =	sand.u32 $0x4000, s31;
	s1 =	sadd.s32 s1, s30  }
0xc5: {  	s0 =	sor.u32 s3, s0;
	s1 =	sshll.u32 s1, $0x11  }
0xc6: {  	s0 =	sor.u32 s1, s0  }
0xc7: {  	s0 =	sadd.s32 $0x8F2B, s0  }
0xc8: {  	[sflag:s0] =	ssyncadd.remote.s32 $0x1  }
0xc9: {  	_ =	sfence.sel $0xFFFF  }
0xca: {  	[dreg:$0x0] =	wrdreg $0xFFFFFFFF;
	(pc) =	sbr.abs _section_cstart, $3  }
0xcb: {  	[dreg:$0x1] =	wrdreg $0xFFFFFFFF  }
0xcc: {  	_ =	task.clear_ibuf [dreg:s11], $0x2FFFF;
	_ =	strace $0x9FFFFFFF  }
0xcd: {  	(tm) =	ssettm $0x7FFFFFFF  }
tec
execute0_lowered:
.L_overlay_start_1:
0x0: {  	(tag) =	ssettag $0x1  }
0x1: {  	s0 =	rddreg [dreg:$0x0]  }
0x2: {  	s1 =	rddreg [dreg:$0x1]  }
0x3: {  	s4 =	rddreg [dreg:$0x2]  }
0x4: {  	s7 =	rddreg [dreg:$0x3]  }
0x5: {  	s8 =	rddreg [dreg:$0x4]  }
0x6: {  	s2 =	rddreg [dreg:$0x6]  }
0x7: {  	s3 =	rddreg [dreg:$0x7]  }
0x8: {  	s5 =	rddreg [dreg:$0x8]  }
0x9: {  	s9 =	srdreg.scid;
	s6 =	simm.s32 $0x0;
	s13 =	stileid.u32  }
0xa: {  	s28 =	simm.s32 $0x12C00;
	s29 =	simm.s32 $0x48;
	s30 =	simm.s32 $0xC880  }
0xb: {  	s31 =	simm.s32 $0x13C00;
	s9 =	sand.u32 $0x1, s9;
	[smem:$0x7FF] =	sst s6  }
0xc: {  	s11 =	sshll.u32 s13, $0x7;
	s17 =	sadd.s32 $0x2400, s8;
	s14 =	sadd.s32 $0x3400, s8  }
0xd: {  	p0 =	seq.s32 s13, $0x2;
	_ =	strace $0x80000047;
	[dreg:$0xa] =	wrdreg s17  }
0xe: {  	s10 =	sshll.u32 s9, $0xB;
	s9 =	ssub.s32 $0x2, s9;
	[dreg:$0xb] =	wrdreg s14  }
0xf: {  	p1 =	seq.s32 @!p0 s13, $0x1;
	s10 =	sor.u32 s11, s10;
	s12 =	sshrl.u32 s9, $0x1  }
0x10: {  	p2 =	por p1, p0;
	s11 =	simm.s32 $0x0;
	s18 =	sshll.u32 s10, $0x2  }
0x11: {  	s9 =	ssub.s32 s9, s12;
	s0 =	sadd.s32 s0, s10;
	s19 =	sadd.s32 s1, s10  }
0x12: {  	s21 =	sadd.s32 s4, s10;
	s23 =	sshrl.u32 s10, $0x3;
	p2 =	sne.s32 @!p2 s13, $0x0  }
0x13: {  	s4 =	simm.s32 $0x14500;
	s1 =	simm.s32 $0xC948;
	[dreg:$0xc] =	wrdreg s0  }
0x14: {  	s10 =	simm.s32 $0x4;
	s8 =	sadd.s32 s18, s8;
	[dreg:$0xd] =	wrdreg s19  }
0x15: {  	[dreg:$0xf] =	wrdreg s21;
	s0 =	sadd.s32 s7, s23;
	s26 =	smax.u32 s9, $0x1  }
0x16: {  	p2 =	por @!p0 p2, p1;
	s18 =	sshrl.u32 @p0 s5, $0x3;
	p1 =	por !p1, p0  }
0x17: {  	s21 =	simm.s32 $0x400;
	s23 =	simm.s32 $0x3;
	s7 =	simm.s32 $0x1  }
0x18: {  	s9 =	simm.s32 $0x15E00;
	s20 =	sadd.s32 $0x4200, s8;
	[dreg:$0x12] =	wrdreg s0  }
0x19: {  	v0 =	vlaneseq.u32;
	s22 =	sadd.s32 $0x8200, s8;
	s24 =	sadd.s32 $0xC200, s8;
	[dreg:$0x14] =	wrdreg s26  }
.Ltmp0:
0x1a: {  	v0 =	vmul.u32 $0xC8, v0;
	s25 =	sadd.s32 $0x10200, s8;
	[dreg:$0xe] =	wrdreg s20;
	(pc) =	sbr.rel .LBB2_1-.Ltmp0, $4  }
0x1b: {  	p2 =	por p2, p0;
	s19 =	sshrl.u32 @!p1 s3, $0x3;
	[dreg:$0x10] =	wrdreg s22  }
0x1c: {  	v1 =	vadd.s32 $0xC80, v0;
	s26 =	simm.s32 $0x80;
	s0 =	simm.s32 $0xC8C8;
	[dreg:$0x11] =	wrdreg s24  }
0x1d: {  	v2 =	vadd.s32 $0x1900, v0;
	v3 =	vadd.s32 $0x2580, v0;
	v4 =	vadd.s32 $0x3200, v0;
	s8 =	simm.s32 $0x2;
	[dreg:$0x13] =	wrdreg s25;
	s20 =	sshrl.u32 @!p2 s2, $0x3  }
0x1e: {  	v5 =	vadd.s32 $0x3E80, v0;
	v6 =	vadd.s32 $0x4B00, v0;
	v7 =	vadd.s32 $0x5780, v0;
	s22 =	simm.s32 $0x8000;
	s25 =	simm.s32 $0xC800;
	s24 =	simm.s32 $0x15500  }
.LBB2_28:
0x1f: {  	s12 =	rddreg [dreg:$0x11]  }
0x20: {  	[hbm4b:s12+s6] =	stream.linear.scatter [tilespmem:s9], [sflag:$0x4], $0x1000, $0x38;
	[tilespmem:$0x17DA8] =	vst v63  }
0x21: {  	_ =	swait.ge [sflag:s10], $0x1000  }
0x22: {  	[sflag:s10] =	ssyncset.done $0x0  }
0x23: {  	s15 =	rddreg [dreg:$0x12];
	[sflag:s10] =	ssyncadd.s32 $0xFFFFF000  }
0x24: {  	[tilespmem:s25], [sflag:$0x4] =	stream.linear.gather [hbm4b:s15+s6], $0x80, $0x38;
	[tilespmem:$0x17DA8] =	vst v63  }
0x25: {  	_ =	swait.ge [sflag:s10], $0x80  }
0x26: {  	[sflag:s10] =	ssyncset.done $0x0  }
0x27: {  	[sflag:s10] =	ssyncadd.s32 $0xFFFFFF80  }
0x28: {  	[tilespmem:s9], [sflag:$0x1] =	stream.indirect.gather [spmem:s5], $0x20, s25, s26, $0xb8;
	[tilespmem:$0x17DA8] =	vst v63  }
0x29: {  	_ =	swait.ge [sflag:s7], $0x1000  }
0x2a: {  	[sflag:s7] =	ssyncset.done $0x0  }
0x2b: {  	s16 =	rddreg [dreg:$0x13];
	[sflag:s7] =	ssyncadd.s32 $0xFFFFF000  }
0x2c: {  	[hbm4b:s16+s6] =	stream.linear.scatter [tilespmem:s9], [sflag:$0x4], $0x1000, $0x38;
	[tilespmem:$0x17DA8] =	vst v63  }
0x2d: {  	_ =	swait.ge [sflag:s10], $0x1000  }
0x2e: {  	s11 =	sadd.s32 $0x1, s11;
	s17 =	rddreg [dreg:$0x14]  }
0x2f: {  	p3 =	sne.s32 s11, s17  }
.Ltmp1:
0x30: {  	_ = 	snop;
	(pc) =	sbr.rel @!p3 .LBB2_29-.Ltmp1, $3  }
0x31: {  	_ =	sdelay $0x1  }
0x32: {  	[sflag:s10] =	ssyncset.done $0x0  }
0x33: {  	[sflag:s10] =	ssyncadd.s32 $0xFFFFF000  }
.LBB2_1:
0x34: {  	s12 =	simm.s32 @p0 $0x1C84;
	s13 =	rddreg [dreg:$0xb]  }
0x35: {  	[spmem:s18], [sflag:s12] =	dma.local @p0 [hbm:s13], $0xC84  }
0x36: {  	s12 =	simm.s32 @p0 $0x4  }
0x37: {  	_ =	swait.ge @p0 [sflag:s12], $0xC84  }
0x38: {  	[sflag:s12] =	ssyncset.done @p0 $0x0  }
0x39: {  	[sflag:s12] =	ssyncadd.s32 @p0 $0xFFFFF37C  }
0x3a: {  	s12 =	simm.s32 @!p1 $0x1C44;
	s13 =	rddreg [dreg:$0x5]  }
0x3b: {  	[spmem:s19], [sflag:s12] =	dma.local @!p1 [hbm:s13], $0x320  }
0x3c: {  	s12 =	simm.s32 @!p1 $0x4  }
0x3d: {  	_ =	swait.ge @!p1 [sflag:s12], $0x320  }
0x3e: {  	[sflag:s12] =	ssyncset.done @!p1 $0x0  }
0x3f: {  	s13 =	rddreg [dreg:$0xa];
	[sflag:s12] =	ssyncadd.s32 @!p1 $0xFFFFFCE0;
	s12 =	simm.s32 @!p2 $0x1C04  }
0x40: {  	[spmem:s20], [sflag:s12] =	dma.local @!p2 [hbm:s13], $0xFA0  }
0x41: {  	s12 =	simm.s32 @!p2 $0x4  }
0x42: {  	_ =	swait.ge @!p2 [sflag:s12], $0xFA0  }
0x43: {  	[sflag:s12] =	ssyncset.done @!p2 $0x0  }
0x44: {  	[sflag:s12] =	ssyncadd.s32 @!p2 $0xFFFFF060  }
0x45: {  	[bflag:$0x0] =	sbarrier.arrive $0xFFFF  }
0x46: {  	s14 =	rddreg [dreg:$0xc]  }
0x47: {  	[tilespmem:s6], [sflag:$0x3] =	stream.strided.gather [hbm4b:s14+s21], $0x6400, s22, s21, $0x38;
	[tilespmem:$0x17DA8] =	vst v63  }
0x48: {  	_ =	swait.ge [sflag:s23], $0x6400  }
0x49: {  	s16 =	simm.s32 $0x6400;
	[sflag:s23] =	ssyncset.done $0x0  }
0x4a: {  	v8 =	vmov s6;
	s12 =	simm.s32 $0x40;
	s15 =	rddreg [dreg:$0xd];
	[sflag:s23] =	ssyncadd.s32 $0xFFFF9C00  }
0x4b: {  	v9 =	vand.u32 $0xFF, v8;
	[tilespmem:s16], [sflag:$0x3] =	stream.strided.gather [hbm4b:s15+s21], $0x6400, s22, s21, $0x38;
	[tilespmem:$0x17DA8] =	vst v63  }
0x4c: {  	v10 =	vadd.s32 v0, v9;
	v8 =	vld [tilespmem:s12+$0xFFFFFFC0];
	_ =	sdelay $0x4  }
0x4d: {  	[tilespmem:v10+s25+$0x0] =	vst.idx.msk $0xffff, v8  }
0x4e: {  	v10 =	vadd.s32 v1, v9;
	v8 =	vld [tilespmem:s12+$0xFFFFFFD0];
	_ =	sdelay $0x4  }
0x4f: {  	[tilespmem:v10+s25+$0x0] =	vst.idx.msk $0xffff, v8  }
0x50: {  	v10 =	vadd.s32 v2, v9;
	v8 =	vld [tilespmem:s12+$0xFFFFFFE0];
	_ =	sdelay $0x4  }
0x51: {  	[tilespmem:v10+s25+$0x0] =	vst.idx.msk $0xffff, v8  }
0x52: {  	v10 =	vadd.s32 v3, v9;
	v8 =	vld [tilespmem:s12+$0xFFFFFFF0];
	_ =	sdelay $0x4  }
0x53: {  	[tilespmem:v10+s25+$0x0] =	vst.idx.msk $0xffff, v8  }
0x54: {  	v10 =	vadd.s32 v4, v9;
	v8 =	vld [tilespmem:s12+$0x0];
	_ =	sdelay $0x4  }
0x55: {  	[tilespmem:v10+s25+$0x0] =	vst.idx.msk $0xffff, v8  }
0x56: {  	v10 =	vadd.s32 v5, v9;
	v8 =	vld [tilespmem:s12+$0x10];
	_ =	sdelay $0x4  }
0x57: {  	[tilespmem:v10+s25+$0x0] =	vst.idx.msk $0xffff, v8  }
0x58: {  	v10 =	vadd.s32 v6, v9;
	v8 =	vld [tilespmem:s12+$0x20];
	_ =	sdelay $0x4  }
0x59: {  	[tilespmem:v10+s25+$0x0] =	vst.idx.msk $0xffff, v8  }
0x5a: {  	v9 =	vadd.s32 v7, v9;
	v8 =	vld [tilespmem:s12+$0x30];
	_ =	sdelay $0x2  }
0x5b: {  	s17 =	simm.s32 $0x1  }
0x5c: {  	s13 =	simm.s32 $0x2;
	v10 =	vmov s17  }
.LBB2_2:
0x5d: {  	p3 =	sne.s32 s13, $0xC7;
	v10 =	vand.u32 $0xFF, v10;
	[tilespmem:v9+s25+$0x0] =	vst.idx.msk $0xffff, v8;
	s12 =	sadd.s32 $0x80, s12  }
0x5e: {  	v8 =	vld [tilespmem:s12+$0xFFFFFFC0];
	v9 =	vadd.s32 v0, v10;
	_ =	sdelay $0x4  }
0x5f: {  	[tilespmem:v9+s25+$0x0] =	vst.idx.msk $0xffff, v8  }
0x60: {  	v9 =	vadd.s32 v1, v10;
	v8 =	vld [tilespmem:s12+$0xFFFFFFD0];
	_ =	sdelay $0x4  }
0x61: {  	[tilespmem:v9+s25+$0x0] =	vst.idx.msk $0xffff, v8  }
0x62: {  	v9 =	vadd.s32 v2, v10;
	v8 =	vld [tilespmem:s12+$0xFFFFFFE0];
	_ =	sdelay $0x4  }
0x63: {  	[tilespmem:v9+s25+$0x0] =	vst.idx.msk $0xffff, v8  }
0x64: {  	v9 =	vadd.s32 v3, v10;
	v8 =	vld [tilespmem:s12+$0xFFFFFFF0];
	_ =	sdelay $0x4  }
0x65: {  	[tilespmem:v9+s25+$0x0] =	vst.idx.msk $0xffff, v8  }
0x66: {  	v9 =	vadd.s32 v4, v10;
	v8 =	vld [tilespmem:s12+$0x0];
	_ =	sdelay $0x4  }
0x67: {  	[tilespmem:v9+s25+$0x0] =	vst.idx.msk $0xffff, v8  }
0x68: {  	v9 =	vadd.s32 v5, v10;
	v8 =	vld [tilespmem:s12+$0x10];
	_ =	sdelay $0x4  }
0x69: {  	[tilespmem:v9+s25+$0x0] =	vst.idx.msk $0xffff, v8  }
0x6a: {  	v9 =	vadd.s32 v6, v10;
	v8 =	vld [tilespmem:s12+$0x20];
	_ =	sdelay $0x4  }
0x6b: {  	[tilespmem:v9+s25+$0x0] =	vst.idx.msk $0xffff, v8  }
.Ltmp2:
0x6c: {  	v9 =	vadd.s32 v7, v10;
	v8 =	vld [tilespmem:s12+$0x30];
	(pc) =	sbr.rel @p3 .LBB2_2-.Ltmp2, $2  }
0x6d: {  	_ =	sdelay $0x2  }
0x6e: {  	v10 =	vmov s13;
	s13 =	sadd.s32 $0x1, s13  }
0x6f: {  	_ =	sdelay $0x3  }
0x70: {  	v10 =	vand.u32 $0xFF, v10;
	[tilespmem:v9+s25+$0x0] =	vst.idx.msk $0xffff, v8;
	s12 =	sadd.s32 $0x80, s12  }
0x71: {  	v8 =	vld [tilespmem:s12+$0xFFFFFFC0];
	v56 =	vadd.s32 v0, v10;
	_ =	sdelay $0x4  }
0x72: {  	[tilespmem:v56+s25+$0x0] =	vst.idx.msk $0xffff, v8  }
0x73: {  	v57 =	vadd.s32 v1, v10;
	v8 =	vld [tilespmem:s12+$0xFFFFFFD0];
	_ =	sdelay $0x4  }
0x74: {  	[tilespmem:v57+s25+$0x0] =	vst.idx.msk $0xffff, v8  }
0x75: {  	v58 =	vadd.s32 v2, v10;
	v8 =	vld [tilespmem:s12+$0xFFFFFFE0];
	_ =	sdelay $0x4  }
0x76: {  	[tilespmem:v58+s25+$0x0] =	vst.idx.msk $0xffff, v8  }
0x77: {  	v59 =	vadd.s32 v3, v10;
	v8 =	vld [tilespmem:s12+$0xFFFFFFF0];
	_ =	sdelay $0x4  }
0x78: {  	[tilespmem:v59+s25+$0x0] =	vst.idx.msk $0xffff, v8  }
0x79: {  	v60 =	vadd.s32 v4, v10;
	v8 =	vld [tilespmem:s12+$0x0];
	_ =	sdelay $0x4  }
0x7a: {  	[tilespmem:v60+s25+$0x0] =	vst.idx.msk $0xffff, v8  }
0x7b: {  	v61 =	vadd.s32 v5, v10;
	v8 =	vld [tilespmem:s12+$0x10];
	_ =	sdelay $0x4  }
0x7c: {  	[tilespmem:v61+s25+$0x0] =	vst.idx.msk $0xffff, v8  }
0x7d: {  	v62 =	vadd.s32 v6, v10;
	v8 =	vld [tilespmem:s12+$0x20];
	_ =	sdelay $0x4  }
0x7e: {  	[tilespmem:v62+s25+$0x0] =	vst.idx.msk $0xffff, v8  }
0x7f: {  	v63 =	vadd.s32 v7, v10;
	v8 =	vld [tilespmem:s12+$0x30];
	_ =	sdelay $0x4  }
0x80: {  	[tilespmem:v63+s25+$0x0] =	vst.idx.msk $0xffff, v8  }
0x81: {  	[tilespmem:s28], [sflag:$0x1] =	stream.indirect.gather [spmem:s2], $0x20, s25, s26, $0xb8;
	[tilespmem:$0x17DA8] =	vst v63  }
0x82: {  	_ = 	snop  }
0x83: {  	[tilespmem:s31], [sflag:$0x1] =	stream.indirect.gather [spmem:s2], $0x20, s30, s29, $0xb8;
	[tilespmem:$0x17DA8] =	vst v63  }
0x84: {  	_ = 	snop  }
0x85: {  	[tilespmem:s4], [sflag:$0x2] =	stream.indirect.gather [spmem:s2], $0x20, s0, s26, $0xb8;
	[tilespmem:$0x17DA8] =	vst v63  }
0x86: {  	s12 =	simm.s32 $0x0  }
0x87: {  	[tilespmem:s24], [sflag:$0x2] =	stream.indirect.gather [spmem:s2], $0x20, s1, s29, $0xb8;
	[tilespmem:$0x17DA8] =	vst v63  }
.LBB2_4:
0x88: {  	_ =	swait.ge [sflag:s7], $0x1000  }
0x89: {  	[sflag:s7] =	ssyncset.done $0x0  }
0x8a: {  	[sflag:s7] =	ssyncadd.s32 $0xFFFFF000  }
0x8b: {  	_ =	swait.ge [sflag:s7], $0x900  }
0x8c: {  	[sflag:s7] =	ssyncset.done $0x0  }
0x8d: {  	s14 =	simm.s32 $0x0;
	[sflag:s7] =	ssyncadd.s32 $0xFFFFF700  }
0x8e: {  	v8 =	vld [tilespmem:s14+$0x12C00]  }
0x8f: {  	v9 =	vld [tilespmem:s14+$0x12C10]  }
0x90: {  	v10 =	vld [tilespmem:s14+$0x12C20]  }
0x91: {  	v11 =	vld [tilespmem:s14+$0x12C30]  }
0x92: {  	v12 =	vld [tilespmem:s14+$0x12C40]  }
0x93: {  	v13 =	vimm.f32 $0.0e+00;
	v14 =	vld [tilespmem:s14+$0x12C50]  }
0x94: {  	v15 =	vld [tilespmem:s14+$0x12C70];
	v8 =	vadd.f32 v8, v13;
	v9 =	vadd.f32 v9, v13  }
0x95: {  	v13 =	vld [tilespmem:s14+$0x12C60]  }
0x96: {  	v16 =	vld [tilespmem:s14+$0x12C90];
	v8 =	vadd.f32 v10, v8;
	v9 =	vadd.f32 v11, v9  }
0x97: {  	v11 =	vld [tilespmem:s14+$0x12C80]  }
0x98: {  	v17 =	vld [tilespmem:s14+$0x12CB0];
	v8 =	vadd.f32 v12, v8;
	v9 =	vadd.f32 v14, v9  }
0x99: {  	v14 =	vld [tilespmem:s14+$0x12CA0]  }
0x9a: {  	v10 =	vld [tilespmem:s14+$0x12CD0];
	v8 =	vadd.f32 v13, v8;
	v12 =	vadd.f32 v15, v9  }
0x9b: {  	v9 =	vld [tilespmem:s14+$0x12CC0]  }
0x9c: {  	v13 =	vadd.f32 v11, v8;
	v15 =	vadd.f32 v16, v12;
	v11 =	vld [tilespmem:s14+$0x12CE0]  }
0x9d: {  	s13 =	simm.s32 $0x100;
	v12 =	vld [tilespmem:s14+$0x12CF0]  }
0x9e: {  	v8 =	vld [tilespmem:s13+$0x12C00];
	s14 =	simm.s32 $0x800;
	v14 =	vadd.f32 v14, v13;
	v13 =	vadd.f32 v17, v15  }
.LBB2_5:
0x9f: {  	p3 =	sne.s32 s14, $0x6000;
	v15 =	vld [tilespmem:s13+$0x12C10]  }
0xa0: {  	v16 =	vld [tilespmem:s13+$0x12C20];
	v9 =	vadd.f32 v9, v14;
	v10 =	vadd.f32 v10, v13  }
0xa1: {  	v13 =	vld [tilespmem:s13+$0x12C30]  }
0xa2: {  	v14 =	vld [tilespmem:s13+$0x12C40];
	v9 =	vadd.f32 v11, v9;
	v10 =	vadd.f32 v12, v10  }
0xa3: {  	v11 =	vld [tilespmem:s13+$0x12C50]  }
0xa4: {  	v8 =	vadd.f32 v8, v9;
	v9 =	vadd.f32 v15, v10;
	v10 =	vld [tilespmem:s13+$0x12C60]  }
0xa5: {  	v12 =	vld [tilespmem:s13+$0x12C70]  }
0xa6: {  	v8 =	vadd.f32 v16, v8;
	v9 =	vadd.f32 v13, v9;
	v13 =	vld [tilespmem:s13+$0x12C80]  }
0xa7: {  	v15 =	vld [tilespmem:s13+$0x12C90]  }
0xa8: {  	v8 =	vadd.f32 v14, v8;
	v9 =	vadd.f32 v11, v9;
	v14 =	vld [tilespmem:s13+$0x12CA0]  }
0xa9: {  	v16 =	vld [tilespmem:s13+$0x12CB0]  }
.Ltmp3:
0xaa: {  	v8 =	vadd.f32 v10, v8;
	v11 =	vadd.f32 v12, v9;
	v9 =	vld [tilespmem:s13+$0x12CC0];
	(pc) =	sbr.rel @p3 .LBB2_5-.Ltmp3, $4  }
0xab: {  	v10 =	vld [tilespmem:s13+$0x12CD0]  }
0xac: {  	v13 =	vadd.f32 v13, v8;
	v15 =	vadd.f32 v15, v11;
	v11 =	vld [tilespmem:s13+$0x12CE0]  }
0xad: {  	v12 =	vld [tilespmem:s13+$0x12CF0];
	s13 =	sshra.s32 s14, $0x2  }
0xae: {  	s14 =	sadd.s32 $0x400, s14;
	v8 =	vld [tilespmem:s13+$0x12C00];
	v14 =	vadd.f32 v14, v13;
	v13 =	vadd.f32 v16, v15  }
0xaf: {  	_ = 	snop  }
0xb0: {  	v15 =	vld [tilespmem:s13+$0x12C10];
	v9 =	vadd.f32 v9, v14  }
0xb1: {  	v14 =	vld [tilespmem:s13+$0x12C20];
	v10 =	vadd.f32 v10, v13  }
0xb2: {  	v13 =	vld [tilespmem:s13+$0x12C30];
	v9 =	vadd.f32 v11, v9  }
0xb3: {  	v11 =	vld [tilespmem:s13+$0x12C40];
	v10 =	vadd.f32 v12, v10  }
0xb4: {  	v12 =	vld [tilespmem:s13+$0x12C50];
	v8 =	vadd.f32 v8, v9  }
0xb5: {  	v9 =	vadd.f32 v15, v10;
	v10 =	vld [tilespmem:s13+$0x12C60]  }
0xb6: {  	v15 =	vld [tilespmem:s13+$0x12C70];
	v8 =	vadd.f32 v14, v8  }
0xb7: {  	v9 =	vadd.f32 v13, v9;
	v13 =	vld [tilespmem:s13+$0x12C80]  }
0xb8: {  	v14 =	vld [tilespmem:s13+$0x12C90];
	v8 =	vadd.f32 v11, v8  }
0xb9: {  	v9 =	vadd.f32 v12, v9;
	v11 =	vld [tilespmem:s13+$0x12CA0]  }
0xba: {  	v12 =	vld [tilespmem:s13+$0x12CB0];
	v8 =	vadd.f32 v10, v8  }
0xbb: {  	v9 =	vadd.f32 v15, v9;
	v10 =	vld [tilespmem:s13+$0x12CC0]  }
0xbc: {  	v15 =	vld [tilespmem:s13+$0x12CD0];
	v8 =	vadd.f32 v13, v8  }
0xbd: {  	v9 =	vadd.f32 v14, v9;
	v13 =	vld [tilespmem:s13+$0x12CE0]  }
0xbe: {  	v14 =	vld [tilespmem:s13+$0x12CF0];
	v8 =	vadd.f32 v11, v8  }
0xbf: {  	v9 =	vadd.f32 v12, v9  }
0xc0: {  	v8 =	vadd.f32 v10, v8  }
0xc1: {  	p3 =	seq.s32 s12, $0x3F;
	v9 =	vadd.f32 v15, v9  }
0xc2: {  	s16 =	sshll.u32 s12, $0x6;
	s14 =	smul.u32 @!p3 $0x640, s12;
	v8 =	vadd.f32 v13, v8  }
0xc3: {  	s13 =	sand.u32 $0x3FFFFFC0, s16;
	v9 =	vadd.f32 v14, v9  }
0xc4: {  	s14 =	sshra.s32 @!p3 s14, $0x2;
	[tilespmem:s13+$0x15E00] =	vst v8  }
0xc5: {  	s17 =	simm.s32 @!p3 $0x12C00;
	s15 =	sadd.s32 @!p3 $0xC990, s14;
	s16 =	simm.s32 @!p3 $0x80;
	[tilespmem:s13+$0x15E10] =	vst v9  }
0xc6: {  	[tilespmem:s17], [sflag:$0x1] =	stream.indirect.gather @!p3 [spmem:s2], $0x20, s15, s16, $0xb8;
	[tilespmem:$0x17DA8] =	vst v63  }
0xc7: {  	s14 =	sadd.s32 @!p3 $0xCA10, s14;
	s15 =	simm.s32 @!p3 $0x48;
	s16 =	simm.s32 @!p3 $0x13C00  }
0xc8: {  	[tilespmem:s16], [sflag:$0x1] =	stream.indirect.gather @!p3 [spmem:s2], $0x20, s14, s15, $0xb8;
	[tilespmem:$0x17DA8] =	vst v63  }
0xc9: {  	_ =	swait.ge [sflag:s8], $0x1000  }
0xca: {  	[sflag:s8] =	ssyncset.done $0x0  }
0xcb: {  	[sflag:s8] =	ssyncadd.s32 $0xFFFFF000  }
0xcc: {  	_ =	swait.ge [sflag:s8], $0x900  }
0xcd: {  	[sflag:s8] =	ssyncset.done $0x0  }
0xce: {  	s17 =	simm.s32 $0x0;
	[sflag:s8] =	ssyncadd.s32 $0xFFFFF700  }
0xcf: {  	v8 =	vld [tilespmem:s17+$0x14500]  }
0xd0: {  	v9 =	vld [tilespmem:s17+$0x14510]  }
0xd1: {  	v10 =	vld [tilespmem:s17+$0x14520]  }
0xd2: {  	v11 =	vld [tilespmem:s17+$0x14530]  }
0xd3: {  	v12 =	vld [tilespmem:s17+$0x14540]  }
0xd4: {  	v13 =	vimm.f32 $0.0e+00;
	v14 =	vld [tilespmem:s17+$0x14550]  }
0xd5: {  	v15 =	vld [tilespmem:s17+$0x14570];
	v8 =	vadd.f32 v8, v13;
	v9 =	vadd.f32 v9, v13  }
0xd6: {  	v13 =	vld [tilespmem:s17+$0x14560]  }
0xd7: {  	v16 =	vld [tilespmem:s17+$0x14590];
	v8 =	vadd.f32 v10, v8;
	v9 =	vadd.f32 v11, v9  }
0xd8: {  	v11 =	vld [tilespmem:s17+$0x14580]  }
0xd9: {  	v17 =	vld [tilespmem:s17+$0x145B0];
	v8 =	vadd.f32 v12, v8;
	v9 =	vadd.f32 v14, v9  }
0xda: {  	v14 =	vld [tilespmem:s17+$0x145A0]  }
0xdb: {  	v10 =	vld [tilespmem:s17+$0x145D0];
	v8 =	vadd.f32 v13, v8;
	v12 =	vadd.f32 v15, v9  }
0xdc: {  	v9 =	vld [tilespmem:s17+$0x145C0]  }
0xdd: {  	v13 =	vadd.f32 v11, v8;
	v15 =	vadd.f32 v16, v12;
	v11 =	vld [tilespmem:s17+$0x145E0]  }
0xde: {  	s14 =	simm.s32 $0x100;
	v12 =	vld [tilespmem:s17+$0x145F0]  }
0xdf: {  	s15 =	simm.s32 $0x800;
	v8 =	vld [tilespmem:s14+$0x14500];
	v14 =	vadd.f32 v14, v13;
	v13 =	vadd.f32 v17, v15  }
.LBB2_7:
0xe0: {  	p4 =	sne.s32 s15, $0x6000;
	v15 =	vld [tilespmem:s14+$0x14510]  }
0xe1: {  	v16 =	vld [tilespmem:s14+$0x14520];
	v9 =	vadd.f32 v9, v14;
	v10 =	vadd.f32 v10, v13  }
0xe2: {  	v13 =	vld [tilespmem:s14+$0x14530]  }
0xe3: {  	v14 =	vld [tilespmem:s14+$0x14540];
	v9 =	vadd.f32 v11, v9;
	v10 =	vadd.f32 v12, v10  }
0xe4: {  	v11 =	vld [tilespmem:s14+$0x14550]  }
0xe5: {  	v8 =	vadd.f32 v8, v9;
	v9 =	vadd.f32 v15, v10;
	v10 =	vld [tilespmem:s14+$0x14560]  }
0xe6: {  	v12 =	vld [tilespmem:s14+$0x14570]  }
0xe7: {  	v8 =	vadd.f32 v16, v8;
	v9 =	vadd.f32 v13, v9;
	v13 =	vld [tilespmem:s14+$0x14580]  }
0xe8: {  	v15 =	vld [tilespmem:s14+$0x14590]  }
0xe9: {  	v8 =	vadd.f32 v14, v8;
	v9 =	vadd.f32 v11, v9;
	v14 =	vld [tilespmem:s14+$0x145A0]  }
0xea: {  	v16 =	vld [tilespmem:s14+$0x145B0]  }
.Ltmp4:
0xeb: {  	v8 =	vadd.f32 v10, v8;
	v11 =	vadd.f32 v12, v9;
	v9 =	vld [tilespmem:s14+$0x145C0];
	(pc) =	sbr.rel @p4 .LBB2_7-.Ltmp4, $4  }
0xec: {  	v10 =	vld [tilespmem:s14+$0x145D0]  }
0xed: {  	v13 =	vadd.f32 v13, v8;
	v15 =	vadd.f32 v15, v11;
	v11 =	vld [tilespmem:s14+$0x145E0]  }
0xee: {  	v12 =	vld [tilespmem:s14+$0x145F0];
	s14 =	sshra.s32 s15, $0x2  }
0xef: {  	s15 =	sadd.s32 $0x400, s15;
	v8 =	vld [tilespmem:s14+$0x14500];
	v14 =	vadd.f32 v14, v13;
	v13 =	vadd.f32 v16, v15  }
0xf0: {  	_ = 	snop  }
0xf1: {  	v15 =	vld [tilespmem:s14+$0x14510];
	v9 =	vadd.f32 v9, v14  }
0xf2: {  	v49 =	vld [tilespmem:s14+$0x14520];
	v10 =	vadd.f32 v10, v13  }
0xf3: {  	v50 =	vld [tilespmem:s14+$0x14530];
	v9 =	vadd.f32 v11, v9  }
0xf4: {  	v51 =	vld [tilespmem:s14+$0x14540];
	v10 =	vadd.f32 v12, v10  }
0xf5: {  	v52 =	vld [tilespmem:s14+$0x14550];
	v8 =	vadd.f32 v8, v9  }
0xf6: {  	v54 =	vld [tilespmem:s14+$0x14560];
	v53 =	vadd.f32 v15, v10  }
0xf7: {  	v55 =	vld [tilespmem:s14+$0x14570];
	v8 =	vadd.f32 v49, v8  }
0xf8: {  	v56 =	vld [tilespmem:s14+$0x14580];
	v9 =	vadd.f32 v50, v53  }
0xf9: {  	v57 =	vld [tilespmem:s14+$0x14590];
	v8 =	vadd.f32 v51, v8  }
0xfa: {  	v58 =	vld [tilespmem:s14+$0x145A0];
	v9 =	vadd.f32 v52, v9  }
0xfb: {  	v59 =	vld [tilespmem:s14+$0x145B0];
	v8 =	vadd.f32 v54, v8  }
0xfc: {  	v60 =	vld [tilespmem:s14+$0x145C0];
	v9 =	vadd.f32 v55, v9  }
0xfd: {  	v61 =	vld [tilespmem:s14+$0x145D0];
	v8 =	vadd.f32 v56, v8  }
0xfe: {  	v62 =	vld [tilespmem:s14+$0x145E0];
	v9 =	vadd.f32 v57, v9  }
0xff: {  	v63 =	vld [tilespmem:s14+$0x145F0];
	v8 =	vadd.f32 v58, v8  }
0x100: {  	v9 =	vadd.f32 v59, v9  }
0x101: {  	v8 =	vadd.f32 v60, v8  }
.Ltmp5:
0x102: {  	v9 =	vadd.f32 v61, v9;
	(pc) =	sbr.rel @p3 .LBB2_10-.Ltmp5, $4  }
0x103: {  	v8 =	vadd.f32 v62, v8  }
0x104: {  	v9 =	vadd.f32 v63, v9  }
0x105: {  	[tilespmem:s13+$0x15E20] =	vst v8  }
0x106: {  	[tilespmem:s13+$0x15E30] =	vst v9  }
0x107: {  	s13 =	smul.u32 $0x640, s12;
	_ =	sdelay $0x1  }
.Ltmp6:
0x108: {  	s13 =	sshra.s32 s13, $0x2;
	(pc) =	sbr.rel .LBB2_4-.Ltmp6, $4  }
0x109: {  	s14 =	sadd.s32 $0xCA58, s13  }
0x10a: {  	[tilespmem:s4], [sflag:$0x2] =	stream.indirect.gather [spmem:s2], $0x20, s14, s26, $0xb8;
	[tilespmem:$0x17DA8] =	vst v63  }
0x10b: {  	s12 =	sadd.s32 $0x1, s12;
	s13 =	sadd.s32 $0xCAD8, s13  }
0x10c: {  	[tilespmem:s24], [sflag:$0x2] =	stream.indirect.gather [spmem:s2], $0x20, s13, s29, $0xb8;
	[tilespmem:$0x17DA8] =	vst v63  }
.LBB2_10:
0x10d: {  	s12 =	simm.s32 $0x0;
	s13 =	rddreg [dreg:$0xe]  }
0x10e: {  	[hbm4b:s13+s12] =	stream.linear.scatter [tilespmem:s9], [sflag:$0x4], $0x1000, $0x38;
	[tilespmem:$0x17DA8] =	vst v63  }
0x10f: {  	_ =	swait.ge [sflag:s10], $0x1000  }
0x110: {  	[sflag:s10] =	ssyncset.done $0x0  }
0x111: {  	[sflag:s10] =	ssyncadd.s32 $0xFFFFF000  }
0x112: {  	_ =	swait.ge [sflag:s23], $0x6400  }
0x113: {  	[sflag:s23] =	ssyncset.done $0x0  }
0x114: {  	s14 =	simm.s32 $0x0;
	v8 =	vmov s12;
	s17 =	rddreg [dreg:$0xf];
	[sflag:s23] =	ssyncadd.s32 $0xFFFF9C00  }
0x115: {  	v9 =	vand.u32 $0xFF, v8;
	[tilespmem:s12], [sflag:$0x3] =	stream.strided.gather [hbm4b:s17+s21], $0x6400, s22, s21, $0x38;
	[tilespmem:$0x17DA8] =	vst v63  }
0x116: {  	v10 =	vadd.s32 v0, v9;
	v8 =	vld [tilespmem:s14+$0x6400];
	_ =	sdelay $0x4  }
0x117: {  	[tilespmem:v10+s25+$0x0] =	vst.idx.msk $0xffff, v8  }
0x118: {  	v10 =	vadd.s32 v1, v9;
	v8 =	vld [tilespmem:s14+$0x6410];
	_ =	sdelay $0x4  }
0x119: {  	[tilespmem:v10+s25+$0x0] =	vst.idx.msk $0xffff, v8  }
0x11a: {  	v10 =	vadd.s32 v2, v9;
	v8 =	vld [tilespmem:s14+$0x6420];
	_ =	sdelay $0x4  }
0x11b: {  	[tilespmem:v10+s25+$0x0] =	vst.idx.msk $0xffff, v8  }
0x11c: {  	v10 =	vadd.s32 v3, v9;
	v8 =	vld [tilespmem:s14+$0x6430];
	_ =	sdelay $0x4  }
0x11d: {  	[tilespmem:v10+s25+$0x0] =	vst.idx.msk $0xffff, v8  }
0x11e: {  	v10 =	vadd.s32 v4, v9;
	v8 =	vld [tilespmem:s14+$0x6440];
	_ =	sdelay $0x4  }
0x11f: {  	[tilespmem:v10+s25+$0x0] =	vst.idx.msk $0xffff, v8  }
0x120: {  	v10 =	vadd.s32 v5, v9;
	v8 =	vld [tilespmem:s14+$0x6450];
	_ =	sdelay $0x4  }
0x121: {  	[tilespmem:v10+s25+$0x0] =	vst.idx.msk $0xffff, v8  }
0x122: {  	v10 =	vadd.s32 v6, v9;
	v8 =	vld [tilespmem:s14+$0x6460];
	_ =	sdelay $0x4  }
0x123: {  	[tilespmem:v10+s25+$0x0] =	vst.idx.msk $0xffff, v8  }
0x124: {  	v9 =	vadd.s32 v7, v9;
	v8 =	vld [tilespmem:s14+$0x6470];
	_ =	sdelay $0x2  }
0x125: {  	s12 =	simm.s32 $0x1  }
0x126: {  	s13 =	simm.s32 $0x200;
	v10 =	vmov s12;
	s14 =	simm.s32 $0x400  }
.LBB2_11:
0x127: {  	p3 =	sne.s32 s14, $0x18E00;
	s15 =	sshra.s32 s13, $0x2;
	v10 =	vand.u32 $0xFF, v10;
	[tilespmem:v9+s25+$0x0] =	vst.idx.msk $0xffff, v8;
	s13 =	smov.u32 s14  }
0x128: {  	v8 =	vld [tilespmem:s15+$0x6400];
	v9 =	vadd.s32 v0, v10;
	_ =	sdelay $0x4  }
0x129: {  	[tilespmem:v9+s25+$0x0] =	vst.idx.msk $0xffff, v8  }
0x12a: {  	v9 =	vadd.s32 v1, v10;
	v8 =	vld [tilespmem:s15+$0x6410];
	_ =	sdelay $0x4  }
0x12b: {  	[tilespmem:v9+s25+$0x0] =	vst.idx.msk $0xffff, v8  }
0x12c: {  	v9 =	vadd.s32 v2, v10;
	v8 =	vld [tilespmem:s15+$0x6420];
	_ =	sdelay $0x4  }
0x12d: {  	[tilespmem:v9+s25+$0x0] =	vst.idx.msk $0xffff, v8  }
0x12e: {  	v9 =	vadd.s32 v3, v10;
	v8 =	vld [tilespmem:s15+$0x6430];
	_ =	sdelay $0x4  }
0x12f: {  	[tilespmem:v9+s25+$0x0] =	vst.idx.msk $0xffff, v8  }
0x130: {  	v9 =	vadd.s32 v4, v10;
	v8 =	vld [tilespmem:s15+$0x6440];
	_ =	sdelay $0x4  }
0x131: {  	[tilespmem:v9+s25+$0x0] =	vst.idx.msk $0xffff, v8  }
0x132: {  	v9 =	vadd.s32 v5, v10;
	v8 =	vld [tilespmem:s15+$0x6450];
	_ =	sdelay $0x4  }
0x133: {  	[tilespmem:v9+s25+$0x0] =	vst.idx.msk $0xffff, v8  }
0x134: {  	v9 =	vadd.s32 v6, v10;
	v8 =	vld [tilespmem:s15+$0x6460];
	_ =	sdelay $0x4  }
0x135: {  	[tilespmem:v9+s25+$0x0] =	vst.idx.msk $0xffff, v8  }
.Ltmp7:
0x136: {  	v9 =	vadd.s32 v7, v10;
	v8 =	vld [tilespmem:s15+$0x6470];
	(pc) =	sbr.rel @p3 .LBB2_11-.Ltmp7, $3  }
0x137: {  	_ =	sdelay $0x1  }
0x138: {  	s12 =	sadd.s32 $0x1, s12  }
0x139: {  	s14 =	sadd.s32 $0x200, s14;
	v10 =	vmov s12  }
0x13a: {  	_ =	sdelay $0x3  }
0x13b: {  	s12 =	sshra.s32 s13, $0x2;
	v10 =	vand.u32 $0xFF, v10;
	[tilespmem:v9+s25+$0x0] =	vst.idx.msk $0xffff, v8  }
0x13c: {  	v8 =	vld [tilespmem:s12+$0x6400];
	v56 =	vadd.s32 v0, v10;
	_ =	sdelay $0x4  }
0x13d: {  	[tilespmem:v56+s25+$0x0] =	vst.idx.msk $0xffff, v8  }
0x13e: {  	v57 =	vadd.s32 v1, v10;
	v8 =	vld [tilespmem:s12+$0x6410];
	_ =	sdelay $0x4  }
0x13f: {  	[tilespmem:v57+s25+$0x0] =	vst.idx.msk $0xffff, v8  }
0x140: {  	v58 =	vadd.s32 v2, v10;
	v8 =	vld [tilespmem:s12+$0x6420];
	_ =	sdelay $0x4  }
0x141: {  	[tilespmem:v58+s25+$0x0] =	vst.idx.msk $0xffff, v8  }
0x142: {  	v59 =	vadd.s32 v3, v10;
	v8 =	vld [tilespmem:s12+$0x6430];
	_ =	sdelay $0x4  }
0x143: {  	[tilespmem:v59+s25+$0x0] =	vst.idx.msk $0xffff, v8  }
0x144: {  	v60 =	vadd.s32 v4, v10;
	v8 =	vld [tilespmem:s12+$0x6440];
	_ =	sdelay $0x4  }
0x145: {  	[tilespmem:v60+s25+$0x0] =	vst.idx.msk $0xffff, v8  }
0x146: {  	v61 =	vadd.s32 v5, v10;
	v8 =	vld [tilespmem:s12+$0x6450];
	_ =	sdelay $0x4  }
0x147: {  	[tilespmem:v61+s25+$0x0] =	vst.idx.msk $0xffff, v8  }
0x148: {  	v62 =	vadd.s32 v6, v10;
	v8 =	vld [tilespmem:s12+$0x6460];
	_ =	sdelay $0x4  }
0x149: {  	[tilespmem:v62+s25+$0x0] =	vst.idx.msk $0xffff, v8  }
0x14a: {  	v63 =	vadd.s32 v7, v10;
	v8 =	vld [tilespmem:s12+$0x6470];
	_ =	sdelay $0x4  }
0x14b: {  	[tilespmem:v63+s25+$0x0] =	vst.idx.msk $0xffff, v8  }
0x14c: {  	[tilespmem:s28], [sflag:$0x1] =	stream.indirect.gather [spmem:s3], $0x20, s25, s26, $0xb8;
	[tilespmem:$0x17DA8] =	vst v63  }
0x14d: {  	_ = 	snop  }
0x14e: {  	[tilespmem:s31], [sflag:$0x1] =	stream.indirect.gather [spmem:s3], $0x20, s30, s29, $0xb8;
	[tilespmem:$0x17DA8] =	vst v63  }
0x14f: {  	_ = 	snop  }
0x150: {  	[tilespmem:s4], [sflag:$0x2] =	stream.indirect.gather [spmem:s3], $0x20, s0, s26, $0xb8;
	[tilespmem:$0x17DA8] =	vst v63  }
0x151: {  	s12 =	simm.s32 $0x0  }
0x152: {  	[tilespmem:s24], [sflag:$0x2] =	stream.indirect.gather [spmem:s3], $0x20, s1, s29, $0xb8;
	[tilespmem:$0x17DA8] =	vst v63  }
.LBB2_13:
0x153: {  	_ =	swait.ge [sflag:s7], $0x1000  }
0x154: {  	[sflag:s7] =	ssyncset.done $0x0  }
0x155: {  	[sflag:s7] =	ssyncadd.s32 $0xFFFFF000  }
0x156: {  	_ =	swait.ge [sflag:s7], $0x900  }
0x157: {  	[sflag:s7] =	ssyncset.done $0x0  }
0x158: {  	s14 =	simm.s32 $0x0;
	[sflag:s7] =	ssyncadd.s32 $0xFFFFF700  }
0x159: {  	v8 =	vld [tilespmem:s14+$0x12C00]  }
0x15a: {  	v9 =	vld [tilespmem:s14+$0x12C10]  }
0x15b: {  	v10 =	vld [tilespmem:s14+$0x12C20]  }
0x15c: {  	v11 =	vld [tilespmem:s14+$0x12C30]  }
0x15d: {  	v12 =	vld [tilespmem:s14+$0x12C40]  }
0x15e: {  	v13 =	vimm.f32 $0.0e+00;
	v14 =	vld [tilespmem:s14+$0x12C50]  }
0x15f: {  	v15 =	vld [tilespmem:s14+$0x12C70];
	v8 =	vadd.f32 v8, v13;
	v9 =	vadd.f32 v9, v13  }
0x160: {  	v13 =	vld [tilespmem:s14+$0x12C60]  }
0x161: {  	v16 =	vld [tilespmem:s14+$0x12C90];
	v8 =	vadd.f32 v10, v8;
	v9 =	vadd.f32 v11, v9  }
0x162: {  	v11 =	vld [tilespmem:s14+$0x12C80]  }
0x163: {  	v17 =	vld [tilespmem:s14+$0x12CB0];
	v8 =	vadd.f32 v12, v8;
	v9 =	vadd.f32 v14, v9  }
0x164: {  	v14 =	vld [tilespmem:s14+$0x12CA0]  }
0x165: {  	v10 =	vld [tilespmem:s14+$0x12CD0];
	v8 =	vadd.f32 v13, v8;
	v12 =	vadd.f32 v15, v9  }
0x166: {  	v9 =	vld [tilespmem:s14+$0x12CC0]  }
0x167: {  	v13 =	vadd.f32 v11, v8;
	v15 =	vadd.f32 v16, v12;
	v11 =	vld [tilespmem:s14+$0x12CE0]  }
0x168: {  	s13 =	simm.s32 $0x100;
	v12 =	vld [tilespmem:s14+$0x12CF0]  }
0x169: {  	v8 =	vld [tilespmem:s13+$0x12C00];
	s14 =	simm.s32 $0x800;
	v14 =	vadd.f32 v14, v13;
	v13 =	vadd.f32 v17, v15  }
.LBB2_14:
0x16a: {  	p3 =	sne.s32 s14, $0x6000;
	v15 =	vld [tilespmem:s13+$0x12C10]  }
0x16b: {  	v16 =	vld [tilespmem:s13+$0x12C20];
	v9 =	vadd.f32 v9, v14;
	v10 =	vadd.f32 v10, v13  }
0x16c: {  	v13 =	vld [tilespmem:s13+$0x12C30]  }
0x16d: {  	v14 =	vld [tilespmem:s13+$0x12C40];
	v9 =	vadd.f32 v11, v9;
	v10 =	vadd.f32 v12, v10  }
0x16e: {  	v11 =	vld [tilespmem:s13+$0x12C50]  }
0x16f: {  	v8 =	vadd.f32 v8, v9;
	v9 =	vadd.f32 v15, v10;
	v10 =	vld [tilespmem:s13+$0x12C60]  }
0x170: {  	v12 =	vld [tilespmem:s13+$0x12C70]  }
0x171: {  	v8 =	vadd.f32 v16, v8;
	v9 =	vadd.f32 v13, v9;
	v13 =	vld [tilespmem:s13+$0x12C80]  }
0x172: {  	v15 =	vld [tilespmem:s13+$0x12C90]  }
0x173: {  	v8 =	vadd.f32 v14, v8;
	v9 =	vadd.f32 v11, v9;
	v14 =	vld [tilespmem:s13+$0x12CA0]  }
0x174: {  	v16 =	vld [tilespmem:s13+$0x12CB0]  }
.Ltmp8:
0x175: {  	v8 =	vadd.f32 v10, v8;
	v11 =	vadd.f32 v12, v9;
	v9 =	vld [tilespmem:s13+$0x12CC0];
	(pc) =	sbr.rel @p3 .LBB2_14-.Ltmp8, $4  }
0x176: {  	v10 =	vld [tilespmem:s13+$0x12CD0]  }
0x177: {  	v13 =	vadd.f32 v13, v8;
	v15 =	vadd.f32 v15, v11;
	v11 =	vld [tilespmem:s13+$0x12CE0]  }
0x178: {  	v12 =	vld [tilespmem:s13+$0x12CF0];
	s13 =	sshra.s32 s14, $0x2  }
0x179: {  	s14 =	sadd.s32 $0x400, s14;
	v8 =	vld [tilespmem:s13+$0x12C00];
	v14 =	vadd.f32 v14, v13;
	v13 =	vadd.f32 v16, v15  }
0x17a: {  	_ = 	snop  }
0x17b: {  	v15 =	vld [tilespmem:s13+$0x12C10];
	v9 =	vadd.f32 v9, v14  }
0x17c: {  	v14 =	vld [tilespmem:s13+$0x12C20];
	v10 =	vadd.f32 v10, v13  }
0x17d: {  	v13 =	vld [tilespmem:s13+$0x12C30];
	v9 =	vadd.f32 v11, v9  }
0x17e: {  	v11 =	vld [tilespmem:s13+$0x12C40];
	v10 =	vadd.f32 v12, v10  }
0x17f: {  	v12 =	vld [tilespmem:s13+$0x12C50];
	v8 =	vadd.f32 v8, v9  }
0x180: {  	v9 =	vadd.f32 v15, v10;
	v10 =	vld [tilespmem:s13+$0x12C60]  }
0x181: {  	v15 =	vld [tilespmem:s13+$0x12C70];
	v8 =	vadd.f32 v14, v8  }
0x182: {  	v9 =	vadd.f32 v13, v9;
	v13 =	vld [tilespmem:s13+$0x12C80]  }
0x183: {  	v14 =	vld [tilespmem:s13+$0x12C90];
	v8 =	vadd.f32 v11, v8  }
0x184: {  	v9 =	vadd.f32 v12, v9;
	v11 =	vld [tilespmem:s13+$0x12CA0]  }
0x185: {  	v12 =	vld [tilespmem:s13+$0x12CB0];
	v8 =	vadd.f32 v10, v8  }
0x186: {  	v9 =	vadd.f32 v15, v9;
	v10 =	vld [tilespmem:s13+$0x12CC0]  }
0x187: {  	v15 =	vld [tilespmem:s13+$0x12CD0];
	v8 =	vadd.f32 v13, v8  }
0x188: {  	v9 =	vadd.f32 v14, v9;
	v13 =	vld [tilespmem:s13+$0x12CE0]  }
0x189: {  	v14 =	vld [tilespmem:s13+$0x12CF0];
	v8 =	vadd.f32 v11, v8  }
0x18a: {  	v9 =	vadd.f32 v12, v9  }
0x18b: {  	v8 =	vadd.f32 v10, v8  }
0x18c: {  	p3 =	seq.s32 s12, $0x3F;
	v9 =	vadd.f32 v15, v9  }
0x18d: {  	s16 =	sshll.u32 s12, $0x6;
	s14 =	smul.u32 @!p3 $0x640, s12;
	v8 =	vadd.f32 v13, v8  }
0x18e: {  	s13 =	sand.u32 $0x3FFFFFC0, s16;
	v9 =	vadd.f32 v14, v9  }
0x18f: {  	s14 =	sshra.s32 @!p3 s14, $0x2;
	[tilespmem:s13+$0x15E00] =	vst v8  }
0x190: {  	s17 =	simm.s32 @!p3 $0x12C00;
	s15 =	sadd.s32 @!p3 $0xC990, s14;
	s16 =	simm.s32 @!p3 $0x80;
	[tilespmem:s13+$0x15E10] =	vst v9  }
0x191: {  	[tilespmem:s17], [sflag:$0x1] =	stream.indirect.gather @!p3 [spmem:s3], $0x20, s15, s16, $0xb8;
	[tilespmem:$0x17DA8] =	vst v63  }
0x192: {  	s14 =	sadd.s32 @!p3 $0xCA10, s14;
	s15 =	simm.s32 @!p3 $0x48;
	s16 =	simm.s32 @!p3 $0x13C00  }
0x193: {  	[tilespmem:s16], [sflag:$0x1] =	stream.indirect.gather @!p3 [spmem:s3], $0x20, s14, s15, $0xb8;
	[tilespmem:$0x17DA8] =	vst v63  }
0x194: {  	_ =	swait.ge [sflag:s8], $0x1000  }
0x195: {  	[sflag:s8] =	ssyncset.done $0x0  }
0x196: {  	[sflag:s8] =	ssyncadd.s32 $0xFFFFF000  }
0x197: {  	_ =	swait.ge [sflag:s8], $0x900  }
0x198: {  	[sflag:s8] =	ssyncset.done $0x0  }
0x199: {  	s17 =	simm.s32 $0x0;
	[sflag:s8] =	ssyncadd.s32 $0xFFFFF700  }
0x19a: {  	v8 =	vld [tilespmem:s17+$0x14500]  }
0x19b: {  	v9 =	vld [tilespmem:s17+$0x14510]  }
0x19c: {  	v10 =	vld [tilespmem:s17+$0x14520]  }
0x19d: {  	v11 =	vld [tilespmem:s17+$0x14530]  }
0x19e: {  	v12 =	vld [tilespmem:s17+$0x14540]  }
0x19f: {  	v13 =	vimm.f32 $0.0e+00;
	v14 =	vld [tilespmem:s17+$0x14550]  }
0x1a0: {  	v15 =	vld [tilespmem:s17+$0x14570];
	v8 =	vadd.f32 v8, v13;
	v9 =	vadd.f32 v9, v13  }
0x1a1: {  	v13 =	vld [tilespmem:s17+$0x14560]  }
0x1a2: {  	v16 =	vld [tilespmem:s17+$0x14590];
	v8 =	vadd.f32 v10, v8;
	v9 =	vadd.f32 v11, v9  }
0x1a3: {  	v11 =	vld [tilespmem:s17+$0x14580]  }
0x1a4: {  	v17 =	vld [tilespmem:s17+$0x145B0];
	v8 =	vadd.f32 v12, v8;
	v9 =	vadd.f32 v14, v9  }
0x1a5: {  	v14 =	vld [tilespmem:s17+$0x145A0]  }
0x1a6: {  	v10 =	vld [tilespmem:s17+$0x145D0];
	v8 =	vadd.f32 v13, v8;
	v12 =	vadd.f32 v15, v9  }
0x1a7: {  	v9 =	vld [tilespmem:s17+$0x145C0]  }
0x1a8: {  	v13 =	vadd.f32 v11, v8;
	v15 =	vadd.f32 v16, v12;
	v11 =	vld [tilespmem:s17+$0x145E0]  }
0x1a9: {  	s14 =	simm.s32 $0x100;
	v12 =	vld [tilespmem:s17+$0x145F0]  }
0x1aa: {  	s15 =	simm.s32 $0x800;
	v8 =	vld [tilespmem:s14+$0x14500];
	v14 =	vadd.f32 v14, v13;
	v13 =	vadd.f32 v17, v15  }
.LBB2_16:
0x1ab: {  	p4 =	sne.s32 s15, $0x6000;
	v15 =	vld [tilespmem:s14+$0x14510]  }
0x1ac: {  	v16 =	vld [tilespmem:s14+$0x14520];
	v9 =	vadd.f32 v9, v14;
	v10 =	vadd.f32 v10, v13  }
0x1ad: {  	v13 =	vld [tilespmem:s14+$0x14530]  }
0x1ae: {  	v14 =	vld [tilespmem:s14+$0x14540];
	v9 =	vadd.f32 v11, v9;
	v10 =	vadd.f32 v12, v10  }
0x1af: {  	v11 =	vld [tilespmem:s14+$0x14550]  }
0x1b0: {  	v8 =	vadd.f32 v8, v9;
	v9 =	vadd.f32 v15, v10;
	v10 =	vld [tilespmem:s14+$0x14560]  }
0x1b1: {  	v12 =	vld [tilespmem:s14+$0x14570]  }
0x1b2: {  	v8 =	vadd.f32 v16, v8;
	v9 =	vadd.f32 v13, v9;
	v13 =	vld [tilespmem:s14+$0x14580]  }
0x1b3: {  	v15 =	vld [tilespmem:s14+$0x14590]  }
0x1b4: {  	v8 =	vadd.f32 v14, v8;
	v9 =	vadd.f32 v11, v9;
	v14 =	vld [tilespmem:s14+$0x145A0]  }
0x1b5: {  	v16 =	vld [tilespmem:s14+$0x145B0]  }
.Ltmp9:
0x1b6: {  	v8 =	vadd.f32 v10, v8;
	v11 =	vadd.f32 v12, v9;
	v9 =	vld [tilespmem:s14+$0x145C0];
	(pc) =	sbr.rel @p4 .LBB2_16-.Ltmp9, $4  }
0x1b7: {  	v10 =	vld [tilespmem:s14+$0x145D0]  }
0x1b8: {  	v13 =	vadd.f32 v13, v8;
	v15 =	vadd.f32 v15, v11;
	v11 =	vld [tilespmem:s14+$0x145E0]  }
0x1b9: {  	v12 =	vld [tilespmem:s14+$0x145F0];
	s14 =	sshra.s32 s15, $0x2  }
0x1ba: {  	s15 =	sadd.s32 $0x400, s15;
	v8 =	vld [tilespmem:s14+$0x14500];
	v14 =	vadd.f32 v14, v13;
	v13 =	vadd.f32 v16, v15  }
0x1bb: {  	_ = 	snop  }
0x1bc: {  	v15 =	vld [tilespmem:s14+$0x14510];
	v9 =	vadd.f32 v9, v14  }
0x1bd: {  	v49 =	vld [tilespmem:s14+$0x14520];
	v10 =	vadd.f32 v10, v13  }
0x1be: {  	v50 =	vld [tilespmem:s14+$0x14530];
	v9 =	vadd.f32 v11, v9  }
0x1bf: {  	v51 =	vld [tilespmem:s14+$0x14540];
	v10 =	vadd.f32 v12, v10  }
0x1c0: {  	v52 =	vld [tilespmem:s14+$0x14550];
	v8 =	vadd.f32 v8, v9  }
0x1c1: {  	v54 =	vld [tilespmem:s14+$0x14560];
	v53 =	vadd.f32 v15, v10  }
0x1c2: {  	v55 =	vld [tilespmem:s14+$0x14570];
	v8 =	vadd.f32 v49, v8  }
0x1c3: {  	v56 =	vld [tilespmem:s14+$0x14580];
	v9 =	vadd.f32 v50, v53  }
0x1c4: {  	v57 =	vld [tilespmem:s14+$0x14590];
	v8 =	vadd.f32 v51, v8  }
0x1c5: {  	v58 =	vld [tilespmem:s14+$0x145A0];
	v9 =	vadd.f32 v52, v9  }
0x1c6: {  	v59 =	vld [tilespmem:s14+$0x145B0];
	v8 =	vadd.f32 v54, v8  }
0x1c7: {  	v60 =	vld [tilespmem:s14+$0x145C0];
	v9 =	vadd.f32 v55, v9  }
0x1c8: {  	v61 =	vld [tilespmem:s14+$0x145D0];
	v8 =	vadd.f32 v56, v8  }
0x1c9: {  	v62 =	vld [tilespmem:s14+$0x145E0];
	v9 =	vadd.f32 v57, v9  }
0x1ca: {  	v63 =	vld [tilespmem:s14+$0x145F0];
	v8 =	vadd.f32 v58, v8  }
0x1cb: {  	v9 =	vadd.f32 v59, v9  }
0x1cc: {  	v8 =	vadd.f32 v60, v8  }
.Ltmp10:
0x1cd: {  	v9 =	vadd.f32 v61, v9;
	(pc) =	sbr.rel @p3 .LBB2_19-.Ltmp10, $4  }
0x1ce: {  	v8 =	vadd.f32 v62, v8  }
0x1cf: {  	v9 =	vadd.f32 v63, v9  }
0x1d0: {  	[tilespmem:s13+$0x15E20] =	vst v8  }
0x1d1: {  	[tilespmem:s13+$0x15E30] =	vst v9  }
0x1d2: {  	s13 =	smul.u32 $0x640, s12;
	_ =	sdelay $0x1  }
.Ltmp11:
0x1d3: {  	s13 =	sshra.s32 s13, $0x2;
	(pc) =	sbr.rel .LBB2_13-.Ltmp11, $4  }
0x1d4: {  	s14 =	sadd.s32 $0xCA58, s13  }
0x1d5: {  	[tilespmem:s4], [sflag:$0x2] =	stream.indirect.gather [spmem:s3], $0x20, s14, s26, $0xb8;
	[tilespmem:$0x17DA8] =	vst v63  }
0x1d6: {  	s12 =	sadd.s32 $0x1, s12;
	s13 =	sadd.s32 $0xCAD8, s13  }
0x1d7: {  	[tilespmem:s24], [sflag:$0x2] =	stream.indirect.gather [spmem:s3], $0x20, s13, s29, $0xb8;
	[tilespmem:$0x17DA8] =	vst v63  }
.LBB2_19:
0x1d8: {  	s12 =	simm.s32 $0x0;
	s13 =	rddreg [dreg:$0x10]  }
0x1d9: {  	[hbm4b:s13+s12] =	stream.linear.scatter [tilespmem:s9], [sflag:$0x4], $0x1000, $0x38;
	[tilespmem:$0x17DA8] =	vst v63  }
0x1da: {  	_ =	swait.ge [sflag:s10], $0x1000  }
0x1db: {  	[sflag:s10] =	ssyncset.done $0x0  }
0x1dc: {  	[sflag:s10] =	ssyncadd.s32 $0xFFFFF000  }
0x1dd: {  	_ =	swait.ge [sflag:s23], $0x6400  }
0x1de: {  	v8 =	vmov s12;
	[sflag:s23] =	ssyncset.done $0x0  }
0x1df: {  	s12 =	simm.s32 $0x40;
	v9 =	vand.u32 $0xFF, v8;
	[sflag:s23] =	ssyncadd.s32 $0xFFFF9C00  }
0x1e0: {  	v10 =	vadd.s32 v0, v9;
	v8 =	vld [tilespmem:s12+$0xFFFFFFC0];
	_ =	sdelay $0x4  }
0x1e1: {  	[tilespmem:v10+s25+$0x0] =	vst.idx.msk $0xffff, v8  }
0x1e2: {  	v10 =	vadd.s32 v1, v9;
	v8 =	vld [tilespmem:s12+$0xFFFFFFD0];
	_ =	sdelay $0x4  }
0x1e3: {  	[tilespmem:v10+s25+$0x0] =	vst.idx.msk $0xffff, v8  }
0x1e4: {  	v10 =	vadd.s32 v2, v9;
	v8 =	vld [tilespmem:s12+$0xFFFFFFE0];
	_ =	sdelay $0x4  }
0x1e5: {  	[tilespmem:v10+s25+$0x0] =	vst.idx.msk $0xffff, v8  }
0x1e6: {  	v10 =	vadd.s32 v3, v9;
	v8 =	vld [tilespmem:s12+$0xFFFFFFF0];
	_ =	sdelay $0x4  }
0x1e7: {  	[tilespmem:v10+s25+$0x0] =	vst.idx.msk $0xffff, v8  }
0x1e8: {  	v10 =	vadd.s32 v4, v9;
	v8 =	vld [tilespmem:s12+$0x0];
	_ =	sdelay $0x4  }
0x1e9: {  	[tilespmem:v10+s25+$0x0] =	vst.idx.msk $0xffff, v8  }
0x1ea: {  	v10 =	vadd.s32 v5, v9;
	v8 =	vld [tilespmem:s12+$0x10];
	_ =	sdelay $0x4  }
0x1eb: {  	[tilespmem:v10+s25+$0x0] =	vst.idx.msk $0xffff, v8  }
0x1ec: {  	v10 =	vadd.s32 v6, v9;
	v8 =	vld [tilespmem:s12+$0x20];
	_ =	sdelay $0x4  }
0x1ed: {  	[tilespmem:v10+s25+$0x0] =	vst.idx.msk $0xffff, v8  }
0x1ee: {  	v9 =	vadd.s32 v7, v9;
	v8 =	vld [tilespmem:s12+$0x30];
	_ =	sdelay $0x2  }
0x1ef: {  	s17 =	simm.s32 $0x1  }
0x1f0: {  	s13 =	simm.s32 $0x2;
	v10 =	vmov s17  }
.LBB2_20:
0x1f1: {  	p3 =	sne.s32 s13, $0xC7;
	v10 =	vand.u32 $0xFF, v10;
	[tilespmem:v9+s25+$0x0] =	vst.idx.msk $0xffff, v8;
	s12 =	sadd.s32 $0x80, s12  }
0x1f2: {  	v8 =	vld [tilespmem:s12+$0xFFFFFFC0];
	v9 =	vadd.s32 v0, v10;
	_ =	sdelay $0x4  }
0x1f3: {  	[tilespmem:v9+s25+$0x0] =	vst.idx.msk $0xffff, v8  }
0x1f4: {  	v9 =	vadd.s32 v1, v10;
	v8 =	vld [tilespmem:s12+$0xFFFFFFD0];
	_ =	sdelay $0x4  }
0x1f5: {  	[tilespmem:v9+s25+$0x0] =	vst.idx.msk $0xffff, v8  }
0x1f6: {  	v9 =	vadd.s32 v2, v10;
	v8 =	vld [tilespmem:s12+$0xFFFFFFE0];
	_ =	sdelay $0x4  }
0x1f7: {  	[tilespmem:v9+s25+$0x0] =	vst.idx.msk $0xffff, v8  }
0x1f8: {  	v9 =	vadd.s32 v3, v10;
	v8 =	vld [tilespmem:s12+$0xFFFFFFF0];
	_ =	sdelay $0x4  }
0x1f9: {  	[tilespmem:v9+s25+$0x0] =	vst.idx.msk $0xffff, v8  }
0x1fa: {  	v9 =	vadd.s32 v4, v10;
	v8 =	vld [tilespmem:s12+$0x0];
	_ =	sdelay $0x4  }
0x1fb: {  	[tilespmem:v9+s25+$0x0] =	vst.idx.msk $0xffff, v8  }
0x1fc: {  	v9 =	vadd.s32 v5, v10;
	v8 =	vld [tilespmem:s12+$0x10];
	_ =	sdelay $0x4  }
0x1fd: {  	[tilespmem:v9+s25+$0x0] =	vst.idx.msk $0xffff, v8  }
0x1fe: {  	v9 =	vadd.s32 v6, v10;
	v8 =	vld [tilespmem:s12+$0x20];
	_ =	sdelay $0x4  }
0x1ff: {  	[tilespmem:v9+s25+$0x0] =	vst.idx.msk $0xffff, v8  }
.Ltmp12:
0x200: {  	v9 =	vadd.s32 v7, v10;
	v8 =	vld [tilespmem:s12+$0x30];
	(pc) =	sbr.rel @p3 .LBB2_20-.Ltmp12, $2  }
0x201: {  	_ =	sdelay $0x2  }
0x202: {  	v10 =	vmov s13;
	s13 =	sadd.s32 $0x1, s13  }
0x203: {  	_ =	sdelay $0x3  }
0x204: {  	v10 =	vand.u32 $0xFF, v10;
	[tilespmem:v9+s25+$0x0] =	vst.idx.msk $0xffff, v8;
	s12 =	sadd.s32 $0x80, s12  }
0x205: {  	v8 =	vld [tilespmem:s12+$0xFFFFFFC0];
	v56 =	vadd.s32 v0, v10;
	_ =	sdelay $0x4  }
0x206: {  	[tilespmem:v56+s25+$0x0] =	vst.idx.msk $0xffff, v8  }
0x207: {  	v57 =	vadd.s32 v1, v10;
	v8 =	vld [tilespmem:s12+$0xFFFFFFD0];
	_ =	sdelay $0x4  }
0x208: {  	[tilespmem:v57+s25+$0x0] =	vst.idx.msk $0xffff, v8  }
0x209: {  	v58 =	vadd.s32 v2, v10;
	v8 =	vld [tilespmem:s12+$0xFFFFFFE0];
	_ =	sdelay $0x4  }
0x20a: {  	[tilespmem:v58+s25+$0x0] =	vst.idx.msk $0xffff, v8  }
0x20b: {  	v59 =	vadd.s32 v3, v10;
	v8 =	vld [tilespmem:s12+$0xFFFFFFF0];
	_ =	sdelay $0x4  }
0x20c: {  	[tilespmem:v59+s25+$0x0] =	vst.idx.msk $0xffff, v8  }
0x20d: {  	v60 =	vadd.s32 v4, v10;
	v8 =	vld [tilespmem:s12+$0x0];
	_ =	sdelay $0x4  }
0x20e: {  	[tilespmem:v60+s25+$0x0] =	vst.idx.msk $0xffff, v8  }
0x20f: {  	v61 =	vadd.s32 v5, v10;
	v8 =	vld [tilespmem:s12+$0x10];
	_ =	sdelay $0x4  }
0x210: {  	[tilespmem:v61+s25+$0x0] =	vst.idx.msk $0xffff, v8  }
0x211: {  	v62 =	vadd.s32 v6, v10;
	v8 =	vld [tilespmem:s12+$0x20];
	_ =	sdelay $0x4  }
0x212: {  	[tilespmem:v62+s25+$0x0] =	vst.idx.msk $0xffff, v8  }
0x213: {  	v63 =	vadd.s32 v7, v10;
	v8 =	vld [tilespmem:s12+$0x30];
	_ =	sdelay $0x4  }
0x214: {  	[tilespmem:v63+s25+$0x0] =	vst.idx.msk $0xffff, v8  }
0x215: {  	[tilespmem:s28], [sflag:$0x1] =	stream.indirect.gather [spmem:s5], $0x20, s25, s26, $0xb8;
	[tilespmem:$0x17DA8] =	vst v63  }
0x216: {  	_ = 	snop  }
0x217: {  	[tilespmem:s31], [sflag:$0x1] =	stream.indirect.gather [spmem:s5], $0x20, s30, s29, $0xb8;
	[tilespmem:$0x17DA8] =	vst v63  }
0x218: {  	_ = 	snop  }
0x219: {  	[tilespmem:s4], [sflag:$0x2] =	stream.indirect.gather [spmem:s5], $0x20, s0, s26, $0xb8;
	[tilespmem:$0x17DA8] =	vst v63  }
0x21a: {  	s12 =	simm.s32 $0x0  }
0x21b: {  	[tilespmem:s24], [sflag:$0x2] =	stream.indirect.gather [spmem:s5], $0x20, s1, s29, $0xb8;
	[tilespmem:$0x17DA8] =	vst v63  }
.LBB2_22:
0x21c: {  	_ =	swait.ge [sflag:s7], $0x1000  }
0x21d: {  	[sflag:s7] =	ssyncset.done $0x0  }
0x21e: {  	[sflag:s7] =	ssyncadd.s32 $0xFFFFF000  }
0x21f: {  	_ =	swait.ge [sflag:s7], $0x900  }
0x220: {  	[sflag:s7] =	ssyncset.done $0x0  }
0x221: {  	s14 =	simm.s32 $0x0;
	[sflag:s7] =	ssyncadd.s32 $0xFFFFF700  }
0x222: {  	v8 =	vld [tilespmem:s14+$0x12C00]  }
0x223: {  	v9 =	vld [tilespmem:s14+$0x12C10]  }
0x224: {  	v10 =	vld [tilespmem:s14+$0x12C20]  }
0x225: {  	v11 =	vld [tilespmem:s14+$0x12C30]  }
0x226: {  	v12 =	vld [tilespmem:s14+$0x12C40]  }
0x227: {  	v13 =	vimm.f32 $0.0e+00;
	v14 =	vld [tilespmem:s14+$0x12C50]  }
0x228: {  	v15 =	vld [tilespmem:s14+$0x12C70];
	v8 =	vadd.f32 v8, v13;
	v9 =	vadd.f32 v9, v13  }
0x229: {  	v13 =	vld [tilespmem:s14+$0x12C60]  }
0x22a: {  	v16 =	vld [tilespmem:s14+$0x12C90];
	v8 =	vadd.f32 v10, v8;
	v9 =	vadd.f32 v11, v9  }
0x22b: {  	v11 =	vld [tilespmem:s14+$0x12C80]  }
0x22c: {  	v17 =	vld [tilespmem:s14+$0x12CB0];
	v8 =	vadd.f32 v12, v8;
	v9 =	vadd.f32 v14, v9  }
0x22d: {  	v14 =	vld [tilespmem:s14+$0x12CA0]  }
0x22e: {  	v10 =	vld [tilespmem:s14+$0x12CD0];
	v8 =	vadd.f32 v13, v8;
	v12 =	vadd.f32 v15, v9  }
0x22f: {  	v9 =	vld [tilespmem:s14+$0x12CC0]  }
0x230: {  	v13 =	vadd.f32 v11, v8;
	v15 =	vadd.f32 v16, v12;
	v11 =	vld [tilespmem:s14+$0x12CE0]  }
0x231: {  	s13 =	simm.s32 $0x100;
	v12 =	vld [tilespmem:s14+$0x12CF0]  }
0x232: {  	v8 =	vld [tilespmem:s13+$0x12C00];
	s14 =	simm.s32 $0x800;
	v14 =	vadd.f32 v14, v13;
	v13 =	vadd.f32 v17, v15  }
.LBB2_23:
0x233: {  	p3 =	sne.s32 s14, $0x6000;
	v15 =	vld [tilespmem:s13+$0x12C10]  }
0x234: {  	v16 =	vld [tilespmem:s13+$0x12C20];
	v9 =	vadd.f32 v9, v14;
	v10 =	vadd.f32 v10, v13  }
0x235: {  	v13 =	vld [tilespmem:s13+$0x12C30]  }
0x236: {  	v14 =	vld [tilespmem:s13+$0x12C40];
	v9 =	vadd.f32 v11, v9;
	v10 =	vadd.f32 v12, v10  }
0x237: {  	v11 =	vld [tilespmem:s13+$0x12C50]  }
0x238: {  	v8 =	vadd.f32 v8, v9;
	v9 =	vadd.f32 v15, v10;
	v10 =	vld [tilespmem:s13+$0x12C60]  }
0x239: {  	v12 =	vld [tilespmem:s13+$0x12C70]  }
0x23a: {  	v8 =	vadd.f32 v16, v8;
	v9 =	vadd.f32 v13, v9;
	v13 =	vld [tilespmem:s13+$0x12C80]  }
0x23b: {  	v15 =	vld [tilespmem:s13+$0x12C90]  }
0x23c: {  	v8 =	vadd.f32 v14, v8;
	v9 =	vadd.f32 v11, v9;
	v14 =	vld [tilespmem:s13+$0x12CA0]  }
0x23d: {  	v16 =	vld [tilespmem:s13+$0x12CB0]  }
.Ltmp13:
0x23e: {  	v8 =	vadd.f32 v10, v8;
	v11 =	vadd.f32 v12, v9;
	v9 =	vld [tilespmem:s13+$0x12CC0];
	(pc) =	sbr.rel @p3 .LBB2_23-.Ltmp13, $4  }
0x23f: {  	v10 =	vld [tilespmem:s13+$0x12CD0]  }
0x240: {  	v13 =	vadd.f32 v13, v8;
	v15 =	vadd.f32 v15, v11;
	v11 =	vld [tilespmem:s13+$0x12CE0]  }
0x241: {  	v12 =	vld [tilespmem:s13+$0x12CF0];
	s13 =	sshra.s32 s14, $0x2  }
0x242: {  	s14 =	sadd.s32 $0x400, s14;
	v8 =	vld [tilespmem:s13+$0x12C00];
	v14 =	vadd.f32 v14, v13;
	v13 =	vadd.f32 v16, v15  }
0x243: {  	_ = 	snop  }
0x244: {  	v15 =	vld [tilespmem:s13+$0x12C10];
	v9 =	vadd.f32 v9, v14  }
0x245: {  	v14 =	vld [tilespmem:s13+$0x12C20];
	v10 =	vadd.f32 v10, v13  }
0x246: {  	v13 =	vld [tilespmem:s13+$0x12C30];
	v9 =	vadd.f32 v11, v9  }
0x247: {  	v11 =	vld [tilespmem:s13+$0x12C40];
	v10 =	vadd.f32 v12, v10  }
0x248: {  	v12 =	vld [tilespmem:s13+$0x12C50];
	v8 =	vadd.f32 v8, v9  }
0x249: {  	v9 =	vadd.f32 v15, v10;
	v10 =	vld [tilespmem:s13+$0x12C60]  }
0x24a: {  	v15 =	vld [tilespmem:s13+$0x12C70];
	v8 =	vadd.f32 v14, v8  }
0x24b: {  	v9 =	vadd.f32 v13, v9;
	v13 =	vld [tilespmem:s13+$0x12C80]  }
0x24c: {  	v14 =	vld [tilespmem:s13+$0x12C90];
	v8 =	vadd.f32 v11, v8  }
0x24d: {  	v9 =	vadd.f32 v12, v9;
	v11 =	vld [tilespmem:s13+$0x12CA0]  }
0x24e: {  	v12 =	vld [tilespmem:s13+$0x12CB0];
	v8 =	vadd.f32 v10, v8  }
0x24f: {  	v9 =	vadd.f32 v15, v9;
	v10 =	vld [tilespmem:s13+$0x12CC0]  }
0x250: {  	v15 =	vld [tilespmem:s13+$0x12CD0];
	v8 =	vadd.f32 v13, v8  }
0x251: {  	v9 =	vadd.f32 v14, v9;
	v13 =	vld [tilespmem:s13+$0x12CE0]  }
0x252: {  	v14 =	vld [tilespmem:s13+$0x12CF0];
	v8 =	vadd.f32 v11, v8  }
0x253: {  	v9 =	vadd.f32 v12, v9  }
0x254: {  	v8 =	vadd.f32 v10, v8  }
0x255: {  	p3 =	seq.s32 s12, $0x3F;
	v9 =	vadd.f32 v15, v9  }
0x256: {  	s16 =	sshll.u32 s12, $0x6;
	s14 =	smul.u32 @!p3 $0x640, s12;
	v8 =	vadd.f32 v13, v8  }
0x257: {  	s13 =	sand.u32 $0x3FFFFFC0, s16;
	v9 =	vadd.f32 v14, v9  }
0x258: {  	s14 =	sshra.s32 @!p3 s14, $0x2;
	[tilespmem:s13+$0x15E00] =	vst v8  }
0x259: {  	s17 =	simm.s32 @!p3 $0x12C00;
	s15 =	sadd.s32 @!p3 $0xC990, s14;
	s16 =	simm.s32 @!p3 $0x80;
	[tilespmem:s13+$0x15E10] =	vst v9  }
0x25a: {  	[tilespmem:s17], [sflag:$0x1] =	stream.indirect.gather @!p3 [spmem:s5], $0x20, s15, s16, $0xb8;
	[tilespmem:$0x17DA8] =	vst v63  }
0x25b: {  	s14 =	sadd.s32 @!p3 $0xCA10, s14;
	s15 =	simm.s32 @!p3 $0x48;
	s16 =	simm.s32 @!p3 $0x13C00  }
0x25c: {  	[tilespmem:s16], [sflag:$0x1] =	stream.indirect.gather @!p3 [spmem:s5], $0x20, s14, s15, $0xb8;
	[tilespmem:$0x17DA8] =	vst v63  }
0x25d: {  	_ =	swait.ge [sflag:s8], $0x1000  }
0x25e: {  	[sflag:s8] =	ssyncset.done $0x0  }
0x25f: {  	[sflag:s8] =	ssyncadd.s32 $0xFFFFF000  }
0x260: {  	_ =	swait.ge [sflag:s8], $0x900  }
0x261: {  	[sflag:s8] =	ssyncset.done $0x0  }
0x262: {  	s17 =	simm.s32 $0x0;
	[sflag:s8] =	ssyncadd.s32 $0xFFFFF700  }
0x263: {  	v8 =	vld [tilespmem:s17+$0x14500]  }
0x264: {  	v9 =	vld [tilespmem:s17+$0x14510]  }
0x265: {  	v10 =	vld [tilespmem:s17+$0x14520]  }
0x266: {  	v11 =	vld [tilespmem:s17+$0x14530]  }
0x267: {  	v12 =	vld [tilespmem:s17+$0x14540]  }
0x268: {  	v13 =	vimm.f32 $0.0e+00;
	v14 =	vld [tilespmem:s17+$0x14550]  }
0x269: {  	v15 =	vld [tilespmem:s17+$0x14570];
	v8 =	vadd.f32 v8, v13;
	v9 =	vadd.f32 v9, v13  }
0x26a: {  	v13 =	vld [tilespmem:s17+$0x14560]  }
0x26b: {  	v16 =	vld [tilespmem:s17+$0x14590];
	v8 =	vadd.f32 v10, v8;
	v9 =	vadd.f32 v11, v9  }
0x26c: {  	v11 =	vld [tilespmem:s17+$0x14580]  }
0x26d: {  	v17 =	vld [tilespmem:s17+$0x145B0];
	v8 =	vadd.f32 v12, v8;
	v9 =	vadd.f32 v14, v9  }
0x26e: {  	v14 =	vld [tilespmem:s17+$0x145A0]  }
0x26f: {  	v10 =	vld [tilespmem:s17+$0x145D0];
	v8 =	vadd.f32 v13, v8;
	v12 =	vadd.f32 v15, v9  }
0x270: {  	v9 =	vld [tilespmem:s17+$0x145C0]  }
0x271: {  	v13 =	vadd.f32 v11, v8;
	v15 =	vadd.f32 v16, v12;
	v11 =	vld [tilespmem:s17+$0x145E0]  }
0x272: {  	s14 =	simm.s32 $0x100;
	v12 =	vld [tilespmem:s17+$0x145F0]  }
0x273: {  	s15 =	simm.s32 $0x800;
	v8 =	vld [tilespmem:s14+$0x14500];
	v14 =	vadd.f32 v14, v13;
	v13 =	vadd.f32 v17, v15  }
.LBB2_25:
0x274: {  	p4 =	sne.s32 s15, $0x6000;
	v15 =	vld [tilespmem:s14+$0x14510]  }
0x275: {  	v16 =	vld [tilespmem:s14+$0x14520];
	v9 =	vadd.f32 v9, v14;
	v10 =	vadd.f32 v10, v13  }
0x276: {  	v13 =	vld [tilespmem:s14+$0x14530]  }
0x277: {  	v14 =	vld [tilespmem:s14+$0x14540];
	v9 =	vadd.f32 v11, v9;
	v10 =	vadd.f32 v12, v10  }
0x278: {  	v11 =	vld [tilespmem:s14+$0x14550]  }
0x279: {  	v8 =	vadd.f32 v8, v9;
	v9 =	vadd.f32 v15, v10;
	v10 =	vld [tilespmem:s14+$0x14560]  }
0x27a: {  	v12 =	vld [tilespmem:s14+$0x14570]  }
0x27b: {  	v8 =	vadd.f32 v16, v8;
	v9 =	vadd.f32 v13, v9;
	v13 =	vld [tilespmem:s14+$0x14580]  }
0x27c: {  	v15 =	vld [tilespmem:s14+$0x14590]  }
0x27d: {  	v8 =	vadd.f32 v14, v8;
	v9 =	vadd.f32 v11, v9;
	v14 =	vld [tilespmem:s14+$0x145A0]  }
0x27e: {  	v16 =	vld [tilespmem:s14+$0x145B0]  }
.Ltmp14:
0x27f: {  	v8 =	vadd.f32 v10, v8;
	v11 =	vadd.f32 v12, v9;
	v9 =	vld [tilespmem:s14+$0x145C0];
	(pc) =	sbr.rel @p4 .LBB2_25-.Ltmp14, $4  }
0x280: {  	v10 =	vld [tilespmem:s14+$0x145D0]  }
0x281: {  	v13 =	vadd.f32 v13, v8;
	v15 =	vadd.f32 v15, v11;
	v11 =	vld [tilespmem:s14+$0x145E0]  }
0x282: {  	v12 =	vld [tilespmem:s14+$0x145F0];
	s14 =	sshra.s32 s15, $0x2  }
0x283: {  	s15 =	sadd.s32 $0x400, s15;
	v8 =	vld [tilespmem:s14+$0x14500];
	v14 =	vadd.f32 v14, v13;
	v13 =	vadd.f32 v16, v15  }
0x284: {  	_ = 	snop  }
0x285: {  	v15 =	vld [tilespmem:s14+$0x14510];
	v9 =	vadd.f32 v9, v14  }
0x286: {  	v49 =	vld [tilespmem:s14+$0x14520];
	v10 =	vadd.f32 v10, v13  }
0x287: {  	v50 =	vld [tilespmem:s14+$0x14530];
	v9 =	vadd.f32 v11, v9  }
0x288: {  	v51 =	vld [tilespmem:s14+$0x14540];
	v10 =	vadd.f32 v12, v10  }
0x289: {  	v52 =	vld [tilespmem:s14+$0x14550];
	v8 =	vadd.f32 v8, v9  }
0x28a: {  	v54 =	vld [tilespmem:s14+$0x14560];
	v53 =	vadd.f32 v15, v10  }
0x28b: {  	v55 =	vld [tilespmem:s14+$0x14570];
	v8 =	vadd.f32 v49, v8  }
0x28c: {  	v56 =	vld [tilespmem:s14+$0x14580];
	v9 =	vadd.f32 v50, v53  }
0x28d: {  	v57 =	vld [tilespmem:s14+$0x14590];
	v8 =	vadd.f32 v51, v8  }
0x28e: {  	v58 =	vld [tilespmem:s14+$0x145A0];
	v9 =	vadd.f32 v52, v9  }
0x28f: {  	v59 =	vld [tilespmem:s14+$0x145B0];
	v8 =	vadd.f32 v54, v8  }
0x290: {  	v60 =	vld [tilespmem:s14+$0x145C0];
	v9 =	vadd.f32 v55, v9  }
0x291: {  	v61 =	vld [tilespmem:s14+$0x145D0];
	v8 =	vadd.f32 v56, v8  }
0x292: {  	v62 =	vld [tilespmem:s14+$0x145E0];
	v9 =	vadd.f32 v57, v9  }
0x293: {  	v63 =	vld [tilespmem:s14+$0x145F0];
	v8 =	vadd.f32 v58, v8  }
0x294: {  	v9 =	vadd.f32 v59, v9  }
0x295: {  	v8 =	vadd.f32 v60, v8  }
.Ltmp15:
0x296: {  	v9 =	vadd.f32 v61, v9;
	(pc) =	sbr.rel @p3 .LBB2_28-.Ltmp15, $4  }
0x297: {  	v8 =	vadd.f32 v62, v8  }
0x298: {  	v9 =	vadd.f32 v63, v9  }
0x299: {  	[tilespmem:s13+$0x15E20] =	vst v8  }
0x29a: {  	[tilespmem:s13+$0x15E30] =	vst v9  }
0x29b: {  	s13 =	smul.u32 $0x640, s12;
	_ =	sdelay $0x1  }
.Ltmp16:
0x29c: {  	s13 =	sshra.s32 s13, $0x2;
	(pc) =	sbr.rel .LBB2_22-.Ltmp16, $4  }
0x29d: {  	s14 =	sadd.s32 $0xCA58, s13  }
0x29e: {  	[tilespmem:s4], [sflag:$0x2] =	stream.indirect.gather [spmem:s5], $0x20, s14, s26, $0xb8;
	[tilespmem:$0x17DA8] =	vst v63  }
0x29f: {  	s12 =	sadd.s32 $0x1, s12;
	s13 =	sadd.s32 $0xCAD8, s13  }
0x2a0: {  	[tilespmem:s24], [sflag:$0x2] =	stream.indirect.gather [spmem:s5], $0x20, s13, s29, $0xb8;
	[tilespmem:$0x17DA8] =	vst v63  }
.LBB2_29:
0x2a1: {  	_ =	sfence.sel $0x180000  }
0x2a2: {  	[bflag:$0x0] =	sbarrier.arrive $0xFFFF  }
0x2a3: {  	_ =	strace $0x90000047  }
0x2a4: {  	s0 =	stileid.u32;
	[bflag:$0x2] =	sbarrier.arrive $0xFFFF  }
0x2a5: {  	p0 =	sne.s32 s0, $0x0;
	s0 =	rddreg [dreg:$0x9]  }
0x2a6: {  	s0 =	sadd.s32 @!p0 $0x100000, s0  }
0x2a7: {  	[sflag:s0] =	ssyncadd.tile.s32 @!p0 $0x1;
	_ =	shalt  }
.Lfunc_end2:
_tile_overlayer_lowered:
.L_overlay_start_2:
0x2a8: {  	(tag) =	ssettag $0x2  }
0x2a9: {  	s0 =	rddreg [dreg:$0x0];
	s2 =	stileid.u32  }
0x2aa: {  	s1 =	rddreg [dreg:$0x1];
	p0 =	sne.s32 s2, $0x0  }
0x2ab: {  	s3 =	rddreg [dreg:$0x2];
	[bflag:$0x3] =	sbarrier.arrive $0xFFFF;
	s2 =	simm.s32 @!p0 $0x1C04  }
0x2ac: {  	[timem:s3], [sflag:s2] =	dma.local @!p0 [hbm:s0], s1  }
0x2ad: {  	s0 =	simm.s32 @!p0 $0x4  }
0x2ae: {  	_ =	swait.ge @!p0 [sflag:s0], s1  }
0x2af: {  	s1 =	ssub.s32 @!p0 $0x0, s1;
	[sflag:s0] =	ssyncset.done @!p0 $0x0  }
0x2b0: {  	[sflag:s0] =	ssyncadd.s32 @!p0 s1  }
0x2b1: {  	[bflag:$0x3] =	sbarrier.arrive $0xFFFF  }
0x2b2: {  	_ =	shalt  }

// kernel: kernel.9.cloned.1.call-start
scs
__scs_entry_jumppad:
0x0: {  	(pc) =	sbr.rel $0x88, $3  }
0x1: {  	(tag) =	ssettag $0x0;
	lr =	simm.s32 $0x1  }
0x2: {  	[smem:$0x3F8B] =	sst lr;
	_ =	strace $0xD0000000  }
0x3: {  	_ = 	snop  }
0x4: {  	_ = 	snop  }
0x5: {  	_ = 	snop  }
0x6: {  	_ = 	snop  }
0x7: {  	_ = 	snop  }
__scs_overlays_trampoline_lowered:
0x8: {  	[smem:$0x3F9A] =	sst s0  }
0x9: {  	[smem:$0x3F9B] =	sst s1  }
0xa: {  	[smem:$0x3F9C] =	sst s2  }
0xb: {  	[smem:$0x3F9D] =	sst s3  }
0xc: {  	[smem:$0x3F9E] =	sst s4  }
0xd: {  	[smem:$0x3F9F] =	sst s5  }
0xe: {  	[smem:$0x3FA0] =	sst s6  }
0xf: {  	[smem:$0x3FA1] =	sst s7  }
0x10: {  	[smem:$0x3FA2] =	sst s8  }
0x11: {  	[smem:$0x3FA3] =	sst s9;
	s0 =	simm.s32 @!p0 $0x0  }
0x12: {  	s1 =	sld [smem:$0x3F89];
	s0 =	simm.s32 @p0 $0x1  }
0x13: {  	[smem:$0x3FA4] =	sst s0;
	s0 =	simm.s32 @!p1 $0x0  }
0x14: {  	s2 =	sld [smem:$0x3F88];
	s0 =	simm.s32 @p1 $0x1  }
0x15: {  	[smem:$0x3FA5] =	sst s0;
	s0 =	simm.s32 @!p2 $0x0  }
0x16: {  	s3 =	sld [smem:$0x3FDB];
	s0 =	simm.s32 @p2 $0x1  }
0x17: {  	s4 =	simm.s32 $0x1BF5;
	[smem:$0x3FA7] =	sst s0  }
0x18: {  	s0 =	sld [smem:$0x3F8A];
	_ =	swait.ge [sflag:s4], $0x0  }
0x19: {  	s7 =	sld [smem:$0x3F8B]  }
0x1a: {  	s8 =	sadd.s32 $0xFFFFE003, lr  }
0x1b: {  	s9 =	sadd.s32 $0xFFFFFEF7, lr;
	s5 =	simm.s32 $0xFFFFFFFF;
	p2 =	slt.u32 s8, $0xFFFFF086  }
0x1c: {  	p1 =	slt.u32 s9, $0xF7A;
	s5 =	simm.s32 @!p2 $0x0  }
0x1d: {  	s5 =	simm.s32 @p1 $0x1;
	p0 =	seq.s32 s7, s2  }
0x1e: {  	s7 =	smul.u32 @!p0 $0xF7A, s2;
	p2 =	seq.s32 @!p0 s5, $0x0  }
0x1f: {  	s9 =	smul.u32 $0xF7A, s1;
	s8 =	simm.s32 @!p0 $0x1BF5;
	p2 =	por !p2, p0  }
0x20: {  	[sflag:s8] =	ssyncset.s32 @!p0 $0xFFFFF086;
	s6 =	sadd.s32 @!p0 s3, s7;
	s7 =	simm.s32 @!p0 $0x108  }
0x21: {  	s3 =	sadd.s32 s3, s9;
	s6 =	sadd.s32 @!p0 $0x88, s6;
	s7 =	simm.s32 @p2 $0x1082  }
0x22: {  	[simem:s7], [sflag:s8] =	dma.local @!p0 [hbm:s6], $0xF7A  }
0x23: {  	s9 =	sor.u32 $0xD0000000, s2;
	s6 =	simm.s32 $0x108;
	_ =	swait.ge @!p0 [sflag:s8], $0x0  }
0x24: {  	s3 =	sadd.s32 $0x88, s3;
	s6 =	simm.s32 @!p1 $0x1082;
	[sflag:s4] =	ssyncset.s32 $0xFFFFF086  }
0x25: {  	[simem:s6], [sflag:s4] =	dma.local [hbm:s3], $0xF7A  }
0x26: {  	[smem:$0x3F8B] =	sst s1;
	(tag) =	ssettag s2;
	_ =	strace s9  }
0x27: {  	s1 =	sld [smem:$0x3F9B]  }
0x28: {  	s2 =	sld [smem:$0x3F9C]  }
0x29: {  	s4 =	sld [smem:$0x3F9E]  }
0x2a: {  	p0 =	seq.s32 s5, $0x0;
	s5 =	sld [smem:$0x3F9F]  }
0x2b: {  	s6 =	sld [smem:$0x3FA0]  }
0x2c: {  	s7 =	sld [smem:$0x3FA1]  }
0x2d: {  	s3 =	simm.s32 $0x108;
	s8 =	sld [smem:$0x3FA2]  }
0x2e: {  	s3 =	simm.s32 @!p0 $0x1082;
	s9 =	sld [smem:$0x3FA3]  }
0x2f: {  	lr =	sadd.s32 s0, s3;
	s0 =	sld [smem:$0x3F9A]  }
0x30: {  	s3 =	sld [smem:$0x3F9D]  }
0x31: {  	[smem:$0x3FA6] =	sst s10  }
0x32: {  	s10 =	sld [smem:$0x3FA4];
	_ =	sdelay $0x3  }
0x33: {  	p0 =	seq.s32 s10, $0x1;
	s10 =	sld [smem:$0x3FA6];
	_ =	sdelay $0x3  }
0x34: {  	[smem:$0x3FA6] =	sst s10  }
0x35: {  	s10 =	sld [smem:$0x3FA5];
	_ =	sdelay $0x3  }
0x36: {  	p1 =	seq.s32 s10, $0x1;
	s10 =	sld [smem:$0x3FA6];
	_ =	sdelay $0x3  }
0x37: {  	[smem:$0x3FA6] =	sst s10  }
0x38: {  	s10 =	sld [smem:$0x3FA7]  }
0x39: {  	_ = 	snop;
	(pc) =	sbr.ind lr, $3  }
0x3a: {  	_ = 	snop  }
0x3b: {  	_ = 	snop  }
0x3c: {  	p2 =	seq.s32 s10, $0x1;
	s10 =	sld [smem:$0x3FA6]  }
0x3d: {  	_ =	shalt  }
0x3e: {  	_ =	shalt  }
0x3f: {  	_ =	shalt  }
0x40: {  	_ =	shalt  }
0x41: {  	_ =	shalt  }
0x42: {  	_ =	shalt  }
0x43: {  	_ =	shalt  }
0x44: {  	_ =	shalt  }
0x45: {  	_ =	shalt  }
0x46: {  	_ =	shalt  }
0x47: {  	_ =	shalt  }
0x48: {  	_ =	shalt  }
0x49: {  	_ =	shalt  }
0x4a: {  	_ =	shalt  }
0x4b: {  	_ =	shalt  }
0x4c: {  	_ =	shalt  }
0x4d: {  	_ =	shalt  }
0x4e: {  	_ =	shalt  }
0x4f: {  	_ =	shalt  }
0x50: {  	_ =	shalt  }
0x51: {  	_ =	shalt  }
0x52: {  	_ =	shalt  }
0x53: {  	_ =	shalt  }
0x54: {  	_ =	shalt  }
0x55: {  	_ =	shalt  }
0x56: {  	_ =	shalt  }
0x57: {  	_ =	shalt  }
0x58: {  	_ =	shalt  }
0x59: {  	_ =	shalt  }
0x5a: {  	_ =	shalt  }
0x5b: {  	_ =	shalt  }
0x5c: {  	_ =	shalt  }
0x5d: {  	_ =	shalt  }
0x5e: {  	_ =	shalt  }
0x5f: {  	_ =	shalt  }
0x60: {  	_ =	shalt  }
0x61: {  	_ =	shalt  }
0x62: {  	_ =	shalt  }
0x63: {  	_ =	shalt  }
0x64: {  	_ =	shalt  }
0x65: {  	_ =	shalt  }
0x66: {  	_ =	shalt  }
0x67: {  	_ =	shalt  }
0x68: {  	_ =	shalt  }
0x69: {  	_ =	shalt  }
0x6a: {  	_ =	shalt  }
0x6b: {  	_ =	shalt  }
0x6c: {  	_ =	shalt  }
0x6d: {  	_ =	shalt  }
0x6e: {  	_ =	shalt  }
0x6f: {  	_ =	shalt  }
0x70: {  	_ =	shalt  }
0x71: {  	_ =	shalt  }
0x72: {  	_ =	shalt  }
0x73: {  	_ =	shalt  }
0x74: {  	_ =	shalt  }
0x75: {  	_ =	shalt  }
0x76: {  	_ =	shalt  }
0x77: {  	_ =	shalt  }
0x78: {  	_ =	shalt  }
0x79: {  	_ =	shalt  }
0x7a: {  	_ =	shalt  }
0x7b: {  	_ =	shalt  }
0x7c: {  	_ =	shalt  }
0x7d: {  	_ =	shalt  }
0x7e: {  	_ =	shalt  }
0x7f: {  	_ =	shalt  }
0x80: {  	_ =	shalt  }
0x81: {  	_ =	shalt  }
0x82: {  	_ =	shalt  }
0x83: {  	_ =	shalt  }
0x84: {  	_ =	shalt  }
0x85: {  	_ =	shalt  }
0x86: {  	_ =	shalt  }
0x87: {  	_ =	shalt  }
.Lfunc_end0:
.L_simem_size_0:
called_computation.1_lowered:
.L_overlay_start_0:
0x88: {  	s2 =	sld [smem:$0x3FD9]  }
0x89: {  	s3 =	sld [smem:$0x3FFE];
	_ =	sdelay $0x1  }
0x8a: {  	s1 =	srdreg.scid  }
0x8b: {  	s0 =	sand.u32 $0x1, s1  }
0x8c: {  	s17 =	sshll.u32 s0, $0xA;
	s2 =	sadd.s32 s3, s2  }
0x8d: {  	s2 =	sadd.s32 s2, s17  }
0x8e: {  	[smem:$0x3FB2] =	sst s2  }
0x8f: {  	_ = 	snop  }
0x90: {  	s2 =	sld [smem:$0x3FC7]  }
0x91: {  	s18 =	sld [smem:$0x3FC5];
	(tm) =	ssettm $0x1  }
0x92: {  	s4 =	sld [smem:$0x3FFB];
	_ =	sdelay $0x3  }
0x93: {  	_ =	strace s4  }
0x94: {  	s4 =	sld [smem:$0x3FFC];
	_ =	sdelay $0x3  }
0x95: {  	_ =	strace s4  }
0x96: {  	s4 =	sld [smem:$0x3FFD];
	_ =	sdelay $0x3  }
0x97: {  	_ =	strace s4  }
0x98: {  	_ =	strace $0x8FFFFFFF  }
0x99: {  	s19 =	sld [smem:$0x3FDB];
	_ =	sdelay $0x1  }
0x9a: {  	s5 =	simm.s32 $_scs_section_size  }
0x9b: {  	s6 =	simm.s32 $_size__tile_overlayer_lowered;
	s7 =	simm.s32 $_tile_overlayer_lowered  }
0x9c: {  	s22 =	simm.s32 $0x1BFF;
	s21 =	sshll.u32 s7, $0x1;
	s4 =	sadd.s32 s5, s19  }
0x9d: {  	s8 =	simm.s32 $0x0;
	s20 =	sshll.u32 s6, $0x1;
	s6 =	sadd.s32 s21, s4  }
0x9e: {  	[timem:s8], [sflag:s22] =	dma.local [hbm:s6], s20  }
0x9f: {  	_ =	swait.ge [sflag:s22], s20  }
0xa0: {  	s5 =	ssub.s32 $0x0, s20;
	[sflag:s22] =	ssyncset.done $0x0  }
0xa1: {  	[sflag:s22] =	ssyncadd.s32 s5;
	_ =	sdelay $0x1  }
0xa2: {  	s23 =	simm.s32 $0x1B8B  }
0xa3: {  	_ =	swait.ge [sflag:s23], $0x1  }
0xa4: {  	[sflag:s23] =	ssyncset.done $0x0  }
0xa5: {  	s25 =	simm.s32 $0x1B8E;
	s24 =	sld [smem:$0x3FFE];
	[sflag:s23] =	ssyncadd.s32 $0xFFFFFFFF  }
0xa6: {  	s26 =	simm.s32 $execute0_lowered;
	[smem:$0x3FD2] =	sst s25  }
0xa7: {  	s6 =	sshll.u32 s26, $0x1;
	_ =	strace $0x80000049;
	[dreg:$0x1] =	wrdreg $0xFFFFFFFF  }
0xa8: {  	s28 =	simm.s32 $_size_execute0_lowered;
	s4 =	sadd.s32 s4, s6;
	[dreg:$0x0] =	wrdreg $0x0  }
0xa9: {  	s6 =	sshll.u32 s28, $0x1;
	[dreg:$0x2] =	wrdreg s4  }
0xaa: {  	[dreg:$0x3] =	wrdreg s6  }
0xab: {  	[dreg:$0x4] =	wrdreg $0xC0  }
0xac: {  	_ =	task [dreg:s8], $0x5FFFF  }
0xad: {  	[dreg:$0x1] =	wrdreg $0xFFFFFFFF  }
0xae: {  	[dreg:$0x0] =	wrdreg $0x60  }
0xaf: {  	[dreg:$0x2] =	wrdreg s2  }
0xb0: {  	[dreg:$0x3] =	wrdreg s18  }
0xb1: {  	[dreg:$0x4] =	wrdreg s24  }
0xb2: {  	[dreg:$0x5] =	wrdreg $0x9  }
0xb3: {  	_ =	task.clear_ibuf [dreg:s8], $0x6FFFF;
	_ =	strace $0x90000049  }
0xb4: {  	s29 =	simm.s32 $0x9;
	_ =	strace $0x8000004B  }
0xb5: {  	_ =	swait.ge [sflag:s29], $0x1  }
0xb6: {  	[sflag:s29] =	ssyncadd.s32 $0xFFFFFFFF  }
0xb7: {  	_ =	strace $0x9000004B  }
0xb8: {  	_ =	sfence  }
0xb9: {  	s30 =	sld [smem:$0x0];
	_ =	sdelay $0x2  }
0xba: {  	s31 =	sshll.u32 s1, $0xD;
	s1 =	sshrl.u32 s1, $0x2  }
0xbb: {  	s3 =	sand.u32 $0x4000, s31;
	s1 =	sadd.s32 s1, s30  }
0xbc: {  	s0 =	sor.u32 s3, s0;
	s1 =	sshll.u32 s1, $0x11  }
0xbd: {  	s0 =	sor.u32 s1, s0  }
0xbe: {  	s0 =	sadd.s32 $0x8F2B, s0  }
0xbf: {  	[sflag:s0] =	ssyncadd.remote.s32 $0x1  }
0xc0: {  	_ =	sfence.sel $0xFFFF  }
0xc1: {  	[dreg:$0x0] =	wrdreg $0xFFFFFFFF;
	(pc) =	sbr.abs _section_cstart, $3  }
0xc2: {  	[dreg:$0x1] =	wrdreg $0xFFFFFFFF  }
0xc3: {  	_ =	task.clear_ibuf [dreg:s8], $0x2FFFF;
	_ =	strace $0x9FFFFFFF  }
0xc4: {  	(tm) =	ssettm $0x7FFFFFFF  }
0xc5: {  	_ =	shalt  }
tec
execute0_lowered:
.L_overlay_start_1:
0x0: {  	(tag) =	ssettag $0x1  }
0x1: {  	s4 =	rddreg [dreg:$0x0]  }
0x2: {  	s6 =	rddreg [dreg:$0x1]  }
0x3: {  	s5 =	rddreg [dreg:$0x2];
	s3 =	srdreg.scid  }
0x4: {  	s2 =	simm.s32 $0x0;
	s1 =	stileid.u32;
	s12 =	simm.s32 $0x6400  }
0x5: {  	s13 =	simm.s32 $0x80;
	s14 =	simm.s32 $0xC800;
	s15 =	simm.s32 $0x48  }
0x6: {  	s16 =	simm.s32 $0x6480;
	s17 =	simm.s32 $0xD800;
	s18 =	simm.s32 $0x64C8  }
0x7: {  	s19 =	simm.s32 $0xE100;
	s20 =	simm.s32 $0x6548;
	s21 =	simm.s32 $0xF100  }
0x8: {  	s22 =	simm.s32 $0x1;
	s23 =	simm.s32 $0x2;
	s24 =	simm.s32 $0xFA00  }
0x9: {  	s25 =	simm.s32 $0x0;
	s7 =	sand.u32 $0x1, s3;
	[smem:$0x7FF] =	sst s2  }
0xa: {  	s9 =	sshll.u32 s1, $0x7;
	s3 =	sadd.s32 $0x14200, s5;
	s8 =	sshll.u32 s7, $0xB  }
0xb: {  	v0 =	vlaneseq.u32;
	_ =	strace $0x8000004A;
	s7 =	ssub.s32 $0x2, s7;
	s4 =	sadd.s32 s4, s9  }
.Ltmp0:
0xc: {  	v0 =	vmul.u32 $0xC8, v0;
	s10 =	sor.u32 s9, s8;
	s29 =	sshrl.u32 s7, $0x1;
	(pc) =	sbr.rel .LBB2_1-.Ltmp0, $4  }
0xd: {  	s4 =	sadd.s32 s8, s4;
	s9 =	simm.s32 $0x400;
	s11 =	sshll.u32 s10, $0x2  }
0xe: {  	v1 =	vadd.s32 $0xC80, v0;
	v2 =	vadd.s32 $0x1900, v0;
	s30 =	ssub.s32 s7, s29;
	s31 =	sshrl.u32 s10, $0x3;
	s10 =	simm.s32 $0x8000  }
0xf: {  	v3 =	vadd.s32 $0x2580, v0;
	v4 =	vadd.s32 $0x3200, v0;
	v5 =	vadd.s32 $0x3E80, v0;
	s11 =	sadd.s32 s11, s5;
	s6 =	sadd.s32 s6, s31;
	s8 =	smax.u32 s30, $0x1  }
0x10: {  	v6 =	vadd.s32 $0x4B00, v0;
	v7 =	vadd.s32 $0x5780, v0;
	s5 =	sadd.s32 $0x3F4200, s11;
	s7 =	sadd.s32 $0x3F8200, s11;
	s11 =	simm.s32 $0x3  }
.LBB2_10:
0x11: {  	[hbm4b:s5+s2] =	stream.linear.scatter [tilespmem:s24], [sflag:$0x3], $0x1000, $0x38;
	[tilespmem:$0x10A00] =	vst v63  }
0x12: {  	_ =	swait.ge [sflag:s11], $0x1000  }
0x13: {  	[sflag:s11] =	ssyncset.done $0x0  }
0x14: {  	[sflag:s11] =	ssyncadd.s32 $0xFFFFF000  }
0x15: {  	[tilespmem:s12], [sflag:$0x3] =	stream.linear.gather [hbm4b:s6+s2], $0x80, $0x38;
	[tilespmem:$0x10A00] =	vst v63  }
0x16: {  	_ =	swait.ge [sflag:s11], $0x80  }
0x17: {  	[sflag:s11] =	ssyncset.done $0x0  }
0x18: {  	[sflag:s11] =	ssyncadd.s32 $0xFFFFFF80  }
0x19: {  	v8 =	vld [tilespmem:$0x6400]  }
0x1a: {  	v9 =	vld [tilespmem:$0x6410]  }
0x1b: {  	v10 =	vld [tilespmem:$0x6420]  }
0x1c: {  	v13 =	vld [tilespmem:$0x6430]  }
0x1d: {  	v14 =	vld [tilespmem:$0x6440]  }
0x1e: {  	v46 =	vld [tilespmem:$0x6450];
	v11 =	vshll.u32 v8, $0x2  }
0x1f: {  	v16 =	vld [tilespmem:$0x6460];
	v12 =	vand.u32 $0xFFFFC000, v8;
	v8 =	vshrl.u32 v8, $0xC;
	v43 =	vshll.u32 v9, $0x2  }
0x20: {  	v17 =	vld [tilespmem:$0x6470];
	v44 =	vand.u32 $0xFFFFC000, v9;
	v9 =	vshrl.u32 v9, $0xC;
	v45 =	vshll.u32 v10, $0x2  }
0x21: {  	v15 =	vand.u32 $0xFFFFC000, v10;
	v10 =	vshrl.u32 v10, $0xC;
	v47 =	vshll.u32 v13, $0x2  }
0x22: {  	v48 =	vand.u32 $0xFFFFC000, v13;
	v13 =	vshrl.u32 v13, $0xC;
	v50 =	vshll.u32 v14, $0x2  }
0x23: {  	v51 =	vand.u32 $0xFFFFC000, v14;
	v52 =	vshrl.u32 v14, $0xC;
	v53 =	vshll.u32 v46, $0x2  }
0x24: {  	v18 =	vand.u32 $0xFFFFC000, v46;
	v56 =	vshll.u32 v16, $0x2;
	v57 =	vand.u32 $0xFFFFC000, v16  }
0x25: {  	v58 =	vshrl.u32 v16, $0xC;
	v60 =	vshll.u32 v17, $0x2;
	v61 =	vand.u32 $0xFFFFC000, v17  }
0x26: {  	v62 =	vshrl.u32 v17, $0xC;
	v11 =	vand.u32 $0x3FFC, v11;
	v8 =	vand.u32 $0x3, v8  }
0x27: {  	v9 =	vand.u32 $0x3, v9;
	v10 =	vand.u32 $0x3, v10;
	v49 =	vand.u32 $0x3, v13  }
0x28: {  	v13 =	vand.u32 $0x3FFC, v50;
	v11 =	vor.u32 v12, v11;
	v12 =	vand.u32 $0x3FFC, v43  }
0x29: {  	v8 =	vor.u32 v8, v11;
	v11 =	vor.u32 v44, v12;
	v12 =	vand.u32 $0x3FFC, v45  }
0x2a: {  	v14 =	vand.u32 $0x3FFC, v53;
	v59 =	vand.u32 $0x3, v58;
	v12 =	vor.u32 v15, v12  }
0x2b: {  	v9 =	vor.u32 v9, v11;
	v11 =	vand.u32 $0x3FFC, v47;
	v15 =	vshrl.u32 v46, $0xC;
	[tilespmem:$0x6400] =	vst v8  }
0x2c: {  	v8 =	vor.u32 v18, v14;
	v10 =	vor.u32 v10, v12;
	v11 =	vor.u32 v48, v11;
	[tilespmem:$0x6410] =	vst v9  }
0x2d: {  	v12 =	vor.u32 v51, v13;
	v13 =	vand.u32 $0x3, v52;
	v11 =	vor.u32 v49, v11;
	[tilespmem:$0x6420] =	vst v10  }
0x2e: {  	v54 =	vand.u32 $0x3, v15;
	v55 =	vor.u32 v13, v12;
	v12 =	vand.u32 $0x3FFC, v56;
	[tilespmem:$0x6430] =	vst v11  }
0x2f: {  	v8 =	vor.u32 v54, v8;
	v10 =	vor.u32 v57, v12;
	[tilespmem:$0x6440] =	vst v55;
	v12 =	vand.u32 $0x3FFC, v60  }
0x30: {  	v63 =	vand.u32 $0x3, v62;
	[tilespmem:$0x6450] =	vst v8;
	v8 =	vor.u32 v59, v10;
	v9 =	vor.u32 v61, v12  }
0x31: {  	[tilespmem:$0x6460] =	vst v8;
	v8 =	vor.u32 v63, v9  }
0x32: {  	[tilespmem:$0x6470] =	vst v8  }
0x33: {  	[tilespmem:s24], [sflag:$0x1] =	stream.indirect.gather [hbm4b:s3+s13], $0x20, s12, s13, $0xb8;
	[tilespmem:$0x10A00] =	vst v63  }
0x34: {  	s25 =	sadd.s32 $0x1, s25;
	_ =	swait.ge [sflag:s22], $0x1000  }
0x35: {  	p0 =	sne.s32 s25, s8;
	[sflag:s22] =	ssyncset.done $0x0  }
.Ltmp1:
0x36: {  	[sflag:s22] =	ssyncadd.s32 $0xFFFFF000;
	(pc) =	sbr.rel @!p0 .LBB2_11-.Ltmp1, $4  }
0x37: {  	[hbm4b:s7+s2] =	stream.linear.scatter [tilespmem:s24], [sflag:$0x3], $0x1000, $0x38;
	[tilespmem:$0x10A00] =	vst v63  }
0x38: {  	_ =	swait.ge [sflag:s11], $0x1000  }
0x39: {  	[sflag:s11] =	ssyncset.done $0x0  }
0x3a: {  	[sflag:s11] =	ssyncadd.s32 $0xFFFFF000  }
.LBB2_1:
0x3b: {  	[tilespmem:s2], [sflag:$0x3] =	stream.strided.gather [hbm4b:s4+s9], $0x6400, s10, s9, $0x38;
	[tilespmem:$0x10A00] =	vst v63  }
0x3c: {  	_ =	swait.ge [sflag:s11], $0x6400  }
0x3d: {  	[sflag:s11] =	ssyncset.done $0x0  }
0x3e: {  	s26 =	simm.s32 $0x40;
	[sflag:s11] =	ssyncadd.s32 $0xFFFF9C00  }
0x3f: {  	v8 =	vld [tilespmem:s26+$0xFFFFFFC0];
	_ =	sdelay $0x1  }
0x40: {  	v9 =	vmov s2  }
0x41: {  	v9 =	vand.u32 $0xFF, v9  }
0x42: {  	v10 =	vadd.s32 v0, v9  }
0x43: {  	v11 =	vshll.u32 v8, $0x2  }
0x44: {  	v12 =	vshrl.u32 v8, $0xC;
	v8 =	vand.u32 $0xFFFFC000, v8;
	v11 =	vand.u32 $0x3FFC, v11  }
0x45: {  	v8 =	vor.u32 v8, v11;
	v11 =	vand.u32 $0x3, v12  }
0x46: {  	v8 =	vor.u32 v11, v8  }
0x47: {  	[tilespmem:v10+s12+$0x0] =	vst.idx.msk $0xffff, v8  }
0x48: {  	v8 =	vld [tilespmem:s26+$0xFFFFFFD0];
	_ =	sdelay $0x3  }
0x49: {  	v10 =	vadd.s32 v1, v9  }
0x4a: {  	v11 =	vshll.u32 v8, $0x2  }
0x4b: {  	v58 =	vshrl.u32 v8, $0xC;
	v8 =	vand.u32 $0xFFFFC000, v8;
	v11 =	vand.u32 $0x3FFC, v11  }
0x4c: {  	v8 =	vor.u32 v8, v11;
	v11 =	vand.u32 $0x3, v58  }
0x4d: {  	v8 =	vor.u32 v11, v8  }
0x4e: {  	[tilespmem:v10+s12+$0x0] =	vst.idx.msk $0xffff, v8  }
0x4f: {  	v8 =	vld [tilespmem:s26+$0xFFFFFFE0];
	_ =	sdelay $0x3  }
0x50: {  	v10 =	vadd.s32 v2, v9  }
0x51: {  	v11 =	vshll.u32 v8, $0x2  }
0x52: {  	v59 =	vshrl.u32 v8, $0xC;
	v8 =	vand.u32 $0xFFFFC000, v8;
	v11 =	vand.u32 $0x3FFC, v11  }
0x53: {  	v8 =	vor.u32 v8, v11;
	v11 =	vand.u32 $0x3, v59  }
0x54: {  	v8 =	vor.u32 v11, v8  }
0x55: {  	[tilespmem:v10+s12+$0x0] =	vst.idx.msk $0xffff, v8  }
0x56: {  	v8 =	vld [tilespmem:s26+$0xFFFFFFF0];
	_ =	sdelay $0x3  }
0x57: {  	v10 =	vadd.s32 v3, v9  }
0x58: {  	v11 =	vshll.u32 v8, $0x2  }
0x59: {  	v60 =	vshrl.u32 v8, $0xC;
	v8 =	vand.u32 $0xFFFFC000, v8;
	v11 =	vand.u32 $0x3FFC, v11  }
0x5a: {  	v8 =	vor.u32 v8, v11;
	v11 =	vand.u32 $0x3, v60  }
0x5b: {  	v8 =	vor.u32 v11, v8  }
0x5c: {  	[tilespmem:v10+s12+$0x0] =	vst.idx.msk $0xffff, v8  }
0x5d: {  	v8 =	vld [tilespmem:s26+$0x0];
	_ =	sdelay $0x3  }
0x5e: {  	v10 =	vadd.s32 v4, v9  }
0x5f: {  	v11 =	vshll.u32 v8, $0x2  }
0x60: {  	v61 =	vshrl.u32 v8, $0xC;
	v8 =	vand.u32 $0xFFFFC000, v8;
	v11 =	vand.u32 $0x3FFC, v11  }
0x61: {  	v8 =	vor.u32 v8, v11;
	v11 =	vand.u32 $0x3, v61  }
0x62: {  	v8 =	vor.u32 v11, v8  }
0x63: {  	[tilespmem:v10+s12+$0x0] =	vst.idx.msk $0xffff, v8  }
0x64: {  	v8 =	vld [tilespmem:s26+$0x10];
	_ =	sdelay $0x3  }
0x65: {  	v10 =	vadd.s32 v5, v9  }
0x66: {  	v11 =	vshll.u32 v8, $0x2  }
0x67: {  	v62 =	vshrl.u32 v8, $0xC;
	v8 =	vand.u32 $0xFFFFC000, v8;
	v11 =	vand.u32 $0x3FFC, v11  }
0x68: {  	v8 =	vor.u32 v8, v11;
	v11 =	vand.u32 $0x3, v62  }
0x69: {  	v8 =	vor.u32 v11, v8  }
0x6a: {  	[tilespmem:v10+s12+$0x0] =	vst.idx.msk $0xffff, v8  }
0x6b: {  	v8 =	vld [tilespmem:s26+$0x20];
	_ =	sdelay $0x3  }
0x6c: {  	v10 =	vadd.s32 v6, v9  }
0x6d: {  	v11 =	vshll.u32 v8, $0x2  }
0x6e: {  	v63 =	vshrl.u32 v8, $0xC;
	v8 =	vand.u32 $0xFFFFC000, v8;
	v11 =	vand.u32 $0x3FFC, v11  }
0x6f: {  	v8 =	vor.u32 v8, v11;
	v11 =	vand.u32 $0x3, v63  }
0x70: {  	v8 =	vor.u32 v11, v8  }
0x71: {  	[tilespmem:v10+s12+$0x0] =	vst.idx.msk $0xffff, v8  }
0x72: {  	v8 =	vld [tilespmem:s26+$0x30];
	_ =	sdelay $0x4  }
0x73: {  	v10 =	vshll.u32 v8, $0x2  }
0x74: {  	v11 =	vshrl.u32 v8, $0xC;
	v8 =	vand.u32 $0xFFFFC000, v8;
	v10 =	vand.u32 $0x3FFC, v10  }
0x75: {  	v10 =	vor.u32 v8, v10;
	v8 =	vadd.s32 v7, v9;
	_ =	sdelay $0x1  }
0x76: {  	v11 =	vand.u32 $0x3, v11  }
0x77: {  	s28 =	simm.s32 $0x1;
	v9 =	vor.u32 v11, v10  }
.LBB2_2:
0x78: {  	p0 =	sne.s32 s28, $0xC7  }
0x79: {  	[tilespmem:v8+s12+$0x0] =	vst.idx.msk $0xffff, v9;
	s26 =	sadd.s32 $0x80, s26;
	s29 =	smov.u32 s28;
	s28 =	sadd.s32 $0x1, s28  }
0x7a: {  	v9 =	vld [tilespmem:s26+$0xFFFFFFC0];
	_ =	sdelay $0x1  }
0x7b: {  	v8 =	vmov s29  }
0x7c: {  	v8 =	vand.u32 $0xFF, v8  }
0x7d: {  	v10 =	vadd.s32 v0, v8  }
0x7e: {  	v11 =	vshll.u32 v9, $0x2;
	v12 =	vshrl.u32 v9, $0xC  }
0x7f: {  	v9 =	vand.u32 $0xFFFFC000, v9;
	v11 =	vand.u32 $0x3FFC, v11  }
0x80: {  	v9 =	vor.u32 v9, v11;
	v11 =	vand.u32 $0x3, v12  }
0x81: {  	v9 =	vor.u32 v11, v9  }
0x82: {  	[tilespmem:v10+s12+$0x0] =	vst.idx.msk $0xffff, v9  }
0x83: {  	v9 =	vld [tilespmem:s26+$0xFFFFFFD0];
	_ =	sdelay $0x3  }
0x84: {  	v10 =	vadd.s32 v1, v8  }
0x85: {  	v11 =	vshll.u32 v9, $0x2;
	v12 =	vshrl.u32 v9, $0xC  }
0x86: {  	v9 =	vand.u32 $0xFFFFC000, v9;
	v11 =	vand.u32 $0x3FFC, v11  }
0x87: {  	v9 =	vor.u32 v9, v11;
	v11 =	vand.u32 $0x3, v12  }
0x88: {  	v9 =	vor.u32 v11, v9  }
0x89: {  	[tilespmem:v10+s12+$0x0] =	vst.idx.msk $0xffff, v9  }
0x8a: {  	v9 =	vld [tilespmem:s26+$0xFFFFFFE0];
	_ =	sdelay $0x3  }
0x8b: {  	v10 =	vadd.s32 v2, v8  }
0x8c: {  	v11 =	vshll.u32 v9, $0x2;
	v12 =	vshrl.u32 v9, $0xC  }
0x8d: {  	v9 =	vand.u32 $0xFFFFC000, v9;
	v11 =	vand.u32 $0x3FFC, v11  }
0x8e: {  	v9 =	vor.u32 v9, v11;
	v11 =	vand.u32 $0x3, v12  }
0x8f: {  	v9 =	vor.u32 v11, v9  }
0x90: {  	[tilespmem:v10+s12+$0x0] =	vst.idx.msk $0xffff, v9  }
0x91: {  	v9 =	vld [tilespmem:s26+$0xFFFFFFF0];
	_ =	sdelay $0x3  }
0x92: {  	v10 =	vadd.s32 v3, v8  }
0x93: {  	v11 =	vshll.u32 v9, $0x2;
	v12 =	vshrl.u32 v9, $0xC  }
0x94: {  	v9 =	vand.u32 $0xFFFFC000, v9;
	v11 =	vand.u32 $0x3FFC, v11  }
0x95: {  	v9 =	vor.u32 v9, v11;
	v11 =	vand.u32 $0x3, v12  }
0x96: {  	v9 =	vor.u32 v11, v9  }
0x97: {  	[tilespmem:v10+s12+$0x0] =	vst.idx.msk $0xffff, v9  }
0x98: {  	v9 =	vld [tilespmem:s26+$0x0];
	_ =	sdelay $0x3  }
0x99: {  	v10 =	vadd.s32 v4, v8  }
0x9a: {  	v11 =	vshll.u32 v9, $0x2;
	v12 =	vshrl.u32 v9, $0xC  }
0x9b: {  	v9 =	vand.u32 $0xFFFFC000, v9;
	v11 =	vand.u32 $0x3FFC, v11  }
0x9c: {  	v9 =	vor.u32 v9, v11;
	v11 =	vand.u32 $0x3, v12  }
0x9d: {  	v9 =	vor.u32 v11, v9  }
0x9e: {  	[tilespmem:v10+s12+$0x0] =	vst.idx.msk $0xffff, v9  }
0x9f: {  	v9 =	vld [tilespmem:s26+$0x10];
	_ =	sdelay $0x3  }
0xa0: {  	v10 =	vadd.s32 v5, v8  }
0xa1: {  	v11 =	vshll.u32 v9, $0x2;
	v12 =	vshrl.u32 v9, $0xC  }
0xa2: {  	v9 =	vand.u32 $0xFFFFC000, v9;
	v11 =	vand.u32 $0x3FFC, v11  }
0xa3: {  	v9 =	vor.u32 v9, v11;
	v11 =	vand.u32 $0x3, v12  }
0xa4: {  	v9 =	vor.u32 v11, v9  }
0xa5: {  	[tilespmem:v10+s12+$0x0] =	vst.idx.msk $0xffff, v9  }
0xa6: {  	v9 =	vld [tilespmem:s26+$0x20];
	_ =	sdelay $0x3  }
0xa7: {  	v10 =	vadd.s32 v6, v8  }
0xa8: {  	v11 =	vshll.u32 v9, $0x2;
	v12 =	vshrl.u32 v9, $0xC  }
0xa9: {  	v9 =	vand.u32 $0xFFFFC000, v9;
	v11 =	vand.u32 $0x3FFC, v11  }
0xaa: {  	v9 =	vor.u32 v9, v11;
	v11 =	vand.u32 $0x3, v12  }
0xab: {  	v9 =	vor.u32 v11, v9  }
0xac: {  	[tilespmem:v10+s12+$0x0] =	vst.idx.msk $0xffff, v9  }
0xad: {  	v9 =	vld [tilespmem:s26+$0x30];
	_ =	sdelay $0x3  }
.Ltmp2:
0xae: {  	v8 =	vadd.s32 v7, v8;
	(pc) =	sbr.rel @p0 .LBB2_2-.Ltmp2, $4  }
0xaf: {  	v10 =	vshll.u32 v9, $0x2;
	v11 =	vshrl.u32 v9, $0xC  }
0xb0: {  	v9 =	vand.u32 $0xFFFFC000, v9;
	v10 =	vand.u32 $0x3FFC, v10  }
0xb1: {  	v9 =	vor.u32 v9, v10;
	v10 =	vand.u32 $0x3, v11  }
0xb2: {  	v9 =	vor.u32 v10, v9  }
0xb3: {  	_ =	sdelay $0x3  }
0xb4: {  	[tilespmem:v8+s12+$0x0] =	vst.idx.msk $0xffff, v9  }
0xb5: {  	[tilespmem:s14], [sflag:$0x1] =	stream.indirect.gather [hbm4b:s3+s13], $0x20, s12, s13, $0xb8;
	[tilespmem:$0x10A00] =	vst v63  }
0xb6: {  	_ = 	snop  }
0xb7: {  	[tilespmem:s17], [sflag:$0x1] =	stream.indirect.gather [hbm4b:s3+s15], $0x20, s16, s15, $0xb8;
	[tilespmem:$0x10A00] =	vst v63  }
0xb8: {  	_ = 	snop  }
0xb9: {  	[tilespmem:s19], [sflag:$0x2] =	stream.indirect.gather [hbm4b:s3+s13], $0x20, s18, s13, $0xb8;
	[tilespmem:$0x10A00] =	vst v63  }
0xba: {  	s26 =	simm.s32 $0x0  }
0xbb: {  	[tilespmem:s21], [sflag:$0x2] =	stream.indirect.gather [hbm4b:s3+s15], $0x20, s20, s15, $0xb8;
	[tilespmem:$0x10A00] =	vst v63  }
.LBB2_4:
0xbc: {  	_ =	swait.ge [sflag:s22], $0x1000  }
0xbd: {  	[sflag:s22] =	ssyncset.done $0x0  }
0xbe: {  	[sflag:s22] =	ssyncadd.s32 $0xFFFFF000  }
0xbf: {  	_ =	swait.ge [sflag:s22], $0x900  }
0xc0: {  	[sflag:s22] =	ssyncset.done $0x0  }
0xc1: {  	s29 =	simm.s32 $0x0;
	[sflag:s22] =	ssyncadd.s32 $0xFFFFF700  }
0xc2: {  	v8 =	vld [tilespmem:s29+$0xC800]  }
0xc3: {  	v9 =	vld [tilespmem:s29+$0xC810]  }
0xc4: {  	v10 =	vld [tilespmem:s29+$0xC820]  }
0xc5: {  	v11 =	vld [tilespmem:s29+$0xC830]  }
0xc6: {  	v12 =	vld [tilespmem:s29+$0xC840]  }
0xc7: {  	v13 =	vimm.f32 $0.0e+00;
	v14 =	vld [tilespmem:s29+$0xC850]  }
0xc8: {  	v15 =	vld [tilespmem:s29+$0xC870];
	v8 =	vadd.f32 v8, v13;
	v9 =	vadd.f32 v9, v13  }
0xc9: {  	v13 =	vld [tilespmem:s29+$0xC860]  }
0xca: {  	v16 =	vld [tilespmem:s29+$0xC890];
	v8 =	vadd.f32 v10, v8;
	v9 =	vadd.f32 v11, v9  }
0xcb: {  	v11 =	vld [tilespmem:s29+$0xC880]  }
0xcc: {  	v17 =	vld [tilespmem:s29+$0xC8B0];
	v8 =	vadd.f32 v12, v8;
	v9 =	vadd.f32 v14, v9  }
0xcd: {  	v14 =	vld [tilespmem:s29+$0xC8A0]  }
0xce: {  	v10 =	vld [tilespmem:s29+$0xC8D0];
	v8 =	vadd.f32 v13, v8;
	v12 =	vadd.f32 v15, v9  }
0xcf: {  	v9 =	vld [tilespmem:s29+$0xC8C0]  }
0xd0: {  	v13 =	vadd.f32 v11, v8;
	v15 =	vadd.f32 v16, v12;
	v11 =	vld [tilespmem:s29+$0xC8E0]  }
0xd1: {  	s28 =	simm.s32 $0x100;
	v12 =	vld [tilespmem:s29+$0xC8F0]  }
0xd2: {  	v8 =	vld [tilespmem:s28+$0xC800];
	s29 =	simm.s32 $0x800;
	v14 =	vadd.f32 v14, v13;
	v13 =	vadd.f32 v17, v15  }
.LBB2_5:
0xd3: {  	p0 =	sne.s32 s29, $0x6000;
	v15 =	vld [tilespmem:s28+$0xC810]  }
0xd4: {  	v16 =	vld [tilespmem:s28+$0xC820];
	v9 =	vadd.f32 v9, v14;
	v10 =	vadd.f32 v10, v13  }
0xd5: {  	v13 =	vld [tilespmem:s28+$0xC830]  }
0xd6: {  	v14 =	vld [tilespmem:s28+$0xC840];
	v9 =	vadd.f32 v11, v9;
	v10 =	vadd.f32 v12, v10  }
0xd7: {  	v11 =	vld [tilespmem:s28+$0xC850]  }
0xd8: {  	v8 =	vadd.f32 v8, v9;
	v9 =	vadd.f32 v15, v10;
	v10 =	vld [tilespmem:s28+$0xC860]  }
0xd9: {  	v12 =	vld [tilespmem:s28+$0xC870]  }
0xda: {  	v8 =	vadd.f32 v16, v8;
	v9 =	vadd.f32 v13, v9;
	v13 =	vld [tilespmem:s28+$0xC880]  }
0xdb: {  	v15 =	vld [tilespmem:s28+$0xC890]  }
0xdc: {  	v8 =	vadd.f32 v14, v8;
	v9 =	vadd.f32 v11, v9;
	v14 =	vld [tilespmem:s28+$0xC8A0]  }
0xdd: {  	v16 =	vld [tilespmem:s28+$0xC8B0]  }
.Ltmp3:
0xde: {  	v8 =	vadd.f32 v10, v8;
	v11 =	vadd.f32 v12, v9;
	v9 =	vld [tilespmem:s28+$0xC8C0];
	(pc) =	sbr.rel @p0 .LBB2_5-.Ltmp3, $4  }
0xdf: {  	v10 =	vld [tilespmem:s28+$0xC8D0]  }
0xe0: {  	v13 =	vadd.f32 v13, v8;
	v15 =	vadd.f32 v15, v11;
	v11 =	vld [tilespmem:s28+$0xC8E0]  }
0xe1: {  	v12 =	vld [tilespmem:s28+$0xC8F0];
	s28 =	sshra.s32 s29, $0x2  }
0xe2: {  	s29 =	sadd.s32 $0x400, s29;
	v8 =	vld [tilespmem:s28+$0xC800];
	v14 =	vadd.f32 v14, v13;
	v13 =	vadd.f32 v16, v15  }
0xe3: {  	_ = 	snop  }
0xe4: {  	v15 =	vld [tilespmem:s28+$0xC810];
	v9 =	vadd.f32 v9, v14  }
0xe5: {  	v14 =	vld [tilespmem:s28+$0xC820];
	v10 =	vadd.f32 v10, v13  }
0xe6: {  	v13 =	vld [tilespmem:s28+$0xC830];
	v9 =	vadd.f32 v11, v9  }
0xe7: {  	v11 =	vld [tilespmem:s28+$0xC840];
	v10 =	vadd.f32 v12, v10  }
0xe8: {  	v12 =	vld [tilespmem:s28+$0xC850];
	v8 =	vadd.f32 v8, v9  }
0xe9: {  	v9 =	vadd.f32 v15, v10;
	v10 =	vld [tilespmem:s28+$0xC860]  }
0xea: {  	v15 =	vld [tilespmem:s28+$0xC870];
	v8 =	vadd.f32 v14, v8  }
0xeb: {  	v9 =	vadd.f32 v13, v9;
	v13 =	vld [tilespmem:s28+$0xC880]  }
0xec: {  	v14 =	vld [tilespmem:s28+$0xC890];
	v8 =	vadd.f32 v11, v8  }
0xed: {  	v9 =	vadd.f32 v12, v9;
	v11 =	vld [tilespmem:s28+$0xC8A0]  }
0xee: {  	v12 =	vld [tilespmem:s28+$0xC8B0];
	v8 =	vadd.f32 v10, v8  }
0xef: {  	v9 =	vadd.f32 v15, v9;
	v10 =	vld [tilespmem:s28+$0xC8C0]  }
0xf0: {  	v15 =	vld [tilespmem:s28+$0xC8D0];
	v8 =	vadd.f32 v13, v8  }
0xf1: {  	v9 =	vadd.f32 v14, v9;
	v13 =	vld [tilespmem:s28+$0xC8E0]  }
0xf2: {  	v14 =	vld [tilespmem:s28+$0xC8F0];
	v8 =	vadd.f32 v11, v8  }
0xf3: {  	v9 =	vadd.f32 v12, v9  }
0xf4: {  	v8 =	vadd.f32 v10, v8  }
0xf5: {  	p0 =	seq.s32 s26, $0x3F;
	v9 =	vadd.f32 v15, v9  }
0xf6: {  	s29 =	smul.u32 @!p0 $0x640, s26;
	s28 =	sshll.u32 s26, $0x6;
	v8 =	vadd.f32 v13, v8  }
0xf7: {  	s28 =	sand.u32 $0x3FFFFFC0, s28;
	v9 =	vadd.f32 v14, v9  }
0xf8: {  	s29 =	sshra.s32 @!p0 s29, $0x2;
	[tilespmem:s28+$0xFA00] =	vst v8  }
0xf9: {  	s31 =	simm.s32 @!p0 $0x80;
	s0 =	simm.s32 @!p0 $0xC800;
	s30 =	sadd.s32 @!p0 $0x6590, s29;
	[tilespmem:s28+$0xFA10] =	vst v9  }
0xfa: {  	[tilespmem:s0], [sflag:$0x1] =	stream.indirect.gather @!p0 [hbm4b:s3+s31], $0x20, s30, s31, $0xb8;
	[tilespmem:$0x10A00] =	vst v63  }
0xfb: {  	s0 =	sadd.s32 @!p0 $0x6610, s29;
	s29 =	simm.s32 @!p0 $0x48;
	s30 =	simm.s32 @!p0 $0xD800  }
0xfc: {  	[tilespmem:s30], [sflag:$0x1] =	stream.indirect.gather @!p0 [hbm4b:s3+s29], $0x20, s0, s29, $0xb8;
	[tilespmem:$0x10A00] =	vst v63  }
0xfd: {  	_ =	swait.ge [sflag:s23], $0x1000  }
0xfe: {  	[sflag:s23] =	ssyncset.done $0x0  }
0xff: {  	[sflag:s23] =	ssyncadd.s32 $0xFFFFF000  }
0x100: {  	_ =	swait.ge [sflag:s23], $0x900  }
0x101: {  	[sflag:s23] =	ssyncset.done $0x0  }
0x102: {  	s31 =	simm.s32 $0x0;
	[sflag:s23] =	ssyncadd.s32 $0xFFFFF700  }
0x103: {  	v8 =	vld [tilespmem:s31+$0xE100]  }
0x104: {  	v9 =	vld [tilespmem:s31+$0xE110]  }
0x105: {  	v10 =	vld [tilespmem:s31+$0xE120]  }
0x106: {  	v11 =	vld [tilespmem:s31+$0xE130]  }
0x107: {  	v12 =	vld [tilespmem:s31+$0xE140]  }
0x108: {  	v13 =	vimm.f32 $0.0e+00;
	v14 =	vld [tilespmem:s31+$0xE150]  }
0x109: {  	v15 =	vld [tilespmem:s31+$0xE170];
	v8 =	vadd.f32 v8, v13;
	v9 =	vadd.f32 v9, v13  }
0x10a: {  	v13 =	vld [tilespmem:s31+$0xE160]  }
0x10b: {  	v16 =	vld [tilespmem:s31+$0xE190];
	v8 =	vadd.f32 v10, v8;
	v9 =	vadd.f32 v11, v9  }
0x10c: {  	v11 =	vld [tilespmem:s31+$0xE180]  }
0x10d: {  	v17 =	vld [tilespmem:s31+$0xE1B0];
	v8 =	vadd.f32 v12, v8;
	v9 =	vadd.f32 v14, v9  }
0x10e: {  	v14 =	vld [tilespmem:s31+$0xE1A0]  }
0x10f: {  	v10 =	vld [tilespmem:s31+$0xE1D0];
	v8 =	vadd.f32 v13, v8;
	v12 =	vadd.f32 v15, v9  }
0x110: {  	v9 =	vld [tilespmem:s31+$0xE1C0]  }
0x111: {  	v13 =	vadd.f32 v11, v8;
	v15 =	vadd.f32 v16, v12;
	v11 =	vld [tilespmem:s31+$0xE1E0]  }
0x112: {  	s29 =	simm.s32 $0x100;
	v12 =	vld [tilespmem:s31+$0xE1F0]  }
0x113: {  	s30 =	simm.s32 $0x800;
	v8 =	vld [tilespmem:s29+$0xE100];
	v14 =	vadd.f32 v14, v13;
	v13 =	vadd.f32 v17, v15  }
.LBB2_7:
0x114: {  	p1 =	sne.s32 s30, $0x6000;
	v15 =	vld [tilespmem:s29+$0xE110]  }
0x115: {  	v16 =	vld [tilespmem:s29+$0xE120];
	v9 =	vadd.f32 v9, v14;
	v10 =	vadd.f32 v10, v13  }
0x116: {  	v13 =	vld [tilespmem:s29+$0xE130]  }
0x117: {  	v14 =	vld [tilespmem:s29+$0xE140];
	v9 =	vadd.f32 v11, v9;
	v10 =	vadd.f32 v12, v10  }
0x118: {  	v11 =	vld [tilespmem:s29+$0xE150]  }
0x119: {  	v8 =	vadd.f32 v8, v9;
	v9 =	vadd.f32 v15, v10;
	v10 =	vld [tilespmem:s29+$0xE160]  }
0x11a: {  	v12 =	vld [tilespmem:s29+$0xE170]  }
0x11b: {  	v8 =	vadd.f32 v16, v8;
	v9 =	vadd.f32 v13, v9;
	v13 =	vld [tilespmem:s29+$0xE180]  }
0x11c: {  	v15 =	vld [tilespmem:s29+$0xE190]  }
0x11d: {  	v8 =	vadd.f32 v14, v8;
	v9 =	vadd.f32 v11, v9;
	v14 =	vld [tilespmem:s29+$0xE1A0]  }
0x11e: {  	v16 =	vld [tilespmem:s29+$0xE1B0]  }
.Ltmp4:
0x11f: {  	v8 =	vadd.f32 v10, v8;
	v11 =	vadd.f32 v12, v9;
	v9 =	vld [tilespmem:s29+$0xE1C0];
	(pc) =	sbr.rel @p1 .LBB2_7-.Ltmp4, $4  }
0x120: {  	v10 =	vld [tilespmem:s29+$0xE1D0]  }
0x121: {  	v13 =	vadd.f32 v13, v8;
	v15 =	vadd.f32 v15, v11;
	v11 =	vld [tilespmem:s29+$0xE1E0]  }
0x122: {  	v12 =	vld [tilespmem:s29+$0xE1F0];
	s29 =	sshra.s32 s30, $0x2  }
0x123: {  	s30 =	sadd.s32 $0x400, s30;
	v8 =	vld [tilespmem:s29+$0xE100];
	v14 =	vadd.f32 v14, v13;
	v13 =	vadd.f32 v16, v15  }
0x124: {  	_ = 	snop  }
0x125: {  	v15 =	vld [tilespmem:s29+$0xE110];
	v9 =	vadd.f32 v9, v14  }
0x126: {  	v49 =	vld [tilespmem:s29+$0xE120];
	v10 =	vadd.f32 v10, v13  }
0x127: {  	v50 =	vld [tilespmem:s29+$0xE130];
	v9 =	vadd.f32 v11, v9  }
0x128: {  	v51 =	vld [tilespmem:s29+$0xE140];
	v10 =	vadd.f32 v12, v10  }
0x129: {  	v52 =	vld [tilespmem:s29+$0xE150];
	v8 =	vadd.f32 v8, v9  }
0x12a: {  	v54 =	vld [tilespmem:s29+$0xE160];
	v53 =	vadd.f32 v15, v10  }
0x12b: {  	v55 =	vld [tilespmem:s29+$0xE170];
	v8 =	vadd.f32 v49, v8  }
0x12c: {  	v56 =	vld [tilespmem:s29+$0xE180];
	v9 =	vadd.f32 v50, v53  }
0x12d: {  	v57 =	vld [tilespmem:s29+$0xE190];
	v8 =	vadd.f32 v51, v8  }
0x12e: {  	v58 =	vld [tilespmem:s29+$0xE1A0];
	v9 =	vadd.f32 v52, v9  }
0x12f: {  	v59 =	vld [tilespmem:s29+$0xE1B0];
	v8 =	vadd.f32 v54, v8  }
0x130: {  	v60 =	vld [tilespmem:s29+$0xE1C0];
	v9 =	vadd.f32 v55, v9  }
0x131: {  	v61 =	vld [tilespmem:s29+$0xE1D0];
	v8 =	vadd.f32 v56, v8  }
0x132: {  	v62 =	vld [tilespmem:s29+$0xE1E0];
	v9 =	vadd.f32 v57, v9  }
0x133: {  	v63 =	vld [tilespmem:s29+$0xE1F0];
	v8 =	vadd.f32 v58, v8  }
0x134: {  	v9 =	vadd.f32 v59, v9  }
0x135: {  	v8 =	vadd.f32 v60, v8  }
.Ltmp5:
0x136: {  	v9 =	vadd.f32 v61, v9;
	(pc) =	sbr.rel @p0 .LBB2_10-.Ltmp5, $4  }
0x137: {  	v8 =	vadd.f32 v62, v8  }
0x138: {  	v9 =	vadd.f32 v63, v9  }
0x139: {  	[tilespmem:s28+$0xFA20] =	vst v8  }
0x13a: {  	[tilespmem:s28+$0xFA30] =	vst v9  }
0x13b: {  	s0 =	smul.u32 $0x640, s26;
	_ =	sdelay $0x1  }
.Ltmp6:
0x13c: {  	s0 =	sshra.s32 s0, $0x2;
	(pc) =	sbr.rel .LBB2_4-.Ltmp6, $4  }
0x13d: {  	s28 =	sadd.s32 $0x6658, s0  }
0x13e: {  	[tilespmem:s19], [sflag:$0x2] =	stream.indirect.gather [hbm4b:s3+s13], $0x20, s28, s13, $0xb8;
	[tilespmem:$0x10A00] =	vst v63  }
0x13f: {  	s26 =	sadd.s32 $0x1, s26;
	s0 =	sadd.s32 $0x66D8, s0  }
0x140: {  	[tilespmem:s21], [sflag:$0x2] =	stream.indirect.gather [hbm4b:s3+s15], $0x20, s0, s15, $0xb8;
	[tilespmem:$0x10A00] =	vst v63  }
.LBB2_11:
0x141: {  	_ =	sfence.sel $0x180000  }
0x142: {  	[bflag:$0x0] =	sbarrier.arrive $0xFFFF  }
0x143: {  	_ =	strace $0x9000004A  }
0x144: {  	[bflag:$0x2] =	sbarrier.arrive $0xFFFF  }
0x145: {  	p0 =	sne.s32 s1, $0x0;
	s0 =	rddreg [dreg:$0x3]  }
0x146: {  	s0 =	sadd.s32 @!p0 $0x100000, s0  }
0x147: {  	[sflag:s0] =	ssyncadd.tile.s32 @!p0 $0x1;
	_ =	shalt  }
.Lfunc_end2:
_tile_overlayer_lowered:
.L_overlay_start_2:
0x148: {  	(tag) =	ssettag $0x2  }
0x149: {  	s0 =	rddreg [dreg:$0x0];
	s2 =	stileid.u32  }
0x14a: {  	s1 =	rddreg [dreg:$0x1];
	p0 =	sne.s32 s2, $0x0  }
0x14b: {  	s3 =	rddreg [dreg:$0x2];
	[bflag:$0x3] =	sbarrier.arrive $0xFFFF;
	s2 =	simm.s32 @!p0 $0x1C03  }
0x14c: {  	[timem:s3], [sflag:s2] =	dma.local @!p0 [hbm:s0], s1  }
0x14d: {  	s0 =	simm.s32 @!p0 $0x3  }
0x14e: {  	_ =	swait.ge @!p0 [sflag:s0], s1  }
0x14f: {  	s1 =	ssub.s32 @!p0 $0x0, s1;
	[sflag:s0] =	ssyncset.done @!p0 $0x0  }
0x150: {  	[sflag:s0] =	ssyncadd.s32 @!p0 s1  }
0x151: {  	[bflag:$0x3] =	sbarrier.arrive $0xFFFF  }
0x152: {  	_ =	shalt  }

</sc_bundles>
